<compile_context>
chip_gen: v7x
topology: tpu7x:2x2x1
jax: 0.10.2.dev20260603
libtpu: 0.0.44.dev20260713+nightly
codegen_flags: <defaults>
</compile_context>

<pallas_src>
import functools

import jax
import jax.numpy as jnp
import numpy as np
from jax import lax
from jax.experimental import pallas as pl
from jax.experimental.pallas import tpu as pltpu
from jax.experimental.pallas import tpu_sc as plsc

_ANGLE = 30.0
_W = 512
_H = 512
_NPLANES = 384
_TILE = 128
_TPOS = 16
_WIN_R = 192
_WIN_C = 192
_PLANES_PER_WORKER = _NPLANES // 2


def _host_bboxes():
    a = np.float32(_ANGLE * np.pi / 180.0)
    c = np.cos(a, dtype=np.float32)
    s = np.sin(a, dtype=np.float32)
    xm = (_W + 1) / 2.0
    ym = (_H + 1) / 2.0
    ii, jj = np.meshgrid(np.arange(_W, dtype=np.float64),
                         np.arange(_H, dtype=np.float64), indexing="ij")
    si = np.clip(np.round(c * (ii - xm) + s * (jj - ym)) + xm, 0, _W - 1)
    sj = np.clip(np.round(-s * (ii - xm) + c * (jj - ym)) + ym, 0, _H - 1)
    r0s, c0s = [], []
    for ti in range(4):
        for tj in range(4):
            bi, bj = ti * _TILE, tj * _TILE
            br = si[bi:bi + _TILE, bj:bj + _TILE]
            bc = sj[bi:bi + _TILE, bj:bj + _TILE]
            r0 = min(max(0, (int(br.min()) - 4) & ~7), _W - _WIN_R)
            c0 = min(max(0, (int(bc.min()) - 4) & ~7), _H - _WIN_C)
            assert min(int(br.max()) + 2, _W - 1) <= r0 + _WIN_R - 1
            assert min(int(bc.max()) + 2, _H - 1) <= c0 + _WIN_C - 1
            assert r0 <= max(int(br.min()) - 2, 0)
            assert c0 <= max(int(bc.min()) - 2, 0)
            r0s.append(r0)
            c0s.append(c0)
    return r0s, c0s

_R0S, _C0S = _host_bboxes()


def _rot_map():
    a = np.float32(_ANGLE * np.pi / 180.0)
    c = np.cos(a, dtype=np.float32)
    s = np.sin(a, dtype=np.float32)
    R = jnp.array([[c, s], [-s, c]], dtype=jnp.float32)
    xx, yy = jnp.meshgrid(jnp.arange(_W), jnp.arange(_H), indexing="ij")
    xx = xx.astype(jnp.float32)
    yy = yy.astype(jnp.float32)
    xm = (_W + 1) / 2.0
    ym = (_H + 1) / 2.0
    pts = jnp.stack([(xx - xm).reshape(-1), (yy - ym).reshape(-1)], axis=0)
    inds = jnp.round(R @ pts) + jnp.array([[xm], [ym]], dtype=jnp.float32)
    inds = jnp.where(inds < 0, 0.0, inds)
    i0 = jnp.where(inds[0] >= _W, _W - 1.0, inds[0])
    i1 = jnp.where(inds[1] >= _H, _H - 1.0, inds[1])
    si = i0.astype(jnp.int32).reshape(_W, _H)
    sj = i1.astype(jnp.int32).reshape(_W, _H)
    return si, sj


def _tile_packed_indices():
    si, sj = _rot_map()
    sit = si.reshape(4, _TILE, 4, _TILE).transpose(0, 2, 1, 3)
    sjt = sj.reshape(4, _TILE, 4, _TILE).transpose(0, 2, 1, 3)
    sit = sit.reshape(_TPOS, _TILE, _TILE)
    sjt = sjt.reshape(_TPOS, _TILE, _TILE)
    r0 = jnp.asarray(np.array(_R0S, dtype=np.int32))[:, None, None]
    c0 = jnp.asarray(np.array(_C0S, dtype=np.int32))[:, None, None]
    pk = (sit - r0) * 256 + (sjt - c0)
    pk = pk.reshape(_TPOS, _TILE, _TILE // 32, 2, 16)
    words = pk[:, :, :, 0, :] + pk[:, :, :, 1, :] * 65536
    return words.reshape(_TPOS * _TILE, _TILE // 2)


def _static_lookup(tp, values):
    out = jnp.int32(values[0])
    for k in range(1, len(values)):
        out = jnp.where(tp == k, jnp.int32(values[k]), out)
    return out


def _sc_rotate(img2d, idx_pk):
    mesh = plsc.VectorSubcoreMesh(core_axis_name="c", subcore_axis_name="s")

    @functools.partial(
        pl.kernel,
        out_type=jax.ShapeDtypeStruct((_NPLANES * (_W // 8), (_H // 128) * 8,
                                       128), jnp.float32),
        mesh=mesh,
        scratch_types=[
            pltpu.VMEM((_TILE, _TILE // 2), jnp.int32),
            pltpu.VMEM((_WIN_R, _WIN_C), jnp.float32),
            pltpu.VMEM((_WIN_R, _WIN_C), jnp.float32),
            pltpu.VMEM((_TILE // 8, 8, _TILE), jnp.float32),
            pltpu.VMEM((_TILE // 8, 8, _TILE), jnp.float32),
            pltpu.SemaphoreType.DMA,
            pltpu.SemaphoreType.DMA,
            pltpu.SemaphoreType.DMA,
            pltpu.SemaphoreType.DMA,
        ],
        compiler_params=pltpu.CompilerParams(
            use_tc_tiling_on_sc=False, needs_layout_passes=False),
    )
    def k(img_hbm, idx_hbm, out_hbm, idx_v, win0, win1, ob0, ob1,
          sw0, sw1, so0, so1):
        cid = lax.axis_index("c")
        sid = lax.axis_index("s")
        wid = sid * 2 + cid
        tp = lax.rem(wid, _TPOS)
        pg = lax.div(wid, _TPOS)
        r0 = pl.multiple_of(_static_lookup(tp, _R0S), 8)
        c0 = pl.multiple_of(_static_lookup(tp, _C0S), 8)
        ti = lax.div(tp, 4)
        tj = lax.rem(tp, 4)
        i0 = ti * _TILE
        j0 = tj * _TILE
        pbase = pg * _PLANES_PER_WORKER

        pltpu.sync_copy(idx_hbm.at[pl.ds(tp * _TILE, _TILE), :], idx_v)

        def win_src(n):
            prow = pl.multiple_of((pbase + n) * _W, _W)
            return img_hbm.at[pl.ds(prow + r0, _WIN_R), pl.ds(c0, _WIN_C)]

        def out_dst(n):
            base = (pbase + n) * (_W // 8) + ti * (_TILE // 8)
            return out_hbm.at[pl.ds(base, _TILE // 8),
                              pl.ds(pl.multiple_of(tj * 8, 8), 8), :]

        lane = lax.iota(jnp.int32, 16)

        def gather(win, ob):
            @plsc.parallel_loop(0, _TILE, step=1, unroll=2)
            def row_body(r):
                trv = jnp.full((16,), lax.shift_right_logical(r, 3), jnp.int32)
                r8v = jnp.full((16,), jnp.bitwise_and(r, 7), jnp.int32)
                for g in range(_TILE // 32):
                    w = idx_v[r, pl.ds(g * 16, 16)]
                    for half in range(2):
                        pk = (jnp.bitwise_and(w, 65535) if half == 0
                              else lax.shift_right_logical(w, 16))
                        rv = lax.shift_right_logical(pk, 8)
                        cv = jnp.bitwise_and(pk, 255)
                        v = plsc.load_gather(win, [rv, cv])
                        plsc.store_scatter(
                            ob, [trv, r8v, lane + (g * 32 + half * 16)], v)

        pltpu.async_copy(win_src(0), win0, sw0)
        pltpu.async_copy(win_src(1), win1, sw1)

        pltpu.make_async_copy(win_src(0), win0, sw0).wait()
        gather(win0, ob0)
        pltpu.async_copy(ob0, out_dst(0), so0)
        pltpu.async_copy(win_src(2), win0, sw0)

        pltpu.make_async_copy(win_src(1), win1, sw1).wait()
        gather(win1, ob1)
        pltpu.async_copy(ob1, out_dst(1), so1)
        pltpu.async_copy(win_src(3), win1, sw1)

        def pair_body(m, carry):
            p0 = 2 * m
            pltpu.make_async_copy(win_src(p0), win0, sw0).wait()
            pltpu.make_async_copy(ob0, out_dst(p0), so0).wait()
            gather(win0, ob0)
            pltpu.async_copy(ob0, out_dst(p0), so0)
            pltpu.async_copy(win_src(p0 + 2), win0, sw0)

            pltpu.make_async_copy(win_src(p0 + 1), win1, sw1).wait()
            pltpu.make_async_copy(ob1, out_dst(p0 + 1), so1).wait()
            gather(win1, ob1)
            pltpu.async_copy(ob1, out_dst(p0 + 1), so1)
            pltpu.async_copy(win_src(p0 + 3), win1, sw1)
            return carry

        lax.fori_loop(1, _PLANES_PER_WORKER // 2 - 1, pair_body, 0)

        pl_ = _PLANES_PER_WORKER - 2
        pltpu.make_async_copy(win_src(pl_), win0, sw0).wait()
        pltpu.make_async_copy(ob0, out_dst(pl_), so0).wait()
        gather(win0, ob0)
        pltpu.async_copy(ob0, out_dst(pl_), so0)

        pltpu.make_async_copy(win_src(pl_ + 1), win1, sw1).wait()
        pltpu.make_async_copy(ob1, out_dst(pl_ + 1), so1).wait()
        gather(win1, ob1)
        pltpu.async_copy(ob1, out_dst(pl_ + 1), so1)

        pltpu.make_async_copy(ob0, out_dst(pl_), so0).wait()
        pltpu.make_async_copy(ob1, out_dst(pl_ + 1), so1).wait()

    return k(img2d, idx_pk)


@jax.jit
def kernel(img):
    b, ch, w, h = img.shape
    idx_pk = _tile_packed_indices()
    img2d = img.reshape(b * ch * w, h)
    out3 = _sc_rotate(img2d, idx_pk)
    out5 = out3.reshape(_NPLANES, _W // 8, _H // 128, 8, 128)
    return jnp.swapaxes(out5, 2, 3).reshape(b, ch, w, h)

# --- scband reference (transcript-rebuilt; emitter-appended) ---
"""Pipeline reference for scband-tfmsrandom-rotate-72121090835027 (READ-ONLY COPY).

The authoritative reference and input builder live on the scoring server;
editing this copy changes nothing except your own understanding.
"""

import jax, jax.numpy as jnp
import numpy as np

ANGLE = 30.0  # angles=[30.0] -> np.random.choice of a single element is deterministic


def _rot_indices(w, h, angle_deg):
    a = np.float32(angle_deg * np.pi / 180.0)
    c = np.cos(a, dtype=np.float32)
    s = np.sin(a, dtype=np.float32)
    R = jnp.array([[c, s], [-s, c]], dtype=jnp.float32)
    xx, yy = jnp.meshgrid(jnp.arange(w), jnp.arange(h), indexing='ij')
    xx = xx.astype(jnp.float32)
    yy = yy.astype(jnp.float32)
    xm = (w + 1) / 2.0
    ym = (h + 1) / 2.0
    pts = jnp.stack([(xx - xm).reshape(-1), (yy - ym).reshape(-1)], axis=0)  # [2, N]
    inds = jnp.round(R @ pts) + jnp.array([[xm], [ym]], dtype=jnp.float32)
    inds = jnp.where(inds < 0, 0.0, inds)
    i0 = jnp.where(inds[0] >= w, w - 1.0, inds[0])
    i1 = jnp.where(inds[1] >= h, h - 1.0, inds[1])
    src = jnp.stack([i0, i1], axis=0).astype(jnp.int32)
    return src, xx.reshape(-1).astype(jnp.int32), yy.reshape(-1).astype(jnp.int32)


def setup_inputs(seed: int = 0) -> dict:
    key = jax.random.key(seed)
    img = jax.random.normal(key, (4, 96, 512, 512), dtype=jnp.float32)
    return {"img": img}


def reference(img):
    w, h = img.shape[-2], img.shape[-1]
    src, xx, yy = _rot_indices(w, h, ANGLE)
    # gather source pixels: img[:, :, src[0], src[1]] -> [B, C, W*H]
    gathered = img[:, :, src[0], src[1]]
    # scatter-overwrite into the destination grid (rot_img[:, :, xx, yy] = gathered)
    rot_img = jnp.zeros_like(img).at[:, :, xx, yy].set(gathered)
    return rot_img

if __name__ == "__main__":
    import jax
    _d = setup_inputs()
    print(jax.jit(kernel)(*tuple(_d.values())))

</pallas_src>

<mosaic_0001>
#map = affine_map<(d0, d1) -> (0, 0)>
#map1 = affine_map<(d0, d1) -> (0, 0, 0)>
module attributes {stable_mosaic.version = 14 : i64} {
  func.func @k(%arg0: i32, %arg1: i32, %arg2: memref<196608x512xf32, #tpu.memory_space<hbm>>, %arg3: memref<2048x64xi32, #tpu.memory_space<hbm>>, %arg4: memref<24576x32x128xf32, #tpu.memory_space<hbm>>, %arg5: memref<128x64xi32, #tpu.memory_space<vmem>>, %arg6: memref<192x192xf32, #tpu.memory_space<vmem>>, %arg7: memref<192x192xf32, #tpu.memory_space<vmem>>, %arg8: memref<16x8x128xf32, #tpu.memory_space<vmem>>, %arg9: memref<16x8x128xf32, #tpu.memory_space<vmem>>, %arg10: memref<!tpu.dma_semaphore, #tpu.memory_space<semaphore_mem>>, %arg11: memref<!tpu.dma_semaphore, #tpu.memory_space<semaphore_mem>>, %arg12: memref<!tpu.dma_semaphore, #tpu.memory_space<semaphore_mem>>, %arg13: memref<!tpu.dma_semaphore, #tpu.memory_space<semaphore_mem>>) attributes {dimension_semantics = [#tpu.dimension_semantics<core_parallel>, #tpu.dimension_semantics<subcore_parallel>], iteration_bounds = array<i64: 2, 16>, scalar_prefetch = 0 : i64, scratch_operands = 9 : i64, tpu.core_type = #tpu.core_type<sc_vector_subcore>, window_params = [{transform_indices = #map}, {transform_indices = #map}, {transform_indices = #map1}]} {
    %mul3A = arith.constant 2 : i32
    %mul3A_0 = arith.muli %arg1, %mul3A : i32
    %add3A = arith.addi %mul3A_0, %arg0 : i32
    %rem3A = arith.constant 16 : i32
    %rem3A_1 = arith.remsi %add3A, %rem3A : i32
    %div3A = arith.constant 16 : i32
    %div3A_2 = arith.divsi %add3A, %div3A : i32
    %eq3A = arith.constant 1 : i32
    %eq3A_3 = arith.cmpi eq, %rem3A_1, %eq3A : i32
    %jit3A = arith.constant 0 : i32
    %jit3A_4 = arith.constant 0 : i32
    %select_n3A = arith.select %eq3A_3, %jit3A, %jit3A_4 : i32
    %eq3A_5 = arith.constant 2 : i32
    %eq3A_6 = arith.cmpi eq, %rem3A_1, %eq3A_5 : i32
    %jit3A_7 = arith.constant 24 : i32
    %select_n3A_8 = arith.select %eq3A_6, %jit3A_7, %select_n3A : i32
    %eq3A_9 = arith.constant 3 : i32
    %eq3A_10 = arith.cmpi eq, %rem3A_1, %eq3A_9 : i32
    %jit3A_11 = arith.constant 88 : i32
    %select_n3A_12 = arith.select %eq3A_10, %jit3A_11, %select_n3A_8 : i32
    %eq3A_13 = arith.constant 4 : i32
    %eq3A_14 = arith.cmpi eq, %rem3A_1, %eq3A_13 : i32
    %jit3A_15 = arith.constant 8 : i32
    %select_n3A_16 = arith.select %eq3A_14, %jit3A_15, %select_n3A_12 : i32
    %eq3A_17 = arith.constant 5 : i32
    %eq3A_18 = arith.cmpi eq, %rem3A_1, %eq3A_17 : i32
    %jit3A_19 = arith.constant 72 : i32
    %select_n3A_20 = arith.select %eq3A_18, %jit3A_19, %select_n3A_16 : i32
    %eq3A_21 = arith.constant 6 : i32
    %eq3A_22 = arith.cmpi eq, %rem3A_1, %eq3A_21 : i32
    %jit3A_23 = arith.constant 136 : i32
    %select_n3A_24 = arith.select %eq3A_22, %jit3A_23, %select_n3A_20 : i32
    %eq3A_25 = arith.constant 7 : i32
    %eq3A_26 = arith.cmpi eq, %rem3A_1, %eq3A_25 : i32
    %jit3A_27 = arith.constant 200 : i32
    %select_n3A_28 = arith.select %eq3A_26, %jit3A_27, %select_n3A_24 : i32
    %eq3A_29 = arith.constant 8 : i32
    %eq3A_30 = arith.cmpi eq, %rem3A_1, %eq3A_29 : i32
    %jit3A_31 = arith.constant 120 : i32
    %select_n3A_32 = arith.select %eq3A_30, %jit3A_31, %select_n3A_28 : i32
    %eq3A_33 = arith.constant 9 : i32
    %eq3A_34 = arith.cmpi eq, %rem3A_1, %eq3A_33 : i32
    %jit3A_35 = arith.constant 184 : i32
    %select_n3A_36 = arith.select %eq3A_34, %jit3A_35, %select_n3A_32 : i32
    %eq3A_37 = arith.constant 10 : i32
    %eq3A_38 = arith.cmpi eq, %rem3A_1, %eq3A_37 : i32
    %jit3A_39 = arith.constant 248 : i32
    %select_n3A_40 = arith.select %eq3A_38, %jit3A_39, %select_n3A_36 : i32
    %eq3A_41 = arith.constant 11 : i32
    %eq3A_42 = arith.cmpi eq, %rem3A_1, %eq3A_41 : i32
    %jit3A_43 = arith.constant 312 : i32
    %select_n3A_44 = arith.select %eq3A_42, %jit3A_43, %select_n3A_40 : i32
    %eq3A_45 = arith.constant 12 : i32
    %eq3A_46 = arith.cmpi eq, %rem3A_1, %eq3A_45 : i32
    %jit3A_47 = arith.constant 232 : i32
    %select_n3A_48 = arith.select %eq3A_46, %jit3A_47, %select_n3A_44 : i32
    %eq3A_49 = arith.constant 13 : i32
    %eq3A_50 = arith.cmpi eq, %rem3A_1, %eq3A_49 : i32
    %jit3A_51 = arith.constant 296 : i32
    %select_n3A_52 = arith.select %eq3A_50, %jit3A_51, %select_n3A_48 : i32
    %eq3A_53 = arith.constant 14 : i32
    %eq3A_54 = arith.cmpi eq, %rem3A_1, %eq3A_53 : i32
    %jit3A_55 = arith.constant 320 : i32
    %select_n3A_56 = arith.select %eq3A_54, %jit3A_55, %select_n3A_52 : i32
    %eq3A_57 = arith.constant 15 : i32
    %eq3A_58 = arith.cmpi eq, %rem3A_1, %eq3A_57 : i32
    %jit3A_59 = arith.constant 320 : i32
    %select_n3A_60 = arith.select %eq3A_58, %jit3A_59, %select_n3A_56 : i32
    %multiple_of3A = tpu.assume_multiple %select_n3A_60, 8 : i32
    %eq3A_61 = arith.constant 1 : i32
    %eq3A_62 = arith.cmpi eq, %rem3A_1, %eq3A_61 : i32
    %jit3A_63 = arith.constant 200 : i32
    %jit3A_64 = arith.constant 88 : i32
    %select_n3A_65 = arith.select %eq3A_62, %jit3A_63, %jit3A_64 : i32
    %eq3A_66 = arith.constant 2 : i32
    %eq3A_67 = arith.cmpi eq, %rem3A_1, %eq3A_66 : i32
    %jit3A_68 = arith.constant 312 : i32
    %select_n3A_69 = arith.select %eq3A_67, %jit3A_68, %select_n3A_65 : i32
    %eq3A_70 = arith.constant 3 : i32
    %eq3A_71 = arith.cmpi eq, %rem3A_1, %eq3A_70 : i32
    %jit3A_72 = arith.constant 320 : i32
    %select_n3A_73 = arith.select %eq3A_71, %jit3A_72, %select_n3A_69 : i32
    %eq3A_74 = arith.constant 4 : i32
    %eq3A_75 = arith.cmpi eq, %rem3A_1, %eq3A_74 : i32
    %jit3A_76 = arith.constant 24 : i32
    %select_n3A_77 = arith.select %eq3A_75, %jit3A_76, %select_n3A_73 : i32
    %eq3A_78 = arith.constant 5 : i32
    %eq3A_79 = arith.cmpi eq, %rem3A_1, %eq3A_78 : i32
    %jit3A_80 = arith.constant 136 : i32
    %select_n3A_81 = arith.select %eq3A_79, %jit3A_80, %select_n3A_77 : i32
    %eq3A_82 = arith.constant 6 : i32
    %eq3A_83 = arith.cmpi eq, %rem3A_1, %eq3A_82 : i32
    %jit3A_84 = arith.constant 248 : i32
    %select_n3A_85 = arith.select %eq3A_83, %jit3A_84, %select_n3A_81 : i32
    %eq3A_86 = arith.constant 7 : i32
    %eq3A_87 = arith.cmpi eq, %rem3A_1, %eq3A_86 : i32
    %jit3A_88 = arith.constant 320 : i32
    %select_n3A_89 = arith.select %eq3A_87, %jit3A_88, %select_n3A_85 : i32
    %eq3A_90 = arith.constant 8 : i32
    %eq3A_91 = arith.cmpi eq, %rem3A_1, %eq3A_90 : i32
    %jit3A_92 = arith.constant 0 : i32
    %select_n3A_93 = arith.select %eq3A_91, %jit3A_92, %select_n3A_89 : i32
    %eq3A_94 = arith.constant 9 : i32
    %eq3A_95 = arith.cmpi eq, %rem3A_1, %eq3A_94 : i32
    %jit3A_96 = arith.constant 72 : i32
    %select_n3A_97 = arith.select %eq3A_95, %jit3A_96, %select_n3A_93 : i32
    %eq3A_98 = arith.constant 10 : i32
    %eq3A_99 = arith.cmpi eq, %rem3A_1, %eq3A_98 : i32
    %jit3A_100 = arith.constant 184 : i32
    %select_n3A_101 = arith.select %eq3A_99, %jit3A_100, %select_n3A_97 : i32
    %eq3A_102 = arith.constant 11 : i32
    %eq3A_103 = arith.cmpi eq, %rem3A_1, %eq3A_102 : i32
    %jit3A_104 = arith.constant 296 : i32
    %select_n3A_105 = arith.select %eq3A_103, %jit3A_104, %select_n3A_101 : i32
    %eq3A_106 = arith.constant 12 : i32
    %eq3A_107 = arith.cmpi eq, %rem3A_1, %eq3A_106 : i32
    %jit3A_108 = arith.constant 0 : i32
    %select_n3A_109 = arith.select %eq3A_107, %jit3A_108, %select_n3A_105 : i32
    %eq3A_110 = arith.constant 13 : i32
    %eq3A_111 = arith.cmpi eq, %rem3A_1, %eq3A_110 : i32
    %jit3A_112 = arith.constant 8 : i32
    %select_n3A_113 = arith.select %eq3A_111, %jit3A_112, %select_n3A_109 : i32
    %eq3A_114 = arith.constant 14 : i32
    %eq3A_115 = arith.cmpi eq, %rem3A_1, %eq3A_114 : i32
    %jit3A_116 = arith.constant 120 : i32
    %select_n3A_117 = arith.select %eq3A_115, %jit3A_116, %select_n3A_113 : i32
    %eq3A_118 = arith.constant 15 : i32
    %eq3A_119 = arith.cmpi eq, %rem3A_1, %eq3A_118 : i32
    %jit3A_120 = arith.constant 232 : i32
    %select_n3A_121 = arith.select %eq3A_119, %jit3A_120, %select_n3A_117 : i32
    %multiple_of3A_122 = tpu.assume_multiple %select_n3A_121, 8 : i32
    %div3A_123 = arith.constant 4 : i32
    %div3A_124 = arith.divsi %rem3A_1, %div3A_123 : i32
    %rem3A_125 = arith.constant 4 : i32
    %rem3A_126 = arith.remsi %rem3A_1, %rem3A_125 : i32
    %mul3A_127 = arith.constant 128 : i32
    %mul3A_128 = arith.muli %div3A_124, %mul3A_127 : i32
    %mul3A_129 = arith.constant 128 : i32
    %mul3A_130 = arith.muli %rem3A_126, %mul3A_129 : i32
    %mul3A_131 = arith.constant 192 : i32
    %mul3A_132 = arith.muli %div3A_2, %mul3A_131 : i32
    %mul3A_133 = arith.constant 128 : i32
    %mul3A_134 = arith.muli %rem3A_1, %mul3A_133 : i32
    "tpu.region"() ({
      %run_scoped3A = tpu.sem_alloc : memref<!tpu.dma_semaphore, #tpu.memory_space<semaphore_mem>>
      %dma_start3A_325 = arith.constant 0 : i32
      %dma_start3A_326 = tpu.memref_slice %arg3[%mul3A_134, %dma_start3A_325] : memref<2048x64xi32, #tpu.memory_space<hbm>> -> memref<128x64xi32, #tpu.memory_space<hbm>>
      %dma_start3A_327 = arith.constant 0 : i32
      %dma_start3A_328 = tpu.memref_slice %arg3[%mul3A_134, %dma_start3A_327] : memref<2048x64xi32, #tpu.memory_space<hbm>> -> memref<128x64xi32, #tpu.memory_space<hbm>>
      tpu.enqueue_dma source(%dma_start3A_328 : memref<128x64xi32, #tpu.memory_space<hbm>>) target(%arg5 : memref<128x64xi32, #tpu.memory_space<vmem>>) target_semaphore(%run_scoped3A : memref<!tpu.dma_semaphore, #tpu.memory_space<semaphore_mem>>)
      %dma_wait3A_329 = arith.constant 0 : i32
      %dma_wait3A_330 = tpu.memref_slice %arg3[%mul3A_134, %dma_wait3A_329] : memref<2048x64xi32, #tpu.memory_space<hbm>> -> memref<128x64xi32, #tpu.memory_space<hbm>>
      %dma_wait3A_331 = arith.constant 0 : i32
      %dma_wait3A_332 = tpu.memref_slice %arg3[%mul3A_134, %dma_wait3A_331] : memref<2048x64xi32, #tpu.memory_space<hbm>> -> memref<128x64xi32, #tpu.memory_space<hbm>>
      tpu.wait_dma2 semaphore(%run_scoped3A : memref<!tpu.dma_semaphore, #tpu.memory_space<semaphore_mem>>) src(%dma_wait3A_332 : memref<128x64xi32, #tpu.memory_space<hbm>>) dst(%arg5 : memref<128x64xi32, #tpu.memory_space<vmem>>)
      tpu.yield
    }) : () -> ()
    %iota3A = tpu.iota {dimensions = array<i32: 0>} : vector<16xi32>
    %add3A_135 = arith.constant 0 : i32
    %add3A_136 = arith.addi %mul3A_132, %add3A_135 : i32
    %mul3A_137 = arith.constant 512 : i32
    %mul3A_138 = arith.muli %add3A_136, %mul3A_137 : i32
    %multiple_of3A_139 = tpu.assume_multiple %mul3A_138, 512 : i32
    %add3A_140 = arith.addi %multiple_of3A_139, %multiple_of3A : i32
    %dma_start3A = tpu.memref_slice %arg2[%add3A_140, %multiple_of3A_122] : memref<196608x512xf32, #tpu.memory_space<hbm>> -> memref<192x192xf32, #tpu.memory_space<hbm>>
    %dma_start3A_141 = tpu.memref_slice %arg2[%add3A_140, %multiple_of3A_122] : memref<196608x512xf32, #tpu.memory_space<hbm>> -> memref<192x192xf32, #tpu.memory_space<hbm>>
    tpu.enqueue_dma source(%dma_start3A_141 : memref<192x192xf32, #tpu.memory_space<hbm>>) target(%arg6 : memref<192x192xf32, #tpu.memory_space<vmem>>) target_semaphore(%arg10 : memref<!tpu.dma_semaphore, #tpu.memory_space<semaphore_mem>>)
    %add3A_142 = arith.constant 1 : i32
    %add3A_143 = arith.addi %mul3A_132, %add3A_142 : i32
    %mul3A_144 = arith.constant 512 : i32
    %mul3A_145 = arith.muli %add3A_143, %mul3A_144 : i32
    %multiple_of3A_146 = tpu.assume_multiple %mul3A_145, 512 : i32
    %add3A_147 = arith.addi %multiple_of3A_146, %multiple_of3A : i32
    %dma_start3A_148 = tpu.memref_slice %arg2[%add3A_147, %multiple_of3A_122] : memref<196608x512xf32, #tpu.memory_space<hbm>> -> memref<192x192xf32, #tpu.memory_space<hbm>>
    %dma_start3A_149 = tpu.memref_slice %arg2[%add3A_147, %multiple_of3A_122] : memref<196608x512xf32, #tpu.memory_space<hbm>> -> memref<192x192xf32, #tpu.memory_space<hbm>>
    tpu.enqueue_dma source(%dma_start3A_149 : memref<192x192xf32, #tpu.memory_space<hbm>>) target(%arg7 : memref<192x192xf32, #tpu.memory_space<vmem>>) target_semaphore(%arg11 : memref<!tpu.dma_semaphore, #tpu.memory_space<semaphore_mem>>)
    %add3A_150 = arith.constant 0 : i32
    %add3A_151 = arith.addi %mul3A_132, %add3A_150 : i32
    %mul3A_152 = arith.constant 512 : i32
    %mul3A_153 = arith.muli %add3A_151, %mul3A_152 : i32
    %multiple_of3A_154 = tpu.assume_multiple %mul3A_153, 512 : i32
    %add3A_155 = arith.addi %multiple_of3A_154, %multiple_of3A : i32
    %dma_wait3A = tpu.memref_slice %arg2[%add3A_155, %multiple_of3A_122] : memref<196608x512xf32, #tpu.memory_space<hbm>> -> memref<192x192xf32, #tpu.memory_space<hbm>>
    %dma_wait3A_156 = tpu.memref_slice %arg2[%add3A_155, %multiple_of3A_122] : memref<196608x512xf32, #tpu.memory_space<hbm>> -> memref<192x192xf32, #tpu.memory_space<hbm>>
    tpu.wait_dma2 semaphore(%arg10 : memref<!tpu.dma_semaphore, #tpu.memory_space<semaphore_mem>>) src(%dma_wait3A_156 : memref<192x192xf32, #tpu.memory_space<hbm>>) dst(%arg6 : memref<192x192xf32, #tpu.memory_space<vmem>>)
    %parallel_loop3A = arith.constant 0 : i32
    %parallel_loop3A_157 = arith.constant 128 : i32
    %parallel_loop3A_158 = arith.constant 1 : i32
    scf.for %parallel_loop3A_325 = %parallel_loop3A to %parallel_loop3A_157 step %parallel_loop3A_158  : i32 {
      %parallel_loop3A_326 = arith.constant 3 : i32
      %parallel_loop3A_327 = arith.shrui %parallel_loop3A_325, %parallel_loop3A_326 : i32
      %parallel_loop3A_328 = vector.broadcast %parallel_loop3A_327 : i32 to vector<16xi32>
      %parallel_loop3A_329 = arith.constant 7 : i32
      %parallel_loop3A_330 = arith.andi %parallel_loop3A_325, %parallel_loop3A_329 : i32
      %parallel_loop3A_331 = vector.broadcast %parallel_loop3A_330 : i32 to vector<16xi32>
      %parallel_loop3A_332 = arith.index_cast %parallel_loop3A_325 : i32 to index
      %parallel_loop3A_333 = arith.constant 0 : index
      %parallel_loop3A_334 = tpu.vector_load %arg5[%parallel_loop3A_332, %parallel_loop3A_333] {strides = array<i32>} : memref<128x64xi32, #tpu.memory_space<vmem>>, vector<16xi32>,
      %parallel_loop3A_335 = arith.constant 65535 : i32
      %parallel_loop3A_336 = vector.broadcast %parallel_loop3A_335 : i32 to vector<16xi32>
      %parallel_loop3A_337 = arith.andi %parallel_loop3A_334, %parallel_loop3A_336 : vector<16xi32>
      %parallel_loop3A_338 = arith.constant 8 : i32
      %parallel_loop3A_339 = vector.broadcast %parallel_loop3A_338 : i32 to vector<16xi32>
      %parallel_loop3A_340 = arith.shrui %parallel_loop3A_337, %parallel_loop3A_339 : vector<16xi32>
      %parallel_loop3A_341 = arith.constant 255 : i32
      %parallel_loop3A_342 = vector.broadcast %parallel_loop3A_341 : i32 to vector<16xi32>
      %parallel_loop3A_343 = arith.andi %parallel_loop3A_337, %parallel_loop3A_342 : vector<16xi32>
      %parallel_loop3A_344 = tpu.vector_load_idx %arg6[%parallel_loop3A_340, %parallel_loop3A_343] : memref<192x192xf32, #tpu.memory_space<vmem>>[vector<16xi32>, vector<16xi32>], vector<16xf32>,
      %parallel_loop3A_345 = arith.constant 0 : i32
      %parallel_loop3A_346 = vector.broadcast %parallel_loop3A_345 : i32 to vector<16xi32>
      %parallel_loop3A_347 = arith.addi %iota3A, %parallel_loop3A_346 : vector<16xi32>
      tpu.vector_store_idx %arg8[%parallel_loop3A_328, %parallel_loop3A_331, %parallel_loop3A_347], %parallel_loop3A_344 : memref<16x8x128xf32, #tpu.memory_space<vmem>>[vector<16xi32>, vector<16xi32>, vector<16xi32>], vector<16xf32>,
      %parallel_loop3A_348 = arith.constant 16 : i32
      %parallel_loop3A_349 = vector.broadcast %parallel_loop3A_348 : i32 to vector<16xi32>
      %parallel_loop3A_350 = arith.shrui %parallel_loop3A_334, %parallel_loop3A_349 : vector<16xi32>
      %parallel_loop3A_351 = arith.constant 8 : i32
      %parallel_loop3A_352 = vector.broadcast %parallel_loop3A_351 : i32 to vector<16xi32>
      %parallel_loop3A_353 = arith.shrui %parallel_loop3A_350, %parallel_loop3A_352 : vector<16xi32>
      %parallel_loop3A_354 = arith.constant 255 : i32
      %parallel_loop3A_355 = vector.broadcast %parallel_loop3A_354 : i32 to vector<16xi32>
      %parallel_loop3A_356 = arith.andi %parallel_loop3A_350, %parallel_loop3A_355 : vector<16xi32>
      %parallel_loop3A_357 = tpu.vector_load_idx %arg6[%parallel_loop3A_353, %parallel_loop3A_356] : memref<192x192xf32, #tpu.memory_space<vmem>>[vector<16xi32>, vector<16xi32>], vector<16xf32>,
      %parallel_loop3A_358 = arith.constant 16 : i32
      %parallel_loop3A_359 = vector.broadcast %parallel_loop3A_358 : i32 to vector<16xi32>
      %parallel_loop3A_360 = arith.addi %iota3A, %parallel_loop3A_359 : vector<16xi32>
      tpu.vector_store_idx %arg8[%parallel_loop3A_328, %parallel_loop3A_331, %parallel_loop3A_360], %parallel_loop3A_357 : memref<16x8x128xf32, #tpu.memory_space<vmem>>[vector<16xi32>, vector<16xi32>, vector<16xi32>], vector<16xf32>,
      %parallel_loop3A_361 = arith.index_cast %parallel_loop3A_325 : i32 to index
      %parallel_loop3A_362 = arith.constant 16 : index
      %parallel_loop3A_363 = tpu.vector_load %arg5[%parallel_loop3A_361, %parallel_loop3A_362] {strides = array<i32>} : memref<128x64xi32, #tpu.memory_space<vmem>>, vector<16xi32>,
      %parallel_loop3A_364 = arith.constant 65535 : i32
      %parallel_loop3A_365 = vector.broadcast %parallel_loop3A_364 : i32 to vector<16xi32>
      %parallel_loop3A_366 = arith.andi %parallel_loop3A_363, %parallel_loop3A_365 : vector<16xi32>
      %parallel_loop3A_367 = arith.constant 8 : i32
      %parallel_loop3A_368 = vector.broadcast %parallel_loop3A_367 : i32 to vector<16xi32>
      %parallel_loop3A_369 = arith.shrui %parallel_loop3A_366, %parallel_loop3A_368 : vector<16xi32>
      %parallel_loop3A_370 = arith.constant 255 : i32
      %parallel_loop3A_371 = vector.broadcast %parallel_loop3A_370 : i32 to vector<16xi32>
      %parallel_loop3A_372 = arith.andi %parallel_loop3A_366, %parallel_loop3A_371 : vector<16xi32>
      %parallel_loop3A_373 = tpu.vector_load_idx %arg6[%parallel_loop3A_369, %parallel_loop3A_372] : memref<192x192xf32, #tpu.memory_space<vmem>>[vector<16xi32>, vector<16xi32>], vector<16xf32>,
      %parallel_loop3A_374 = arith.constant 32 : i32
      %parallel_loop3A_375 = vector.broadcast %parallel_loop3A_374 : i32 to vector<16xi32>
      %parallel_loop3A_376 = arith.addi %iota3A, %parallel_loop3A_375 : vector<16xi32>
      tpu.vector_store_idx %arg8[%parallel_loop3A_328, %parallel_loop3A_331, %parallel_loop3A_376], %parallel_loop3A_373 : memref<16x8x128xf32, #tpu.memory_space<vmem>>[vector<16xi32>, vector<16xi32>, vector<16xi32>], vector<16xf32>,
      %parallel_loop3A_377 = arith.constant 16 : i32
      %parallel_loop3A_378 = vector.broadcast %parallel_loop3A_377 : i32 to vector<16xi32>
      %parallel_loop3A_379 = arith.shrui %parallel_loop3A_363, %parallel_loop3A_378 : vector<16xi32>
      %parallel_loop3A_380 = arith.constant 8 : i32
      %parallel_loop3A_381 = vector.broadcast %parallel_loop3A_380 : i32 to vector<16xi32>
      %parallel_loop3A_382 = arith.shrui %parallel_loop3A_379, %parallel_loop3A_381 : vector<16xi32>
      %parallel_loop3A_383 = arith.constant 255 : i32
      %parallel_loop3A_384 = vector.broadcast %parallel_loop3A_383 : i32 to vector<16xi32>
      %parallel_loop3A_385 = arith.andi %parallel_loop3A_379, %parallel_loop3A_384 : vector<16xi32>
      %parallel_loop3A_386 = tpu.vector_load_idx %arg6[%parallel_loop3A_382, %parallel_loop3A_385] : memref<192x192xf32, #tpu.memory_space<vmem>>[vector<16xi32>, vector<16xi32>], vector<16xf32>,
      %parallel_loop3A_387 = arith.constant 48 : i32
      %parallel_loop3A_388 = vector.broadcast %parallel_loop3A_387 : i32 to vector<16xi32>
      %parallel_loop3A_389 = arith.addi %iota3A, %parallel_loop3A_388 : vector<16xi32>
      tpu.vector_store_idx %arg8[%parallel_loop3A_328, %parallel_loop3A_331, %parallel_loop3A_389], %parallel_loop3A_386 : memref<16x8x128xf32, #tpu.memory_space<vmem>>[vector<16xi32>, vector<16xi32>, vector<16xi32>], vector<16xf32>,
      %parallel_loop3A_390 = arith.index_cast %parallel_loop3A_325 : i32 to index
      %parallel_loop3A_391 = arith.constant 32 : index
      %parallel_loop3A_392 = tpu.vector_load %arg5[%parallel_loop3A_390, %parallel_loop3A_391] {strides = array<i32>} : memref<128x64xi32, #tpu.memory_space<vmem>>, vector<16xi32>,
      %parallel_loop3A_393 = arith.constant 65535 : i32
      %parallel_loop3A_394 = vector.broadcast %parallel_loop3A_393 : i32 to vector<16xi32>
      %parallel_loop3A_395 = arith.andi %parallel_loop3A_392, %parallel_loop3A_394 : vector<16xi32>
      %parallel_loop3A_396 = arith.constant 8 : i32
      %parallel_loop3A_397 = vector.broadcast %parallel_loop3A_396 : i32 to vector<16xi32>
      %parallel_loop3A_398 = arith.shrui %parallel_loop3A_395, %parallel_loop3A_397 : vector<16xi32>
      %parallel_loop3A_399 = arith.constant 255 : i32
      %parallel_loop3A_400 = vector.broadcast %parallel_loop3A_399 : i32 to vector<16xi32>
      %parallel_loop3A_401 = arith.andi %parallel_loop3A_395, %parallel_loop3A_400 : vector<16xi32>
      %parallel_loop3A_402 = tpu.vector_load_idx %arg6[%parallel_loop3A_398, %parallel_loop3A_401] : memref<192x192xf32, #tpu.memory_space<vmem>>[vector<16xi32>, vector<16xi32>], vector<16xf32>,
      %parallel_loop3A_403 = arith.constant 64 : i32
      %parallel_loop3A_404 = vector.broadcast %parallel_loop3A_403 : i32 to vector<16xi32>
      %parallel_loop3A_405 = arith.addi %iota3A, %parallel_loop3A_404 : vector<16xi32>
      tpu.vector_store_idx %arg8[%parallel_loop3A_328, %parallel_loop3A_331, %parallel_loop3A_405], %parallel_loop3A_402 : memref<16x8x128xf32, #tpu.memory_space<vmem>>[vector<16xi32>, vector<16xi32>, vector<16xi32>], vector<16xf32>,
      %parallel_loop3A_406 = arith.constant 16 : i32
      %parallel_loop3A_407 = vector.broadcast %parallel_loop3A_406 : i32 to vector<16xi32>
      %parallel_loop3A_408 = arith.shrui %parallel_loop3A_392, %parallel_loop3A_407 : vector<16xi32>
      %parallel_loop3A_409 = arith.constant 8 : i32
      %parallel_loop3A_410 = vector.broadcast %parallel_loop3A_409 : i32 to vector<16xi32>
      %parallel_loop3A_411 = arith.shrui %parallel_loop3A_408, %parallel_loop3A_410 : vector<16xi32>
      %parallel_loop3A_412 = arith.constant 255 : i32
      %parallel_loop3A_413 = vector.broadcast %parallel_loop3A_412 : i32 to vector<16xi32>
      %parallel_loop3A_414 = arith.andi %parallel_loop3A_408, %parallel_loop3A_413 : vector<16xi32>
      %parallel_loop3A_415 = tpu.vector_load_idx %arg6[%parallel_loop3A_411, %parallel_loop3A_414] : memref<192x192xf32, #tpu.memory_space<vmem>>[vector<16xi32>, vector<16xi32>], vector<16xf32>,
      %parallel_loop3A_416 = arith.constant 80 : i32
      %parallel_loop3A_417 = vector.broadcast %parallel_loop3A_416 : i32 to vector<16xi32>
      %parallel_loop3A_418 = arith.addi %iota3A, %parallel_loop3A_417 : vector<16xi32>
      tpu.vector_store_idx %arg8[%parallel_loop3A_328, %parallel_loop3A_331, %parallel_loop3A_418], %parallel_loop3A_415 : memref<16x8x128xf32, #tpu.memory_space<vmem>>[vector<16xi32>, vector<16xi32>, vector<16xi32>], vector<16xf32>,
      %parallel_loop3A_419 = arith.index_cast %parallel_loop3A_325 : i32 to index
      %parallel_loop3A_420 = arith.constant 48 : index
      %parallel_loop3A_421 = tpu.vector_load %arg5[%parallel_loop3A_419, %parallel_loop3A_420] {strides = array<i32>} : memref<128x64xi32, #tpu.memory_space<vmem>>, vector<16xi32>,
      %parallel_loop3A_422 = arith.constant 65535 : i32
      %parallel_loop3A_423 = vector.broadcast %parallel_loop3A_422 : i32 to vector<16xi32>
      %parallel_loop3A_424 = arith.andi %parallel_loop3A_421, %parallel_loop3A_423 : vector<16xi32>
      %parallel_loop3A_425 = arith.constant 8 : i32
      %parallel_loop3A_426 = vector.broadcast %parallel_loop3A_425 : i32 to vector<16xi32>
      %parallel_loop3A_427 = arith.shrui %parallel_loop3A_424, %parallel_loop3A_426 : vector<16xi32>
      %parallel_loop3A_428 = arith.constant 255 : i32
      %parallel_loop3A_429 = vector.broadcast %parallel_loop3A_428 : i32 to vector<16xi32>
      %parallel_loop3A_430 = arith.andi %parallel_loop3A_424, %parallel_loop3A_429 : vector<16xi32>
      %parallel_loop3A_431 = tpu.vector_load_idx %arg6[%parallel_loop3A_427, %parallel_loop3A_430] : memref<192x192xf32, #tpu.memory_space<vmem>>[vector<16xi32>, vector<16xi32>], vector<16xf32>,
      %parallel_loop3A_432 = arith.constant 96 : i32
      %parallel_loop3A_433 = vector.broadcast %parallel_loop3A_432 : i32 to vector<16xi32>
      %parallel_loop3A_434 = arith.addi %iota3A, %parallel_loop3A_433 : vector<16xi32>
      tpu.vector_store_idx %arg8[%parallel_loop3A_328, %parallel_loop3A_331, %parallel_loop3A_434], %parallel_loop3A_431 : memref<16x8x128xf32, #tpu.memory_space<vmem>>[vector<16xi32>, vector<16xi32>, vector<16xi32>], vector<16xf32>,
      %parallel_loop3A_435 = arith.constant 16 : i32
      %parallel_loop3A_436 = vector.broadcast %parallel_loop3A_435 : i32 to vector<16xi32>
      %parallel_loop3A_437 = arith.shrui %parallel_loop3A_421, %parallel_loop3A_436 : vector<16xi32>
      %parallel_loop3A_438 = arith.constant 8 : i32
      %parallel_loop3A_439 = vector.broadcast %parallel_loop3A_438 : i32 to vector<16xi32>
      %parallel_loop3A_440 = arith.shrui %parallel_loop3A_437, %parallel_loop3A_439 : vector<16xi32>
      %parallel_loop3A_441 = arith.constant 255 : i32
      %parallel_loop3A_442 = vector.broadcast %parallel_loop3A_441 : i32 to vector<16xi32>
      %parallel_loop3A_443 = arith.andi %parallel_loop3A_437, %parallel_loop3A_442 : vector<16xi32>
      %parallel_loop3A_444 = tpu.vector_load_idx %arg6[%parallel_loop3A_440, %parallel_loop3A_443] : memref<192x192xf32, #tpu.memory_space<vmem>>[vector<16xi32>, vector<16xi32>], vector<16xf32>,
      %parallel_loop3A_445 = arith.constant 112 : i32
      %parallel_loop3A_446 = vector.broadcast %parallel_loop3A_445 : i32 to vector<16xi32>
      %parallel_loop3A_447 = arith.addi %iota3A, %parallel_loop3A_446 : vector<16xi32>
      tpu.vector_store_idx %arg8[%parallel_loop3A_328, %parallel_loop3A_331, %parallel_loop3A_447], %parallel_loop3A_444 : memref<16x8x128xf32, #tpu.memory_space<vmem>>[vector<16xi32>, vector<16xi32>, vector<16xi32>], vector<16xf32>,
    } {sc.loop_unroll_factor = 2 : i64, sc.parallel_access}
    %add3A_159 = arith.constant 0 : i32
    %add3A_160 = arith.addi %mul3A_132, %add3A_159 : i32
    %mul3A_161 = arith.constant 64 : i32
    %mul3A_162 = arith.muli %add3A_160, %mul3A_161 : i32
    %mul3A_163 = arith.constant 16 : i32
    %mul3A_164 = arith.muli %div3A_124, %mul3A_163 : i32
    %add3A_165 = arith.addi %mul3A_162, %mul3A_164 : i32
    %mul3A_166 = arith.constant 8 : i32
    %mul3A_167 = arith.muli %rem3A_126, %mul3A_166 : i32
    %multiple_of3A_168 = tpu.assume_multiple %mul3A_167, 8 : i32
    %dma_start3A_169 = arith.constant 0 : i32
    %dma_start3A_170 = tpu.memref_slice %arg4[%add3A_165, %multiple_of3A_168, %dma_start3A_169] : memref<24576x32x128xf32, #tpu.memory_space<hbm>> -> memref<16x8x128xf32, #tpu.memory_space<hbm>>
    %dma_start3A_171 = arith.constant 0 : i32
    %dma_start3A_172 = tpu.memref_slice %arg4[%add3A_165, %multiple_of3A_168, %dma_start3A_171] : memref<24576x32x128xf32, #tpu.memory_space<hbm>> -> memref<16x8x128xf32, #tpu.memory_space<hbm>>
    tpu.enqueue_dma source(%arg8 : memref<16x8x128xf32, #tpu.memory_space<vmem>>) target(%dma_start3A_172 : memref<16x8x128xf32, #tpu.memory_space<hbm>>) target_semaphore(%arg12 : memref<!tpu.dma_semaphore, #tpu.memory_space<semaphore_mem>>)
    %add3A_173 = arith.constant 2 : i32
    %add3A_174 = arith.addi %mul3A_132, %add3A_173 : i32
    %mul3A_175 = arith.constant 512 : i32
    %mul3A_176 = arith.muli %add3A_174, %mul3A_175 : i32
    %multiple_of3A_177 = tpu.assume_multiple %mul3A_176, 512 : i32
    %add3A_178 = arith.addi %multiple_of3A_177, %multiple_of3A : i32
    %dma_start3A_179 = tpu.memref_slice %arg2[%add3A_178, %multiple_of3A_122] : memref<196608x512xf32, #tpu.memory_space<hbm>> -> memref<192x192xf32, #tpu.memory_space<hbm>>
    %dma_start3A_180 = tpu.memref_slice %arg2[%add3A_178, %multiple_of3A_122] : memref<196608x512xf32, #tpu.memory_space<hbm>> -> memref<192x192xf32, #tpu.memory_space<hbm>>
    tpu.enqueue_dma source(%dma_start3A_180 : memref<192x192xf32, #tpu.memory_space<hbm>>) target(%arg6 : memref<192x192xf32, #tpu.memory_space<vmem>>) target_semaphore(%arg10 : memref<!tpu.dma_semaphore, #tpu.memory_space<semaphore_mem>>)
    %add3A_181 = arith.constant 1 : i32
    %add3A_182 = arith.addi %mul3A_132, %add3A_181 : i32
    %mul3A_183 = arith.constant 512 : i32
    %mul3A_184 = arith.muli %add3A_182, %mul3A_183 : i32
    %multiple_of3A_185 = tpu.assume_multiple %mul3A_184, 512 : i32
    %add3A_186 = arith.addi %multiple_of3A_185, %multiple_of3A : i32
    %dma_wait3A_187 = tpu.memref_slice %arg2[%add3A_186, %multiple_of3A_122] : memref<196608x512xf32, #tpu.memory_space<hbm>> -> memref<192x192xf32, #tpu.memory_space<hbm>>
    %dma_wait3A_188 = tpu.memref_slice %arg2[%add3A_186, %multiple_of3A_122] : memref<196608x512xf32, #tpu.memory_space<hbm>> -> memref<192x192xf32, #tpu.memory_space<hbm>>
    tpu.wait_dma2 semaphore(%arg11 : memref<!tpu.dma_semaphore, #tpu.memory_space<semaphore_mem>>) src(%dma_wait3A_188 : memref<192x192xf32, #tpu.memory_space<hbm>>) dst(%arg7 : memref<192x192xf32, #tpu.memory_space<vmem>>)
    %parallel_loop3A_189 = arith.constant 0 : i32
    %parallel_loop3A_190 = arith.constant 128 : i32
    %parallel_loop3A_191 = arith.constant 1 : i32
    scf.for %parallel_loop3A_325 = %parallel_loop3A_189 to %parallel_loop3A_190 step %parallel_loop3A_191  : i32 {
      %parallel_loop3A_326 = arith.constant 3 : i32
      %parallel_loop3A_327 = arith.shrui %parallel_loop3A_325, %parallel_loop3A_326 : i32
      %parallel_loop3A_328 = vector.broadcast %parallel_loop3A_327 : i32 to vector<16xi32>
      %parallel_loop3A_329 = arith.constant 7 : i32
      %parallel_loop3A_330 = arith.andi %parallel_loop3A_325, %parallel_loop3A_329 : i32
      %parallel_loop3A_331 = vector.broadcast %parallel_loop3A_330 : i32 to vector<16xi32>
      %parallel_loop3A_332 = arith.index_cast %parallel_loop3A_325 : i32 to index
      %parallel_loop3A_333 = arith.constant 0 : index
      %parallel_loop3A_334 = tpu.vector_load %arg5[%parallel_loop3A_332, %parallel_loop3A_333] {strides = array<i32>} : memref<128x64xi32, #tpu.memory_space<vmem>>, vector<16xi32>,
      %parallel_loop3A_335 = arith.constant 65535 : i32
      %parallel_loop3A_336 = vector.broadcast %parallel_loop3A_335 : i32 to vector<16xi32>
      %parallel_loop3A_337 = arith.andi %parallel_loop3A_334, %parallel_loop3A_336 : vector<16xi32>
      %parallel_loop3A_338 = arith.constant 8 : i32
      %parallel_loop3A_339 = vector.broadcast %parallel_loop3A_338 : i32 to vector<16xi32>
      %parallel_loop3A_340 = arith.shrui %parallel_loop3A_337, %parallel_loop3A_339 : vector<16xi32>
      %parallel_loop3A_341 = arith.constant 255 : i32
      %parallel_loop3A_342 = vector.broadcast %parallel_loop3A_341 : i32 to vector<16xi32>
      %parallel_loop3A_343 = arith.andi %parallel_loop3A_337, %parallel_loop3A_342 : vector<16xi32>
      %parallel_loop3A_344 = tpu.vector_load_idx %arg7[%parallel_loop3A_340, %parallel_loop3A_343] : memref<192x192xf32, #tpu.memory_space<vmem>>[vector<16xi32>, vector<16xi32>], vector<16xf32>,
      %parallel_loop3A_345 = arith.constant 0 : i32
      %parallel_loop3A_346 = vector.broadcast %parallel_loop3A_345 : i32 to vector<16xi32>
      %parallel_loop3A_347 = arith.addi %iota3A, %parallel_loop3A_346 : vector<16xi32>
      tpu.vector_store_idx %arg9[%parallel_loop3A_328, %parallel_loop3A_331, %parallel_loop3A_347], %parallel_loop3A_344 : memref<16x8x128xf32, #tpu.memory_space<vmem>>[vector<16xi32>, vector<16xi32>, vector<16xi32>], vector<16xf32>,
      %parallel_loop3A_348 = arith.constant 16 : i32
      %parallel_loop3A_349 = vector.broadcast %parallel_loop3A_348 : i32 to vector<16xi32>
      %parallel_loop3A_350 = arith.shrui %parallel_loop3A_334, %parallel_loop3A_349 : vector<16xi32>
      %parallel_loop3A_351 = arith.constant 8 : i32
      %parallel_loop3A_352 = vector.broadcast %parallel_loop3A_351 : i32 to vector<16xi32>
      %parallel_loop3A_353 = arith.shrui %parallel_loop3A_350, %parallel_loop3A_352 : vector<16xi32>
      %parallel_loop3A_354 = arith.constant 255 : i32
      %parallel_loop3A_355 = vector.broadcast %parallel_loop3A_354 : i32 to vector<16xi32>
      %parallel_loop3A_356 = arith.andi %parallel_loop3A_350, %parallel_loop3A_355 : vector<16xi32>
      %parallel_loop3A_357 = tpu.vector_load_idx %arg7[%parallel_loop3A_353, %parallel_loop3A_356] : memref<192x192xf32, #tpu.memory_space<vmem>>[vector<16xi32>, vector<16xi32>], vector<16xf32>,
      %parallel_loop3A_358 = arith.constant 16 : i32
      %parallel_loop3A_359 = vector.broadcast %parallel_loop3A_358 : i32 to vector<16xi32>
      %parallel_loop3A_360 = arith.addi %iota3A, %parallel_loop3A_359 : vector<16xi32>
      tpu.vector_store_idx %arg9[%parallel_loop3A_328, %parallel_loop3A_331, %parallel_loop3A_360], %parallel_loop3A_357 : memref<16x8x128xf32, #tpu.memory_space<vmem>>[vector<16xi32>, vector<16xi32>, vector<16xi32>], vector<16xf32>,
      %parallel_loop3A_361 = arith.index_cast %parallel_loop3A_325 : i32 to index
      %parallel_loop3A_362 = arith.constant 16 : index
      %parallel_loop3A_363 = tpu.vector_load %arg5[%parallel_loop3A_361, %parallel_loop3A_362] {strides = array<i32>} : memref<128x64xi32, #tpu.memory_space<vmem>>, vector<16xi32>,
      %parallel_loop3A_364 = arith.constant 65535 : i32
      %parallel_loop3A_365 = vector.broadcast %parallel_loop3A_364 : i32 to vector<16xi32>
      %parallel_loop3A_366 = arith.andi %parallel_loop3A_363, %parallel_loop3A_365 : vector<16xi32>
      %parallel_loop3A_367 = arith.constant 8 : i32
      %parallel_loop3A_368 = vector.broadcast %parallel_loop3A_367 : i32 to vector<16xi32>
      %parallel_loop3A_369 = arith.shrui %parallel_loop3A_366, %parallel_loop3A_368 : vector<16xi32>
      %parallel_loop3A_370 = arith.constant 255 : i32
      %parallel_loop3A_371 = vector.broadcast %parallel_loop3A_370 : i32 to vector<16xi32>
      %parallel_loop3A_372 = arith.andi %parallel_loop3A_366, %parallel_loop3A_371 : vector<16xi32>
      %parallel_loop3A_373 = tpu.vector_load_idx %arg7[%parallel_loop3A_369, %parallel_loop3A_372] : memref<192x192xf32, #tpu.memory_space<vmem>>[vector<16xi32>, vector<16xi32>], vector<16xf32>,
      %parallel_loop3A_374 = arith.constant 32 : i32
      %parallel_loop3A_375 = vector.broadcast %parallel_loop3A_374 : i32 to vector<16xi32>
      %parallel_loop3A_376 = arith.addi %iota3A, %parallel_loop3A_375 : vector<16xi32>
      tpu.vector_store_idx %arg9[%parallel_loop3A_328, %parallel_loop3A_331, %parallel_loop3A_376], %parallel_loop3A_373 : memref<16x8x128xf32, #tpu.memory_space<vmem>>[vector<16xi32>, vector<16xi32>, vector<16xi32>], vector<16xf32>,
      %parallel_loop3A_377 = arith.constant 16 : i32
      %parallel_loop3A_378 = vector.broadcast %parallel_loop3A_377 : i32 to vector<16xi32>
      %parallel_loop3A_379 = arith.shrui %parallel_loop3A_363, %parallel_loop3A_378 : vector<16xi32>
      %parallel_loop3A_380 = arith.constant 8 : i32
      %parallel_loop3A_381 = vector.broadcast %parallel_loop3A_380 : i32 to vector<16xi32>
      %parallel_loop3A_382 = arith.shrui %parallel_loop3A_379, %parallel_loop3A_381 : vector<16xi32>
      %parallel_loop3A_383 = arith.constant 255 : i32
      %parallel_loop3A_384 = vector.broadcast %parallel_loop3A_383 : i32 to vector<16xi32>
      %parallel_loop3A_385 = arith.andi %parallel_loop3A_379, %parallel_loop3A_384 : vector<16xi32>
      %parallel_loop3A_386 = tpu.vector_load_idx %arg7[%parallel_loop3A_382, %parallel_loop3A_385] : memref<192x192xf32, #tpu.memory_space<vmem>>[vector<16xi32>, vector<16xi32>], vector<16xf32>,
      %parallel_loop3A_387 = arith.constant 48 : i32
      %parallel_loop3A_388 = vector.broadcast %parallel_loop3A_387 : i32 to vector<16xi32>
      %parallel_loop3A_389 = arith.addi %iota3A, %parallel_loop3A_388 : vector<16xi32>
      tpu.vector_store_idx %arg9[%parallel_loop3A_328, %parallel_loop3A_331, %parallel_loop3A_389], %parallel_loop3A_386 : memref<16x8x128xf32, #tpu.memory_space<vmem>>[vector<16xi32>, vector<16xi32>, vector<16xi32>], vector<16xf32>,
      %parallel_loop3A_390 = arith.index_cast %parallel_loop3A_325 : i32 to index
      %parallel_loop3A_391 = arith.constant 32 : index
      %parallel_loop3A_392 = tpu.vector_load %arg5[%parallel_loop3A_390, %parallel_loop3A_391] {strides = array<i32>} : memref<128x64xi32, #tpu.memory_space<vmem>>, vector<16xi32>,
      %parallel_loop3A_393 = arith.constant 65535 : i32
      %parallel_loop3A_394 = vector.broadcast %parallel_loop3A_393 : i32 to vector<16xi32>
      %parallel_loop3A_395 = arith.andi %parallel_loop3A_392, %parallel_loop3A_394 : vector<16xi32>
      %parallel_loop3A_396 = arith.constant 8 : i32
      %parallel_loop3A_397 = vector.broadcast %parallel_loop3A_396 : i32 to vector<16xi32>
      %parallel_loop3A_398 = arith.shrui %parallel_loop3A_395, %parallel_loop3A_397 : vector<16xi32>
      %parallel_loop3A_399 = arith.constant 255 : i32
      %parallel_loop3A_400 = vector.broadcast %parallel_loop3A_399 : i32 to vector<16xi32>
      %parallel_loop3A_401 = arith.andi %parallel_loop3A_395, %parallel_loop3A_400 : vector<16xi32>
      %parallel_loop3A_402 = tpu.vector_load_idx %arg7[%parallel_loop3A_398, %parallel_loop3A_401] : memref<192x192xf32, #tpu.memory_space<vmem>>[vector<16xi32>, vector<16xi32>], vector<16xf32>,
      %parallel_loop3A_403 = arith.constant 64 : i32
      %parallel_loop3A_404 = vector.broadcast %parallel_loop3A_403 : i32 to vector<16xi32>
      %parallel_loop3A_405 = arith.addi %iota3A, %parallel_loop3A_404 : vector<16xi32>
      tpu.vector_store_idx %arg9[%parallel_loop3A_328, %parallel_loop3A_331, %parallel_loop3A_405], %parallel_loop3A_402 : memref<16x8x128xf32, #tpu.memory_space<vmem>>[vector<16xi32>, vector<16xi32>, vector<16xi32>], vector<16xf32>,
      %parallel_loop3A_406 = arith.constant 16 : i32
      %parallel_loop3A_407 = vector.broadcast %parallel_loop3A_406 : i32 to vector<16xi32>
      %parallel_loop3A_408 = arith.shrui %parallel_loop3A_392, %parallel_loop3A_407 : vector<16xi32>
      %parallel_loop3A_409 = arith.constant 8 : i32
      %parallel_loop3A_410 = vector.broadcast %parallel_loop3A_409 : i32 to vector<16xi32>
      %parallel_loop3A_411 = arith.shrui %parallel_loop3A_408, %parallel_loop3A_410 : vector<16xi32>
      %parallel_loop3A_412 = arith.constant 255 : i32
      %parallel_loop3A_413 = vector.broadcast %parallel_loop3A_412 : i32 to vector<16xi32>
      %parallel_loop3A_414 = arith.andi %parallel_loop3A_408, %parallel_loop3A_413 : vector<16xi32>
      %parallel_loop3A_415 = tpu.vector_load_idx %arg7[%parallel_loop3A_411, %parallel_loop3A_414] : memref<192x192xf32, #tpu.memory_space<vmem>>[vector<16xi32>, vector<16xi32>], vector<16xf32>,
      %parallel_loop3A_416 = arith.constant 80 : i32
      %parallel_loop3A_417 = vector.broadcast %parallel_loop3A_416 : i32 to vector<16xi32>
      %parallel_loop3A_418 = arith.addi %iota3A, %parallel_loop3A_417 : vector<16xi32>
      tpu.vector_store_idx %arg9[%parallel_loop3A_328, %parallel_loop3A_331, %parallel_loop3A_418], %parallel_loop3A_415 : memref<16x8x128xf32, #tpu.memory_space<vmem>>[vector<16xi32>, vector<16xi32>, vector<16xi32>], vector<16xf32>,
      %parallel_loop3A_419 = arith.index_cast %parallel_loop3A_325 : i32 to index
      %parallel_loop3A_420 = arith.constant 48 : index
      %parallel_loop3A_421 = tpu.vector_load %arg5[%parallel_loop3A_419, %parallel_loop3A_420] {strides = array<i32>} : memref<128x64xi32, #tpu.memory_space<vmem>>, vector<16xi32>,
      %parallel_loop3A_422 = arith.constant 65535 : i32
      %parallel_loop3A_423 = vector.broadcast %parallel_loop3A_422 : i32 to vector<16xi32>
      %parallel_loop3A_424 = arith.andi %parallel_loop3A_421, %parallel_loop3A_423 : vector<16xi32>
      %parallel_loop3A_425 = arith.constant 8 : i32
      %parallel_loop3A_426 = vector.broadcast %parallel_loop3A_425 : i32 to vector<16xi32>
      %parallel_loop3A_427 = arith.shrui %parallel_loop3A_424, %parallel_loop3A_426 : vector<16xi32>
      %parallel_loop3A_428 = arith.constant 255 : i32
      %parallel_loop3A_429 = vector.broadcast %parallel_loop3A_428 : i32 to vector<16xi32>
      %parallel_loop3A_430 = arith.andi %parallel_loop3A_424, %parallel_loop3A_429 : vector<16xi32>
      %parallel_loop3A_431 = tpu.vector_load_idx %arg7[%parallel_loop3A_427, %parallel_loop3A_430] : memref<192x192xf32, #tpu.memory_space<vmem>>[vector<16xi32>, vector<16xi32>], vector<16xf32>,
      %parallel_loop3A_432 = arith.constant 96 : i32
      %parallel_loop3A_433 = vector.broadcast %parallel_loop3A_432 : i32 to vector<16xi32>
      %parallel_loop3A_434 = arith.addi %iota3A, %parallel_loop3A_433 : vector<16xi32>
      tpu.vector_store_idx %arg9[%parallel_loop3A_328, %parallel_loop3A_331, %parallel_loop3A_434], %parallel_loop3A_431 : memref<16x8x128xf32, #tpu.memory_space<vmem>>[vector<16xi32>, vector<16xi32>, vector<16xi32>], vector<16xf32>,
      %parallel_loop3A_435 = arith.constant 16 : i32
      %parallel_loop3A_436 = vector.broadcast %parallel_loop3A_435 : i32 to vector<16xi32>
      %parallel_loop3A_437 = arith.shrui %parallel_loop3A_421, %parallel_loop3A_436 : vector<16xi32>
      %parallel_loop3A_438 = arith.constant 8 : i32
      %parallel_loop3A_439 = vector.broadcast %parallel_loop3A_438 : i32 to vector<16xi32>
      %parallel_loop3A_440 = arith.shrui %parallel_loop3A_437, %parallel_loop3A_439 : vector<16xi32>
      %parallel_loop3A_441 = arith.constant 255 : i32
      %parallel_loop3A_442 = vector.broadcast %parallel_loop3A_441 : i32 to vector<16xi32>
      %parallel_loop3A_443 = arith.andi %parallel_loop3A_437, %parallel_loop3A_442 : vector<16xi32>
      %parallel_loop3A_444 = tpu.vector_load_idx %arg7[%parallel_loop3A_440, %parallel_loop3A_443] : memref<192x192xf32, #tpu.memory_space<vmem>>[vector<16xi32>, vector<16xi32>], vector<16xf32>,
      %parallel_loop3A_445 = arith.constant 112 : i32
      %parallel_loop3A_446 = vector.broadcast %parallel_loop3A_445 : i32 to vector<16xi32>
      %parallel_loop3A_447 = arith.addi %iota3A, %parallel_loop3A_446 : vector<16xi32>
      tpu.vector_store_idx %arg9[%parallel_loop3A_328, %parallel_loop3A_331, %parallel_loop3A_447], %parallel_loop3A_444 : memref<16x8x128xf32, #tpu.memory_space<vmem>>[vector<16xi32>, vector<16xi32>, vector<16xi32>], vector<16xf32>,
    } {sc.loop_unroll_factor = 2 : i64, sc.parallel_access}
    %add3A_192 = arith.constant 1 : i32
    %add3A_193 = arith.addi %mul3A_132, %add3A_192 : i32
    %mul3A_194 = arith.constant 64 : i32
    %mul3A_195 = arith.muli %add3A_193, %mul3A_194 : i32
    %mul3A_196 = arith.constant 16 : i32
    %mul3A_197 = arith.muli %div3A_124, %mul3A_196 : i32
    %add3A_198 = arith.addi %mul3A_195, %mul3A_197 : i32
    %mul3A_199 = arith.constant 8 : i32
    %mul3A_200 = arith.muli %rem3A_126, %mul3A_199 : i32
    %multiple_of3A_201 = tpu.assume_multiple %mul3A_200, 8 : i32
    %dma_start3A_202 = arith.constant 0 : i32
    %dma_start3A_203 = tpu.memref_slice %arg4[%add3A_198, %multiple_of3A_201, %dma_start3A_202] : memref<24576x32x128xf32, #tpu.memory_space<hbm>> -> memref<16x8x128xf32, #tpu.memory_space<hbm>>
    %dma_start3A_204 = arith.constant 0 : i32
    %dma_start3A_205 = tpu.memref_slice %arg4[%add3A_198, %multiple_of3A_201, %dma_start3A_204] : memref<24576x32x128xf32, #tpu.memory_space<hbm>> -> memref<16x8x128xf32, #tpu.memory_space<hbm>>
    tpu.enqueue_dma source(%arg9 : memref<16x8x128xf32, #tpu.memory_space<vmem>>) target(%dma_start3A_205 : memref<16x8x128xf32, #tpu.memory_space<hbm>>) target_semaphore(%arg13 : memref<!tpu.dma_semaphore, #tpu.memory_space<semaphore_mem>>)
    %add3A_206 = arith.constant 3 : i32
    %add3A_207 = arith.addi %mul3A_132, %add3A_206 : i32
    %mul3A_208 = arith.constant 512 : i32
    %mul3A_209 = arith.muli %add3A_207, %mul3A_208 : i32
    %multiple_of3A_210 = tpu.assume_multiple %mul3A_209, 512 : i32
    %add3A_211 = arith.addi %multiple_of3A_210, %multiple_of3A : i32
    %dma_start3A_212 = tpu.memref_slice %arg2[%add3A_211, %multiple_of3A_122] : memref<196608x512xf32, #tpu.memory_space<hbm>> -> memref<192x192xf32, #tpu.memory_space<hbm>>
    %dma_start3A_213 = tpu.memref_slice %arg2[%add3A_211, %multiple_of3A_122] : memref<196608x512xf32, #tpu.memory_space<hbm>> -> memref<192x192xf32, #tpu.memory_space<hbm>>
    tpu.enqueue_dma source(%dma_start3A_213 : memref<192x192xf32, #tpu.memory_space<hbm>>) target(%arg7 : memref<192x192xf32, #tpu.memory_space<vmem>>) target_semaphore(%arg11 : memref<!tpu.dma_semaphore, #tpu.memory_space<semaphore_mem>>)
    %scan3A = arith.constant 0 : i32
    %scan3A_214 = arith.constant 1 : i32
    %scan3A_215 = arith.constant 94 : i32
    %scan3A_216 = arith.addi %scan3A_214, %scan3A_215 : i32
    %scan3A_217 = arith.constant 1 : i32
    scf.for %scan3A_325 = %scan3A_214 to %scan3A_216 step %scan3A_217  : i32 {
      %mul3A_326 = arith.constant 2 : i32
      %mul3A_327 = arith.muli %mul3A_326, %scan3A_325 : i32
      %add3A_328 = arith.addi %mul3A_132, %mul3A_327 : i32
      %mul3A_329 = arith.constant 512 : i32
      %mul3A_330 = arith.muli %add3A_328, %mul3A_329 : i32
      %multiple_of3A_331 = tpu.assume_multiple %mul3A_330, 512 : i32
      %add3A_332 = arith.addi %multiple_of3A_331, %multiple_of3A : i32
      %dma_wait3A_333 = tpu.memref_slice %arg2[%add3A_332, %multiple_of3A_122] : memref<196608x512xf32, #tpu.memory_space<hbm>> -> memref<192x192xf32, #tpu.memory_space<hbm>>
      %dma_wait3A_334 = tpu.memref_slice %arg2[%add3A_332, %multiple_of3A_122] : memref<196608x512xf32, #tpu.memory_space<hbm>> -> memref<192x192xf32, #tpu.memory_space<hbm>>
      tpu.wait_dma2 semaphore(%arg10 : memref<!tpu.dma_semaphore, #tpu.memory_space<semaphore_mem>>) src(%dma_wait3A_334 : memref<192x192xf32, #tpu.memory_space<hbm>>) dst(%arg6 : memref<192x192xf32, #tpu.memory_space<vmem>>)
      %add3A_335 = arith.addi %mul3A_132, %mul3A_327 : i32
      %mul3A_336 = arith.constant 64 : i32
      %mul3A_337 = arith.muli %add3A_335, %mul3A_336 : i32
      %mul3A_338 = arith.constant 16 : i32
      %mul3A_339 = arith.muli %div3A_124, %mul3A_338 : i32
      %add3A_340 = arith.addi %mul3A_337, %mul3A_339 : i32
      %mul3A_341 = arith.constant 8 : i32
      %mul3A_342 = arith.muli %rem3A_126, %mul3A_341 : i32
      %multiple_of3A_343 = tpu.assume_multiple %mul3A_342, 8 : i32
      %dma_wait3A_344 = arith.constant 0 : i32
      %dma_wait3A_345 = tpu.memref_slice %arg4[%add3A_340, %multiple_of3A_343, %dma_wait3A_344] : memref<24576x32x128xf32, #tpu.memory_space<hbm>> -> memref<16x8x128xf32, #tpu.memory_space<hbm>>
      %dma_wait3A_346 = arith.constant 0 : i32
      %dma_wait3A_347 = tpu.memref_slice %arg4[%add3A_340, %multiple_of3A_343, %dma_wait3A_346] : memref<24576x32x128xf32, #tpu.memory_space<hbm>> -> memref<16x8x128xf32, #tpu.memory_space<hbm>>
      tpu.wait_dma2 semaphore(%arg12 : memref<!tpu.dma_semaphore, #tpu.memory_space<semaphore_mem>>) src(%arg8 : memref<16x8x128xf32, #tpu.memory_space<vmem>>) dst(%dma_wait3A_347 : memref<16x8x128xf32, #tpu.memory_space<hbm>>)
      %parallel_loop3A_348 = arith.constant 0 : i32
      %parallel_loop3A_349 = arith.constant 128 : i32
      %parallel_loop3A_350 = arith.constant 1 : i32
      scf.for %parallel_loop3A_424 = %parallel_loop3A_348 to %parallel_loop3A_349 step %parallel_loop3A_350  : i32 {
        %parallel_loop3A_425 = arith.constant 3 : i32
        %parallel_loop3A_426 = arith.shrui %parallel_loop3A_424, %parallel_loop3A_425 : i32
        %parallel_loop3A_427 = vector.broadcast %parallel_loop3A_426 : i32 to vector<16xi32>
        %parallel_loop3A_428 = arith.constant 7 : i32
        %parallel_loop3A_429 = arith.andi %parallel_loop3A_424, %parallel_loop3A_428 : i32
        %parallel_loop3A_430 = vector.broadcast %parallel_loop3A_429 : i32 to vector<16xi32>
        %parallel_loop3A_431 = arith.index_cast %parallel_loop3A_424 : i32 to index
        %parallel_loop3A_432 = arith.constant 0 : index
        %parallel_loop3A_433 = tpu.vector_load %arg5[%parallel_loop3A_431, %parallel_loop3A_432] {strides = array<i32>} : memref<128x64xi32, #tpu.memory_space<vmem>>, vector<16xi32>,
        %parallel_loop3A_434 = arith.constant 65535 : i32
        %parallel_loop3A_435 = vector.broadcast %parallel_loop3A_434 : i32 to vector<16xi32>
        %parallel_loop3A_436 = arith.andi %parallel_loop3A_433, %parallel_loop3A_435 : vector<16xi32>
        %parallel_loop3A_437 = arith.constant 8 : i32
        %parallel_loop3A_438 = vector.broadcast %parallel_loop3A_437 : i32 to vector<16xi32>
        %parallel_loop3A_439 = arith.shrui %parallel_loop3A_436, %parallel_loop3A_438 : vector<16xi32>
        %parallel_loop3A_440 = arith.constant 255 : i32
        %parallel_loop3A_441 = vector.broadcast %parallel_loop3A_440 : i32 to vector<16xi32>
        %parallel_loop3A_442 = arith.andi %parallel_loop3A_436, %parallel_loop3A_441 : vector<16xi32>
        %parallel_loop3A_443 = tpu.vector_load_idx %arg6[%parallel_loop3A_439, %parallel_loop3A_442] : memref<192x192xf32, #tpu.memory_space<vmem>>[vector<16xi32>, vector<16xi32>], vector<16xf32>,
        %parallel_loop3A_444 = arith.constant 0 : i32
        %parallel_loop3A_445 = vector.broadcast %parallel_loop3A_444 : i32 to vector<16xi32>
        %parallel_loop3A_446 = arith.addi %iota3A, %parallel_loop3A_445 : vector<16xi32>
        tpu.vector_store_idx %arg8[%parallel_loop3A_427, %parallel_loop3A_430, %parallel_loop3A_446], %parallel_loop3A_443 : memref<16x8x128xf32, #tpu.memory_space<vmem>>[vector<16xi32>, vector<16xi32>, vector<16xi32>], vector<16xf32>,
        %parallel_loop3A_447 = arith.constant 16 : i32
        %parallel_loop3A_448 = vector.broadcast %parallel_loop3A_447 : i32 to vector<16xi32>
        %parallel_loop3A_449 = arith.shrui %parallel_loop3A_433, %parallel_loop3A_448 : vector<16xi32>
        %parallel_loop3A_450 = arith.constant 8 : i32
        %parallel_loop3A_451 = vector.broadcast %parallel_loop3A_450 : i32 to vector<16xi32>
        %parallel_loop3A_452 = arith.shrui %parallel_loop3A_449, %parallel_loop3A_451 : vector<16xi32>
        %parallel_loop3A_453 = arith.constant 255 : i32
        %parallel_loop3A_454 = vector.broadcast %parallel_loop3A_453 : i32 to vector<16xi32>
        %parallel_loop3A_455 = arith.andi %parallel_loop3A_449, %parallel_loop3A_454 : vector<16xi32>
        %parallel_loop3A_456 = tpu.vector_load_idx %arg6[%parallel_loop3A_452, %parallel_loop3A_455] : memref<192x192xf32, #tpu.memory_space<vmem>>[vector<16xi32>, vector<16xi32>], vector<16xf32>,
        %parallel_loop3A_457 = arith.constant 16 : i32
        %parallel_loop3A_458 = vector.broadcast %parallel_loop3A_457 : i32 to vector<16xi32>
        %parallel_loop3A_459 = arith.addi %iota3A, %parallel_loop3A_458 : vector<16xi32>
        tpu.vector_store_idx %arg8[%parallel_loop3A_427, %parallel_loop3A_430, %parallel_loop3A_459], %parallel_loop3A_456 : memref<16x8x128xf32, #tpu.memory_space<vmem>>[vector<16xi32>, vector<16xi32>, vector<16xi32>], vector<16xf32>,
        %parallel_loop3A_460 = arith.index_cast %parallel_loop3A_424 : i32 to index
        %parallel_loop3A_461 = arith.constant 16 : index
        %parallel_loop3A_462 = tpu.vector_load %arg5[%parallel_loop3A_460, %parallel_loop3A_461] {strides = array<i32>} : memref<128x64xi32, #tpu.memory_space<vmem>>, vector<16xi32>,
        %parallel_loop3A_463 = arith.constant 65535 : i32
        %parallel_loop3A_464 = vector.broadcast %parallel_loop3A_463 : i32 to vector<16xi32>
        %parallel_loop3A_465 = arith.andi %parallel_loop3A_462, %parallel_loop3A_464 : vector<16xi32>
        %parallel_loop3A_466 = arith.constant 8 : i32
        %parallel_loop3A_467 = vector.broadcast %parallel_loop3A_466 : i32 to vector<16xi32>
        %parallel_loop3A_468 = arith.shrui %parallel_loop3A_465, %parallel_loop3A_467 : vector<16xi32>
        %parallel_loop3A_469 = arith.constant 255 : i32
        %parallel_loop3A_470 = vector.broadcast %parallel_loop3A_469 : i32 to vector<16xi32>
        %parallel_loop3A_471 = arith.andi %parallel_loop3A_465, %parallel_loop3A_470 : vector<16xi32>
        %parallel_loop3A_472 = tpu.vector_load_idx %arg6[%parallel_loop3A_468, %parallel_loop3A_471] : memref<192x192xf32, #tpu.memory_space<vmem>>[vector<16xi32>, vector<16xi32>], vector<16xf32>,
        %parallel_loop3A_473 = arith.constant 32 : i32
        %parallel_loop3A_474 = vector.broadcast %parallel_loop3A_473 : i32 to vector<16xi32>
        %parallel_loop3A_475 = arith.addi %iota3A, %parallel_loop3A_474 : vector<16xi32>
        tpu.vector_store_idx %arg8[%parallel_loop3A_427, %parallel_loop3A_430, %parallel_loop3A_475], %parallel_loop3A_472 : memref<16x8x128xf32, #tpu.memory_space<vmem>>[vector<16xi32>, vector<16xi32>, vector<16xi32>], vector<16xf32>,
        %parallel_loop3A_476 = arith.constant 16 : i32
        %parallel_loop3A_477 = vector.broadcast %parallel_loop3A_476 : i32 to vector<16xi32>
        %parallel_loop3A_478 = arith.shrui %parallel_loop3A_462, %parallel_loop3A_477 : vector<16xi32>
        %parallel_loop3A_479 = arith.constant 8 : i32
        %parallel_loop3A_480 = vector.broadcast %parallel_loop3A_479 : i32 to vector<16xi32>
        %parallel_loop3A_481 = arith.shrui %parallel_loop3A_478, %parallel_loop3A_480 : vector<16xi32>
        %parallel_loop3A_482 = arith.constant 255 : i32
        %parallel_loop3A_483 = vector.broadcast %parallel_loop3A_482 : i32 to vector<16xi32>
        %parallel_loop3A_484 = arith.andi %parallel_loop3A_478, %parallel_loop3A_483 : vector<16xi32>
        %parallel_loop3A_485 = tpu.vector_load_idx %arg6[%parallel_loop3A_481, %parallel_loop3A_484] : memref<192x192xf32, #tpu.memory_space<vmem>>[vector<16xi32>, vector<16xi32>], vector<16xf32>,
        %parallel_loop3A_486 = arith.constant 48 : i32
        %parallel_loop3A_487 = vector.broadcast %parallel_loop3A_486 : i32 to vector<16xi32>
        %parallel_loop3A_488 = arith.addi %iota3A, %parallel_loop3A_487 : vector<16xi32>
        tpu.vector_store_idx %arg8[%parallel_loop3A_427, %parallel_loop3A_430, %parallel_loop3A_488], %parallel_loop3A_485 : memref<16x8x128xf32, #tpu.memory_space<vmem>>[vector<16xi32>, vector<16xi32>, vector<16xi32>], vector<16xf32>,
        %parallel_loop3A_489 = arith.index_cast %parallel_loop3A_424 : i32 to index
        %parallel_loop3A_490 = arith.constant 32 : index
        %parallel_loop3A_491 = tpu.vector_load %arg5[%parallel_loop3A_489, %parallel_loop3A_490] {strides = array<i32>} : memref<128x64xi32, #tpu.memory_space<vmem>>, vector<16xi32>,
        %parallel_loop3A_492 = arith.constant 65535 : i32
        %parallel_loop3A_493 = vector.broadcast %parallel_loop3A_492 : i32 to vector<16xi32>
        %parallel_loop3A_494 = arith.andi %parallel_loop3A_491, %parallel_loop3A_493 : vector<16xi32>
        %parallel_loop3A_495 = arith.constant 8 : i32
        %parallel_loop3A_496 = vector.broadcast %parallel_loop3A_495 : i32 to vector<16xi32>
        %parallel_loop3A_497 = arith.shrui %parallel_loop3A_494, %parallel_loop3A_496 : vector<16xi32>
        %parallel_loop3A_498 = arith.constant 255 : i32
        %parallel_loop3A_499 = vector.broadcast %parallel_loop3A_498 : i32 to vector<16xi32>
        %parallel_loop3A_500 = arith.andi %parallel_loop3A_494, %parallel_loop3A_499 : vector<16xi32>
        %parallel_loop3A_501 = tpu.vector_load_idx %arg6[%parallel_loop3A_497, %parallel_loop3A_500] : memref<192x192xf32, #tpu.memory_space<vmem>>[vector<16xi32>, vector<16xi32>], vector<16xf32>,
        %parallel_loop3A_502 = arith.constant 64 : i32
        %parallel_loop3A_503 = vector.broadcast %parallel_loop3A_502 : i32 to vector<16xi32>
        %parallel_loop3A_504 = arith.addi %iota3A, %parallel_loop3A_503 : vector<16xi32>
        tpu.vector_store_idx %arg8[%parallel_loop3A_427, %parallel_loop3A_430, %parallel_loop3A_504], %parallel_loop3A_501 : memref<16x8x128xf32, #tpu.memory_space<vmem>>[vector<16xi32>, vector<16xi32>, vector<16xi32>], vector<16xf32>,
        %parallel_loop3A_505 = arith.constant 16 : i32
        %parallel_loop3A_506 = vector.broadcast %parallel_loop3A_505 : i32 to vector<16xi32>
        %parallel_loop3A_507 = arith.shrui %parallel_loop3A_491, %parallel_loop3A_506 : vector<16xi32>
        %parallel_loop3A_508 = arith.constant 8 : i32
        %parallel_loop3A_509 = vector.broadcast %parallel_loop3A_508 : i32 to vector<16xi32>
        %parallel_loop3A_510 = arith.shrui %parallel_loop3A_507, %parallel_loop3A_509 : vector<16xi32>
        %parallel_loop3A_511 = arith.constant 255 : i32
        %parallel_loop3A_512 = vector.broadcast %parallel_loop3A_511 : i32 to vector<16xi32>
        %parallel_loop3A_513 = arith.andi %parallel_loop3A_507, %parallel_loop3A_512 : vector<16xi32>
        %parallel_loop3A_514 = tpu.vector_load_idx %arg6[%parallel_loop3A_510, %parallel_loop3A_513] : memref<192x192xf32, #tpu.memory_space<vmem>>[vector<16xi32>, vector<16xi32>], vector<16xf32>,
        %parallel_loop3A_515 = arith.constant 80 : i32
        %parallel_loop3A_516 = vector.broadcast %parallel_loop3A_515 : i32 to vector<16xi32>
        %parallel_loop3A_517 = arith.addi %iota3A, %parallel_loop3A_516 : vector<16xi32>
        tpu.vector_store_idx %arg8[%parallel_loop3A_427, %parallel_loop3A_430, %parallel_loop3A_517], %parallel_loop3A_514 : memref<16x8x128xf32, #tpu.memory_space<vmem>>[vector<16xi32>, vector<16xi32>, vector<16xi32>], vector<16xf32>,
        %parallel_loop3A_518 = arith.index_cast %parallel_loop3A_424 : i32 to index
        %parallel_loop3A_519 = arith.constant 48 : index
        %parallel_loop3A_520 = tpu.vector_load %arg5[%parallel_loop3A_518, %parallel_loop3A_519] {strides = array<i32>} : memref<128x64xi32, #tpu.memory_space<vmem>>, vector<16xi32>,
        %parallel_loop3A_521 = arith.constant 65535 : i32
        %parallel_loop3A_522 = vector.broadcast %parallel_loop3A_521 : i32 to vector<16xi32>
        %parallel_loop3A_523 = arith.andi %parallel_loop3A_520, %parallel_loop3A_522 : vector<16xi32>
        %parallel_loop3A_524 = arith.constant 8 : i32
        %parallel_loop3A_525 = vector.broadcast %parallel_loop3A_524 : i32 to vector<16xi32>
        %parallel_loop3A_526 = arith.shrui %parallel_loop3A_523, %parallel_loop3A_525 : vector<16xi32>
        %parallel_loop3A_527 = arith.constant 255 : i32
        %parallel_loop3A_528 = vector.broadcast %parallel_loop3A_527 : i32 to vector<16xi32>
        %parallel_loop3A_529 = arith.andi %parallel_loop3A_523, %parallel_loop3A_528 : vector<16xi32>
        %parallel_loop3A_530 = tpu.vector_load_idx %arg6[%parallel_loop3A_526, %parallel_loop3A_529] : memref<192x192xf32, #tpu.memory_space<vmem>>[vector<16xi32>, vector<16xi32>], vector<16xf32>,
        %parallel_loop3A_531 = arith.constant 96 : i32
        %parallel_loop3A_532 = vector.broadcast %parallel_loop3A_531 : i32 to vector<16xi32>
        %parallel_loop3A_533 = arith.addi %iota3A, %parallel_loop3A_532 : vector<16xi32>
        tpu.vector_store_idx %arg8[%parallel_loop3A_427, %parallel_loop3A_430, %parallel_loop3A_533], %parallel_loop3A_530 : memref<16x8x128xf32, #tpu.memory_space<vmem>>[vector<16xi32>, vector<16xi32>, vector<16xi32>], vector<16xf32>,
        %parallel_loop3A_534 = arith.constant 16 : i32
        %parallel_loop3A_535 = vector.broadcast %parallel_loop3A_534 : i32 to vector<16xi32>
        %parallel_loop3A_536 = arith.shrui %parallel_loop3A_520, %parallel_loop3A_535 : vector<16xi32>
        %parallel_loop3A_537 = arith.constant 8 : i32
        %parallel_loop3A_538 = vector.broadcast %parallel_loop3A_537 : i32 to vector<16xi32>
        %parallel_loop3A_539 = arith.shrui %parallel_loop3A_536, %parallel_loop3A_538 : vector<16xi32>
        %parallel_loop3A_540 = arith.constant 255 : i32
        %parallel_loop3A_541 = vector.broadcast %parallel_loop3A_540 : i32 to vector<16xi32>
        %parallel_loop3A_542 = arith.andi %parallel_loop3A_536, %parallel_loop3A_541 : vector<16xi32>
        %parallel_loop3A_543 = tpu.vector_load_idx %arg6[%parallel_loop3A_539, %parallel_loop3A_542] : memref<192x192xf32, #tpu.memory_space<vmem>>[vector<16xi32>, vector<16xi32>], vector<16xf32>,
        %parallel_loop3A_544 = arith.constant 112 : i32
        %parallel_loop3A_545 = vector.broadcast %parallel_loop3A_544 : i32 to vector<16xi32>
        %parallel_loop3A_546 = arith.addi %iota3A, %parallel_loop3A_545 : vector<16xi32>
        tpu.vector_store_idx %arg8[%parallel_loop3A_427, %parallel_loop3A_430, %parallel_loop3A_546], %parallel_loop3A_543 : memref<16x8x128xf32, #tpu.memory_space<vmem>>[vector<16xi32>, vector<16xi32>, vector<16xi32>], vector<16xf32>,
      } {sc.loop_unroll_factor = 2 : i64, sc.parallel_access}
      %add3A_351 = arith.addi %mul3A_132, %mul3A_327 : i32
      %mul3A_352 = arith.constant 64 : i32
      %mul3A_353 = arith.muli %add3A_351, %mul3A_352 : i32
      %mul3A_354 = arith.constant 16 : i32
      %mul3A_355 = arith.muli %div3A_124, %mul3A_354 : i32
      %add3A_356 = arith.addi %mul3A_353, %mul3A_355 : i32
      %mul3A_357 = arith.constant 8 : i32
      %mul3A_358 = arith.muli %rem3A_126, %mul3A_357 : i32
      %multiple_of3A_359 = tpu.assume_multiple %mul3A_358, 8 : i32
      %dma_start3A_360 = arith.constant 0 : i32
      %dma_start3A_361 = tpu.memref_slice %arg4[%add3A_356, %multiple_of3A_359, %dma_start3A_360] : memref<24576x32x128xf32, #tpu.memory_space<hbm>> -> memref<16x8x128xf32, #tpu.memory_space<hbm>>
      %dma_start3A_362 = arith.constant 0 : i32
      %dma_start3A_363 = tpu.memref_slice %arg4[%add3A_356, %multiple_of3A_359, %dma_start3A_362] : memref<24576x32x128xf32, #tpu.memory_space<hbm>> -> memref<16x8x128xf32, #tpu.memory_space<hbm>>
      tpu.enqueue_dma source(%arg8 : memref<16x8x128xf32, #tpu.memory_space<vmem>>) target(%dma_start3A_363 : memref<16x8x128xf32, #tpu.memory_space<hbm>>) target_semaphore(%arg12 : memref<!tpu.dma_semaphore, #tpu.memory_space<semaphore_mem>>)
      %add3A_364 = arith.constant 2 : i32
      %add3A_365 = arith.addi %mul3A_327, %add3A_364 : i32
      %add3A_366 = arith.addi %mul3A_132, %add3A_365 : i32
      %mul3A_367 = arith.constant 512 : i32
      %mul3A_368 = arith.muli %add3A_366, %mul3A_367 : i32
      %multiple_of3A_369 = tpu.assume_multiple %mul3A_368, 512 : i32
      %add3A_370 = arith.addi %multiple_of3A_369, %multiple_of3A : i32
      %dma_start3A_371 = tpu.memref_slice %arg2[%add3A_370, %multiple_of3A_122] : memref<196608x512xf32, #tpu.memory_space<hbm>> -> memref<192x192xf32, #tpu.memory_space<hbm>>
      %dma_start3A_372 = tpu.memref_slice %arg2[%add3A_370, %multiple_of3A_122] : memref<196608x512xf32, #tpu.memory_space<hbm>> -> memref<192x192xf32, #tpu.memory_space<hbm>>
      tpu.enqueue_dma source(%dma_start3A_372 : memref<192x192xf32, #tpu.memory_space<hbm>>) target(%arg6 : memref<192x192xf32, #tpu.memory_space<vmem>>) target_semaphore(%arg10 : memref<!tpu.dma_semaphore, #tpu.memory_space<semaphore_mem>>)
      %add3A_373 = arith.constant 1 : i32
      %add3A_374 = arith.addi %mul3A_327, %add3A_373 : i32
      %add3A_375 = arith.addi %mul3A_132, %add3A_374 : i32
      %mul3A_376 = arith.constant 512 : i32
      %mul3A_377 = arith.muli %add3A_375, %mul3A_376 : i32
      %multiple_of3A_378 = tpu.assume_multiple %mul3A_377, 512 : i32
      %add3A_379 = arith.addi %multiple_of3A_378, %multiple_of3A : i32
      %dma_wait3A_380 = tpu.memref_slice %arg2[%add3A_379, %multiple_of3A_122] : memref<196608x512xf32, #tpu.memory_space<hbm>> -> memref<192x192xf32, #tpu.memory_space<hbm>>
      %dma_wait3A_381 = tpu.memref_slice %arg2[%add3A_379, %multiple_of3A_122] : memref<196608x512xf32, #tpu.memory_space<hbm>> -> memref<192x192xf32, #tpu.memory_space<hbm>>
      tpu.wait_dma2 semaphore(%arg11 : memref<!tpu.dma_semaphore, #tpu.memory_space<semaphore_mem>>) src(%dma_wait3A_381 : memref<192x192xf32, #tpu.memory_space<hbm>>) dst(%arg7 : memref<192x192xf32, #tpu.memory_space<vmem>>)
      %add3A_382 = arith.constant 1 : i32
      %add3A_383 = arith.addi %mul3A_327, %add3A_382 : i32
      %add3A_384 = arith.addi %mul3A_132, %add3A_383 : i32
      %mul3A_385 = arith.constant 64 : i32
      %mul3A_386 = arith.muli %add3A_384, %mul3A_385 : i32
      %mul3A_387 = arith.constant 16 : i32
      %mul3A_388 = arith.muli %div3A_124, %mul3A_387 : i32
      %add3A_389 = arith.addi %mul3A_386, %mul3A_388 : i32
      %mul3A_390 = arith.constant 8 : i32
      %mul3A_391 = arith.muli %rem3A_126, %mul3A_390 : i32
      %multiple_of3A_392 = tpu.assume_multiple %mul3A_391, 8 : i32
      %dma_wait3A_393 = arith.constant 0 : i32
      %dma_wait3A_394 = tpu.memref_slice %arg4[%add3A_389, %multiple_of3A_392, %dma_wait3A_393] : memref<24576x32x128xf32, #tpu.memory_space<hbm>> -> memref<16x8x128xf32, #tpu.memory_space<hbm>>
      %dma_wait3A_395 = arith.constant 0 : i32
      %dma_wait3A_396 = tpu.memref_slice %arg4[%add3A_389, %multiple_of3A_392, %dma_wait3A_395] : memref<24576x32x128xf32, #tpu.memory_space<hbm>> -> memref<16x8x128xf32, #tpu.memory_space<hbm>>
      tpu.wait_dma2 semaphore(%arg13 : memref<!tpu.dma_semaphore, #tpu.memory_space<semaphore_mem>>) src(%arg9 : memref<16x8x128xf32, #tpu.memory_space<vmem>>) dst(%dma_wait3A_396 : memref<16x8x128xf32, #tpu.memory_space<hbm>>)
      %parallel_loop3A_397 = arith.constant 0 : i32
      %parallel_loop3A_398 = arith.constant 128 : i32
      %parallel_loop3A_399 = arith.constant 1 : i32
      scf.for %parallel_loop3A_424 = %parallel_loop3A_397 to %parallel_loop3A_398 step %parallel_loop3A_399  : i32 {
        %parallel_loop3A_425 = arith.constant 3 : i32
        %parallel_loop3A_426 = arith.shrui %parallel_loop3A_424, %parallel_loop3A_425 : i32
        %parallel_loop3A_427 = vector.broadcast %parallel_loop3A_426 : i32 to vector<16xi32>
        %parallel_loop3A_428 = arith.constant 7 : i32
        %parallel_loop3A_429 = arith.andi %parallel_loop3A_424, %parallel_loop3A_428 : i32
        %parallel_loop3A_430 = vector.broadcast %parallel_loop3A_429 : i32 to vector<16xi32>
        %parallel_loop3A_431 = arith.index_cast %parallel_loop3A_424 : i32 to index
        %parallel_loop3A_432 = arith.constant 0 : index
        %parallel_loop3A_433 = tpu.vector_load %arg5[%parallel_loop3A_431, %parallel_loop3A_432] {strides = array<i32>} : memref<128x64xi32, #tpu.memory_space<vmem>>, vector<16xi32>,
        %parallel_loop3A_434 = arith.constant 65535 : i32
        %parallel_loop3A_435 = vector.broadcast %parallel_loop3A_434 : i32 to vector<16xi32>
        %parallel_loop3A_436 = arith.andi %parallel_loop3A_433, %parallel_loop3A_435 : vector<16xi32>
        %parallel_loop3A_437 = arith.constant 8 : i32
        %parallel_loop3A_438 = vector.broadcast %parallel_loop3A_437 : i32 to vector<16xi32>
        %parallel_loop3A_439 = arith.shrui %parallel_loop3A_436, %parallel_loop3A_438 : vector<16xi32>
        %parallel_loop3A_440 = arith.constant 255 : i32
        %parallel_loop3A_441 = vector.broadcast %parallel_loop3A_440 : i32 to vector<16xi32>
        %parallel_loop3A_442 = arith.andi %parallel_loop3A_436, %parallel_loop3A_441 : vector<16xi32>
        %parallel_loop3A_443 = tpu.vector_load_idx %arg7[%parallel_loop3A_439, %parallel_loop3A_442] : memref<192x192xf32, #tpu.memory_space<vmem>>[vector<16xi32>, vector<16xi32>], vector<16xf32>,
        %parallel_loop3A_444 = arith.constant 0 : i32
        %parallel_loop3A_445 = vector.broadcast %parallel_loop3A_444 : i32 to vector<16xi32>
        %parallel_loop3A_446 = arith.addi %iota3A, %parallel_loop3A_445 : vector<16xi32>
        tpu.vector_store_idx %arg9[%parallel_loop3A_427, %parallel_loop3A_430, %parallel_loop3A_446], %parallel_loop3A_443 : memref<16x8x128xf32, #tpu.memory_space<vmem>>[vector<16xi32>, vector<16xi32>, vector<16xi32>], vector<16xf32>,
        %parallel_loop3A_447 = arith.constant 16 : i32
        %parallel_loop3A_448 = vector.broadcast %parallel_loop3A_447 : i32 to vector<16xi32>
        %parallel_loop3A_449 = arith.shrui %parallel_loop3A_433, %parallel_loop3A_448 : vector<16xi32>
        %parallel_loop3A_450 = arith.constant 8 : i32
        %parallel_loop3A_451 = vector.broadcast %parallel_loop3A_450 : i32 to vector<16xi32>
        %parallel_loop3A_452 = arith.shrui %parallel_loop3A_449, %parallel_loop3A_451 : vector<16xi32>
        %parallel_loop3A_453 = arith.constant 255 : i32
        %parallel_loop3A_454 = vector.broadcast %parallel_loop3A_453 : i32 to vector<16xi32>
        %parallel_loop3A_455 = arith.andi %parallel_loop3A_449, %parallel_loop3A_454 : vector<16xi32>
        %parallel_loop3A_456 = tpu.vector_load_idx %arg7[%parallel_loop3A_452, %parallel_loop3A_455] : memref<192x192xf32, #tpu.memory_space<vmem>>[vector<16xi32>, vector<16xi32>], vector<16xf32>,
        %parallel_loop3A_457 = arith.constant 16 : i32
        %parallel_loop3A_458 = vector.broadcast %parallel_loop3A_457 : i32 to vector<16xi32>
        %parallel_loop3A_459 = arith.addi %iota3A, %parallel_loop3A_458 : vector<16xi32>
        tpu.vector_store_idx %arg9[%parallel_loop3A_427, %parallel_loop3A_430, %parallel_loop3A_459], %parallel_loop3A_456 : memref<16x8x128xf32, #tpu.memory_space<vmem>>[vector<16xi32>, vector<16xi32>, vector<16xi32>], vector<16xf32>,
        %parallel_loop3A_460 = arith.index_cast %parallel_loop3A_424 : i32 to index
        %parallel_loop3A_461 = arith.constant 16 : index
        %parallel_loop3A_462 = tpu.vector_load %arg5[%parallel_loop3A_460, %parallel_loop3A_461] {strides = array<i32>} : memref<128x64xi32, #tpu.memory_space<vmem>>, vector<16xi32>,
        %parallel_loop3A_463 = arith.constant 65535 : i32
        %parallel_loop3A_464 = vector.broadcast %parallel_loop3A_463 : i32 to vector<16xi32>
        %parallel_loop3A_465 = arith.andi %parallel_loop3A_462, %parallel_loop3A_464 : vector<16xi32>
        %parallel_loop3A_466 = arith.constant 8 : i32
        %parallel_loop3A_467 = vector.broadcast %parallel_loop3A_466 : i32 to vector<16xi32>
        %parallel_loop3A_468 = arith.shrui %parallel_loop3A_465, %parallel_loop3A_467 : vector<16xi32>
        %parallel_loop3A_469 = arith.constant 255 : i32
        %parallel_loop3A_470 = vector.broadcast %parallel_loop3A_469 : i32 to vector<16xi32>
        %parallel_loop3A_471 = arith.andi %parallel_loop3A_465, %parallel_loop3A_470 : vector<16xi32>
        %parallel_loop3A_472 = tpu.vector_load_idx %arg7[%parallel_loop3A_468, %parallel_loop3A_471] : memref<192x192xf32, #tpu.memory_space<vmem>>[vector<16xi32>, vector<16xi32>], vector<16xf32>,
        %parallel_loop3A_473 = arith.constant 32 : i32
        %parallel_loop3A_474 = vector.broadcast %parallel_loop3A_473 : i32 to vector<16xi32>
        %parallel_loop3A_475 = arith.addi %iota3A, %parallel_loop3A_474 : vector<16xi32>
        tpu.vector_store_idx %arg9[%parallel_loop3A_427, %parallel_loop3A_430, %parallel_loop3A_475], %parallel_loop3A_472 : memref<16x8x128xf32, #tpu.memory_space<vmem>>[vector<16xi32>, vector<16xi32>, vector<16xi32>], vector<16xf32>,
        %parallel_loop3A_476 = arith.constant 16 : i32
        %parallel_loop3A_477 = vector.broadcast %parallel_loop3A_476 : i32 to vector<16xi32>
        %parallel_loop3A_478 = arith.shrui %parallel_loop3A_462, %parallel_loop3A_477 : vector<16xi32>
        %parallel_loop3A_479 = arith.constant 8 : i32
        %parallel_loop3A_480 = vector.broadcast %parallel_loop3A_479 : i32 to vector<16xi32>
        %parallel_loop3A_481 = arith.shrui %parallel_loop3A_478, %parallel_loop3A_480 : vector<16xi32>
        %parallel_loop3A_482 = arith.constant 255 : i32
        %parallel_loop3A_483 = vector.broadcast %parallel_loop3A_482 : i32 to vector<16xi32>
        %parallel_loop3A_484 = arith.andi %parallel_loop3A_478, %parallel_loop3A_483 : vector<16xi32>
        %parallel_loop3A_485 = tpu.vector_load_idx %arg7[%parallel_loop3A_481, %parallel_loop3A_484] : memref<192x192xf32, #tpu.memory_space<vmem>>[vector<16xi32>, vector<16xi32>], vector<16xf32>,
        %parallel_loop3A_486 = arith.constant 48 : i32
        %parallel_loop3A_487 = vector.broadcast %parallel_loop3A_486 : i32 to vector<16xi32>
        %parallel_loop3A_488 = arith.addi %iota3A, %parallel_loop3A_487 : vector<16xi32>
        tpu.vector_store_idx %arg9[%parallel_loop3A_427, %parallel_loop3A_430, %parallel_loop3A_488], %parallel_loop3A_485 : memref<16x8x128xf32, #tpu.memory_space<vmem>>[vector<16xi32>, vector<16xi32>, vector<16xi32>], vector<16xf32>,
        %parallel_loop3A_489 = arith.index_cast %parallel_loop3A_424 : i32 to index
        %parallel_loop3A_490 = arith.constant 32 : index
        %parallel_loop3A_491 = tpu.vector_load %arg5[%parallel_loop3A_489, %parallel_loop3A_490] {strides = array<i32>} : memref<128x64xi32, #tpu.memory_space<vmem>>, vector<16xi32>,
        %parallel_loop3A_492 = arith.constant 65535 : i32
        %parallel_loop3A_493 = vector.broadcast %parallel_loop3A_492 : i32 to vector<16xi32>
        %parallel_loop3A_494 = arith.andi %parallel_loop3A_491, %parallel_loop3A_493 : vector<16xi32>
        %parallel_loop3A_495 = arith.constant 8 : i32
        %parallel_loop3A_496 = vector.broadcast %parallel_loop3A_495 : i32 to vector<16xi32>
        %parallel_loop3A_497 = arith.shrui %parallel_loop3A_494, %parallel_loop3A_496 : vector<16xi32>
        %parallel_loop3A_498 = arith.constant 255 : i32
        %parallel_loop3A_499 = vector.broadcast %parallel_loop3A_498 : i32 to vector<16xi32>
        %parallel_loop3A_500 = arith.andi %parallel_loop3A_494, %parallel_loop3A_499 : vector<16xi32>
        %parallel_loop3A_501 = tpu.vector_load_idx %arg7[%parallel_loop3A_497, %parallel_loop3A_500] : memref<192x192xf32, #tpu.memory_space<vmem>>[vector<16xi32>, vector<16xi32>], vector<16xf32>,
        %parallel_loop3A_502 = arith.constant 64 : i32
        %parallel_loop3A_503 = vector.broadcast %parallel_loop3A_502 : i32 to vector<16xi32>
        %parallel_loop3A_504 = arith.addi %iota3A, %parallel_loop3A_503 : vector<16xi32>
        tpu.vector_store_idx %arg9[%parallel_loop3A_427, %parallel_loop3A_430, %parallel_loop3A_504], %parallel_loop3A_501 : memref<16x8x128xf32, #tpu.memory_space<vmem>>[vector<16xi32>, vector<16xi32>, vector<16xi32>], vector<16xf32>,
        %parallel_loop3A_505 = arith.constant 16 : i32
        %parallel_loop3A_506 = vector.broadcast %parallel_loop3A_505 : i32 to vector<16xi32>
        %parallel_loop3A_507 = arith.shrui %parallel_loop3A_491, %parallel_loop3A_506 : vector<16xi32>
        %parallel_loop3A_508 = arith.constant 8 : i32
        %parallel_loop3A_509 = vector.broadcast %parallel_loop3A_508 : i32 to vector<16xi32>
        %parallel_loop3A_510 = arith.shrui %parallel_loop3A_507, %parallel_loop3A_509 : vector<16xi32>
        %parallel_loop3A_511 = arith.constant 255 : i32
        %parallel_loop3A_512 = vector.broadcast %parallel_loop3A_511 : i32 to vector<16xi32>
        %parallel_loop3A_513 = arith.andi %parallel_loop3A_507, %parallel_loop3A_512 : vector<16xi32>
        %parallel_loop3A_514 = tpu.vector_load_idx %arg7[%parallel_loop3A_510, %parallel_loop3A_513] : memref<192x192xf32, #tpu.memory_space<vmem>>[vector<16xi32>, vector<16xi32>], vector<16xf32>,
        %parallel_loop3A_515 = arith.constant 80 : i32
        %parallel_loop3A_516 = vector.broadcast %parallel_loop3A_515 : i32 to vector<16xi32>
        %parallel_loop3A_517 = arith.addi %iota3A, %parallel_loop3A_516 : vector<16xi32>
        tpu.vector_store_idx %arg9[%parallel_loop3A_427, %parallel_loop3A_430, %parallel_loop3A_517], %parallel_loop3A_514 : memref<16x8x128xf32, #tpu.memory_space<vmem>>[vector<16xi32>, vector<16xi32>, vector<16xi32>], vector<16xf32>,
        %parallel_loop3A_518 = arith.index_cast %parallel_loop3A_424 : i32 to index
        %parallel_loop3A_519 = arith.constant 48 : index
        %parallel_loop3A_520 = tpu.vector_load %arg5[%parallel_loop3A_518, %parallel_loop3A_519] {strides = array<i32>} : memref<128x64xi32, #tpu.memory_space<vmem>>, vector<16xi32>,
        %parallel_loop3A_521 = arith.constant 65535 : i32
        %parallel_loop3A_522 = vector.broadcast %parallel_loop3A_521 : i32 to vector<16xi32>
        %parallel_loop3A_523 = arith.andi %parallel_loop3A_520, %parallel_loop3A_522 : vector<16xi32>
        %parallel_loop3A_524 = arith.constant 8 : i32
        %parallel_loop3A_525 = vector.broadcast %parallel_loop3A_524 : i32 to vector<16xi32>
        %parallel_loop3A_526 = arith.shrui %parallel_loop3A_523, %parallel_loop3A_525 : vector<16xi32>
        %parallel_loop3A_527 = arith.constant 255 : i32
        %parallel_loop3A_528 = vector.broadcast %parallel_loop3A_527 : i32 to vector<16xi32>
        %parallel_loop3A_529 = arith.andi %parallel_loop3A_523, %parallel_loop3A_528 : vector<16xi32>
        %parallel_loop3A_530 = tpu.vector_load_idx %arg7[%parallel_loop3A_526, %parallel_loop3A_529] : memref<192x192xf32, #tpu.memory_space<vmem>>[vector<16xi32>, vector<16xi32>], vector<16xf32>,
        %parallel_loop3A_531 = arith.constant 96 : i32
        %parallel_loop3A_532 = vector.broadcast %parallel_loop3A_531 : i32 to vector<16xi32>
        %parallel_loop3A_533 = arith.addi %iota3A, %parallel_loop3A_532 : vector<16xi32>
        tpu.vector_store_idx %arg9[%parallel_loop3A_427, %parallel_loop3A_430, %parallel_loop3A_533], %parallel_loop3A_530 : memref<16x8x128xf32, #tpu.memory_space<vmem>>[vector<16xi32>, vector<16xi32>, vector<16xi32>], vector<16xf32>,
        %parallel_loop3A_534 = arith.constant 16 : i32
        %parallel_loop3A_535 = vector.broadcast %parallel_loop3A_534 : i32 to vector<16xi32>
        %parallel_loop3A_536 = arith.shrui %parallel_loop3A_520, %parallel_loop3A_535 : vector<16xi32>
        %parallel_loop3A_537 = arith.constant 8 : i32
        %parallel_loop3A_538 = vector.broadcast %parallel_loop3A_537 : i32 to vector<16xi32>
        %parallel_loop3A_539 = arith.shrui %parallel_loop3A_536, %parallel_loop3A_538 : vector<16xi32>
        %parallel_loop3A_540 = arith.constant 255 : i32
        %parallel_loop3A_541 = vector.broadcast %parallel_loop3A_540 : i32 to vector<16xi32>
        %parallel_loop3A_542 = arith.andi %parallel_loop3A_536, %parallel_loop3A_541 : vector<16xi32>
        %parallel_loop3A_543 = tpu.vector_load_idx %arg7[%parallel_loop3A_539, %parallel_loop3A_542] : memref<192x192xf32, #tpu.memory_space<vmem>>[vector<16xi32>, vector<16xi32>], vector<16xf32>,
        %parallel_loop3A_544 = arith.constant 112 : i32
        %parallel_loop3A_545 = vector.broadcast %parallel_loop3A_544 : i32 to vector<16xi32>
        %parallel_loop3A_546 = arith.addi %iota3A, %parallel_loop3A_545 : vector<16xi32>
        tpu.vector_store_idx %arg9[%parallel_loop3A_427, %parallel_loop3A_430, %parallel_loop3A_546], %parallel_loop3A_543 : memref<16x8x128xf32, #tpu.memory_space<vmem>>[vector<16xi32>, vector<16xi32>, vector<16xi32>], vector<16xf32>,
      } {sc.loop_unroll_factor = 2 : i64, sc.parallel_access}
      %add3A_400 = arith.constant 1 : i32
      %add3A_401 = arith.addi %mul3A_327, %add3A_400 : i32
      %add3A_402 = arith.addi %mul3A_132, %add3A_401 : i32
      %mul3A_403 = arith.constant 64 : i32
      %mul3A_404 = arith.muli %add3A_402, %mul3A_403 : i32
      %mul3A_405 = arith.constant 16 : i32
      %mul3A_406 = arith.muli %div3A_124, %mul3A_405 : i32
      %add3A_407 = arith.addi %mul3A_404, %mul3A_406 : i32
      %mul3A_408 = arith.constant 8 : i32
      %mul3A_409 = arith.muli %rem3A_126, %mul3A_408 : i32
      %multiple_of3A_410 = tpu.assume_multiple %mul3A_409, 8 : i32
      %dma_start3A_411 = arith.constant 0 : i32
      %dma_start3A_412 = tpu.memref_slice %arg4[%add3A_407, %multiple_of3A_410, %dma_start3A_411] : memref<24576x32x128xf32, #tpu.memory_space<hbm>> -> memref<16x8x128xf32, #tpu.memory_space<hbm>>
      %dma_start3A_413 = arith.constant 0 : i32
      %dma_start3A_414 = tpu.memref_slice %arg4[%add3A_407, %multiple_of3A_410, %dma_start3A_413] : memref<24576x32x128xf32, #tpu.memory_space<hbm>> -> memref<16x8x128xf32, #tpu.memory_space<hbm>>
      tpu.enqueue_dma source(%arg9 : memref<16x8x128xf32, #tpu.memory_space<vmem>>) target(%dma_start3A_414 : memref<16x8x128xf32, #tpu.memory_space<hbm>>) target_semaphore(%arg13 : memref<!tpu.dma_semaphore, #tpu.memory_space<semaphore_mem>>)
      %add3A_415 = arith.constant 3 : i32
      %add3A_416 = arith.addi %mul3A_327, %add3A_415 : i32
      %add3A_417 = arith.addi %mul3A_132, %add3A_416 : i32
      %mul3A_418 = arith.constant 512 : i32
      %mul3A_419 = arith.muli %add3A_417, %mul3A_418 : i32
      %multiple_of3A_420 = tpu.assume_multiple %mul3A_419, 512 : i32
      %add3A_421 = arith.addi %multiple_of3A_420, %multiple_of3A : i32
      %dma_start3A_422 = tpu.memref_slice %arg2[%add3A_421, %multiple_of3A_122] : memref<196608x512xf32, #tpu.memory_space<hbm>> -> memref<192x192xf32, #tpu.memory_space<hbm>>
      %dma_start3A_423 = tpu.memref_slice %arg2[%add3A_421, %multiple_of3A_122] : memref<196608x512xf32, #tpu.memory_space<hbm>> -> memref<192x192xf32, #tpu.memory_space<hbm>>
      tpu.enqueue_dma source(%dma_start3A_423 : memref<192x192xf32, #tpu.memory_space<hbm>>) target(%arg7 : memref<192x192xf32, #tpu.memory_space<vmem>>) target_semaphore(%arg11 : memref<!tpu.dma_semaphore, #tpu.memory_space<semaphore_mem>>)
    }
    %scan3A_218 = arith.constant 94 : i32
    %add3A_219 = arith.constant 190 : i32
    %add3A_220 = arith.addi %mul3A_132, %add3A_219 : i32
    %mul3A_221 = arith.constant 512 : i32
    %mul3A_222 = arith.muli %add3A_220, %mul3A_221 : i32
    %multiple_of3A_223 = tpu.assume_multiple %mul3A_222, 512 : i32
    %add3A_224 = arith.addi %multiple_of3A_223, %multiple_of3A : i32
    %dma_wait3A_225 = tpu.memref_slice %arg2[%add3A_224, %multiple_of3A_122] : memref<196608x512xf32, #tpu.memory_space<hbm>> -> memref<192x192xf32, #tpu.memory_space<hbm>>
    %dma_wait3A_226 = tpu.memref_slice %arg2[%add3A_224, %multiple_of3A_122] : memref<196608x512xf32, #tpu.memory_space<hbm>> -> memref<192x192xf32, #tpu.memory_space<hbm>>
    tpu.wait_dma2 semaphore(%arg10 : memref<!tpu.dma_semaphore, #tpu.memory_space<semaphore_mem>>) src(%dma_wait3A_226 : memref<192x192xf32, #tpu.memory_space<hbm>>) dst(%arg6 : memref<192x192xf32, #tpu.memory_space<vmem>>)
    %add3A_227 = arith.constant 190 : i32
    %add3A_228 = arith.addi %mul3A_132, %add3A_227 : i32
    %mul3A_229 = arith.constant 64 : i32
    %mul3A_230 = arith.muli %add3A_228, %mul3A_229 : i32
    %mul3A_231 = arith.constant 16 : i32
    %mul3A_232 = arith.muli %div3A_124, %mul3A_231 : i32
    %add3A_233 = arith.addi %mul3A_230, %mul3A_232 : i32
    %mul3A_234 = arith.constant 8 : i32
    %mul3A_235 = arith.muli %rem3A_126, %mul3A_234 : i32
    %multiple_of3A_236 = tpu.assume_multiple %mul3A_235, 8 : i32
    %dma_wait3A_237 = arith.constant 0 : i32
    %dma_wait3A_238 = tpu.memref_slice %arg4[%add3A_233, %multiple_of3A_236, %dma_wait3A_237] : memref<24576x32x128xf32, #tpu.memory_space<hbm>> -> memref<16x8x128xf32, #tpu.memory_space<hbm>>
    %dma_wait3A_239 = arith.constant 0 : i32
    %dma_wait3A_240 = tpu.memref_slice %arg4[%add3A_233, %multiple_of3A_236, %dma_wait3A_239] : memref<24576x32x128xf32, #tpu.memory_space<hbm>> -> memref<16x8x128xf32, #tpu.memory_space<hbm>>
    tpu.wait_dma2 semaphore(%arg12 : memref<!tpu.dma_semaphore, #tpu.memory_space<semaphore_mem>>) src(%arg8 : memref<16x8x128xf32, #tpu.memory_space<vmem>>) dst(%dma_wait3A_240 : memref<16x8x128xf32, #tpu.memory_space<hbm>>)
    %parallel_loop3A_241 = arith.constant 0 : i32
    %parallel_loop3A_242 = arith.constant 128 : i32
    %parallel_loop3A_243 = arith.constant 1 : i32
    scf.for %parallel_loop3A_325 = %parallel_loop3A_241 to %parallel_loop3A_242 step %parallel_loop3A_243  : i32 {
      %parallel_loop3A_326 = arith.constant 3 : i32
      %parallel_loop3A_327 = arith.shrui %parallel_loop3A_325, %parallel_loop3A_326 : i32
      %parallel_loop3A_328 = vector.broadcast %parallel_loop3A_327 : i32 to vector<16xi32>
      %parallel_loop3A_329 = arith.constant 7 : i32
      %parallel_loop3A_330 = arith.andi %parallel_loop3A_325, %parallel_loop3A_329 : i32
      %parallel_loop3A_331 = vector.broadcast %parallel_loop3A_330 : i32 to vector<16xi32>
      %parallel_loop3A_332 = arith.index_cast %parallel_loop3A_325 : i32 to index
      %parallel_loop3A_333 = arith.constant 0 : index
      %parallel_loop3A_334 = tpu.vector_load %arg5[%parallel_loop3A_332, %parallel_loop3A_333] {strides = array<i32>} : memref<128x64xi32, #tpu.memory_space<vmem>>, vector<16xi32>,
      %parallel_loop3A_335 = arith.constant 65535 : i32
      %parallel_loop3A_336 = vector.broadcast %parallel_loop3A_335 : i32 to vector<16xi32>
      %parallel_loop3A_337 = arith.andi %parallel_loop3A_334, %parallel_loop3A_336 : vector<16xi32>
      %parallel_loop3A_338 = arith.constant 8 : i32
      %parallel_loop3A_339 = vector.broadcast %parallel_loop3A_338 : i32 to vector<16xi32>
      %parallel_loop3A_340 = arith.shrui %parallel_loop3A_337, %parallel_loop3A_339 : vector<16xi32>
      %parallel_loop3A_341 = arith.constant 255 : i32
      %parallel_loop3A_342 = vector.broadcast %parallel_loop3A_341 : i32 to vector<16xi32>
      %parallel_loop3A_343 = arith.andi %parallel_loop3A_337, %parallel_loop3A_342 : vector<16xi32>
      %parallel_loop3A_344 = tpu.vector_load_idx %arg6[%parallel_loop3A_340, %parallel_loop3A_343] : memref<192x192xf32, #tpu.memory_space<vmem>>[vector<16xi32>, vector<16xi32>], vector<16xf32>,
      %parallel_loop3A_345 = arith.constant 0 : i32
      %parallel_loop3A_346 = vector.broadcast %parallel_loop3A_345 : i32 to vector<16xi32>
      %parallel_loop3A_347 = arith.addi %iota3A, %parallel_loop3A_346 : vector<16xi32>
      tpu.vector_store_idx %arg8[%parallel_loop3A_328, %parallel_loop3A_331, %parallel_loop3A_347], %parallel_loop3A_344 : memref<16x8x128xf32, #tpu.memory_space<vmem>>[vector<16xi32>, vector<16xi32>, vector<16xi32>], vector<16xf32>,
      %parallel_loop3A_348 = arith.constant 16 : i32
      %parallel_loop3A_349 = vector.broadcast %parallel_loop3A_348 : i32 to vector<16xi32>
      %parallel_loop3A_350 = arith.shrui %parallel_loop3A_334, %parallel_loop3A_349 : vector<16xi32>
      %parallel_loop3A_351 = arith.constant 8 : i32
      %parallel_loop3A_352 = vector.broadcast %parallel_loop3A_351 : i32 to vector<16xi32>
      %parallel_loop3A_353 = arith.shrui %parallel_loop3A_350, %parallel_loop3A_352 : vector<16xi32>
      %parallel_loop3A_354 = arith.constant 255 : i32
      %parallel_loop3A_355 = vector.broadcast %parallel_loop3A_354 : i32 to vector<16xi32>
      %parallel_loop3A_356 = arith.andi %parallel_loop3A_350, %parallel_loop3A_355 : vector<16xi32>
      %parallel_loop3A_357 = tpu.vector_load_idx %arg6[%parallel_loop3A_353, %parallel_loop3A_356] : memref<192x192xf32, #tpu.memory_space<vmem>>[vector<16xi32>, vector<16xi32>], vector<16xf32>,
      %parallel_loop3A_358 = arith.constant 16 : i32
      %parallel_loop3A_359 = vector.broadcast %parallel_loop3A_358 : i32 to vector<16xi32>
      %parallel_loop3A_360 = arith.addi %iota3A, %parallel_loop3A_359 : vector<16xi32>
      tpu.vector_store_idx %arg8[%parallel_loop3A_328, %parallel_loop3A_331, %parallel_loop3A_360], %parallel_loop3A_357 : memref<16x8x128xf32, #tpu.memory_space<vmem>>[vector<16xi32>, vector<16xi32>, vector<16xi32>], vector<16xf32>,
      %parallel_loop3A_361 = arith.index_cast %parallel_loop3A_325 : i32 to index
      %parallel_loop3A_362 = arith.constant 16 : index
      %parallel_loop3A_363 = tpu.vector_load %arg5[%parallel_loop3A_361, %parallel_loop3A_362] {strides = array<i32>} : memref<128x64xi32, #tpu.memory_space<vmem>>, vector<16xi32>,
      %parallel_loop3A_364 = arith.constant 65535 : i32
      %parallel_loop3A_365 = vector.broadcast %parallel_loop3A_364 : i32 to vector<16xi32>
      %parallel_loop3A_366 = arith.andi %parallel_loop3A_363, %parallel_loop3A_365 : vector<16xi32>
      %parallel_loop3A_367 = arith.constant 8 : i32
      %parallel_loop3A_368 = vector.broadcast %parallel_loop3A_367 : i32 to vector<16xi32>
      %parallel_loop3A_369 = arith.shrui %parallel_loop3A_366, %parallel_loop3A_368 : vector<16xi32>
      %parallel_loop3A_370 = arith.constant 255 : i32
      %parallel_loop3A_371 = vector.broadcast %parallel_loop3A_370 : i32 to vector<16xi32>
      %parallel_loop3A_372 = arith.andi %parallel_loop3A_366, %parallel_loop3A_371 : vector<16xi32>
      %parallel_loop3A_373 = tpu.vector_load_idx %arg6[%parallel_loop3A_369, %parallel_loop3A_372] : memref<192x192xf32, #tpu.memory_space<vmem>>[vector<16xi32>, vector<16xi32>], vector<16xf32>,
      %parallel_loop3A_374 = arith.constant 32 : i32
      %parallel_loop3A_375 = vector.broadcast %parallel_loop3A_374 : i32 to vector<16xi32>
      %parallel_loop3A_376 = arith.addi %iota3A, %parallel_loop3A_375 : vector<16xi32>
      tpu.vector_store_idx %arg8[%parallel_loop3A_328, %parallel_loop3A_331, %parallel_loop3A_376], %parallel_loop3A_373 : memref<16x8x128xf32, #tpu.memory_space<vmem>>[vector<16xi32>, vector<16xi32>, vector<16xi32>], vector<16xf32>,
      %parallel_loop3A_377 = arith.constant 16 : i32
      %parallel_loop3A_378 = vector.broadcast %parallel_loop3A_377 : i32 to vector<16xi32>
      %parallel_loop3A_379 = arith.shrui %parallel_loop3A_363, %parallel_loop3A_378 : vector<16xi32>
      %parallel_loop3A_380 = arith.constant 8 : i32
      %parallel_loop3A_381 = vector.broadcast %parallel_loop3A_380 : i32 to vector<16xi32>
      %parallel_loop3A_382 = arith.shrui %parallel_loop3A_379, %parallel_loop3A_381 : vector<16xi32>
      %parallel_loop3A_383 = arith.constant 255 : i32
      %parallel_loop3A_384 = vector.broadcast %parallel_loop3A_383 : i32 to vector<16xi32>
      %parallel_loop3A_385 = arith.andi %parallel_loop3A_379, %parallel_loop3A_384 : vector<16xi32>
      %parallel_loop3A_386 = tpu.vector_load_idx %arg6[%parallel_loop3A_382, %parallel_loop3A_385] : memref<192x192xf32, #tpu.memory_space<vmem>>[vector<16xi32>, vector<16xi32>], vector<16xf32>,
      %parallel_loop3A_387 = arith.constant 48 : i32
      %parallel_loop3A_388 = vector.broadcast %parallel_loop3A_387 : i32 to vector<16xi32>
      %parallel_loop3A_389 = arith.addi %iota3A, %parallel_loop3A_388 : vector<16xi32>
      tpu.vector_store_idx %arg8[%parallel_loop3A_328, %parallel_loop3A_331, %parallel_loop3A_389], %parallel_loop3A_386 : memref<16x8x128xf32, #tpu.memory_space<vmem>>[vector<16xi32>, vector<16xi32>, vector<16xi32>], vector<16xf32>,
      %parallel_loop3A_390 = arith.index_cast %parallel_loop3A_325 : i32 to index
      %parallel_loop3A_391 = arith.constant 32 : index
      %parallel_loop3A_392 = tpu.vector_load %arg5[%parallel_loop3A_390, %parallel_loop3A_391] {strides = array<i32>} : memref<128x64xi32, #tpu.memory_space<vmem>>, vector<16xi32>,
      %parallel_loop3A_393 = arith.constant 65535 : i32
      %parallel_loop3A_394 = vector.broadcast %parallel_loop3A_393 : i32 to vector<16xi32>
      %parallel_loop3A_395 = arith.andi %parallel_loop3A_392, %parallel_loop3A_394 : vector<16xi32>
      %parallel_loop3A_396 = arith.constant 8 : i32
      %parallel_loop3A_397 = vector.broadcast %parallel_loop3A_396 : i32 to vector<16xi32>
      %parallel_loop3A_398 = arith.shrui %parallel_loop3A_395, %parallel_loop3A_397 : vector<16xi32>
      %parallel_loop3A_399 = arith.constant 255 : i32
      %parallel_loop3A_400 = vector.broadcast %parallel_loop3A_399 : i32 to vector<16xi32>
      %parallel_loop3A_401 = arith.andi %parallel_loop3A_395, %parallel_loop3A_400 : vector<16xi32>
      %parallel_loop3A_402 = tpu.vector_load_idx %arg6[%parallel_loop3A_398, %parallel_loop3A_401] : memref<192x192xf32, #tpu.memory_space<vmem>>[vector<16xi32>, vector<16xi32>], vector<16xf32>,
      %parallel_loop3A_403 = arith.constant 64 : i32
      %parallel_loop3A_404 = vector.broadcast %parallel_loop3A_403 : i32 to vector<16xi32>
      %parallel_loop3A_405 = arith.addi %iota3A, %parallel_loop3A_404 : vector<16xi32>
      tpu.vector_store_idx %arg8[%parallel_loop3A_328, %parallel_loop3A_331, %parallel_loop3A_405], %parallel_loop3A_402 : memref<16x8x128xf32, #tpu.memory_space<vmem>>[vector<16xi32>, vector<16xi32>, vector<16xi32>], vector<16xf32>,
      %parallel_loop3A_406 = arith.constant 16 : i32
      %parallel_loop3A_407 = vector.broadcast %parallel_loop3A_406 : i32 to vector<16xi32>
      %parallel_loop3A_408 = arith.shrui %parallel_loop3A_392, %parallel_loop3A_407 : vector<16xi32>
      %parallel_loop3A_409 = arith.constant 8 : i32
      %parallel_loop3A_410 = vector.broadcast %parallel_loop3A_409 : i32 to vector<16xi32>
      %parallel_loop3A_411 = arith.shrui %parallel_loop3A_408, %parallel_loop3A_410 : vector<16xi32>
      %parallel_loop3A_412 = arith.constant 255 : i32
      %parallel_loop3A_413 = vector.broadcast %parallel_loop3A_412 : i32 to vector<16xi32>
      %parallel_loop3A_414 = arith.andi %parallel_loop3A_408, %parallel_loop3A_413 : vector<16xi32>
      %parallel_loop3A_415 = tpu.vector_load_idx %arg6[%parallel_loop3A_411, %parallel_loop3A_414] : memref<192x192xf32, #tpu.memory_space<vmem>>[vector<16xi32>, vector<16xi32>], vector<16xf32>,
      %parallel_loop3A_416 = arith.constant 80 : i32
      %parallel_loop3A_417 = vector.broadcast %parallel_loop3A_416 : i32 to vector<16xi32>
      %parallel_loop3A_418 = arith.addi %iota3A, %parallel_loop3A_417 : vector<16xi32>
      tpu.vector_store_idx %arg8[%parallel_loop3A_328, %parallel_loop3A_331, %parallel_loop3A_418], %parallel_loop3A_415 : memref<16x8x128xf32, #tpu.memory_space<vmem>>[vector<16xi32>, vector<16xi32>, vector<16xi32>], vector<16xf32>,
      %parallel_loop3A_419 = arith.index_cast %parallel_loop3A_325 : i32 to index
      %parallel_loop3A_420 = arith.constant 48 : index
      %parallel_loop3A_421 = tpu.vector_load %arg5[%parallel_loop3A_419, %parallel_loop3A_420] {strides = array<i32>} : memref<128x64xi32, #tpu.memory_space<vmem>>, vector<16xi32>,
      %parallel_loop3A_422 = arith.constant 65535 : i32
      %parallel_loop3A_423 = vector.broadcast %parallel_loop3A_422 : i32 to vector<16xi32>
      %parallel_loop3A_424 = arith.andi %parallel_loop3A_421, %parallel_loop3A_423 : vector<16xi32>
      %parallel_loop3A_425 = arith.constant 8 : i32
      %parallel_loop3A_426 = vector.broadcast %parallel_loop3A_425 : i32 to vector<16xi32>
      %parallel_loop3A_427 = arith.shrui %parallel_loop3A_424, %parallel_loop3A_426 : vector<16xi32>
      %parallel_loop3A_428 = arith.constant 255 : i32
      %parallel_loop3A_429 = vector.broadcast %parallel_loop3A_428 : i32 to vector<16xi32>
      %parallel_loop3A_430 = arith.andi %parallel_loop3A_424, %parallel_loop3A_429 : vector<16xi32>
      %parallel_loop3A_431 = tpu.vector_load_idx %arg6[%parallel_loop3A_427, %parallel_loop3A_430] : memref<192x192xf32, #tpu.memory_space<vmem>>[vector<16xi32>, vector<16xi32>], vector<16xf32>,
      %parallel_loop3A_432 = arith.constant 96 : i32
      %parallel_loop3A_433 = vector.broadcast %parallel_loop3A_432 : i32 to vector<16xi32>
      %parallel_loop3A_434 = arith.addi %iota3A, %parallel_loop3A_433 : vector<16xi32>
      tpu.vector_store_idx %arg8[%parallel_loop3A_328, %parallel_loop3A_331, %parallel_loop3A_434], %parallel_loop3A_431 : memref<16x8x128xf32, #tpu.memory_space<vmem>>[vector<16xi32>, vector<16xi32>, vector<16xi32>], vector<16xf32>,
      %parallel_loop3A_435 = arith.constant 16 : i32
      %parallel_loop3A_436 = vector.broadcast %parallel_loop3A_435 : i32 to vector<16xi32>
      %parallel_loop3A_437 = arith.shrui %parallel_loop3A_421, %parallel_loop3A_436 : vector<16xi32>
      %parallel_loop3A_438 = arith.constant 8 : i32
      %parallel_loop3A_439 = vector.broadcast %parallel_loop3A_438 : i32 to vector<16xi32>
      %parallel_loop3A_440 = arith.shrui %parallel_loop3A_437, %parallel_loop3A_439 : vector<16xi32>
      %parallel_loop3A_441 = arith.constant 255 : i32
      %parallel_loop3A_442 = vector.broadcast %parallel_loop3A_441 : i32 to vector<16xi32>
      %parallel_loop3A_443 = arith.andi %parallel_loop3A_437, %parallel_loop3A_442 : vector<16xi32>
      %parallel_loop3A_444 = tpu.vector_load_idx %arg6[%parallel_loop3A_440, %parallel_loop3A_443] : memref<192x192xf32, #tpu.memory_space<vmem>>[vector<16xi32>, vector<16xi32>], vector<16xf32>,
      %parallel_loop3A_445 = arith.constant 112 : i32
      %parallel_loop3A_446 = vector.broadcast %parallel_loop3A_445 : i32 to vector<16xi32>
      %parallel_loop3A_447 = arith.addi %iota3A, %parallel_loop3A_446 : vector<16xi32>
      tpu.vector_store_idx %arg8[%parallel_loop3A_328, %parallel_loop3A_331, %parallel_loop3A_447], %parallel_loop3A_444 : memref<16x8x128xf32, #tpu.memory_space<vmem>>[vector<16xi32>, vector<16xi32>, vector<16xi32>], vector<16xf32>,
    } {sc.loop_unroll_factor = 2 : i64, sc.parallel_access}
    %add3A_244 = arith.constant 190 : i32
    %add3A_245 = arith.addi %mul3A_132, %add3A_244 : i32
    %mul3A_246 = arith.constant 64 : i32
    %mul3A_247 = arith.muli %add3A_245, %mul3A_246 : i32
    %mul3A_248 = arith.constant 16 : i32
    %mul3A_249 = arith.muli %div3A_124, %mul3A_248 : i32
    %add3A_250 = arith.addi %mul3A_247, %mul3A_249 : i32
    %mul3A_251 = arith.constant 8 : i32
    %mul3A_252 = arith.muli %rem3A_126, %mul3A_251 : i32
    %multiple_of3A_253 = tpu.assume_multiple %mul3A_252, 8 : i32
    %dma_start3A_254 = arith.constant 0 : i32
    %dma_start3A_255 = tpu.memref_slice %arg4[%add3A_250, %multiple_of3A_253, %dma_start3A_254] : memref<24576x32x128xf32, #tpu.memory_space<hbm>> -> memref<16x8x128xf32, #tpu.memory_space<hbm>>
    %dma_start3A_256 = arith.constant 0 : i32
    %dma_start3A_257 = tpu.memref_slice %arg4[%add3A_250, %multiple_of3A_253, %dma_start3A_256] : memref<24576x32x128xf32, #tpu.memory_space<hbm>> -> memref<16x8x128xf32, #tpu.memory_space<hbm>>
    tpu.enqueue_dma source(%arg8 : memref<16x8x128xf32, #tpu.memory_space<vmem>>) target(%dma_start3A_257 : memref<16x8x128xf32, #tpu.memory_space<hbm>>) target_semaphore(%arg12 : memref<!tpu.dma_semaphore, #tpu.memory_space<semaphore_mem>>)
    %add3A_258 = arith.constant 191 : i32
    %add3A_259 = arith.addi %mul3A_132, %add3A_258 : i32
    %mul3A_260 = arith.constant 512 : i32
    %mul3A_261 = arith.muli %add3A_259, %mul3A_260 : i32
    %multiple_of3A_262 = tpu.assume_multiple %mul3A_261, 512 : i32
    %add3A_263 = arith.addi %multiple_of3A_262, %multiple_of3A : i32
    %dma_wait3A_264 = tpu.memref_slice %arg2[%add3A_263, %multiple_of3A_122] : memref<196608x512xf32, #tpu.memory_space<hbm>> -> memref<192x192xf32, #tpu.memory_space<hbm>>
    %dma_wait3A_265 = tpu.memref_slice %arg2[%add3A_263, %multiple_of3A_122] : memref<196608x512xf32, #tpu.memory_space<hbm>> -> memref<192x192xf32, #tpu.memory_space<hbm>>
    tpu.wait_dma2 semaphore(%arg11 : memref<!tpu.dma_semaphore, #tpu.memory_space<semaphore_mem>>) src(%dma_wait3A_265 : memref<192x192xf32, #tpu.memory_space<hbm>>) dst(%arg7 : memref<192x192xf32, #tpu.memory_space<vmem>>)
    %add3A_266 = arith.constant 191 : i32
    %add3A_267 = arith.addi %mul3A_132, %add3A_266 : i32
    %mul3A_268 = arith.constant 64 : i32
    %mul3A_269 = arith.muli %add3A_267, %mul3A_268 : i32
    %mul3A_270 = arith.constant 16 : i32
    %mul3A_271 = arith.muli %div3A_124, %mul3A_270 : i32
    %add3A_272 = arith.addi %mul3A_269, %mul3A_271 : i32
    %mul3A_273 = arith.constant 8 : i32
    %mul3A_274 = arith.muli %rem3A_126, %mul3A_273 : i32
    %multiple_of3A_275 = tpu.assume_multiple %mul3A_274, 8 : i32
    %dma_wait3A_276 = arith.constant 0 : i32
    %dma_wait3A_277 = tpu.memref_slice %arg4[%add3A_272, %multiple_of3A_275, %dma_wait3A_276] : memref<24576x32x128xf32, #tpu.memory_space<hbm>> -> memref<16x8x128xf32, #tpu.memory_space<hbm>>
    %dma_wait3A_278 = arith.constant 0 : i32
    %dma_wait3A_279 = tpu.memref_slice %arg4[%add3A_272, %multiple_of3A_275, %dma_wait3A_278] : memref<24576x32x128xf32, #tpu.memory_space<hbm>> -> memref<16x8x128xf32, #tpu.memory_space<hbm>>
    tpu.wait_dma2 semaphore(%arg13 : memref<!tpu.dma_semaphore, #tpu.memory_space<semaphore_mem>>) src(%arg9 : memref<16x8x128xf32, #tpu.memory_space<vmem>>) dst(%dma_wait3A_279 : memref<16x8x128xf32, #tpu.memory_space<hbm>>)
    %parallel_loop3A_280 = arith.constant 0 : i32
    %parallel_loop3A_281 = arith.constant 128 : i32
    %parallel_loop3A_282 = arith.constant 1 : i32
    scf.for %parallel_loop3A_325 = %parallel_loop3A_280 to %parallel_loop3A_281 step %parallel_loop3A_282  : i32 {
      %parallel_loop3A_326 = arith.constant 3 : i32
      %parallel_loop3A_327 = arith.shrui %parallel_loop3A_325, %parallel_loop3A_326 : i32
      %parallel_loop3A_328 = vector.broadcast %parallel_loop3A_327 : i32 to vector<16xi32>
      %parallel_loop3A_329 = arith.constant 7 : i32
      %parallel_loop3A_330 = arith.andi %parallel_loop3A_325, %parallel_loop3A_329 : i32
      %parallel_loop3A_331 = vector.broadcast %parallel_loop3A_330 : i32 to vector<16xi32>
      %parallel_loop3A_332 = arith.index_cast %parallel_loop3A_325 : i32 to index
      %parallel_loop3A_333 = arith.constant 0 : index
      %parallel_loop3A_334 = tpu.vector_load %arg5[%parallel_loop3A_332, %parallel_loop3A_333] {strides = array<i32>} : memref<128x64xi32, #tpu.memory_space<vmem>>, vector<16xi32>,
      %parallel_loop3A_335 = arith.constant 65535 : i32
      %parallel_loop3A_336 = vector.broadcast %parallel_loop3A_335 : i32 to vector<16xi32>
      %parallel_loop3A_337 = arith.andi %parallel_loop3A_334, %parallel_loop3A_336 : vector<16xi32>
      %parallel_loop3A_338 = arith.constant 8 : i32
      %parallel_loop3A_339 = vector.broadcast %parallel_loop3A_338 : i32 to vector<16xi32>
      %parallel_loop3A_340 = arith.shrui %parallel_loop3A_337, %parallel_loop3A_339 : vector<16xi32>
      %parallel_loop3A_341 = arith.constant 255 : i32
      %parallel_loop3A_342 = vector.broadcast %parallel_loop3A_341 : i32 to vector<16xi32>
      %parallel_loop3A_343 = arith.andi %parallel_loop3A_337, %parallel_loop3A_342 : vector<16xi32>
      %parallel_loop3A_344 = tpu.vector_load_idx %arg7[%parallel_loop3A_340, %parallel_loop3A_343] : memref<192x192xf32, #tpu.memory_space<vmem>>[vector<16xi32>, vector<16xi32>], vector<16xf32>,
      %parallel_loop3A_345 = arith.constant 0 : i32
      %parallel_loop3A_346 = vector.broadcast %parallel_loop3A_345 : i32 to vector<16xi32>
      %parallel_loop3A_347 = arith.addi %iota3A, %parallel_loop3A_346 : vector<16xi32>
      tpu.vector_store_idx %arg9[%parallel_loop3A_328, %parallel_loop3A_331, %parallel_loop3A_347], %parallel_loop3A_344 : memref<16x8x128xf32, #tpu.memory_space<vmem>>[vector<16xi32>, vector<16xi32>, vector<16xi32>], vector<16xf32>,
      %parallel_loop3A_348 = arith.constant 16 : i32
      %parallel_loop3A_349 = vector.broadcast %parallel_loop3A_348 : i32 to vector<16xi32>
      %parallel_loop3A_350 = arith.shrui %parallel_loop3A_334, %parallel_loop3A_349 : vector<16xi32>
      %parallel_loop3A_351 = arith.constant 8 : i32
      %parallel_loop3A_352 = vector.broadcast %parallel_loop3A_351 : i32 to vector<16xi32>
      %parallel_loop3A_353 = arith.shrui %parallel_loop3A_350, %parallel_loop3A_352 : vector<16xi32>
      %parallel_loop3A_354 = arith.constant 255 : i32
      %parallel_loop3A_355 = vector.broadcast %parallel_loop3A_354 : i32 to vector<16xi32>
      %parallel_loop3A_356 = arith.andi %parallel_loop3A_350, %parallel_loop3A_355 : vector<16xi32>
      %parallel_loop3A_357 = tpu.vector_load_idx %arg7[%parallel_loop3A_353, %parallel_loop3A_356] : memref<192x192xf32, #tpu.memory_space<vmem>>[vector<16xi32>, vector<16xi32>], vector<16xf32>,
      %parallel_loop3A_358 = arith.constant 16 : i32
      %parallel_loop3A_359 = vector.broadcast %parallel_loop3A_358 : i32 to vector<16xi32>
      %parallel_loop3A_360 = arith.addi %iota3A, %parallel_loop3A_359 : vector<16xi32>
      tpu.vector_store_idx %arg9[%parallel_loop3A_328, %parallel_loop3A_331, %parallel_loop3A_360], %parallel_loop3A_357 : memref<16x8x128xf32, #tpu.memory_space<vmem>>[vector<16xi32>, vector<16xi32>, vector<16xi32>], vector<16xf32>,
      %parallel_loop3A_361 = arith.index_cast %parallel_loop3A_325 : i32 to index
      %parallel_loop3A_362 = arith.constant 16 : index
      %parallel_loop3A_363 = tpu.vector_load %arg5[%parallel_loop3A_361, %parallel_loop3A_362] {strides = array<i32>} : memref<128x64xi32, #tpu.memory_space<vmem>>, vector<16xi32>,
      %parallel_loop3A_364 = arith.constant 65535 : i32
      %parallel_loop3A_365 = vector.broadcast %parallel_loop3A_364 : i32 to vector<16xi32>
      %parallel_loop3A_366 = arith.andi %parallel_loop3A_363, %parallel_loop3A_365 : vector<16xi32>
      %parallel_loop3A_367 = arith.constant 8 : i32
      %parallel_loop3A_368 = vector.broadcast %parallel_loop3A_367 : i32 to vector<16xi32>
      %parallel_loop3A_369 = arith.shrui %parallel_loop3A_366, %parallel_loop3A_368 : vector<16xi32>
      %parallel_loop3A_370 = arith.constant 255 : i32
      %parallel_loop3A_371 = vector.broadcast %parallel_loop3A_370 : i32 to vector<16xi32>
      %parallel_loop3A_372 = arith.andi %parallel_loop3A_366, %parallel_loop3A_371 : vector<16xi32>
      %parallel_loop3A_373 = tpu.vector_load_idx %arg7[%parallel_loop3A_369, %parallel_loop3A_372] : memref<192x192xf32, #tpu.memory_space<vmem>>[vector<16xi32>, vector<16xi32>], vector<16xf32>,
      %parallel_loop3A_374 = arith.constant 32 : i32
      %parallel_loop3A_375 = vector.broadcast %parallel_loop3A_374 : i32 to vector<16xi32>
      %parallel_loop3A_376 = arith.addi %iota3A, %parallel_loop3A_375 : vector<16xi32>
      tpu.vector_store_idx %arg9[%parallel_loop3A_328, %parallel_loop3A_331, %parallel_loop3A_376], %parallel_loop3A_373 : memref<16x8x128xf32, #tpu.memory_space<vmem>>[vector<16xi32>, vector<16xi32>, vector<16xi32>], vector<16xf32>,
      %parallel_loop3A_377 = arith.constant 16 : i32
      %parallel_loop3A_378 = vector.broadcast %parallel_loop3A_377 : i32 to vector<16xi32>
      %parallel_loop3A_379 = arith.shrui %parallel_loop3A_363, %parallel_loop3A_378 : vector<16xi32>
      %parallel_loop3A_380 = arith.constant 8 : i32
      %parallel_loop3A_381 = vector.broadcast %parallel_loop3A_380 : i32 to vector<16xi32>
      %parallel_loop3A_382 = arith.shrui %parallel_loop3A_379, %parallel_loop3A_381 : vector<16xi32>
      %parallel_loop3A_383 = arith.constant 255 : i32
      %parallel_loop3A_384 = vector.broadcast %parallel_loop3A_383 : i32 to vector<16xi32>
      %parallel_loop3A_385 = arith.andi %parallel_loop3A_379, %parallel_loop3A_384 : vector<16xi32>
      %parallel_loop3A_386 = tpu.vector_load_idx %arg7[%parallel_loop3A_382, %parallel_loop3A_385] : memref<192x192xf32, #tpu.memory_space<vmem>>[vector<16xi32>, vector<16xi32>], vector<16xf32>,
      %parallel_loop3A_387 = arith.constant 48 : i32
      %parallel_loop3A_388 = vector.broadcast %parallel_loop3A_387 : i32 to vector<16xi32>
      %parallel_loop3A_389 = arith.addi %iota3A, %parallel_loop3A_388 : vector<16xi32>
      tpu.vector_store_idx %arg9[%parallel_loop3A_328, %parallel_loop3A_331, %parallel_loop3A_389], %parallel_loop3A_386 : memref<16x8x128xf32, #tpu.memory_space<vmem>>[vector<16xi32>, vector<16xi32>, vector<16xi32>], vector<16xf32>,
      %parallel_loop3A_390 = arith.index_cast %parallel_loop3A_325 : i32 to index
      %parallel_loop3A_391 = arith.constant 32 : index
      %parallel_loop3A_392 = tpu.vector_load %arg5[%parallel_loop3A_390, %parallel_loop3A_391] {strides = array<i32>} : memref<128x64xi32, #tpu.memory_space<vmem>>, vector<16xi32>,
      %parallel_loop3A_393 = arith.constant 65535 : i32
      %parallel_loop3A_394 = vector.broadcast %parallel_loop3A_393 : i32 to vector<16xi32>
      %parallel_loop3A_395 = arith.andi %parallel_loop3A_392, %parallel_loop3A_394 : vector<16xi32>
      %parallel_loop3A_396 = arith.constant 8 : i32
      %parallel_loop3A_397 = vector.broadcast %parallel_loop3A_396 : i32 to vector<16xi32>
      %parallel_loop3A_398 = arith.shrui %parallel_loop3A_395, %parallel_loop3A_397 : vector<16xi32>
      %parallel_loop3A_399 = arith.constant 255 : i32
      %parallel_loop3A_400 = vector.broadcast %parallel_loop3A_399 : i32 to vector<16xi32>
      %parallel_loop3A_401 = arith.andi %parallel_loop3A_395, %parallel_loop3A_400 : vector<16xi32>
      %parallel_loop3A_402 = tpu.vector_load_idx %arg7[%parallel_loop3A_398, %parallel_loop3A_401] : memref<192x192xf32, #tpu.memory_space<vmem>>[vector<16xi32>, vector<16xi32>], vector<16xf32>,
      %parallel_loop3A_403 = arith.constant 64 : i32
      %parallel_loop3A_404 = vector.broadcast %parallel_loop3A_403 : i32 to vector<16xi32>
      %parallel_loop3A_405 = arith.addi %iota3A, %parallel_loop3A_404 : vector<16xi32>
      tpu.vector_store_idx %arg9[%parallel_loop3A_328, %parallel_loop3A_331, %parallel_loop3A_405], %parallel_loop3A_402 : memref<16x8x128xf32, #tpu.memory_space<vmem>>[vector<16xi32>, vector<16xi32>, vector<16xi32>], vector<16xf32>,
      %parallel_loop3A_406 = arith.constant 16 : i32
      %parallel_loop3A_407 = vector.broadcast %parallel_loop3A_406 : i32 to vector<16xi32>
      %parallel_loop3A_408 = arith.shrui %parallel_loop3A_392, %parallel_loop3A_407 : vector<16xi32>
      %parallel_loop3A_409 = arith.constant 8 : i32
      %parallel_loop3A_410 = vector.broadcast %parallel_loop3A_409 : i32 to vector<16xi32>
      %parallel_loop3A_411 = arith.shrui %parallel_loop3A_408, %parallel_loop3A_410 : vector<16xi32>
      %parallel_loop3A_412 = arith.constant 255 : i32
      %parallel_loop3A_413 = vector.broadcast %parallel_loop3A_412 : i32 to vector<16xi32>
      %parallel_loop3A_414 = arith.andi %parallel_loop3A_408, %parallel_loop3A_413 : vector<16xi32>
      %parallel_loop3A_415 = tpu.vector_load_idx %arg7[%parallel_loop3A_411, %parallel_loop3A_414] : memref<192x192xf32, #tpu.memory_space<vmem>>[vector<16xi32>, vector<16xi32>], vector<16xf32>,
      %parallel_loop3A_416 = arith.constant 80 : i32
      %parallel_loop3A_417 = vector.broadcast %parallel_loop3A_416 : i32 to vector<16xi32>
      %parallel_loop3A_418 = arith.addi %iota3A, %parallel_loop3A_417 : vector<16xi32>
      tpu.vector_store_idx %arg9[%parallel_loop3A_328, %parallel_loop3A_331, %parallel_loop3A_418], %parallel_loop3A_415 : memref<16x8x128xf32, #tpu.memory_space<vmem>>[vector<16xi32>, vector<16xi32>, vector<16xi32>], vector<16xf32>,
      %parallel_loop3A_419 = arith.index_cast %parallel_loop3A_325 : i32 to index
      %parallel_loop3A_420 = arith.constant 48 : index
      %parallel_loop3A_421 = tpu.vector_load %arg5[%parallel_loop3A_419, %parallel_loop3A_420] {strides = array<i32>} : memref<128x64xi32, #tpu.memory_space<vmem>>, vector<16xi32>,
      %parallel_loop3A_422 = arith.constant 65535 : i32
      %parallel_loop3A_423 = vector.broadcast %parallel_loop3A_422 : i32 to vector<16xi32>
      %parallel_loop3A_424 = arith.andi %parallel_loop3A_421, %parallel_loop3A_423 : vector<16xi32>
      %parallel_loop3A_425 = arith.constant 8 : i32
      %parallel_loop3A_426 = vector.broadcast %parallel_loop3A_425 : i32 to vector<16xi32>
      %parallel_loop3A_427 = arith.shrui %parallel_loop3A_424, %parallel_loop3A_426 : vector<16xi32>
      %parallel_loop3A_428 = arith.constant 255 : i32
      %parallel_loop3A_429 = vector.broadcast %parallel_loop3A_428 : i32 to vector<16xi32>
      %parallel_loop3A_430 = arith.andi %parallel_loop3A_424, %parallel_loop3A_429 : vector<16xi32>
      %parallel_loop3A_431 = tpu.vector_load_idx %arg7[%parallel_loop3A_427, %parallel_loop3A_430] : memref<192x192xf32, #tpu.memory_space<vmem>>[vector<16xi32>, vector<16xi32>], vector<16xf32>,
      %parallel_loop3A_432 = arith.constant 96 : i32
      %parallel_loop3A_433 = vector.broadcast %parallel_loop3A_432 : i32 to vector<16xi32>
      %parallel_loop3A_434 = arith.addi %iota3A, %parallel_loop3A_433 : vector<16xi32>
      tpu.vector_store_idx %arg9[%parallel_loop3A_328, %parallel_loop3A_331, %parallel_loop3A_434], %parallel_loop3A_431 : memref<16x8x128xf32, #tpu.memory_space<vmem>>[vector<16xi32>, vector<16xi32>, vector<16xi32>], vector<16xf32>,
      %parallel_loop3A_435 = arith.constant 16 : i32
      %parallel_loop3A_436 = vector.broadcast %parallel_loop3A_435 : i32 to vector<16xi32>
      %parallel_loop3A_437 = arith.shrui %parallel_loop3A_421, %parallel_loop3A_436 : vector<16xi32>
      %parallel_loop3A_438 = arith.constant 8 : i32
      %parallel_loop3A_439 = vector.broadcast %parallel_loop3A_438 : i32 to vector<16xi32>
      %parallel_loop3A_440 = arith.shrui %parallel_loop3A_437, %parallel_loop3A_439 : vector<16xi32>
      %parallel_loop3A_441 = arith.constant 255 : i32
      %parallel_loop3A_442 = vector.broadcast %parallel_loop3A_441 : i32 to vector<16xi32>
      %parallel_loop3A_443 = arith.andi %parallel_loop3A_437, %parallel_loop3A_442 : vector<16xi32>
      %parallel_loop3A_444 = tpu.vector_load_idx %arg7[%parallel_loop3A_440, %parallel_loop3A_443] : memref<192x192xf32, #tpu.memory_space<vmem>>[vector<16xi32>, vector<16xi32>], vector<16xf32>,
      %parallel_loop3A_445 = arith.constant 112 : i32
      %parallel_loop3A_446 = vector.broadcast %parallel_loop3A_445 : i32 to vector<16xi32>
      %parallel_loop3A_447 = arith.addi %iota3A, %parallel_loop3A_446 : vector<16xi32>
      tpu.vector_store_idx %arg9[%parallel_loop3A_328, %parallel_loop3A_331, %parallel_loop3A_447], %parallel_loop3A_444 : memref<16x8x128xf32, #tpu.memory_space<vmem>>[vector<16xi32>, vector<16xi32>, vector<16xi32>], vector<16xf32>,
    } {sc.loop_unroll_factor = 2 : i64, sc.parallel_access}
    %add3A_283 = arith.constant 191 : i32
    %add3A_284 = arith.addi %mul3A_132, %add3A_283 : i32
    %mul3A_285 = arith.constant 64 : i32
    %mul3A_286 = arith.muli %add3A_284, %mul3A_285 : i32
    %mul3A_287 = arith.constant 16 : i32
    %mul3A_288 = arith.muli %div3A_124, %mul3A_287 : i32
    %add3A_289 = arith.addi %mul3A_286, %mul3A_288 : i32
    %mul3A_290 = arith.constant 8 : i32
    %mul3A_291 = arith.muli %rem3A_126, %mul3A_290 : i32
    %multiple_of3A_292 = tpu.assume_multiple %mul3A_291, 8 : i32
    %dma_start3A_293 = arith.constant 0 : i32
    %dma_start3A_294 = tpu.memref_slice %arg4[%add3A_289, %multiple_of3A_292, %dma_start3A_293] : memref<24576x32x128xf32, #tpu.memory_space<hbm>> -> memref<16x8x128xf32, #tpu.memory_space<hbm>>
    %dma_start3A_295 = arith.constant 0 : i32
    %dma_start3A_296 = tpu.memref_slice %arg4[%add3A_289, %multiple_of3A_292, %dma_start3A_295] : memref<24576x32x128xf32, #tpu.memory_space<hbm>> -> memref<16x8x128xf32, #tpu.memory_space<hbm>>
    tpu.enqueue_dma source(%arg9 : memref<16x8x128xf32, #tpu.memory_space<vmem>>) target(%dma_start3A_296 : memref<16x8x128xf32, #tpu.memory_space<hbm>>) target_semaphore(%arg13 : memref<!tpu.dma_semaphore, #tpu.memory_space<semaphore_mem>>)
    %add3A_297 = arith.constant 190 : i32
    %add3A_298 = arith.addi %mul3A_132, %add3A_297 : i32
    %mul3A_299 = arith.constant 64 : i32
    %mul3A_300 = arith.muli %add3A_298, %mul3A_299 : i32
    %mul3A_301 = arith.constant 16 : i32
    %mul3A_302 = arith.muli %div3A_124, %mul3A_301 : i32
    %add3A_303 = arith.addi %mul3A_300, %mul3A_302 : i32
    %mul3A_304 = arith.constant 8 : i32
    %mul3A_305 = arith.muli %rem3A_126, %mul3A_304 : i32
    %multiple_of3A_306 = tpu.assume_multiple %mul3A_305, 8 : i32
    %dma_wait3A_307 = arith.constant 0 : i32
    %dma_wait3A_308 = tpu.memref_slice %arg4[%add3A_303, %multiple_of3A_306, %dma_wait3A_307] : memref<24576x32x128xf32, #tpu.memory_space<hbm>> -> memref<16x8x128xf32, #tpu.memory_space<hbm>>
    %dma_wait3A_309 = arith.constant 0 : i32
    %dma_wait3A_310 = tpu.memref_slice %arg4[%add3A_303, %multiple_of3A_306, %dma_wait3A_309] : memref<24576x32x128xf32, #tpu.memory_space<hbm>> -> memref<16x8x128xf32, #tpu.memory_space<hbm>>
    tpu.wait_dma2 semaphore(%arg12 : memref<!tpu.dma_semaphore, #tpu.memory_space<semaphore_mem>>) src(%arg8 : memref<16x8x128xf32, #tpu.memory_space<vmem>>) dst(%dma_wait3A_310 : memref<16x8x128xf32, #tpu.memory_space<hbm>>)
    %add3A_311 = arith.constant 191 : i32
    %add3A_312 = arith.addi %mul3A_132, %add3A_311 : i32
    %mul3A_313 = arith.constant 64 : i32
    %mul3A_314 = arith.muli %add3A_312, %mul3A_313 : i32
    %mul3A_315 = arith.constant 16 : i32
    %mul3A_316 = arith.muli %div3A_124, %mul3A_315 : i32
    %add3A_317 = arith.addi %mul3A_314, %mul3A_316 : i32
    %mul3A_318 = arith.constant 8 : i32
    %mul3A_319 = arith.muli %rem3A_126, %mul3A_318 : i32
    %multiple_of3A_320 = tpu.assume_multiple %mul3A_319, 8 : i32
    %dma_wait3A_321 = arith.constant 0 : i32
    %dma_wait3A_322 = tpu.memref_slice %arg4[%add3A_317, %multiple_of3A_320, %dma_wait3A_321] : memref<24576x32x128xf32, #tpu.memory_space<hbm>> -> memref<16x8x128xf32, #tpu.memory_space<hbm>>
    %dma_wait3A_323 = arith.constant 0 : i32
    %dma_wait3A_324 = tpu.memref_slice %arg4[%add3A_317, %multiple_of3A_320, %dma_wait3A_323] : memref<24576x32x128xf32, #tpu.memory_space<hbm>> -> memref<16x8x128xf32, #tpu.memory_space<hbm>>
    tpu.wait_dma2 semaphore(%arg13 : memref<!tpu.dma_semaphore, #tpu.memory_space<semaphore_mem>>) src(%arg9 : memref<16x8x128xf32, #tpu.memory_space<vmem>>) dst(%dma_wait3A_324 : memref<16x8x128xf32, #tpu.memory_space<hbm>>)
    return
  }
}

</mosaic_0001>

<sc_bundles>
// kernel: kernel.3.cloned.1.call-start
scs
__scs_entry_jumppad:
0x0: {  	(pc) =	sbr.rel $0x88, $3  }
0x1: {  	(tag) =	ssettag $0x0;
	lr =	simm.s32 $0x1  }
0x2: {  	[smem:$0x3FA0] =	sst lr;
	_ =	strace $0xD0000000  }
0x3: {  	_ = 	snop  }
0x4: {  	_ = 	snop  }
0x5: {  	_ = 	snop  }
0x6: {  	_ = 	snop  }
0x7: {  	_ = 	snop  }
__scs_overlays_trampoline_lowered:
0x8: {  	[smem:$0x3FAF] =	sst s0  }
0x9: {  	[smem:$0x3FB0] =	sst s1  }
0xa: {  	[smem:$0x3FB1] =	sst s2  }
0xb: {  	[smem:$0x3FB2] =	sst s3  }
0xc: {  	[smem:$0x3FB3] =	sst s4  }
0xd: {  	[smem:$0x3FB4] =	sst s5  }
0xe: {  	[smem:$0x3FB5] =	sst s6  }
0xf: {  	[smem:$0x3FB6] =	sst s7  }
0x10: {  	[smem:$0x3FB7] =	sst s8  }
0x11: {  	[smem:$0x3FB8] =	sst s9;
	s0 =	simm.s32 @!p0 $0x0  }
0x12: {  	s1 =	sld [smem:$0x3F9E];
	s0 =	simm.s32 @p0 $0x1  }
0x13: {  	[smem:$0x3FB9] =	sst s0;
	s0 =	simm.s32 @!p1 $0x0  }
0x14: {  	s2 =	sld [smem:$0x3F9D];
	s0 =	simm.s32 @p1 $0x1  }
0x15: {  	[smem:$0x3FBA] =	sst s0;
	s0 =	simm.s32 @!p2 $0x0  }
0x16: {  	s3 =	sld [smem:$0x3FDB];
	s0 =	simm.s32 @p2 $0x1  }
0x17: {  	s4 =	simm.s32 $0x1BF5;
	[smem:$0x3FBC] =	sst s0  }
0x18: {  	s0 =	sld [smem:$0x3F9F];
	_ =	swait.ge [sflag:s4], $0x0  }
0x19: {  	s7 =	sld [smem:$0x3FA0]  }
0x1a: {  	s8 =	sadd.s32 $0xFFFFE003, lr  }
0x1b: {  	s9 =	sadd.s32 $0xFFFFFEF7, lr;
	s5 =	simm.s32 $0xFFFFFFFF;
	p2 =	slt.u32 s8, $0xFFFFF086  }
0x1c: {  	p1 =	slt.u32 s9, $0xF7A;
	s5 =	simm.s32 @!p2 $0x0  }
0x1d: {  	s5 =	simm.s32 @p1 $0x1;
	p0 =	seq.s32 s7, s2  }
0x1e: {  	s7 =	smul.u32 @!p0 $0xF7A, s2;
	p2 =	seq.s32 @!p0 s5, $0x0  }
0x1f: {  	s9 =	smul.u32 $0xF7A, s1;
	s8 =	simm.s32 @!p0 $0x1BF5;
	p2 =	por !p2, p0  }
0x20: {  	[sflag:s8] =	ssyncset.s32 @!p0 $0xFFFFF086;
	s6 =	sadd.s32 @!p0 s3, s7;
	s7 =	simm.s32 @!p0 $0x108  }
0x21: {  	s3 =	sadd.s32 s3, s9;
	s6 =	sadd.s32 @!p0 $0x88, s6;
	s7 =	simm.s32 @p2 $0x1082  }
0x22: {  	[simem:s7], [sflag:s8] =	dma.local @!p0 [hbm:s6], $0xF7A  }
0x23: {  	s9 =	sor.u32 $0xD0000000, s2;
	s6 =	simm.s32 $0x108;
	_ =	swait.ge @!p0 [sflag:s8], $0x0  }
0x24: {  	s3 =	sadd.s32 $0x88, s3;
	s6 =	simm.s32 @!p1 $0x1082;
	[sflag:s4] =	ssyncset.s32 $0xFFFFF086  }
0x25: {  	[simem:s6], [sflag:s4] =	dma.local [hbm:s3], $0xF7A  }
0x26: {  	[smem:$0x3FA0] =	sst s1;
	(tag) =	ssettag s2;
	_ =	strace s9  }
0x27: {  	s1 =	sld [smem:$0x3FB0]  }
0x28: {  	s2 =	sld [smem:$0x3FB1]  }
0x29: {  	s4 =	sld [smem:$0x3FB3]  }
0x2a: {  	p0 =	seq.s32 s5, $0x0;
	s5 =	sld [smem:$0x3FB4]  }
0x2b: {  	s6 =	sld [smem:$0x3FB5]  }
0x2c: {  	s7 =	sld [smem:$0x3FB6]  }
0x2d: {  	s3 =	simm.s32 $0x108;
	s8 =	sld [smem:$0x3FB7]  }
0x2e: {  	s3 =	simm.s32 @!p0 $0x1082;
	s9 =	sld [smem:$0x3FB8]  }
0x2f: {  	lr =	sadd.s32 s0, s3;
	s0 =	sld [smem:$0x3FAF]  }
0x30: {  	s3 =	sld [smem:$0x3FB2]  }
0x31: {  	[smem:$0x3FBB] =	sst s10  }
0x32: {  	s10 =	sld [smem:$0x3FB9];
	_ =	sdelay $0x3  }
0x33: {  	p0 =	seq.s32 s10, $0x1;
	s10 =	sld [smem:$0x3FBB];
	_ =	sdelay $0x3  }
0x34: {  	[smem:$0x3FBB] =	sst s10  }
0x35: {  	s10 =	sld [smem:$0x3FBA];
	_ =	sdelay $0x3  }
0x36: {  	p1 =	seq.s32 s10, $0x1;
	s10 =	sld [smem:$0x3FBB];
	_ =	sdelay $0x3  }
0x37: {  	[smem:$0x3FBB] =	sst s10  }
0x38: {  	s10 =	sld [smem:$0x3FBC]  }
0x39: {  	_ = 	snop;
	(pc) =	sbr.ind lr, $3  }
0x3a: {  	_ = 	snop  }
0x3b: {  	_ = 	snop  }
0x3c: {  	p2 =	seq.s32 s10, $0x1;
	s10 =	sld [smem:$0x3FBB]  }
0x3d: {  	_ =	shalt  }
0x3e: {  	_ =	shalt  }
0x3f: {  	_ =	shalt  }
0x40: {  	_ =	shalt  }
0x41: {  	_ =	shalt  }
0x42: {  	_ =	shalt  }
0x43: {  	_ =	shalt  }
0x44: {  	_ =	shalt  }
0x45: {  	_ =	shalt  }
0x46: {  	_ =	shalt  }
0x47: {  	_ =	shalt  }
0x48: {  	_ =	shalt  }
0x49: {  	_ =	shalt  }
0x4a: {  	_ =	shalt  }
0x4b: {  	_ =	shalt  }
0x4c: {  	_ =	shalt  }
0x4d: {  	_ =	shalt  }
0x4e: {  	_ =	shalt  }
0x4f: {  	_ =	shalt  }
0x50: {  	_ =	shalt  }
0x51: {  	_ =	shalt  }
0x52: {  	_ =	shalt  }
0x53: {  	_ =	shalt  }
0x54: {  	_ =	shalt  }
0x55: {  	_ =	shalt  }
0x56: {  	_ =	shalt  }
0x57: {  	_ =	shalt  }
0x58: {  	_ =	shalt  }
0x59: {  	_ =	shalt  }
0x5a: {  	_ =	shalt  }
0x5b: {  	_ =	shalt  }
0x5c: {  	_ =	shalt  }
0x5d: {  	_ =	shalt  }
0x5e: {  	_ =	shalt  }
0x5f: {  	_ =	shalt  }
0x60: {  	_ =	shalt  }
0x61: {  	_ =	shalt  }
0x62: {  	_ =	shalt  }
0x63: {  	_ =	shalt  }
0x64: {  	_ =	shalt  }
0x65: {  	_ =	shalt  }
0x66: {  	_ =	shalt  }
0x67: {  	_ =	shalt  }
0x68: {  	_ =	shalt  }
0x69: {  	_ =	shalt  }
0x6a: {  	_ =	shalt  }
0x6b: {  	_ =	shalt  }
0x6c: {  	_ =	shalt  }
0x6d: {  	_ =	shalt  }
0x6e: {  	_ =	shalt  }
0x6f: {  	_ =	shalt  }
0x70: {  	_ =	shalt  }
0x71: {  	_ =	shalt  }
0x72: {  	_ =	shalt  }
0x73: {  	_ =	shalt  }
0x74: {  	_ =	shalt  }
0x75: {  	_ =	shalt  }
0x76: {  	_ =	shalt  }
0x77: {  	_ =	shalt  }
0x78: {  	_ =	shalt  }
0x79: {  	_ =	shalt  }
0x7a: {  	_ =	shalt  }
0x7b: {  	_ =	shalt  }
0x7c: {  	_ =	shalt  }
0x7d: {  	_ =	shalt  }
0x7e: {  	_ =	shalt  }
0x7f: {  	_ =	shalt  }
0x80: {  	_ =	shalt  }
0x81: {  	_ =	shalt  }
0x82: {  	_ =	shalt  }
0x83: {  	_ =	shalt  }
0x84: {  	_ =	shalt  }
0x85: {  	_ =	shalt  }
0x86: {  	_ =	shalt  }
0x87: {  	_ =	shalt  }
.Lfunc_end0:
.L_simem_size_0:
called_computation.1_lowered:
.L_overlay_start_0:
0x88: {  	s2 =	sld [smem:$0x3FD9]  }
0x89: {  	s3 =	sld [smem:$0x3FFE];
	_ =	sdelay $0x1  }
0x8a: {  	s1 =	srdreg.scid  }
0x8b: {  	s0 =	sand.u32 $0x1, s1  }
0x8c: {  	s17 =	sshll.u32 s0, $0xA;
	s2 =	sadd.s32 s3, s2  }
0x8d: {  	s2 =	sadd.s32 s2, s17  }
0x8e: {  	[smem:$0x3FC7] =	sst s2  }
0x8f: {  	_ = 	snop  }
0x90: {  	s2 =	sld [smem:$0x3FD0];
	(tm) =	ssettm $0x1  }
0x91: {  	s18 =	sld [smem:$0x3FFB];
	_ =	sdelay $0x3  }
0x92: {  	_ =	strace s18  }
0x93: {  	s3 =	sld [smem:$0x3FFC];
	_ =	sdelay $0x3  }
0x94: {  	_ =	strace s3  }
0x95: {  	s3 =	sld [smem:$0x3FFD];
	_ =	sdelay $0x3  }
0x96: {  	_ =	strace s3  }
0x97: {  	_ =	strace $0x8FFFFFFF  }
0x98: {  	s19 =	sld [smem:$0x3FDB];
	_ =	sdelay $0x1  }
0x99: {  	s4 =	simm.s32 $_scs_section_size  }
0x9a: {  	s5 =	simm.s32 $_size__tile_overlayer_lowered;
	s6 =	simm.s32 $_tile_overlayer_lowered  }
0x9b: {  	s22 =	simm.s32 $0x1BFF;
	s21 =	sshll.u32 s6, $0x1;
	s3 =	sadd.s32 s4, s19  }
0x9c: {  	s7 =	simm.s32 $0x0;
	s20 =	sshll.u32 s5, $0x1;
	s5 =	sadd.s32 s21, s3  }
0x9d: {  	[timem:s7], [sflag:s22] =	dma.local [hbm:s5], s20  }
0x9e: {  	_ =	swait.ge [sflag:s22], s20  }
0x9f: {  	s4 =	ssub.s32 $0x0, s20;
	[sflag:s22] =	ssyncset.done $0x0  }
0xa0: {  	[sflag:s22] =	ssyncadd.s32 s4;
	_ =	sdelay $0x1  }
0xa1: {  	s23 =	simm.s32 $0x1B8B  }
0xa2: {  	_ =	swait.ge [sflag:s23], $0x1  }
0xa3: {  	[sflag:s23] =	ssyncset.done $0x0  }
0xa4: {  	s25 =	simm.s32 $0x1B8E;
	s24 =	sld [smem:$0x3FFE];
	[sflag:s23] =	ssyncadd.s32 $0xFFFFFFFF  }
0xa5: {  	s26 =	simm.s32 $execute0_lowered;
	[smem:$0x3FD2] =	sst s25  }
0xa6: {  	s5 =	sshll.u32 s26, $0x1;
	_ =	strace $0x80000049;
	[dreg:$0x1] =	wrdreg $0xFFFFFFFF  }
0xa7: {  	s28 =	simm.s32 $_size_execute0_lowered;
	s3 =	sadd.s32 s3, s5;
	[dreg:$0x0] =	wrdreg $0x0  }
0xa8: {  	s5 =	sshll.u32 s28, $0x1;
	[dreg:$0x2] =	wrdreg s3  }
0xa9: {  	[dreg:$0x3] =	wrdreg s5  }
0xaa: {  	[dreg:$0x4] =	wrdreg $0xC0  }
0xab: {  	_ =	task [dreg:s7], $0x5FFFF  }
0xac: {  	[dreg:$0x1] =	wrdreg $0xFFFFFFFF  }
0xad: {  	[dreg:$0x0] =	wrdreg $0x60  }
0xae: {  	[dreg:$0x2] =	wrdreg s24  }
0xaf: {  	[dreg:$0x3] =	wrdreg s2  }
0xb0: {  	[dreg:$0x4] =	wrdreg $0x9  }
0xb1: {  	_ =	task.clear_ibuf [dreg:s7], $0x5FFFF;
	_ =	strace $0x90000049  }
0xb2: {  	s29 =	simm.s32 $0x9;
	_ =	strace $0x8000004B  }
0xb3: {  	_ =	swait.ge [sflag:s29], $0x1  }
0xb4: {  	[sflag:s29] =	ssyncadd.s32 $0xFFFFFFFF  }
0xb5: {  	_ =	strace $0x9000004B  }
0xb6: {  	_ =	sfence  }
0xb7: {  	s30 =	sld [smem:$0x0];
	_ =	sdelay $0x2  }
0xb8: {  	s31 =	sshll.u32 s1, $0xD;
	s1 =	sshrl.u32 s1, $0x2  }
0xb9: {  	s3 =	sand.u32 $0x4000, s31;
	s1 =	sadd.s32 s1, s30  }
0xba: {  	s0 =	sor.u32 s3, s0;
	s1 =	sshll.u32 s1, $0x11  }
0xbb: {  	s0 =	sor.u32 s1, s0  }
0xbc: {  	s0 =	sadd.s32 $0x8F2B, s0  }
0xbd: {  	[sflag:s0] =	ssyncadd.remote.s32 $0x1  }
0xbe: {  	_ =	sfence.sel $0xFFFF  }
0xbf: {  	[dreg:$0x0] =	wrdreg $0xFFFFFFFF;
	(pc) =	sbr.abs _section_cstart, $3  }
0xc0: {  	[dreg:$0x1] =	wrdreg $0xFFFFFFFF  }
0xc1: {  	_ =	task.clear_ibuf [dreg:s7], $0x2FFFF;
	_ =	strace $0x9FFFFFFF  }
0xc2: {  	(tm) =	ssettm $0x7FFFFFFF  }
0xc3: {  	_ =	shalt  }
tec
execute0_lowered:
.L_overlay_start_1:
0x0: {  	(tag) =	ssettag $0x1  }
0x1: {  	s0 =	srdreg.scid  }
0x2: {  	s11 =	stileid.u32;
	s2 =	simm.s32 $0x18;
	s6 =	rddreg [dreg:$0x0]  }
0x3: {  	s14 =	rddreg [dreg:$0x1];
	s21 =	simm.s32 $0x0;
	s28 =	simm.s32 $0x1  }
0x4: {  	s29 =	simm.s32 $0x14000;
	s30 =	simm.s32 $0x400;
	s31 =	simm.s32 $0x1000  }
0x5: {  	s3 =	sand.u32 $0x1, s0;
	s19 =	sshll.u32 s11, $0x1;
	s8 =	sshrl.u32 s11, $0x3  }
0x6: {  	s4 =	sand.u32 $0x7, s11;
	[smem:$0x7FF] =	sst s21;
	s9 =	smul.u32 $0x18000, s8  }
0x7: {  	s25 =	sshll.u32 s11, $0xF;
	s1 =	sor.u32 s3, s19;
	s24 =	smul.u32 $0x3000000, s8  }
0x8: {  	s3 =	ssub.s32 $0x2, s3;
	s15 =	smul.u32 $0xC0, s8;
	s12 =	sand.u32 $0x30000, s25  }
0x9: {  	s5 =	sand.u32 $0xF, s1;
	s22 =	sshrl.u32 s3, $0x1;
	s1 =	sshll.u32 s1, $0xA  }
0xa: {  	p4 =	seq.s32 s5, $0x2;
	p6 =	seq.s32 s5, $0x3;
	p5 =	seq.s32 s5, $0x4  }
0xb: {  	p1 =	seq.s32 s5, $0x5;
	p2 =	seq.s32 s5, $0x6;
	p3 =	seq.s32 s5, $0x7  }
0xc: {  	p0 =	seq.s32 s5, $0x1;
	s7 =	sshll.u32 s5, $0xA;
	s3 =	ssub.s32 s3, s22  }
0xd: {  	s10 =	sor.u32 $0x40000, s24;
	s1 =	sand.u32 $0xC00, s1;
	s21 =	sor.u32 $0x1, s15  }
0xe: {  	s2 =	simm.s32 @!p4 $0x0;
	s0 =	simm.s32 @!p3 $0x0;
	s8 =	sor.u32 s1, s12  }
0xf: {  	s1 =	sor.u32 s10, s1;
	s2 =	simm.s32 @p6 $0x58;
	s0 =	simm.s32 @p3 $0x1  }
0x10: {  	s1 =	sor.u32 s12, s1;
	s2 =	simm.s32 @p5 $0x8;
	[smem:$0x7FD] =	sst s0  }
0x11: {  	s0 =	simm.s32 $0xC8;
	s1 =	sshrl.u32 s1, $0x3;
	s2 =	simm.s32 @p1 $0x48  }
0x12: {  	s0 =	simm.s32 @!p0 $0x58;
	p0 =	seq.s32 s5, $0xC;
	s20 =	sld [smem:$0x7FD]  }
0x13: {  	_ =	strace $0x8000004A;
	s1 =	sadd.s32 s14, s1;
	[dreg:$0xc] =	wrdreg s21  }
0x14: {  	[dreg:$0x3] =	wrdreg s15;
	s2 =	simm.s32 @p2 $0x88;
	s0 =	simm.s32 @p4 $0x138  }
0x15: {  	p4 =	seq.s32 s5, $0x9;
	s2 =	simm.s32 @p3 $0xC8;
	p3 =	seq.s32 s5, $0x8  }
0x16: {  	[dreg:$0x9] =	wrdreg s1;
	s0 =	simm.s32 @p6 $0x140;
	s2 =	simm.s32 @p3 $0x78  }
0x17: {  	p6 =	seq.s32 s5, $0xA;
	s0 =	simm.s32 @p5 $0x18;
	s2 =	simm.s32 @p4 $0xB8  }
0x18: {  	p5 =	seq.s32 s5, $0xB;
	s0 =	simm.s32 @p1 $0x88;
	s2 =	simm.s32 @p6 $0xF8  }
0x19: {  	p1 =	seq.s32 s5, $0xD;
	s0 =	simm.s32 @p2 $0xF8;
	s2 =	simm.s32 @p5 $0x138  }
0x1a: {  	p2 =	seq.s32 s4, $0x7;
	s4 =	sadd.s32 $0x1400, s6;
	s2 =	simm.s32 @p0 $0xE8  }
0x1b: {  	s6 =	sadd.s32 s7, s6;
	s7 =	sadd.s32 $0x3FEA, s11;
	s2 =	simm.s32 @p1 $0x128  }
0x1c: {  	s6 =	sadd.s32 $0xC01400, s6;
	s2 =	simm.s32 @p2 $0x140;
	p2 =	seq.s32 s20, $0x1  }
0x1d: {  	[dreg:$0x4] =	wrdreg s6;
	s20 =	sor.u32 $0x2, s15;
	s0 =	simm.s32 @p2 $0x140  }
0x1e: {  	s23 =	sadd.s32 s9, s2;
	s2 =	sshll.u32 s2, $0x9;
	s0 =	simm.s32 @p3 $0x0  }
0x1f: {  	s9 =	sor.u32 s24, s8;
	[dreg:$0xb] =	wrdreg s20;
	s0 =	simm.s32 @p4 $0x48  }
0x20: {  	s24 =	sor.u32 $0x3, s15;
	s26 =	sadd.s32 s10, s2;
	s0 =	simm.s32 @p6 $0xB8  }
0x21: {  	s16 =	sshrl.u32 s9, $0x3;
	s22 =	sadd.s32 $0x2F80000, s9;
	s0 =	simm.s32 @p5 $0x128  }
0x22: {  	[dreg:$0xd] =	wrdreg s24;
	s24 =	simm.s32 $0x200;
	s0 =	simm.s32 @p0 $0x0  }
0x23: {  	s17 =	sadd.s32 s14, s16;
	p0 =	seq.s32 s5, $0xE;
	s0 =	simm.s32 @p1 $0x8  }
0x24: {  	[dreg:$0x7] =	wrdreg s17;
	s0 =	simm.s32 @p0 $0x78;
	p0 =	seq.s32 s5, $0xF  }
0x25: {  	s5 =	sshll.u32 s23, $0x9;
	s23 =	sadd.s32 $0x2FC0000, s9;
	s0 =	simm.s32 @p0 $0xE8  }
0x26: {  	s5 =	sadd.s32 s0, s5;
	s6 =	sand.u32 $0x7, s0;
	s11 =	sadd.s32 s0, s26  }
0x27: {  	s16 =	sadd.s32 s2, s0;
	s0 =	sshrl.u32 s22, $0x3;
	s26 =	smax.u32 s3, $0x1  }
0x28: {  	s3 =	simm.s32 $0x3;
	s13 =	sshrl.u32 s5, $0x3;
	s11 =	sshrl.u32 s11, $0x3  }
0x29: {  	s18 =	sadd.s32 $0x80000, s5;
	s5 =	sadd.s32 $0xC0000, s5;
	s0 =	sadd.s32 s14, s0  }
0x2a: {  	[dreg:$0x10] =	wrdreg s26;
	p0 =	seq.s32 s6, $0x0;
	s26 =	simm.s32 $0xB000  }
0x2b: {  	s6 =	simm.s32 $0x4;
	s13 =	sadd.s32 s4, s13;
	s11 =	sadd.s32 s4, s11  }
0x2c: {  	s10 =	sshrl.u32 s18, $0x3;
	s19 =	sshrl.u32 s5, $0x3;
	[dreg:$0xe] =	wrdreg s0  }
0x2d: {  	s18 =	smov.u32 s14;
	s0 =	simm.s32 $0x18000;
	[dreg:$0x5] =	wrdreg s13  }
0x2e: {  	v0 =	vlaneseq.u32;
	s5 =	simm.s32 $0x0;
	[dreg:$0x6] =	wrdreg s11;
	s1 =	sadd.s32 s4, s19  }
0x2f: {  	v1 =	vor.u32 $0x10, v0;
	s10 =	sadd.s32 s4, s10;
	[dreg:$0xa] =	wrdreg s1;
	s1 =	sshrl.u32 s23, $0x3  }
0x30: {  	v2 =	vor.u32 $0x20, v0;
	v3 =	vor.u32 $0x30, v0;
	v4 =	vor.u32 $0x40, v0;
	[dreg:$0x8] =	wrdreg s10;
	s23 =	simm.s32 $0xC0;
	s25 =	sadd.s32 s14, s1  }
0x31: {  	v5 =	vor.u32 $0x50, v0;
	v6 =	vor.u32 $0x60, v0;
	v7 =	vor.u32 $0x70, v0;
	s1 =	simm.s32 $0x2;
	[dreg:$0xf] =	wrdreg s25;
	s25 =	simm.s32 $0x2000  }
.LBB2_1:
0x32: {  	[dreg:$0x11] =	wrdreg s5  }
0x33: {  	s2 =	simm.s32 $0x0;
	s13 =	rddreg [dreg:$0x4];
	s14 =	simm.s32 $0x5  }
0x34: {  	[tilespmem:s2], [sflag:$0x5] =	stream.linear.gather [hbm4b:s13+s2], $0x2000, $0x38;
	[tilespmem:$0x1C000] =	vst v63  }
0x35: {  	_ =	swait.ge [sflag:s14], $0x2000  }
0x36: {  	s2 =	sld [smem:$0x7FF];
	_ =	sdelay $0x2  }
0x37: {  	p1 =	sne.s32 @!p0 s2, $0x1  }
0x38: {  	[sflag:s14] =	ssyncset.done $0x0;
	p1 =	por !p1, p0  }
0x39: {  	[sflag:s14] =	ssyncadd.s32 $0xFFFFE000;
	s2 =	sor.u32 @!p1 $0x100000, s7  }
0x3a: {  	[smem:s2], [sflag:$0x0] =	smem.add.s32 @!p1 $0xB9;
	s2 =	simm.s32 @!p1 $0x0  }
0x3b: {  	s5 =	simm.s32 @!p1 $0x1;
	_ =	swait.done @!p1 [sflag:s2]  }
0x3c: {  	[smem:$0x7FF] =	sst @!p1 s5  }
0x3d: {  	_ =	sint @!p1 $0x2  }
0x3e: {  	_ =	swait.notdone @!p1 [sflag:s2]  }
0x3f: {  	s2 =	sld [smem:$0x7FF]  }
0x40: {  	s15 =	rddreg [dreg:$0x5]  }
0x41: {  	[tilespmem:s25], [sflag:$0x1] =	stream.strided.gather [hbm4b:s15+s23], $0x9000, s24, s23, $0x38;
	[tilespmem:$0x1C000] =	vst v63  }
0x42: {  	p1 =	sne.s32 @!p0 s2, $0x1  }
0x43: {  	p1 =	por !p1, p0  }
0x44: {  	s2 =	sor.u32 @!p1 $0x100000, s7  }
0x45: {  	[smem:s2], [sflag:$0x0] =	smem.add.s32 @!p1 $0xBE;
	s2 =	simm.s32 @!p1 $0x0  }
0x46: {  	s5 =	simm.s32 @!p1 $0x1;
	_ =	swait.done @!p1 [sflag:s2]  }
0x47: {  	[smem:$0x7FF] =	sst @!p1 s5  }
0x48: {  	_ =	sint @!p1 $0x2  }
0x49: {  	_ =	swait.notdone @!p1 [sflag:s2]  }
0x4a: {  	s2 =	rddreg [dreg:$0x6]  }
0x4b: {  	[tilespmem:s26], [sflag:$0x2] =	stream.strided.gather [hbm4b:s2+s23], $0x9000, s24, s23, $0x38;
	[tilespmem:$0x1C000] =	vst v63  }
0x4c: {  	_ =	swait.ge [sflag:s28], $0x9000  }
0x4d: {  	[sflag:s28] =	ssyncset.done $0x0  }
0x4e: {  	s19 =	simm.s32 $0x40;
	[sflag:s28] =	ssyncadd.s32 $0xFFFF7000  }
0x4f: {  	v8 =	vld [tilespmem:s19+$0x0];
	_ =	sdelay $0x4  }
0x50: {  	v9 =	vshrl.u32 v8, $0x8  }
0x51: {  	v9 =	vand.u32 $0xFF, v9  }
0x52: {  	v9 =	vmul.u32 $0xC0, v9  }
0x53: {  	v10 =	vand.u32 $0xF8, v8  }
0x54: {  	v11 =	vand.u32 $0x7, v8;
	v9 =	vadd.s32 v10, v9  }
0x55: {  	v9 =	vor.u32 v11, v9  }
0x56: {  	s17 =	simm.s32 $0x1  }
0x57: {  	s20 =	simm.s32 $0x0;
	s2 =	sand.u32 $0x7, s17;
	v10 =	vshrl.u32 v8, $0x18  }
0x58: {  	s5 =	sand.u32 $0xFFFFFC00, s20;
	s2 =	sshll.u32 s2, $0x7;
	v8 =	vshrl.u32 v8, $0x10;
	v10 =	vmul.u32 $0xC0, v10  }
0x59: {  	s9 =	sor.u32 s5, s2;
	v11 =	vand.u32 $0xF8, v8  }
0x5a: {  	v12 =	vor.u32 s9, v0;
	v8 =	vand.u32 $0x7, v8;
	v10 =	vadd.s32 v11, v10;
	v9 =	vld.idx.msk [tilespmem:v9+s25+$0x0], $0xffff  }
0x5b: {  	v8 =	vor.u32 v8, v10;
	_ =	sdelay $0x3  }
0x5c: {  	[tilespmem:v12+s29+$0x0] =	vst.idx.msk $0xffff, v9  }
0x5d: {  	v9 =	vor.u32 s9, v1;
	v8 =	vld.idx.msk [tilespmem:v8+s25+$0x0], $0xffff;
	_ =	sdelay $0x4  }
0x5e: {  	[tilespmem:v9+s29+$0x0] =	vst.idx.msk $0xffff, v8  }
0x5f: {  	v8 =	vld [tilespmem:s19+$0x10];
	_ =	sdelay $0x4  }
0x60: {  	v9 =	vshrl.u32 v8, $0x8  }
0x61: {  	v9 =	vand.u32 $0xFF, v9  }
0x62: {  	v9 =	vmul.u32 $0xC0, v9  }
0x63: {  	v10 =	vld [tilespmem:s19+$0xFFFFFFC0];
	v11 =	vand.u32 $0xF8, v8  }
0x64: {  	s10 =	simm.s32 $0xC0;
	v12 =	vand.u32 $0x7, v8;
	v9 =	vadd.s32 v11, v9  }
0x65: {  	v11 =	vld [tilespmem:s10+$0x0];
	v9 =	vor.u32 v12, v9;
	_ =	sdelay $0x1  }
0x66: {  	v15 =	vor.u32 s9, v2;
	v13 =	vshrl.u32 v8, $0x18  }
0x67: {  	v8 =	vshrl.u32 v8, $0x10;
	v13 =	vmul.u32 $0xC0, v13;
	v12 =	vshrl.u32 v10, $0x8  }
0x68: {  	v14 =	vand.u32 $0xF8, v8;
	v8 =	vand.u32 $0x7, v8;
	v12 =	vand.u32 $0xFF, v12  }
0x69: {  	v13 =	vadd.s32 v14, v13;
	v12 =	vmul.u32 $0xC0, v12;
	v14 =	vshrl.u32 v11, $0x8;
	v9 =	vld.idx.msk [tilespmem:v9+s25+$0x0], $0xffff  }
0x6a: {  	v16 =	vand.u32 $0xF8, v10;
	v8 =	vor.u32 v8, v13;
	v13 =	vand.u32 $0xFF, v14  }
0x6b: {  	v12 =	vadd.s32 v16, v12;
	v14 =	vand.u32 $0x7, v10;
	v13 =	vmul.u32 $0xC0, v13  }
0x6c: {  	v12 =	vor.u32 v14, v12;
	v14 =	vand.u32 $0xF8, v11  }
0x6d: {  	s21 =	simm.s32 $0x0;
	v16 =	vshrl.u32 v10, $0x18;
	v17 =	vand.u32 $0x7, v11;
	v13 =	vadd.s32 v14, v13  }
0x6e: {  	s2 =	sand.u32 $0x6, s21;
	v14 =	vmul.u32 $0xC0, v16;
	v16 =	vld [tilespmem:s10+$0xFFFFFFC0];
	[tilespmem:v15+s29+$0x0] =	vst.idx.msk $0xffff, v9;
	v9 =	vor.u32 v17, v13  }
0x6f: {  	s22 =	simm.s32 $0x3;
	s2 =	sshll.u32 s2, $0x7;
	v18 =	vshrl.u32 v11, $0x18;
	v10 =	vshrl.u32 v10, $0x10;
	v15 =	vor.u32 s9, v3;
	v8 =	vld.idx.msk [tilespmem:v8+s25+$0x0], $0xffff  }
0x70: {  	s11 =	simm.s32 $0x100;
	s2 =	sor.u32 s2, s5;
	s5 =	sand.u32 $0x7, s22;
	v11 =	vshrl.u32 v11, $0x10;
	v17 =	vand.u32 $0x7, v10;
	v10 =	vand.u32 $0xF8, v10  }
0x71: {  	s11 =	sand.u32 $0xFFFFFC00, s11;
	s5 =	sshll.u32 s5, $0x7;
	v13 =	vor.u32 s2, v0;
	v10 =	vadd.s32 v10, v14;
	v12 =	vld.idx.msk [tilespmem:v12+s25+$0x0], $0xffff;
	v14 =	vmul.u32 $0xC0, v18  }
0x72: {  	s21 =	sor.u32 s11, s5;
	v10 =	vor.u32 v17, v10;
	v17 =	vand.u32 $0xF8, v11  }
0x73: {  	v18 =	vor.u32 s21, v0;
	v11 =	vand.u32 $0x7, v11;
	v14 =	vadd.s32 v17, v14;
	v9 =	vld.idx.msk [tilespmem:v9+s25+$0x0], $0xffff  }
0x74: {  	s12 =	simm.s32 $0x2;
	v17 =	vshrl.u32 v16, $0x8;
	[tilespmem:v15+s29+$0x0] =	vst.idx.msk $0xffff, v8;
	v8 =	vor.u32 v11, v14  }
0x75: {  	s5 =	sand.u32 $0x6, s12;
	v11 =	vand.u32 $0xFF, v17;
	v15 =	vld [tilespmem:s19+$0x20]  }
0x76: {  	s5 =	sshll.u32 s5, $0x7;
	[tilespmem:v13+s29+$0x0] =	vst.idx.msk $0xffff, v12;
	v11 =	vmul.u32 $0xC0, v11  }
0x77: {  	s12 =	sor.u32 s5, s11;
	s11 =	simm.s32 $0x140;
	v12 =	vor.u32 s2, v1;
	v13 =	vand.u32 $0xF8, v16;
	v10 =	vld.idx.msk [tilespmem:v10+s25+$0x0], $0xffff  }
0x78: {  	v32 =	vld [tilespmem:s11+$0xFFFFFFC0];
	v14 =	vand.u32 $0x7, v16;
	v11 =	vadd.s32 v13, v11;
	[tilespmem:v18+s29+$0x0] =	vst.idx.msk $0xffff, v9  }
0x79: {  	v9 =	vor.u32 v14, v11;
	v11 =	vor.u32 s21, v1;
	v8 =	vld.idx.msk [tilespmem:v8+s25+$0x0], $0xffff  }
0x7a: {  	v23 =	vor.u32 s9, v4;
	v13 =	vshrl.u32 v15, $0x8  }
0x7b: {  	v19 =	vor.u32 s2, v4;
	v27 =	vor.u32 s21, v2;
	v13 =	vand.u32 $0xFF, v13  }
0x7c: {  	v55 =	vor.u32 s21, v5;
	v14 =	vshrl.u32 v16, $0x18;
	[tilespmem:v12+s29+$0x0] =	vst.idx.msk $0xffff, v10;
	v12 =	vmul.u32 $0xC0, v13  }
0x7d: {  	v10 =	vmul.u32 $0xC0, v14;
	v14 =	vshrl.u32 v16, $0x10;
	v16 =	vand.u32 $0xF8, v15;
	v13 =	vld [tilespmem:s19+$0xFFFFFFD0]  }
0x7e: {  	v61 =	vshrl.u32 v32, $0x18;
	v20 =	vld.idx.msk [tilespmem:v9+s25+$0x0], $0xffff;
	v9 =	vand.u32 $0x7, v15;
	v12 =	vadd.s32 v16, v12;
	[tilespmem:v11+s29+$0x0] =	vst.idx.msk $0xffff, v8  }
0x7f: {  	v17 =	vor.u32 s12, v0;
	v18 =	vand.u32 $0xF8, v14;
	v11 =	vor.u32 v9, v12;
	v12 =	vld [tilespmem:s10+$0x10]  }
0x80: {  	v10 =	vadd.s32 v18, v10;
	v18 =	vor.u32 s2, v5;
	v8 =	vand.u32 $0x7, v14  }
0x81: {  	v16 =	vor.u32 s2, v2;
	v8 =	vor.u32 v8, v10;
	v10 =	vshrl.u32 v15, $0x18  }
0x82: {  	v14 =	vor.u32 s2, v3;
	v15 =	vshrl.u32 v15, $0x10;
	v10 =	vmul.u32 $0xC0, v10  }
0x83: {  	v9 =	vor.u32 s2, v6;
	v22 =	vand.u32 $0xF8, v15;
	v15 =	vand.u32 $0x7, v15  }
0x84: {  	v21 =	vshrl.u32 v13, $0x8;
	[tilespmem:v17+s29+$0x0] =	vst.idx.msk $0xffff, v20;
	v10 =	vadd.s32 v22, v10;
	v11 =	vld.idx.msk [tilespmem:v11+s25+$0x0], $0xffff;
	v17 =	vshrl.u32 v12, $0x8  }
0x85: {  	v25 =	vand.u32 $0x7, v13;
	v10 =	vor.u32 v15, v10;
	v15 =	vand.u32 $0xFF, v17  }
0x86: {  	v20 =	vor.u32 s12, v1;
	v22 =	vld.idx.msk [tilespmem:v8+s25+$0x0], $0xffff;
	v17 =	vand.u32 $0xFF, v21;
	v15 =	vmul.u32 $0xC0, v15  }
0x87: {  	v8 =	vor.u32 s2, v7;
	v24 =	vand.u32 $0xF8, v12;
	v17 =	vmul.u32 $0xC0, v17  }
0x88: {  	v26 =	vand.u32 $0x7, v12;
	v21 =	vand.u32 $0xF8, v13;
	v15 =	vadd.s32 v24, v15  }
0x89: {  	v24 =	vshrl.u32 v13, $0x18;
	v17 =	vadd.s32 v21, v17;
	[tilespmem:v23+s29+$0x0] =	vst.idx.msk $0xffff, v11;
	v11 =	vor.u32 v26, v15  }
0x8a: {  	v13 =	vshrl.u32 v13, $0x10;
	v21 =	vshrl.u32 v12, $0x18;
	v17 =	vor.u32 v25, v17;
	v25 =	vld [tilespmem:s11+$0x0]  }
0x8b: {  	v12 =	vshrl.u32 v12, $0x10;
	v15 =	vmul.u32 $0xC0, v24;
	[tilespmem:v20+s29+$0x0] =	vst.idx.msk $0xffff, v22;
	v20 =	vand.u32 $0xF8, v13  }
0x8c: {  	v23 =	vor.u32 s9, v5;
	v13 =	vand.u32 $0x7, v13;
	v24 =	vmul.u32 $0xC0, v21;
	v22 =	vld [tilespmem:s10+$0xFFFFFFD0]  }
0x8d: {  	v21 =	vor.u32 s12, v2;
	v10 =	vld.idx.msk [tilespmem:v10+s25+$0x0], $0xffff;
	v15 =	vadd.s32 v20, v15;
	v20 =	vand.u32 $0xF8, v12  }
0x8e: {  	v15 =	vor.u32 v13, v15;
	v13 =	vor.u32 s12, v4;
	v26 =	vld.idx.msk [tilespmem:v11+s25+$0x0], $0xffff;
	v11 =	vand.u32 $0x7, v12  }
0x8f: {  	s13 =	simm.s32 $0x5;
	v12 =	vadd.s32 v20, v24;
	v20 =	vor.u32 s12, v3;
	v31 =	vshrl.u32 v25, $0x8  }
0x90: {  	s14 =	simm.s32 $0x200;
	s2 =	sand.u32 $0x7, s13;
	v35 =	vand.u32 $0x7, v25;
	v59 =	vshrl.u32 v25, $0x18;
	v24 =	vor.u32 v11, v12  }
0x91: {  	s15 =	simm.s32 $0x4;
	s5 =	sand.u32 $0xFFFFFC00, s14;
	s2 =	sshll.u32 s2, $0x7;
	v12 =	vor.u32 s12, v5;
	v28 =	vshrl.u32 v22, $0x8;
	v11 =	vor.u32 s12, v6  }
0x92: {  	[tilespmem:v23+s29+$0x0] =	vst.idx.msk $0xffff, v10;
	v10 =	vor.u32 s12, v7;
	v30 =	vand.u32 $0x7, v22;
	v33 =	vshrl.u32 v22, $0x10;
	s12 =	sor.u32 s5, s2;
	s2 =	sand.u32 $0x6, s15  }
0x93: {  	v31 =	vand.u32 $0xFF, v31;
	v23 =	vand.u32 $0xFF, v28;
	v29 =	vld [tilespmem:s19+$0x30];
	v28 =	vand.u32 $0xF8, v22;
	s2 =	sshll.u32 s2, $0x7  }
0x94: {  	v22 =	vshrl.u32 v22, $0x18;
	v36 =	vor.u32 s12, v0;
	v23 =	vmul.u32 $0xC0, v23;
	s2 =	sor.u32 s2, s5  }
0x95: {  	v17 =	vld.idx.msk [tilespmem:v17+s25+$0x0], $0xffff;
	v41 =	vor.u32 s12, v1;
	v44 =	vand.u32 $0x7, v33;
	v63 =	vor.u32 s2, v0;
	[tilespmem:v27+s29+$0x0] =	vst.idx.msk $0xffff, v26  }
0x96: {  	v26 =	vmul.u32 $0xC0, v31;
	v27 =	vor.u32 s21, v3;
	v23 =	vadd.s32 v28, v23;
	v24 =	vld.idx.msk [tilespmem:v24+s25+$0x0], $0xffff  }
0x97: {  	v31 =	vmul.u32 $0xC0, v22;
	v22 =	vand.u32 $0xF8, v25;
	v28 =	vor.u32 v30, v23  }
0x98: {  	v34 =	vshrl.u32 v29, $0x8;
	v22 =	vadd.s32 v22, v26;
	v26 =	vshrl.u32 v32, $0x8  }
0x99: {  	s14 =	simm.s32 $0x1C0;
	v30 =	vand.u32 $0xF8, v29;
	v58 =	vand.u32 $0x7, v29;
	v22 =	vor.u32 v35, v22  }
0x9a: {  	v56 =	vld [tilespmem:s14+$0x0];
	[tilespmem:v16+s29+$0x0] =	vst.idx.msk $0xffff, v17;
	v62 =	vshrl.u32 v29, $0x18;
	v16 =	vshrl.u32 v29, $0x10;
	v23 =	vand.u32 $0xFF, v34  }
0x9b: {  	v15 =	vld.idx.msk [tilespmem:v15+s25+$0x0], $0xffff;
	v26 =	vand.u32 $0xFF, v26;
	v29 =	vand.u32 $0xF8, v16;
	v23 =	vmul.u32 $0xC0, v23;
	[tilespmem:v27+s29+$0x0] =	vst.idx.msk $0xffff, v24  }
0x9c: {  	v26 =	vmul.u32 $0xC0, v26;
	v24 =	vshrl.u32 v25, $0x10;
	v25 =	vmul.u32 $0xC0, v59;
	v27 =	vld [tilespmem:s10+$0x20]  }
0x9d: {  	v23 =	vadd.s32 v30, v23;
	v30 =	vand.u32 $0xF8, v32;
	v60 =	vand.u32 $0xF8, v24  }
0x9e: {  	v37 =	vand.u32 $0x7, v24;
	v24 =	vor.u32 v58, v23;
	v22 =	vld.idx.msk [tilespmem:v22+s25+$0x0], $0xffff;
	v25 =	vadd.s32 v60, v25  }
0x9f: {  	v23 =	vand.u32 $0x7, v32;
	v26 =	vadd.s32 v30, v26;
	v25 =	vor.u32 v37, v25  }
0xa0: {  	[tilespmem:v14+s29+$0x0] =	vst.idx.msk $0xffff, v15;
	v14 =	vand.u32 $0x7, v16;
	v17 =	vor.u32 v23, v26;
	v26 =	vmul.u32 $0xC0, v62  }
0xa1: {  	v30 =	vmul.u32 $0xC0, v61;
	v61 =	vshrl.u32 v56, $0x8;
	v23 =	vshrl.u32 v27, $0x8  }
0xa2: {  	v15 =	vadd.s32 v29, v26;
	v29 =	vld [tilespmem:s19+$0xFFFFFFE0];
	v26 =	vand.u32 $0xF8, v33;
	v23 =	vand.u32 $0xFF, v23  }
0xa3: {  	v26 =	vadd.s32 v26, v31;
	v43 =	vand.u32 $0x7, v27;
	[tilespmem:v36+s29+$0x0] =	vst.idx.msk $0xffff, v22;
	v22 =	vmul.u32 $0xC0, v23  }
0xa4: {  	v31 =	vor.u32 v44, v26;
	v23 =	vshrl.u32 v32, $0x10;
	v40 =	vld.idx.msk [tilespmem:v25+s25+$0x0], $0xffff;
	v25 =	vand.u32 $0xF8, v27  }
0xa5: {  	v26 =	vor.u32 s2, v3;
	v42 =	vand.u32 $0xF8, v23;
	v22 =	vadd.s32 v25, v22  }
0xa6: {  	v44 =	vand.u32 $0xF8, v56;
	v17 =	vld.idx.msk [tilespmem:v17+s25+$0x0], $0xffff;
	v25 =	vadd.s32 v42, v30;
	v30 =	vor.u32 v43, v22  }
0xa7: {  	v23 =	vand.u32 $0x7, v23;
	v47 =	vshrl.u32 v29, $0x8;
	v48 =	vand.u32 $0xF8, v29  }
0xa8: {  	v28 =	vld.idx.msk [tilespmem:v28+s25+$0x0], $0xffff;
	v16 =	vor.u32 v23, v25;
	v25 =	vor.u32 v14, v15;
	v14 =	vshrl.u32 v27, $0x18  }
0xa9: {  	v49 =	vand.u32 $0x7, v29;
	v23 =	vshrl.u32 v27, $0x10;
	v14 =	vmul.u32 $0xC0, v14;
	[tilespmem:v41+s29+$0x0] =	vst.idx.msk $0xffff, v40;
	v41 =	vld [tilespmem:s14+$0xFFFFFFC0]  }
0xaa: {  	v50 =	vshrl.u32 v29, $0x18;
	v29 =	vshrl.u32 v29, $0x10;
	v27 =	vand.u32 $0xF8, v23;
	v45 =	vld [tilespmem:s11+$0x10]  }
0xab: {  	[tilespmem:v63+s29+$0x0] =	vst.idx.msk $0xffff, v17;
	v46 =	vand.u32 $0x7, v23;
	v14 =	vadd.s32 v27, v14;
	v17 =	vld.idx.msk [tilespmem:v30+s25+$0x0], $0xffff;
	v30 =	vor.u32 s21, v4  }
0xac: {  	v32 =	vand.u32 $0xFF, v47;
	v36 =	vmul.u32 $0xC0, v50;
	v14 =	vor.u32 v46, v14  }
0xad: {  	v42 =	vor.u32 s12, v2;
	v22 =	vor.u32 s9, v6;
	v15 =	vor.u32 s2, v1;
	v16 =	vld.idx.msk [tilespmem:v16+s25+$0x0], $0xffff  }
0xae: {  	v32 =	vmul.u32 $0xC0, v32;
	v23 =	vor.u32 s9, v7;
	v27 =	vor.u32 s2, v2  }
0xaf: {  	[tilespmem:v21+s29+$0x0] =	vst.idx.msk $0xffff, v28;
	v21 =	vand.u32 $0x7, v41;
	v28 =	vshrl.u32 v41, $0x18;
	v51 =	vshrl.u32 v45, $0x8  }
0xb0: {  	v38 =	vshrl.u32 v45, $0x18;
	v33 =	vshrl.u32 v45, $0x10;
	v52 =	vand.u32 $0xFF, v51;
	[tilespmem:v30+s29+$0x0] =	vst.idx.msk $0xffff, v17  }
0xb1: {  	v38 =	vmul.u32 $0xC0, v38;
	v59 =	vand.u32 $0xF8, v33;
	v53 =	vld.idx.msk [tilespmem:v14+s25+$0x0], $0xffff;
	v14 =	vmul.u32 $0xC0, v52  }
0xb2: {  	v33 =	vand.u32 $0x7, v33;
	v30 =	vand.u32 $0xF8, v29;
	[tilespmem:v15+s29+$0x0] =	vst.idx.msk $0xffff, v16;
	v16 =	vand.u32 $0xF8, v45  }
0xb3: {  	v15 =	vadd.s32 v30, v36;
	v30 =	vand.u32 $0x7, v45;
	v14 =	vadd.s32 v16, v14  }
0xb4: {  	v17 =	vadd.s32 v48, v32;
	v29 =	vand.u32 $0x7, v29;
	v30 =	vor.u32 v30, v14  }
0xb5: {  	v48 =	vshrl.u32 v41, $0x8;
	v35 =	vor.u32 v49, v17;
	v54 =	vld [tilespmem:s11+$0xFFFFFFD0];
	v38 =	vadd.s32 v59, v38  }
0xb6: {  	v17 =	vor.u32 s2, v4;
	v33 =	vor.u32 v33, v38;
	v38 =	vand.u32 $0xFF, v61  }
0xb7: {  	v49 =	vor.u32 s12, v3;
	v52 =	vand.u32 $0xF8, v41;
	v62 =	vmul.u32 $0xC0, v38  }
0xb8: {  	v36 =	vshrl.u32 v56, $0x10;
	v29 =	vor.u32 v29, v15;
	v15 =	vor.u32 s2, v6  }
0xb9: {  	v16 =	vor.u32 s2, v5;
	v14 =	vor.u32 s2, v7;
	v37 =	vadd.s32 v44, v62;
	v30 =	vld.idx.msk [tilespmem:v30+s25+$0x0], $0xffff  }
0xba: {  	s20 =	simm.s32 $0x300;
	s17 =	simm.s32 $0x7;
	v39 =	vshrl.u32 v54, $0x8;
	v58 =	vand.u32 $0xF8, v54;
	v60 =	vand.u32 $0x7, v54  }
0xbb: {  	s5 =	sand.u32 $0xFFFFFC00, s20;
	s20 =	simm.s32 $0x6;
	v31 =	vld.idx.msk [tilespmem:v31+s25+$0x0], $0xffff;
	s2 =	sand.u32 $0x7, s17;
	[tilespmem:v55+s29+$0x0] =	vst.idx.msk $0xffff, v53;
	v43 =	vshrl.u32 v54, $0x10;
	v32 =	vshrl.u32 v54, $0x18;
	v53 =	vshrl.u32 v56, $0x18  }
0xbc: {  	s22 =	sand.u32 $0x6, s20;
	s2 =	sshll.u32 s2, $0x7;
	v54 =	vand.u32 $0x7, v36;
	v36 =	vand.u32 $0xF8, v36;
	v35 =	vld.idx.msk [tilespmem:v35+s25+$0x0], $0xffff;
	v57 =	vand.u32 $0xFF, v39  }
0xbd: {  	s13 =	sor.u32 s5, s2;
	s2 =	sshll.u32 s22, $0x7;
	v40 =	vld [tilespmem:s10+$0x30];
	v32 =	vmul.u32 $0xC0, v32;
	v39 =	vand.u32 $0xFF, v48;
	v44 =	vmul.u32 $0xC0, v53  }
0xbe: {  	s2 =	sor.u32 s2, s5;
	v34 =	vmul.u32 $0xC0, v57;
	v39 =	vmul.u32 $0xC0, v39;
	[tilespmem:v42+s29+$0x0] =	vst.idx.msk $0xffff, v30;
	v30 =	vand.u32 $0x7, v56  }
0xbf: {  	v45 =	vor.u32 s13, v0;
	v59 =	vor.u32 s2, v0;
	v33 =	vld.idx.msk [tilespmem:v33+s25+$0x0], $0xffff;
	v30 =	vor.u32 v30, v37  }
0xc0: {  	v48 =	vld.idx.msk [tilespmem:v24+s25+$0x0], $0xffff;
	v36 =	vadd.s32 v36, v44;
	v34 =	vadd.s32 v58, v34;
	v39 =	vadd.s32 v52, v39  }
0xc1: {  	[tilespmem:v20+s29+$0x0] =	vst.idx.msk $0xffff, v31;
	v34 =	vor.u32 v60, v34;
	v20 =	vor.u32 v21, v39;
	v21 =	vmul.u32 $0xC0, v28  }
0xc2: {  	v58 =	vld [tilespmem:s10+$0xFFFFFFE0];
	v28 =	vshrl.u32 v41, $0x10;
	v39 =	vor.u32 s2, v1;
	[tilespmem:v19+s29+$0x0] =	vst.idx.msk $0xffff, v35;
	v63 =	vshrl.u32 v40, $0x8  }
0xc3: {  	v50 =	vand.u32 $0xF8, v40;
	v51 =	vand.u32 $0x7, v40;
	v55 =	vshrl.u32 v40, $0x18;
	v29 =	vld.idx.msk [tilespmem:v29+s25+$0x0], $0xffff  }
0xc4: {  	v40 =	vshrl.u32 v40, $0x10;
	v60 =	vand.u32 $0x7, v28;
	v28 =	vand.u32 $0xF8, v28;
	[tilespmem:v49+s29+$0x0] =	vst.idx.msk $0xffff, v33;
	v30 =	vld.idx.msk [tilespmem:v30+s25+$0x0], $0xffff  }
0xc5: {  	[tilespmem:v22+s29+$0x0] =	vst.idx.msk $0xffff, v48;
	v22 =	vor.u32 s2, v5;
	v38 =	vand.u32 $0xFF, v63;
	v33 =	vor.u32 v54, v36;
	v56 =	vld [tilespmem:s11+$0x20]  }
0xc6: {  	v57 =	vand.u32 $0xF8, v40;
	v40 =	vand.u32 $0x7, v40;
	v21 =	vadd.s32 v28, v21  }
0xc7: {  	v28 =	vand.u32 $0xF8, v43;
	v63 =	vand.u32 $0x7, v43;
	v38 =	vmul.u32 $0xC0, v38  }
0xc8: {  	v42 =	vor.u32 s21, v6;
	v62 =	vor.u32 v60, v21;
	v28 =	vadd.s32 v28, v32  }
0xc9: {  	v21 =	vor.u32 s13, v1;
	v37 =	vmul.u32 $0xC0, v55;
	v35 =	vor.u32 v63, v28;
	v20 =	vld.idx.msk [tilespmem:v20+s25+$0x0], $0xffff;
	[tilespmem:v45+s29+$0x0] =	vst.idx.msk $0xffff, v30  }
0xca: {  	v47 =	vshrl.u32 v58, $0x8;
	v38 =	vadd.s32 v50, v38;
	[tilespmem:v18+s29+$0x0] =	vst.idx.msk $0xffff, v29;
	v61 =	vshrl.u32 v56, $0x8;
	v19 =	vld.idx.msk [tilespmem:v33+s25+$0x0], $0xffff  }
0xcb: {  	v24 =	vand.u32 $0xFF, v47;
	v38 =	vor.u32 v51, v38;
	v52 =	vld [tilespmem:s19+$0xFFFFFFF0];
	v30 =	vand.u32 $0xFF, v61  }
0xcc: {  	v24 =	vmul.u32 $0xC0, v24;
	v18 =	vand.u32 $0x7, v58;
	v30 =	vmul.u32 $0xC0, v30  }
0xcd: {  	v36 =	vadd.s32 v57, v37;
	v49 =	vor.u32 s21, v7;
	v45 =	vand.u32 $0xF8, v56  }
0xce: {  	v31 =	vor.u32 v40, v36;
	v46 =	vand.u32 $0x7, v56;
	v30 =	vadd.s32 v45, v30  }
0xcf: {  	v50 =	vld.idx.msk [tilespmem:v34+s25+$0x0], $0xffff;
	v36 =	vshrl.u32 v58, $0x10;
	v28 =	vshrl.u32 v56, $0x18;
	v30 =	vor.u32 v46, v30;
	[tilespmem:v21+s29+$0x0] =	vst.idx.msk $0xffff, v19  }
0xd0: {  	[tilespmem:v59+s29+$0x0] =	vst.idx.msk $0xffff, v20;
	v59 =	vand.u32 $0xF8, v52;
	v51 =	vmul.u32 $0xC0, v28;
	v61 =	vand.u32 $0x7, v52;
	v28 =	vld [tilespmem:s14+$0x10]  }
0xd1: {  	v19 =	vand.u32 $0xF8, v58;
	v21 =	vshrl.u32 v56, $0x10;
	v56 =	vand.u32 $0x7, v36  }
0xd2: {  	v53 =	vld.idx.msk [tilespmem:v38+s25+$0x0], $0xffff;
	v29 =	vand.u32 $0xF8, v21;
	v19 =	vadd.s32 v19, v24;
	v21 =	vand.u32 $0x7, v21  }
0xd3: {  	v55 =	vld.idx.msk [tilespmem:v62+s25+$0x0], $0xffff;
	v24 =	vadd.s32 v29, v51;
	v29 =	vshrl.u32 v58, $0x18;
	v18 =	vor.u32 v18, v19  }
0xd4: {  	v19 =	vor.u32 s2, v3;
	v29 =	vmul.u32 $0xC0, v29;
	v20 =	vld.idx.msk [tilespmem:v30+s25+$0x0], $0xffff;
	v30 =	vor.u32 s12, v4  }
0xd5: {  	[tilespmem:v27+s29+$0x0] =	vst.idx.msk $0xffff, v50;
	v54 =	vor.u32 v21, v24;
	v24 =	vand.u32 $0xF8, v36;
	v27 =	vshrl.u32 v28, $0x8  }
0xd6: {  	v35 =	vld.idx.msk [tilespmem:v35+s25+$0x0], $0xffff;
	v58 =	vshrl.u32 v52, $0x8;
	v29 =	vadd.s32 v24, v29;
	v57 =	vand.u32 $0xFF, v27  }
0xd7: {  	v25 =	vld.idx.msk [tilespmem:v25+s25+$0x0], $0xffff;
	[tilespmem:v42+s29+$0x0] =	vst.idx.msk $0xffff, v53;
	v33 =	vand.u32 $0xFF, v58;
	v27 =	vor.u32 v56, v29;
	v29 =	vmul.u32 $0xC0, v57  }
0xd8: {  	[tilespmem:v39+s29+$0x0] =	vst.idx.msk $0xffff, v55;
	v60 =	vld.idx.msk [tilespmem:v31+s25+$0x0], $0xffff;
	v21 =	vor.u32 s2, v2;
	v62 =	vmul.u32 $0xC0, v33;
	v31 =	vand.u32 $0xF8, v28  }
0xd9: {  	v33 =	vld [tilespmem:s14+$0xFFFFFFD0];
	v24 =	vor.u32 s2, v4;
	[tilespmem:v30+s29+$0x0] =	vst.idx.msk $0xffff, v20;
	v20 =	vadd.s32 v31, v29;
	v30 =	vand.u32 $0x7, v28  }
0xda: {  	v31 =	vor.u32 s12, v5;
	v29 =	vld.idx.msk [tilespmem:v54+s25+$0x0], $0xffff;
	v34 =	vor.u32 v30, v20;
	v20 =	vshrl.u32 v52, $0x18  }
0xdb: {  	[tilespmem:v26+s29+$0x0] =	vst.idx.msk $0xffff, v35;
	v26 =	vadd.s32 v59, v62;
	v30 =	vshrl.u32 v52, $0x10;
	v63 =	vmul.u32 $0xC0, v20  }
0xdc: {  	[tilespmem:v23+s29+$0x0] =	vst.idx.msk $0xffff, v25;
	v23 =	vld [tilespmem:s11+$0xFFFFFFE0];
	v25 =	vor.u32 v61, v26;
	v26 =	vand.u32 $0x7, v30;
	v30 =	vand.u32 $0xF8, v30  }
0xdd: {  	s9 =	simm.s32 $0x240;
	[tilespmem:v49+s29+$0x0] =	vst.idx.msk $0xffff, v60;
	v32 =	vld.idx.msk [tilespmem:v18+s25+$0x0], $0xffff;
	v18 =	vor.u32 s2, v7;
	v20 =	vor.u32 s2, v6;
	v30 =	vadd.s32 v30, v63  }
.LBB2_2:
0xde: {  	v35 =	vld [tilespmem:s9+$0x0];
	v36 =	vshrl.u32 v28, $0x18;
	v26 =	vor.u32 v26, v30  }
0xdf: {  	v28 =	vshrl.u32 v28, $0x10;
	v30 =	vshrl.u32 v33, $0x8;
	v34 =	vld.idx.msk [tilespmem:v34+s25+$0x0], $0xffff;
	v36 =	vmul.u32 $0xC0, v36;
	[tilespmem:v31+s29+$0x0] =	vst.idx.msk $0xffff, v29  }
0xe0: {  	v31 =	vand.u32 $0xF8, v28;
	v29 =	vand.u32 $0xFF, v30;
	v30 =	vand.u32 $0xF8, v33;
	v37 =	vld [tilespmem:s11+$0x30]  }
0xe1: {  	v39 =	vor.u32 s13, v2;
	v28 =	vand.u32 $0x7, v28;
	v38 =	vld [tilespmem:s9+$0xFFFFFFC0];
	v31 =	vadd.s32 v31, v36  }
0xe2: {  	v36 =	vand.u32 $0x7, v33;
	v29 =	vmul.u32 $0xC0, v29;
	v28 =	vor.u32 v28, v31;
	[tilespmem:v13+s29+$0x0] =	vst.idx.msk $0xffff, v32;
	v25 =	vld.idx.msk [tilespmem:v25+s25+$0x0], $0xffff  }
0xe3: {  	v32 =	vshrl.u32 v33, $0x10;
	v33 =	vshrl.u32 v33, $0x18;
	v13 =	vmovc v17;
	v17 =	vmovc v24;
	v31 =	vshrl.u32 v35, $0x8;
	v27 =	vld.idx.msk [tilespmem:v27+s25+$0x0], $0xffff  }
0xe4: {  	v29 =	vadd.s32 v30, v29;
	v30 =	vmul.u32 $0xC0, v33;
	v24 =	vand.u32 $0xFF, v31  }
0xe5: {  	v29 =	vor.u32 v36, v29;
	v24 =	vmul.u32 $0xC0, v24;
	v31 =	vshrl.u32 v37, $0x8  }
0xe6: {  	v36 =	vand.u32 $0xF8, v35;
	v33 =	vshrl.u32 v38, $0x8;
	[tilespmem:v39+s29+$0x0] =	vst.idx.msk $0xffff, v34;
	v31 =	vand.u32 $0xFF, v31  }
0xe7: {  	v34 =	vand.u32 $0x7, v35;
	v24 =	vadd.s32 v36, v24;
	v28 =	vld.idx.msk [tilespmem:v28+s25+$0x0], $0xffff;
	v31 =	vmul.u32 $0xC0, v31  }
0xe8: {  	s2 =	sadd.s32 $0x3, s20;
	s20 =	sadd.s32 $0x2, s20;
	v36 =	vand.u32 $0xF8, v37;
	v24 =	vor.u32 v34, v24;
	v34 =	vor.u32 s13, v3;
	[tilespmem:v9+s29+$0x0] =	vst.idx.msk $0xffff, v25;
	v9 =	vmovc v11  }
0xe9: {  	s5 =	sand.u32 $0x6, s20;
	s19 =	sshll.u32 s20, $0x7;
	s2 =	sand.u32 $0x7, s2;
	v40 =	vand.u32 $0xFF, v33;
	v25 =	vand.u32 $0x7, v37;
	v31 =	vadd.s32 v36, v31;
	[tilespmem:v12+s29+$0x0] =	vst.idx.msk $0xffff, v27;
	v26 =	vld.idx.msk [tilespmem:v26+s25+$0x0], $0xffff  }
0xea: {  	s21 =	sand.u32 $0xFFFFFC00, s19;
	s5 =	sshll.u32 s5, $0x7;
	s2 =	sshll.u32 s2, $0x7;
	v33 =	vmul.u32 $0xC0, v40;
	v27 =	vand.u32 $0xF8, v38;
	v12 =	vmovc v16;
	v16 =	vmovc v22;
	v29 =	vld.idx.msk [tilespmem:v29+s25+$0x0], $0xffff;
	v31 =	vor.u32 v25, v31  }
0xeb: {  	p1 =	slt.u32 s20, $0x7E;
	s19 =	sor.u32 s5, s21;
	s2 =	sor.u32 s21, s2;
	v39 =	vshrl.u32 v35, $0x18;
	v11 =	vmovc v15;
	v15 =	vmovc v20;
	v22 =	vand.u32 $0x7, v38;
	v36 =	vshrl.u32 v38, $0x18;
	v25 =	vld [tilespmem:s10+$0xFFFFFFF0]  }
0xec: {  	v35 =	vshrl.u32 v35, $0x10;
	v39 =	vmul.u32 $0xC0, v39;
	v20 =	vor.u32 s2, v0;
	s10 =	smov.u32 s11;
	s11 =	smov.u32 s14;
	s14 =	smov.u32 s9  }
0xed: {  	v40 =	vand.u32 $0x7, v35;
	v35 =	vand.u32 $0xF8, v35;
	v24 =	vld.idx.msk [tilespmem:v24+s25+$0x0], $0xffff;
	[tilespmem:v34+s29+$0x0] =	vst.idx.msk $0xffff, v28;
	v28 =	vshrl.u32 v37, $0x18  }
0xee: {  	v34 =	vadd.s32 v35, v39;
	v37 =	vshrl.u32 v37, $0x10;
	v35 =	vld [tilespmem:s11+$0x20];
	v28 =	vmul.u32 $0xC0, v28  }
0xef: {  	v27 =	vadd.s32 v27, v33;
	v33 =	vor.u32 v40, v34;
	v34 =	vand.u32 $0xF8, v37;
	v31 =	vld.idx.msk [tilespmem:v31+s25+$0x0], $0xffff  }
0xf0: {  	[tilespmem:v21+s29+$0x0] =	vst.idx.msk $0xffff, v29;
	v21 =	vor.u32 s12, v6;
	v29 =	vand.u32 $0x7, v37;
	v28 =	vadd.s32 v34, v28  }
0xf1: {  	v22 =	vor.u32 v22, v27;
	v27 =	vmul.u32 $0xC0, v36;
	v28 =	vor.u32 v29, v28;
	[tilespmem:v8+s29+$0x0] =	vst.idx.msk $0xffff, v26  }
0xf2: {  	v34 =	vor.u32 s19, v1;
	v26 =	vor.u32 s19, v0;
	v29 =	vshrl.u32 v38, $0x10;
	v8 =	vmovc v10;
	v10 =	vmovc v14  }
0xf3: {  	v14 =	vmovc v18;
	v36 =	vand.u32 $0x7, v29;
	v29 =	vand.u32 $0xF8, v29;
	[tilespmem:v20+s29+$0x0] =	vst.idx.msk $0xffff, v24;
	v20 =	vshrl.u32 v35, $0x8  }
0xf4: {  	v18 =	vadd.s32 v29, v27;
	v27 =	vand.u32 $0xF8, v32;
	v24 =	vld.idx.msk [tilespmem:v33+s25+$0x0], $0xffff;
	v20 =	vand.u32 $0xFF, v20  }
0xf5: {  	v29 =	vor.u32 s2, v1;
	v18 =	vor.u32 v36, v18;
	v20 =	vmul.u32 $0xC0, v20;
	[tilespmem:v21+s29+$0x0] =	vst.idx.msk $0xffff, v31  }
0xf6: {  	v27 =	vadd.s32 v27, v30;
	v31 =	vand.u32 $0x7, v32;
	v21 =	vand.u32 $0xF8, v35;
	v30 =	vld.idx.msk [tilespmem:v28+s25+$0x0], $0xffff  }
0xf7: {  	v32 =	vor.u32 s12, v7;
	s12 =	smov.u32 s13;
	s13 =	smov.u32 s2;
	v28 =	vand.u32 $0x7, v35;
	v22 =	vld.idx.msk [tilespmem:v22+s25+$0x0], $0xffff;
	v20 =	vadd.s32 v21, v20  }
0xf8: {  	v27 =	vor.u32 v31, v27;
	v21 =	vor.u32 s19, v2;
	v20 =	vor.u32 v28, v20  }
0xf9: {  	v36 =	vor.u32 s19, v3;
	v31 =	vand.u32 $0xF8, v23;
	v28 =	vshrl.u32 v23, $0x8  }
0xfa: {  	v33 =	vshrl.u32 v23, $0x18;
	[tilespmem:v29+s29+$0x0] =	vst.idx.msk $0xffff, v24;
	v24 =	vand.u32 $0xFF, v28;
	v29 =	vand.u32 $0x7, v23  }
0xfb: {  	v37 =	vshrl.u32 v35, $0x18;
	v33 =	vmul.u32 $0xC0, v33;
	v28 =	vld [tilespmem:s9+$0x10];
	v24 =	vmul.u32 $0xC0, v24  }
0xfc: {  	v37 =	vmul.u32 $0xC0, v37;
	v35 =	vshrl.u32 v35, $0x10;
	v23 =	vshrl.u32 v23, $0x10;
	[tilespmem:v32+s29+$0x0] =	vst.idx.msk $0xffff, v30  }
0xfd: {  	[tilespmem:v26+s29+$0x0] =	vst.idx.msk $0xffff, v22;
	v20 =	vld.idx.msk [tilespmem:v20+s25+$0x0], $0xffff;
	v22 =	vand.u32 $0xF8, v35;
	v24 =	vadd.s32 v31, v24;
	v26 =	vand.u32 $0xF8, v23  }
0xfe: {  	v30 =	vor.u32 s12, v4;
	v31 =	vand.u32 $0x7, v35;
	v18 =	vld.idx.msk [tilespmem:v18+s25+$0x0], $0xffff;
	v22 =	vadd.s32 v22, v37  }
0xff: {  	v35 =	vor.u32 v29, v24;
	v26 =	vadd.s32 v26, v33;
	v32 =	vld.idx.msk [tilespmem:v27+s25+$0x0], $0xffff;
	v31 =	vor.u32 v31, v22  }
0x100: {  	v23 =	vand.u32 $0x7, v23;
	v24 =	vor.u32 s19, v4;
	v27 =	vshrl.u32 v28, $0x8  }
0x101: {  	v22 =	vor.u32 s19, v5;
	v29 =	vand.u32 $0xFF, v27;
	v27 =	vor.u32 v23, v26  }
0x102: {  	v37 =	vand.u32 $0xF8, v25;
	v26 =	vshrl.u32 v25, $0x8;
	v23 =	vmul.u32 $0xC0, v29  }
0x103: {  	v29 =	vand.u32 $0xF8, v28;
	[tilespmem:v30+s29+$0x0] =	vst.idx.msk $0xffff, v20;
	v20 =	vand.u32 $0xFF, v26;
	v26 =	vand.u32 $0x7, v25  }
.Ltmp0:
0x104: {  	[tilespmem:v34+s29+$0x0] =	vst.idx.msk $0xffff, v18;
	v18 =	vand.u32 $0x7, v28;
	v23 =	vadd.s32 v29, v23;
	v29 =	vld.idx.msk [tilespmem:v31+s25+$0x0], $0xffff;
	v20 =	vmul.u32 $0xC0, v20;
	(pc) =	sbr.rel @p1 .LBB2_2-.Ltmp0, $4  }
0x105: {  	v31 =	vor.u32 s12, v5;
	v33 =	vld [tilespmem:s9+$0xFFFFFFD0];
	v34 =	vor.u32 v18, v23;
	[tilespmem:v19+s29+$0x0] =	vst.idx.msk $0xffff, v32;
	v18 =	vshrl.u32 v25, $0x18;
	v19 =	vmovc v36  }
0x106: {  	v30 =	vshrl.u32 v25, $0x10;
	v23 =	vld [tilespmem:s11+$0xFFFFFFE0];
	v20 =	vadd.s32 v37, v20;
	v36 =	vmul.u32 $0xC0, v18  }
0x107: {  	v32 =	vld.idx.msk [tilespmem:v35+s25+$0x0], $0xffff;
	v25 =	vor.u32 v26, v20;
	v26 =	vand.u32 $0x7, v30;
	v30 =	vand.u32 $0xF8, v30  }
0x108: {  	s9 =	sadd.s32 $0x80, s9;
	v18 =	vor.u32 s19, v7;
	v20 =	vor.u32 s19, v6;
	v30 =	vadd.s32 v30, v36  }
0x109: {  	_ = 	snop  }
0x10a: {  	v35 =	vshrl.u32 v28, $0x18  }
0x10b: {  	v28 =	vshrl.u32 v28, $0x10;
	v36 =	vshrl.u32 v33, $0x8;
	v35 =	vmul.u32 $0xC0, v35  }
0x10c: {  	v38 =	vor.u32 s13, v2;
	v37 =	vand.u32 $0xF8, v28;
	v36 =	vand.u32 $0xFF, v36  }
0x10d: {  	v34 =	vld.idx.msk [tilespmem:v34+s25+$0x0], $0xffff;
	v28 =	vand.u32 $0x7, v28;
	v35 =	vadd.s32 v37, v35;
	v36 =	vmul.u32 $0xC0, v36  }
0x10e: {  	v49 =	vand.u32 $0xF8, v33;
	v28 =	vor.u32 v28, v35  }
0x10f: {  	v50 =	vand.u32 $0x7, v33;
	v36 =	vadd.s32 v49, v36  }
0x110: {  	v35 =	vor.u32 v50, v36;
	_ =	sdelay $0x1  }
0x111: {  	v51 =	vshrl.u32 v33, $0x18;
	[tilespmem:v38+s29+$0x0] =	vst.idx.msk $0xffff, v34  }
0x112: {  	v54 =	vor.u32 s13, v3;
	v52 =	vshrl.u32 v33, $0x10;
	v53 =	vmul.u32 $0xC0, v51;
	v28 =	vld.idx.msk [tilespmem:v28+s25+$0x0], $0xffff  }
0x113: {  	v55 =	vand.u32 $0xF8, v52  }
0x114: {  	v33 =	vand.u32 $0x7, v52;
	v34 =	vadd.s32 v55, v53;
	v35 =	vld.idx.msk [tilespmem:v35+s25+$0x0], $0xffff  }
0x115: {  	v33 =	vor.u32 v33, v34;
	_ =	sdelay $0x1  }
0x116: {  	[tilespmem:v54+s29+$0x0] =	vst.idx.msk $0xffff, v28  }
0x117: {  	v28 =	vld [tilespmem:s14+$0x20]  }
0x118: {  	[tilespmem:v21+s29+$0x0] =	vst.idx.msk $0xffff, v35  }
0x119: {  	v21 =	vld.idx.msk [tilespmem:v33+s25+$0x0], $0xffff;
	_ =	sdelay $0x2  }
0x11a: {  	v56 =	vshrl.u32 v28, $0x8  }
0x11b: {  	v33 =	vand.u32 $0xFF, v56  }
0x11c: {  	v33 =	vmul.u32 $0xC0, v33;
	[tilespmem:v19+s29+$0x0] =	vst.idx.msk $0xffff, v21  }
0x11d: {  	v19 =	vand.u32 $0xF8, v28;
	v21 =	vld [tilespmem:s14+$0xFFFFFFE0]  }
0x11e: {  	v57 =	vand.u32 $0x7, v28;
	v19 =	vadd.s32 v19, v33  }
0x11f: {  	v19 =	vor.u32 v57, v19  }
0x120: {  	v39 =	vor.u32 s13, v4;
	v58 =	vshrl.u32 v23, $0x8;
	v61 =	vshrl.u32 v28, $0x18  }
0x121: {  	v59 =	vand.u32 $0xF8, v23;
	v60 =	vand.u32 $0x7, v23;
	v36 =	vmul.u32 $0xC0, v61  }
0x122: {  	v28 =	vshrl.u32 v28, $0x10;
	v33 =	vand.u32 $0xFF, v58;
	v62 =	vshrl.u32 v21, $0x8  }
0x123: {  	v63 =	vand.u32 $0xF8, v28;
	v33 =	vmul.u32 $0xC0, v33;
	v37 =	vand.u32 $0xFF, v62  }
0x124: {  	v28 =	vand.u32 $0x7, v28;
	v36 =	vadd.s32 v63, v36;
	v19 =	vld.idx.msk [tilespmem:v19+s25+$0x0], $0xffff;
	v37 =	vmul.u32 $0xC0, v37  }
0x125: {  	v28 =	vor.u32 v28, v36;
	v33 =	vadd.s32 v59, v33;
	v41 =	vand.u32 $0xF8, v21  }
0x126: {  	[tilespmem:v31+s29+$0x0] =	vst.idx.msk $0xffff, v29;
	v29 =	vor.u32 v60, v33;
	v31 =	vand.u32 $0x7, v21;
	v42 =	vadd.s32 v41, v37  }
0x127: {  	v43 =	vld [tilespmem:s11+$0x30];
	[tilespmem:v13+s29+$0x0] =	vst.idx.msk $0xffff, v32;
	v13 =	vor.u32 v31, v42  }
0x128: {  	v45 =	vor.u32 s13, v5;
	v27 =	vld.idx.msk [tilespmem:v27+s25+$0x0], $0xffff;
	v31 =	vshrl.u32 v23, $0x18  }
0x129: {  	v23 =	vshrl.u32 v23, $0x10;
	v31 =	vmul.u32 $0xC0, v31;
	[tilespmem:v39+s29+$0x0] =	vst.idx.msk $0xffff, v19;
	v19 =	vshrl.u32 v21, $0x18  }
0x12a: {  	v44 =	vand.u32 $0xF8, v23;
	v21 =	vshrl.u32 v21, $0x10;
	v28 =	vld.idx.msk [tilespmem:v28+s25+$0x0], $0xffff;
	v19 =	vmul.u32 $0xC0, v19  }
0x12b: {  	v29 =	vld.idx.msk [tilespmem:v29+s25+$0x0], $0xffff;
	v23 =	vand.u32 $0x7, v23;
	v31 =	vadd.s32 v44, v31;
	v46 =	vand.u32 $0xF8, v21  }
0x12c: {  	v21 =	vand.u32 $0x7, v21;
	v23 =	vor.u32 v23, v31;
	v19 =	vadd.s32 v46, v19;
	v13 =	vld.idx.msk [tilespmem:v13+s25+$0x0], $0xffff  }
0x12d: {  	[tilespmem:v12+s29+$0x0] =	vst.idx.msk $0xffff, v27;
	v31 =	vshrl.u32 v43, $0x8;
	v12 =	vor.u32 v21, v19  }
0x12e: {  	v19 =	vand.u32 $0xFF, v31;
	v21 =	vld [tilespmem:s10+$0xFFFFFFF0]  }
0x12f: {  	v19 =	vmul.u32 $0xC0, v19;
	[tilespmem:v45+s29+$0x0] =	vst.idx.msk $0xffff, v28  }
0x130: {  	v27 =	vand.u32 $0xF8, v43;
	[tilespmem:v17+s29+$0x0] =	vst.idx.msk $0xffff, v29;
	v28 =	vld [tilespmem:s14+$0x30]  }
0x131: {  	v17 =	vand.u32 $0x7, v43;
	v19 =	vadd.s32 v27, v19;
	v23 =	vld.idx.msk [tilespmem:v23+s25+$0x0], $0xffff;
	[tilespmem:v24+s29+$0x0] =	vst.idx.msk $0xffff, v13  }
0x132: {  	v13 =	vor.u32 v26, v30;
	v17 =	vor.u32 v17, v19;
	v19 =	vshrl.u32 v43, $0x18;
	v12 =	vld.idx.msk [tilespmem:v12+s25+$0x0], $0xffff  }
0x133: {  	v24 =	vshrl.u32 v43, $0x10;
	v19 =	vmul.u32 $0xC0, v19;
	v26 =	vshrl.u32 v21, $0x8  }
0x134: {  	v29 =	vor.u32 s12, v6;
	v27 =	vand.u32 $0xF8, v24;
	v26 =	vand.u32 $0xFF, v26  }
0x135: {  	v24 =	vand.u32 $0x7, v24;
	v19 =	vadd.s32 v27, v19;
	v26 =	vmul.u32 $0xC0, v26  }
0x136: {  	v27 =	vand.u32 $0x7, v21;
	v19 =	vor.u32 v24, v19;
	v24 =	vand.u32 $0xF8, v21;
	[tilespmem:v16+s29+$0x0] =	vst.idx.msk $0xffff, v23  }
0x137: {  	v16 =	vshrl.u32 v21, $0x18;
	v23 =	vadd.s32 v24, v26;
	v24 =	vshrl.u32 v28, $0x8;
	v26 =	vld [tilespmem:s11+$0xFFFFFFF0];
	[tilespmem:v22+s29+$0x0] =	vst.idx.msk $0xffff, v12  }
0x138: {  	v16 =	vmul.u32 $0xC0, v16;
	v12 =	vshrl.u32 v21, $0x10;
	v21 =	vand.u32 $0xFF, v24;
	v22 =	vld [tilespmem:s14+$0xFFFFFFF0]  }
0x139: {  	v23 =	vor.u32 v27, v23;
	v24 =	vand.u32 $0xF8, v12;
	v21 =	vmul.u32 $0xC0, v21  }
0x13a: {  	v12 =	vand.u32 $0x7, v12;
	v16 =	vadd.s32 v24, v16;
	v24 =	vand.u32 $0xF8, v28  }
0x13b: {  	v12 =	vor.u32 v12, v16;
	v16 =	vand.u32 $0x7, v28;
	v21 =	vadd.s32 v24, v21  }
0x13c: {  	v27 =	vshrl.u32 v28, $0x10;
	v16 =	vor.u32 v16, v21;
	v24 =	vshrl.u32 v26, $0x8  }
0x13d: {  	v21 =	vshrl.u32 v28, $0x18;
	v24 =	vand.u32 $0xFF, v24;
	v28 =	vshrl.u32 v22, $0x8  }
0x13e: {  	v30 =	vand.u32 $0xF8, v27;
	v24 =	vmul.u32 $0xC0, v24;
	v28 =	vand.u32 $0xFF, v28  }
0x13f: {  	v31 =	vand.u32 $0xF8, v26;
	v47 =	vand.u32 $0x7, v26;
	v28 =	vmul.u32 $0xC0, v28  }
0x140: {  	v25 =	vld.idx.msk [tilespmem:v25+s25+$0x0], $0xffff;
	v21 =	vmul.u32 $0xC0, v21;
	v24 =	vadd.s32 v31, v24;
	v31 =	vand.u32 $0xF8, v22  }
0x141: {  	v17 =	vld.idx.msk [tilespmem:v17+s25+$0x0], $0xffff;
	v48 =	vand.u32 $0x7, v22;
	v24 =	vor.u32 v47, v24;
	v28 =	vadd.s32 v31, v28  }
0x142: {  	v27 =	vand.u32 $0x7, v27;
	v21 =	vadd.s32 v30, v21;
	v28 =	vor.u32 v48, v28  }
0x143: {  	v23 =	vld.idx.msk [tilespmem:v23+s25+$0x0], $0xffff;
	v30 =	vor.u32 s13, v6;
	v21 =	vor.u32 v27, v21;
	v27 =	vshrl.u32 v26, $0x18  }
0x144: {  	v26 =	vshrl.u32 v26, $0x10;
	v27 =	vmul.u32 $0xC0, v27;
	v31 =	vshrl.u32 v22, $0x18  }
0x145: {  	[tilespmem:v9+s29+$0x0] =	vst.idx.msk $0xffff, v25;
	v16 =	vld.idx.msk [tilespmem:v16+s25+$0x0], $0xffff;
	v49 =	vand.u32 $0xF8, v26;
	v22 =	vshrl.u32 v22, $0x10;
	v31 =	vmul.u32 $0xC0, v31  }
0x146: {  	[tilespmem:v29+s29+$0x0] =	vst.idx.msk $0xffff, v17;
	v9 =	vand.u32 $0x7, v26;
	v25 =	vadd.s32 v49, v27;
	v26 =	vand.u32 $0xF8, v22;
	v24 =	vld.idx.msk [tilespmem:v24+s25+$0x0], $0xffff  }
0x147: {  	v22 =	vand.u32 $0x7, v22;
	v9 =	vor.u32 v9, v25;
	v25 =	vadd.s32 v26, v31;
	v26 =	vld.idx.msk [tilespmem:v28+s25+$0x0], $0xffff  }
0x148: {  	v13 =	vld.idx.msk [tilespmem:v13+s25+$0x0], $0xffff;
	[tilespmem:v11+s29+$0x0] =	vst.idx.msk $0xffff, v23;
	v17 =	vor.u32 v22, v25  }
0x149: {  	v11 =	vld.idx.msk [tilespmem:v12+s25+$0x0], $0xffff  }
0x14a: {  	v19 =	vld.idx.msk [tilespmem:v19+s25+$0x0], $0xffff;
	v22 =	vor.u32 s12, v7;
	[tilespmem:v30+s29+$0x0] =	vst.idx.msk $0xffff, v16  }
0x14b: {  	v16 =	vor.u32 s13, v7;
	v12 =	vld.idx.msk [tilespmem:v21+s25+$0x0], $0xffff;
	[tilespmem:v15+s29+$0x0] =	vst.idx.msk $0xffff, v24  }
0x14c: {  	v9 =	vld.idx.msk [tilespmem:v9+s25+$0x0], $0xffff;
	[tilespmem:v20+s29+$0x0] =	vst.idx.msk $0xffff, v26  }
0x14d: {  	s2 =	sld [smem:$0x7FF];
	[tilespmem:v8+s29+$0x0] =	vst.idx.msk $0xffff, v13;
	v8 =	vld.idx.msk [tilespmem:v17+s25+$0x0], $0xffff  }
0x14e: {  	[tilespmem:v10+s29+$0x0] =	vst.idx.msk $0xffff, v11  }
0x14f: {  	[tilespmem:v22+s29+$0x0] =	vst.idx.msk $0xffff, v19  }
0x150: {  	p1 =	sne.s32 @!p0 s2, $0x1;
	[tilespmem:v16+s29+$0x0] =	vst.idx.msk $0xffff, v12  }
0x151: {  	p1 =	por !p1, p0;
	[tilespmem:v14+s29+$0x0] =	vst.idx.msk $0xffff, v9  }
0x152: {  	s2 =	sor.u32 @!p1 $0x100000, s7;
	[tilespmem:v18+s29+$0x0] =	vst.idx.msk $0xffff, v8  }
0x153: {  	s5 =	rddreg [dreg:$0x7];
	[smem:s2], [sflag:$0x0] =	smem.add.s32 @!p1 $0x109;
	s2 =	simm.s32 @!p1 $0x0  }
0x154: {  	[hbm4b:s5+s30] =	stream.strided.scatter [tilespmem:s29], [sflag:$0x3], $0x4000, s31, s30, $0x38;
	[tilespmem:$0x1C000] =	vst v63  }
0x155: {  	s5 =	simm.s32 @!p1 $0x1;
	_ =	swait.done @!p1 [sflag:s2]  }
0x156: {  	[smem:$0x7FF] =	sst @!p1 s5  }
0x157: {  	_ =	sint @!p1 $0x2  }
0x158: {  	_ =	swait.notdone @!p1 [sflag:s2]  }
0x159: {  	s2 =	rddreg [dreg:$0x8]  }
0x15a: {  	[tilespmem:s25], [sflag:$0x1] =	stream.strided.gather [hbm4b:s2+s23], $0x9000, s24, s23, $0x38;
	[tilespmem:$0x1C000] =	vst v63  }
0x15b: {  	_ =	swait.ge [sflag:s1], $0x9000  }
0x15c: {  	[sflag:s1] =	ssyncset.done $0x0  }
0x15d: {  	s19 =	simm.s32 $0x40;
	[sflag:s1] =	ssyncadd.s32 $0xFFFF7000  }
0x15e: {  	v8 =	vld [tilespmem:s19+$0x0];
	_ =	sdelay $0x4  }
0x15f: {  	v9 =	vshrl.u32 v8, $0x8  }
0x160: {  	v9 =	vand.u32 $0xFF, v9  }
0x161: {  	v9 =	vmul.u32 $0xC0, v9  }
0x162: {  	v10 =	vand.u32 $0xF8, v8  }
0x163: {  	v11 =	vand.u32 $0x7, v8;
	v9 =	vadd.s32 v10, v9  }
0x164: {  	v9 =	vor.u32 v11, v9  }
0x165: {  	s14 =	simm.s32 $0x1  }
0x166: {  	s15 =	simm.s32 $0x0;
	s2 =	sand.u32 $0x7, s14;
	v10 =	vshrl.u32 v8, $0x18  }
0x167: {  	s5 =	sand.u32 $0xFFFFFC00, s15;
	s2 =	sshll.u32 s2, $0x7;
	v8 =	vshrl.u32 v8, $0x10;
	v10 =	vmul.u32 $0xC0, v10  }
0x168: {  	s9 =	sor.u32 s5, s2;
	v11 =	vand.u32 $0xF8, v8  }
0x169: {  	v12 =	vor.u32 s9, v0;
	v8 =	vand.u32 $0x7, v8;
	v10 =	vadd.s32 v11, v10;
	v9 =	vld.idx.msk [tilespmem:v9+s26+$0x0], $0xffff  }
0x16a: {  	v8 =	vor.u32 v8, v10;
	_ =	sdelay $0x3  }
0x16b: {  	[tilespmem:v12+s0+$0x0] =	vst.idx.msk $0xffff, v9  }
0x16c: {  	v9 =	vor.u32 s9, v1;
	v8 =	vld.idx.msk [tilespmem:v8+s26+$0x0], $0xffff;
	_ =	sdelay $0x4  }
0x16d: {  	[tilespmem:v9+s0+$0x0] =	vst.idx.msk $0xffff, v8  }
0x16e: {  	v8 =	vld [tilespmem:s19+$0x10];
	_ =	sdelay $0x4  }
0x16f: {  	v9 =	vshrl.u32 v8, $0x8  }
0x170: {  	v9 =	vand.u32 $0xFF, v9  }
0x171: {  	v9 =	vmul.u32 $0xC0, v9  }
0x172: {  	v10 =	vld [tilespmem:s19+$0xFFFFFFC0];
	v11 =	vand.u32 $0xF8, v8  }
0x173: {  	s10 =	simm.s32 $0xC0;
	v12 =	vand.u32 $0x7, v8;
	v9 =	vadd.s32 v11, v9  }
0x174: {  	v11 =	vld [tilespmem:s10+$0x0];
	v9 =	vor.u32 v12, v9;
	_ =	sdelay $0x1  }
0x175: {  	v15 =	vor.u32 s9, v2;
	v13 =	vshrl.u32 v8, $0x18  }
0x176: {  	v8 =	vshrl.u32 v8, $0x10;
	v13 =	vmul.u32 $0xC0, v13;
	v12 =	vshrl.u32 v10, $0x8  }
0x177: {  	v14 =	vand.u32 $0xF8, v8;
	v8 =	vand.u32 $0x7, v8;
	v12 =	vand.u32 $0xFF, v12  }
0x178: {  	v13 =	vadd.s32 v14, v13;
	v12 =	vmul.u32 $0xC0, v12;
	v14 =	vshrl.u32 v11, $0x8;
	v9 =	vld.idx.msk [tilespmem:v9+s26+$0x0], $0xffff  }
0x179: {  	v16 =	vand.u32 $0xF8, v10;
	v8 =	vor.u32 v8, v13;
	v13 =	vand.u32 $0xFF, v14  }
0x17a: {  	v12 =	vadd.s32 v16, v12;
	v14 =	vand.u32 $0x7, v10;
	v13 =	vmul.u32 $0xC0, v13  }
0x17b: {  	v12 =	vor.u32 v14, v12;
	v14 =	vand.u32 $0xF8, v11  }
0x17c: {  	s17 =	simm.s32 $0x0;
	v16 =	vshrl.u32 v10, $0x18;
	v17 =	vand.u32 $0x7, v11;
	v13 =	vadd.s32 v14, v13  }
0x17d: {  	s2 =	sand.u32 $0x6, s17;
	v14 =	vmul.u32 $0xC0, v16;
	v16 =	vld [tilespmem:s10+$0xFFFFFFC0];
	[tilespmem:v15+s0+$0x0] =	vst.idx.msk $0xffff, v9;
	v9 =	vor.u32 v17, v13  }
0x17e: {  	s20 =	simm.s32 $0x3;
	s2 =	sshll.u32 s2, $0x7;
	v18 =	vshrl.u32 v11, $0x18;
	v10 =	vshrl.u32 v10, $0x10;
	v15 =	vor.u32 s9, v3;
	v8 =	vld.idx.msk [tilespmem:v8+s26+$0x0], $0xffff  }
0x17f: {  	s21 =	simm.s32 $0x100;
	s2 =	sor.u32 s2, s5;
	s5 =	sand.u32 $0x7, s20;
	v11 =	vshrl.u32 v11, $0x10;
	v17 =	vand.u32 $0x7, v10;
	v10 =	vand.u32 $0xF8, v10  }
0x180: {  	s11 =	sand.u32 $0xFFFFFC00, s21;
	s5 =	sshll.u32 s5, $0x7;
	v13 =	vor.u32 s2, v0;
	v10 =	vadd.s32 v10, v14;
	v12 =	vld.idx.msk [tilespmem:v12+s26+$0x0], $0xffff;
	v14 =	vmul.u32 $0xC0, v18  }
0x181: {  	s22 =	simm.s32 $0x2;
	s21 =	sor.u32 s11, s5;
	v10 =	vor.u32 v17, v10;
	v17 =	vand.u32 $0xF8, v11  }
0x182: {  	s5 =	sand.u32 $0x6, s22;
	v18 =	vor.u32 s21, v0;
	v11 =	vand.u32 $0x7, v11;
	v14 =	vadd.s32 v17, v14;
	v9 =	vld.idx.msk [tilespmem:v9+s26+$0x0], $0xffff  }
0x183: {  	s5 =	sshll.u32 s5, $0x7;
	v17 =	vshrl.u32 v16, $0x8;
	[tilespmem:v15+s0+$0x0] =	vst.idx.msk $0xffff, v8;
	v8 =	vor.u32 v11, v14  }
0x184: {  	s5 =	sor.u32 s5, s11;
	s11 =	simm.s32 $0x140;
	v11 =	vand.u32 $0xFF, v17;
	v15 =	vld [tilespmem:s19+$0x20]  }
0x185: {  	v50 =	vld [tilespmem:s11+$0xFFFFFFC0];
	[tilespmem:v13+s0+$0x0] =	vst.idx.msk $0xffff, v12;
	v11 =	vmul.u32 $0xC0, v11  }
0x186: {  	v12 =	vor.u32 s2, v1;
	v13 =	vand.u32 $0xF8, v16;
	v10 =	vld.idx.msk [tilespmem:v10+s26+$0x0], $0xffff  }
0x187: {  	v14 =	vand.u32 $0x7, v16;
	v11 =	vadd.s32 v13, v11;
	[tilespmem:v18+s0+$0x0] =	vst.idx.msk $0xffff, v9  }
0x188: {  	v9 =	vor.u32 v14, v11;
	v11 =	vor.u32 s21, v1;
	v8 =	vld.idx.msk [tilespmem:v8+s26+$0x0], $0xffff  }
0x189: {  	v23 =	vor.u32 s9, v4;
	v13 =	vshrl.u32 v15, $0x8  }
0x18a: {  	v19 =	vor.u32 s2, v4;
	v27 =	vor.u32 s21, v2;
	v13 =	vand.u32 $0xFF, v13  }
0x18b: {  	v59 =	vshrl.u32 v50, $0x18;
	v14 =	vshrl.u32 v16, $0x18;
	[tilespmem:v12+s0+$0x0] =	vst.idx.msk $0xffff, v10;
	v12 =	vmul.u32 $0xC0, v13  }
0x18c: {  	v10 =	vmul.u32 $0xC0, v14;
	v14 =	vshrl.u32 v16, $0x10;
	v16 =	vand.u32 $0xF8, v15;
	v13 =	vld [tilespmem:s19+$0xFFFFFFD0]  }
0x18d: {  	v18 =	vand.u32 $0xF8, v14;
	v20 =	vld.idx.msk [tilespmem:v9+s26+$0x0], $0xffff;
	v9 =	vand.u32 $0x7, v15;
	v12 =	vadd.s32 v16, v12;
	[tilespmem:v11+s0+$0x0] =	vst.idx.msk $0xffff, v8  }
0x18e: {  	v17 =	vor.u32 s5, v0;
	v10 =	vadd.s32 v18, v10;
	v11 =	vor.u32 v9, v12;
	v12 =	vld [tilespmem:s10+$0x10]  }
0x18f: {  	v18 =	vor.u32 s2, v5;
	v8 =	vand.u32 $0x7, v14;
	v16 =	vor.u32 s2, v2  }
0x190: {  	v14 =	vor.u32 s2, v3;
	v8 =	vor.u32 v8, v10;
	v10 =	vshrl.u32 v15, $0x18  }
0x191: {  	v9 =	vor.u32 s2, v6;
	v15 =	vshrl.u32 v15, $0x10;
	v10 =	vmul.u32 $0xC0, v10  }
0x192: {  	v22 =	vand.u32 $0xF8, v15;
	v15 =	vand.u32 $0x7, v15;
	v21 =	vshrl.u32 v13, $0x8  }
0x193: {  	v25 =	vand.u32 $0x7, v13;
	[tilespmem:v17+s0+$0x0] =	vst.idx.msk $0xffff, v20;
	v10 =	vadd.s32 v22, v10;
	v11 =	vld.idx.msk [tilespmem:v11+s26+$0x0], $0xffff;
	v17 =	vshrl.u32 v12, $0x8  }
0x194: {  	v20 =	vor.u32 s5, v1;
	v10 =	vor.u32 v15, v10;
	v15 =	vand.u32 $0xFF, v17  }
0x195: {  	v22 =	vld.idx.msk [tilespmem:v8+s26+$0x0], $0xffff;
	v8 =	vor.u32 s2, v7;
	v17 =	vand.u32 $0xFF, v21;
	v15 =	vmul.u32 $0xC0, v15  }
0x196: {  	v24 =	vand.u32 $0xF8, v12;
	v26 =	vand.u32 $0x7, v12;
	v17 =	vmul.u32 $0xC0, v17  }
0x197: {  	v21 =	vand.u32 $0xF8, v13;
	v15 =	vadd.s32 v24, v15;
	v24 =	vshrl.u32 v13, $0x18  }
0x198: {  	v17 =	vadd.s32 v21, v17;
	v13 =	vshrl.u32 v13, $0x10;
	[tilespmem:v23+s0+$0x0] =	vst.idx.msk $0xffff, v11;
	v11 =	vor.u32 v26, v15  }
0x199: {  	v21 =	vshrl.u32 v12, $0x18;
	v15 =	vmul.u32 $0xC0, v24;
	v17 =	vor.u32 v25, v17;
	v25 =	vld [tilespmem:s11+$0x0]  }
0x19a: {  	v12 =	vshrl.u32 v12, $0x10;
	[tilespmem:v20+s0+$0x0] =	vst.idx.msk $0xffff, v22;
	v20 =	vand.u32 $0xF8, v13;
	v23 =	vor.u32 s9, v5;
	v10 =	vld.idx.msk [tilespmem:v10+s26+$0x0], $0xffff  }
0x19b: {  	v13 =	vand.u32 $0x7, v13;
	v24 =	vmul.u32 $0xC0, v21;
	v22 =	vld [tilespmem:s10+$0xFFFFFFD0];
	v15 =	vadd.s32 v20, v15  }
0x19c: {  	v21 =	vor.u32 s5, v2;
	v20 =	vand.u32 $0xF8, v12;
	v15 =	vor.u32 v13, v15  }
0x19d: {  	v13 =	vor.u32 s5, v4;
	v26 =	vld.idx.msk [tilespmem:v11+s26+$0x0], $0xffff;
	v11 =	vand.u32 $0x7, v12;
	v12 =	vadd.s32 v20, v24  }
0x19e: {  	v20 =	vor.u32 s5, v3;
	v31 =	vshrl.u32 v25, $0x8;
	v53 =	vand.u32 $0x7, v25  }
0x19f: {  	s13 =	simm.s32 $0x5;
	v55 =	vshrl.u32 v25, $0x18;
	v24 =	vor.u32 v11, v12;
	v12 =	vor.u32 s5, v5  }
0x1a0: {  	s14 =	simm.s32 $0x200;
	s2 =	sand.u32 $0x7, s13;
	v28 =	vshrl.u32 v22, $0x8;
	[tilespmem:v23+s0+$0x0] =	vst.idx.msk $0xffff, v10;
	v11 =	vor.u32 s5, v6;
	v10 =	vor.u32 s5, v7  }
0x1a1: {  	s2 =	sshll.u32 s2, $0x7;
	v30 =	vand.u32 $0x7, v22;
	v51 =	vshrl.u32 v22, $0x10;
	v31 =	vand.u32 $0xFF, v31;
	s5 =	sand.u32 $0xFFFFFC00, s14;
	v29 =	vld [tilespmem:s19+$0x30]  }
0x1a2: {  	s15 =	simm.s32 $0x4;
	v23 =	vand.u32 $0xFF, v28;
	v28 =	vand.u32 $0xF8, v22;
	v22 =	vshrl.u32 v22, $0x18;
	s12 =	sor.u32 s5, s2  }
0x1a3: {  	s2 =	sand.u32 $0x6, s15;
	v42 =	vand.u32 $0x7, v51;
	v23 =	vmul.u32 $0xC0, v23;
	v57 =	vor.u32 s12, v0  }
0x1a4: {  	v17 =	vld.idx.msk [tilespmem:v17+s26+$0x0], $0xffff;
	s2 =	sshll.u32 s2, $0x7;
	v63 =	vor.u32 s12, v1;
	[tilespmem:v27+s0+$0x0] =	vst.idx.msk $0xffff, v26;
	v26 =	vmul.u32 $0xC0, v31;
	v27 =	vor.u32 s21, v3  }
0x1a5: {  	s2 =	sor.u32 s2, s5;
	v23 =	vadd.s32 v28, v23;
	v31 =	vmul.u32 $0xC0, v22;
	v22 =	vand.u32 $0xF8, v25;
	v24 =	vld.idx.msk [tilespmem:v24+s26+$0x0], $0xffff  }
0x1a6: {  	v61 =	vor.u32 s2, v0;
	v28 =	vor.u32 v30, v23;
	v52 =	vshrl.u32 v29, $0x8  }
0x1a7: {  	v22 =	vadd.s32 v22, v26;
	v26 =	vshrl.u32 v50, $0x8;
	v23 =	vand.u32 $0xFF, v52  }
0x1a8: {  	v30 =	vand.u32 $0xF8, v29;
	v22 =	vor.u32 v53, v22;
	v23 =	vmul.u32 $0xC0, v23  }
0x1a9: {  	[tilespmem:v16+s0+$0x0] =	vst.idx.msk $0xffff, v17;
	v54 =	vand.u32 $0x7, v29;
	v60 =	vshrl.u32 v29, $0x18;
	v26 =	vand.u32 $0xFF, v26  }
0x1aa: {  	v15 =	vld.idx.msk [tilespmem:v15+s26+$0x0], $0xffff;
	v16 =	vshrl.u32 v29, $0x10;
	v26 =	vmul.u32 $0xC0, v26;
	[tilespmem:v27+s0+$0x0] =	vst.idx.msk $0xffff, v24;
	v23 =	vadd.s32 v30, v23  }
0x1ab: {  	v24 =	vshrl.u32 v25, $0x10;
	v25 =	vmul.u32 $0xC0, v55;
	v30 =	vand.u32 $0xF8, v50;
	v27 =	vld [tilespmem:s10+$0x20]  }
0x1ac: {  	v56 =	vand.u32 $0xF8, v24;
	v58 =	vand.u32 $0x7, v24;
	v24 =	vor.u32 v54, v23  }
0x1ad: {  	v23 =	vand.u32 $0x7, v50;
	v26 =	vadd.s32 v30, v26;
	v22 =	vld.idx.msk [tilespmem:v22+s26+$0x0], $0xffff;
	v25 =	vadd.s32 v56, v25  }
0x1ae: {  	v17 =	vor.u32 v23, v26;
	v26 =	vmul.u32 $0xC0, v60;
	v25 =	vor.u32 v58, v25  }
0x1af: {  	v29 =	vand.u32 $0xF8, v16;
	v53 =	vor.u32 s21, v5;
	[tilespmem:v14+s0+$0x0] =	vst.idx.msk $0xffff, v15;
	v14 =	vand.u32 $0x7, v16  }
0x1b0: {  	v15 =	vadd.s32 v29, v26;
	v26 =	vand.u32 $0xF8, v51;
	v23 =	vshrl.u32 v27, $0x8  }
0x1b1: {  	v30 =	vmul.u32 $0xC0, v59;
	v29 =	vld [tilespmem:s19+$0xFFFFFFE0];
	v26 =	vadd.s32 v26, v31;
	v23 =	vand.u32 $0xFF, v23  }
0x1b2: {  	v41 =	vand.u32 $0x7, v27;
	v31 =	vor.u32 v42, v26;
	[tilespmem:v57+s0+$0x0] =	vst.idx.msk $0xffff, v22;
	v22 =	vmul.u32 $0xC0, v23  }
0x1b3: {  	v26 =	vor.u32 s2, v3;
	v23 =	vshrl.u32 v50, $0x10;
	v62 =	vld.idx.msk [tilespmem:v25+s26+$0x0], $0xffff;
	v25 =	vand.u32 $0xF8, v27  }
0x1b4: {  	v42 =	vor.u32 s12, v2;
	v40 =	vand.u32 $0xF8, v23;
	v22 =	vadd.s32 v25, v22  }
0x1b5: {  	v17 =	vld.idx.msk [tilespmem:v17+s26+$0x0], $0xffff;
	v23 =	vand.u32 $0x7, v23;
	v25 =	vadd.s32 v40, v30;
	v30 =	vor.u32 v41, v22  }
0x1b6: {  	s14 =	simm.s32 $0x1C0;
	v28 =	vld.idx.msk [tilespmem:v28+s26+$0x0], $0xffff;
	v45 =	vshrl.u32 v29, $0x8;
	v46 =	vand.u32 $0xF8, v29;
	v47 =	vand.u32 $0x7, v29  }
0x1b7: {  	v54 =	vld [tilespmem:s14+$0x0];
	v16 =	vor.u32 v23, v25;
	v25 =	vor.u32 v14, v15;
	v14 =	vshrl.u32 v27, $0x18  }
0x1b8: {  	v48 =	vshrl.u32 v29, $0x18;
	v23 =	vshrl.u32 v27, $0x10;
	v41 =	vld [tilespmem:s14+$0xFFFFFFC0];
	v14 =	vmul.u32 $0xC0, v14;
	[tilespmem:v63+s0+$0x0] =	vst.idx.msk $0xffff, v62  }
0x1b9: {  	v29 =	vshrl.u32 v29, $0x10;
	v32 =	vand.u32 $0xFF, v45;
	v27 =	vand.u32 $0xF8, v23;
	v43 =	vld [tilespmem:s11+$0x10]  }
0x1ba: {  	[tilespmem:v61+s0+$0x0] =	vst.idx.msk $0xffff, v17;
	v44 =	vand.u32 $0x7, v23;
	v14 =	vadd.s32 v27, v14;
	v17 =	vld.idx.msk [tilespmem:v30+s26+$0x0], $0xffff;
	v30 =	vor.u32 s21, v4  }
0x1bb: {  	v36 =	vmul.u32 $0xC0, v48;
	v22 =	vor.u32 s9, v6;
	v14 =	vor.u32 v44, v14  }
0x1bc: {  	v15 =	vor.u32 s2, v1;
	v32 =	vmul.u32 $0xC0, v32;
	v23 =	vor.u32 s9, v7;
	v16 =	vld.idx.msk [tilespmem:v16+s26+$0x0], $0xffff  }
0x1bd: {  	v61 =	vshrl.u32 v54, $0x8;
	v27 =	vor.u32 s2, v2;
	v44 =	vand.u32 $0xF8, v54  }
0x1be: {  	[tilespmem:v21+s0+$0x0] =	vst.idx.msk $0xffff, v28;
	v48 =	vshrl.u32 v41, $0x8;
	v21 =	vand.u32 $0x7, v41;
	v49 =	vshrl.u32 v43, $0x8  }
0x1bf: {  	v28 =	vshrl.u32 v41, $0x18;
	v39 =	vand.u32 $0xFF, v48;
	v50 =	vand.u32 $0xFF, v49;
	[tilespmem:v30+s0+$0x0] =	vst.idx.msk $0xffff, v17  }
0x1c0: {  	v39 =	vmul.u32 $0xC0, v39;
	v55 =	vshrl.u32 v43, $0x18;
	v51 =	vld.idx.msk [tilespmem:v14+s26+$0x0], $0xffff;
	v14 =	vmul.u32 $0xC0, v50  }
0x1c1: {  	v33 =	vshrl.u32 v43, $0x10;
	v30 =	vand.u32 $0xF8, v29;
	[tilespmem:v15+s0+$0x0] =	vst.idx.msk $0xffff, v16;
	v16 =	vand.u32 $0xF8, v43  }
0x1c2: {  	v15 =	vadd.s32 v30, v36;
	v30 =	vand.u32 $0x7, v43;
	v14 =	vadd.s32 v16, v14  }
0x1c3: {  	v38 =	vmul.u32 $0xC0, v55;
	v59 =	vand.u32 $0xF8, v33;
	v30 =	vor.u32 v30, v14  }
0x1c4: {  	v33 =	vand.u32 $0x7, v33;
	v49 =	vor.u32 s12, v3;
	v17 =	vadd.s32 v46, v32;
	v52 =	vld [tilespmem:s11+$0xFFFFFFD0]  }
0x1c5: {  	v29 =	vand.u32 $0x7, v29;
	v35 =	vor.u32 v47, v17;
	v38 =	vadd.s32 v59, v38  }
0x1c6: {  	v17 =	vor.u32 s2, v4;
	v33 =	vor.u32 v33, v38;
	v38 =	vand.u32 $0xFF, v61  }
0x1c7: {  	v31 =	vld.idx.msk [tilespmem:v31+s26+$0x0], $0xffff;
	v36 =	vshrl.u32 v54, $0x10;
	v29 =	vor.u32 v29, v15;
	v62 =	vmul.u32 $0xC0, v38  }
0x1c8: {  	s17 =	simm.s32 $0x7;
	v15 =	vor.u32 s2, v6;
	v16 =	vor.u32 s2, v5;
	v14 =	vor.u32 s2, v7;
	v30 =	vld.idx.msk [tilespmem:v30+s26+$0x0], $0xffff  }
0x1c9: {  	s20 =	simm.s32 $0x300;
	s2 =	sand.u32 $0x7, s17;
	v37 =	vadd.s32 v44, v62;
	v56 =	vshrl.u32 v52, $0x8;
	v58 =	vand.u32 $0xF8, v52  }
0x1ca: {  	s5 =	sand.u32 $0xFFFFFC00, s20;
	v48 =	vld.idx.msk [tilespmem:v24+s26+$0x0], $0xffff;
	s2 =	sshll.u32 s2, $0x7;
	v60 =	vand.u32 $0x7, v52;
	v43 =	vshrl.u32 v52, $0x10;
	v32 =	vshrl.u32 v52, $0x18  }
0x1cb: {  	s20 =	simm.s32 $0x6;
	[tilespmem:v53+s0+$0x0] =	vst.idx.msk $0xffff, v51;
	v52 =	vand.u32 $0xF8, v41;
	s13 =	sor.u32 s5, s2;
	v53 =	vshrl.u32 v54, $0x18;
	v35 =	vld.idx.msk [tilespmem:v35+s26+$0x0], $0xffff;
	v57 =	vand.u32 $0xFF, v56  }
0x1cc: {  	s22 =	sand.u32 $0x6, s20;
	[tilespmem:v20+s0+$0x0] =	vst.idx.msk $0xffff, v31;
	v40 =	vld [tilespmem:s10+$0x30];
	v32 =	vmul.u32 $0xC0, v32;
	v45 =	vor.u32 s13, v0;
	v44 =	vmul.u32 $0xC0, v53  }
0x1cd: {  	s2 =	sshll.u32 s22, $0x7;
	v39 =	vadd.s32 v52, v39;
	v34 =	vmul.u32 $0xC0, v57;
	[tilespmem:v42+s0+$0x0] =	vst.idx.msk $0xffff, v30;
	v30 =	vand.u32 $0x7, v54  }
0x1ce: {  	s2 =	sor.u32 s2, s5;
	v20 =	vor.u32 v21, v39;
	v21 =	vmul.u32 $0xC0, v28;
	v33 =	vld.idx.msk [tilespmem:v33+s26+$0x0], $0xffff;
	v30 =	vor.u32 v30, v37  }
0x1cf: {  	v59 =	vor.u32 s2, v0;
	v28 =	vshrl.u32 v41, $0x10;
	v34 =	vadd.s32 v58, v34  }
0x1d0: {  	[tilespmem:v22+s0+$0x0] =	vst.idx.msk $0xffff, v48;
	v39 =	vor.u32 s2, v1;
	v22 =	vor.u32 s2, v5;
	v34 =	vor.u32 v60, v34  }
0x1d1: {  	v58 =	vld [tilespmem:s10+$0xFFFFFFE0];
	v60 =	vand.u32 $0x7, v28;
	v28 =	vand.u32 $0xF8, v28;
	[tilespmem:v19+s0+$0x0] =	vst.idx.msk $0xffff, v35;
	v63 =	vshrl.u32 v40, $0x8  }
0x1d2: {  	v50 =	vand.u32 $0xF8, v40;
	v29 =	vld.idx.msk [tilespmem:v29+s26+$0x0], $0xffff;
	v54 =	vand.u32 $0x7, v36;
	v36 =	vand.u32 $0xF8, v36  }
0x1d3: {  	v51 =	vand.u32 $0x7, v40;
	v55 =	vshrl.u32 v40, $0x18;
	v36 =	vadd.s32 v36, v44;
	[tilespmem:v49+s0+$0x0] =	vst.idx.msk $0xffff, v33;
	v30 =	vld.idx.msk [tilespmem:v30+s26+$0x0], $0xffff  }
0x1d4: {  	v40 =	vshrl.u32 v40, $0x10;
	v21 =	vadd.s32 v28, v21;
	v33 =	vor.u32 v54, v36;
	v56 =	vld [tilespmem:s11+$0x20]  }
0x1d5: {  	v28 =	vand.u32 $0xF8, v43;
	v38 =	vand.u32 $0xFF, v63;
	v57 =	vand.u32 $0xF8, v40  }
0x1d6: {  	v40 =	vand.u32 $0x7, v40;
	v62 =	vor.u32 v60, v21;
	v21 =	vor.u32 s13, v1  }
0x1d7: {  	v63 =	vand.u32 $0x7, v43;
	v28 =	vadd.s32 v28, v32;
	v38 =	vmul.u32 $0xC0, v38  }
0x1d8: {  	v20 =	vld.idx.msk [tilespmem:v20+s26+$0x0], $0xffff;
	v42 =	vor.u32 s21, v6;
	v35 =	vor.u32 v63, v28;
	v37 =	vmul.u32 $0xC0, v55;
	[tilespmem:v45+s0+$0x0] =	vst.idx.msk $0xffff, v30  }
0x1d9: {  	v47 =	vshrl.u32 v58, $0x8;
	v38 =	vadd.s32 v50, v38;
	[tilespmem:v18+s0+$0x0] =	vst.idx.msk $0xffff, v29;
	v61 =	vshrl.u32 v56, $0x8;
	v19 =	vld.idx.msk [tilespmem:v33+s26+$0x0], $0xffff  }
0x1da: {  	v24 =	vand.u32 $0xFF, v47;
	v38 =	vor.u32 v51, v38;
	v52 =	vld [tilespmem:s19+$0xFFFFFFF0];
	v30 =	vand.u32 $0xFF, v61  }
0x1db: {  	v24 =	vmul.u32 $0xC0, v24;
	v18 =	vand.u32 $0x7, v58;
	v30 =	vmul.u32 $0xC0, v30  }
0x1dc: {  	v36 =	vadd.s32 v57, v37;
	v49 =	vor.u32 s21, v7;
	v45 =	vand.u32 $0xF8, v56  }
0x1dd: {  	v31 =	vor.u32 v40, v36;
	v46 =	vand.u32 $0x7, v56;
	v30 =	vadd.s32 v45, v30  }
0x1de: {  	v50 =	vld.idx.msk [tilespmem:v34+s26+$0x0], $0xffff;
	v36 =	vshrl.u32 v58, $0x10;
	v28 =	vshrl.u32 v56, $0x18;
	v30 =	vor.u32 v46, v30;
	[tilespmem:v21+s0+$0x0] =	vst.idx.msk $0xffff, v19  }
0x1df: {  	[tilespmem:v59+s0+$0x0] =	vst.idx.msk $0xffff, v20;
	v59 =	vand.u32 $0xF8, v52;
	v51 =	vmul.u32 $0xC0, v28;
	v61 =	vand.u32 $0x7, v52;
	v28 =	vld [tilespmem:s14+$0x10]  }
0x1e0: {  	v19 =	vand.u32 $0xF8, v58;
	v21 =	vshrl.u32 v56, $0x10;
	v56 =	vand.u32 $0x7, v36  }
0x1e1: {  	v53 =	vld.idx.msk [tilespmem:v38+s26+$0x0], $0xffff;
	v29 =	vand.u32 $0xF8, v21;
	v19 =	vadd.s32 v19, v24;
	v21 =	vand.u32 $0x7, v21  }
0x1e2: {  	v55 =	vld.idx.msk [tilespmem:v62+s26+$0x0], $0xffff;
	v24 =	vadd.s32 v29, v51;
	v29 =	vshrl.u32 v58, $0x18;
	v18 =	vor.u32 v18, v19  }
0x1e3: {  	v19 =	vor.u32 s2, v3;
	v29 =	vmul.u32 $0xC0, v29;
	v20 =	vld.idx.msk [tilespmem:v30+s26+$0x0], $0xffff;
	v30 =	vor.u32 s12, v4  }
0x1e4: {  	[tilespmem:v27+s0+$0x0] =	vst.idx.msk $0xffff, v50;
	v54 =	vor.u32 v21, v24;
	v24 =	vand.u32 $0xF8, v36;
	v27 =	vshrl.u32 v28, $0x8  }
0x1e5: {  	v35 =	vld.idx.msk [tilespmem:v35+s26+$0x0], $0xffff;
	v58 =	vshrl.u32 v52, $0x8;
	v29 =	vadd.s32 v24, v29;
	v57 =	vand.u32 $0xFF, v27  }
0x1e6: {  	v25 =	vld.idx.msk [tilespmem:v25+s26+$0x0], $0xffff;
	[tilespmem:v42+s0+$0x0] =	vst.idx.msk $0xffff, v53;
	v33 =	vand.u32 $0xFF, v58;
	v27 =	vor.u32 v56, v29;
	v29 =	vmul.u32 $0xC0, v57  }
0x1e7: {  	[tilespmem:v39+s0+$0x0] =	vst.idx.msk $0xffff, v55;
	v60 =	vld.idx.msk [tilespmem:v31+s26+$0x0], $0xffff;
	v21 =	vor.u32 s2, v2;
	v62 =	vmul.u32 $0xC0, v33;
	v31 =	vand.u32 $0xF8, v28  }
0x1e8: {  	v33 =	vld [tilespmem:s14+$0xFFFFFFD0];
	v24 =	vor.u32 s2, v4;
	[tilespmem:v30+s0+$0x0] =	vst.idx.msk $0xffff, v20;
	v20 =	vadd.s32 v31, v29;
	v30 =	vand.u32 $0x7, v28  }
0x1e9: {  	v31 =	vor.u32 s12, v5;
	v29 =	vld.idx.msk [tilespmem:v54+s26+$0x0], $0xffff;
	v34 =	vor.u32 v30, v20;
	v20 =	vshrl.u32 v52, $0x18  }
0x1ea: {  	[tilespmem:v26+s0+$0x0] =	vst.idx.msk $0xffff, v35;
	v26 =	vadd.s32 v59, v62;
	v30 =	vshrl.u32 v52, $0x10;
	v63 =	vmul.u32 $0xC0, v20  }
0x1eb: {  	[tilespmem:v23+s0+$0x0] =	vst.idx.msk $0xffff, v25;
	v23 =	vld [tilespmem:s11+$0xFFFFFFE0];
	v25 =	vor.u32 v61, v26;
	v26 =	vand.u32 $0x7, v30;
	v30 =	vand.u32 $0xF8, v30  }
0x1ec: {  	s9 =	simm.s32 $0x240;
	[tilespmem:v49+s0+$0x0] =	vst.idx.msk $0xffff, v60;
	v32 =	vld.idx.msk [tilespmem:v18+s26+$0x0], $0xffff;
	v18 =	vor.u32 s2, v7;
	v20 =	vor.u32 s2, v6;
	v30 =	vadd.s32 v30, v63  }
.LBB2_4:
0x1ed: {  	v35 =	vld [tilespmem:s9+$0x0];
	v36 =	vshrl.u32 v28, $0x18;
	v26 =	vor.u32 v26, v30  }
0x1ee: {  	v28 =	vshrl.u32 v28, $0x10;
	v30 =	vshrl.u32 v33, $0x8;
	v34 =	vld.idx.msk [tilespmem:v34+s26+$0x0], $0xffff;
	v36 =	vmul.u32 $0xC0, v36;
	[tilespmem:v31+s0+$0x0] =	vst.idx.msk $0xffff, v29  }
0x1ef: {  	v31 =	vand.u32 $0xF8, v28;
	v29 =	vand.u32 $0xFF, v30;
	v30 =	vand.u32 $0xF8, v33;
	v37 =	vld [tilespmem:s11+$0x30]  }
0x1f0: {  	v39 =	vor.u32 s13, v2;
	v28 =	vand.u32 $0x7, v28;
	v38 =	vld [tilespmem:s9+$0xFFFFFFC0];
	v31 =	vadd.s32 v31, v36  }
0x1f1: {  	v36 =	vand.u32 $0x7, v33;
	v29 =	vmul.u32 $0xC0, v29;
	v28 =	vor.u32 v28, v31;
	[tilespmem:v13+s0+$0x0] =	vst.idx.msk $0xffff, v32;
	v25 =	vld.idx.msk [tilespmem:v25+s26+$0x0], $0xffff  }
0x1f2: {  	v32 =	vshrl.u32 v33, $0x10;
	v33 =	vshrl.u32 v33, $0x18;
	v13 =	vmovc v17;
	v17 =	vmovc v24;
	v31 =	vshrl.u32 v35, $0x8;
	v27 =	vld.idx.msk [tilespmem:v27+s26+$0x0], $0xffff  }
0x1f3: {  	v29 =	vadd.s32 v30, v29;
	v30 =	vmul.u32 $0xC0, v33;
	v24 =	vand.u32 $0xFF, v31  }
0x1f4: {  	v29 =	vor.u32 v36, v29;
	v24 =	vmul.u32 $0xC0, v24;
	v31 =	vshrl.u32 v37, $0x8  }
0x1f5: {  	v36 =	vand.u32 $0xF8, v35;
	v33 =	vshrl.u32 v38, $0x8;
	[tilespmem:v39+s0+$0x0] =	vst.idx.msk $0xffff, v34;
	v31 =	vand.u32 $0xFF, v31  }
0x1f6: {  	v34 =	vand.u32 $0x7, v35;
	v24 =	vadd.s32 v36, v24;
	v28 =	vld.idx.msk [tilespmem:v28+s26+$0x0], $0xffff;
	v31 =	vmul.u32 $0xC0, v31  }
0x1f7: {  	s2 =	sadd.s32 $0x3, s20;
	s20 =	sadd.s32 $0x2, s20;
	v36 =	vand.u32 $0xF8, v37;
	v24 =	vor.u32 v34, v24;
	v34 =	vor.u32 s13, v3;
	[tilespmem:v9+s0+$0x0] =	vst.idx.msk $0xffff, v25;
	v9 =	vmovc v11  }
0x1f8: {  	s5 =	sand.u32 $0x6, s20;
	s19 =	sshll.u32 s20, $0x7;
	s2 =	sand.u32 $0x7, s2;
	v40 =	vand.u32 $0xFF, v33;
	v25 =	vand.u32 $0x7, v37;
	v31 =	vadd.s32 v36, v31;
	[tilespmem:v12+s0+$0x0] =	vst.idx.msk $0xffff, v27;
	v26 =	vld.idx.msk [tilespmem:v26+s26+$0x0], $0xffff  }
0x1f9: {  	s21 =	sand.u32 $0xFFFFFC00, s19;
	s5 =	sshll.u32 s5, $0x7;
	s2 =	sshll.u32 s2, $0x7;
	v33 =	vmul.u32 $0xC0, v40;
	v27 =	vand.u32 $0xF8, v38;
	v12 =	vmovc v16;
	v16 =	vmovc v22;
	v29 =	vld.idx.msk [tilespmem:v29+s26+$0x0], $0xffff;
	v31 =	vor.u32 v25, v31  }
0x1fa: {  	p1 =	slt.u32 s20, $0x7E;
	s19 =	sor.u32 s5, s21;
	s2 =	sor.u32 s21, s2;
	v39 =	vshrl.u32 v35, $0x18;
	v11 =	vmovc v15;
	v15 =	vmovc v20;
	v22 =	vand.u32 $0x7, v38;
	v36 =	vshrl.u32 v38, $0x18;
	v25 =	vld [tilespmem:s10+$0xFFFFFFF0]  }
0x1fb: {  	v35 =	vshrl.u32 v35, $0x10;
	v39 =	vmul.u32 $0xC0, v39;
	v20 =	vor.u32 s2, v0;
	s10 =	smov.u32 s11;
	s11 =	smov.u32 s14;
	s14 =	smov.u32 s9  }
0x1fc: {  	v40 =	vand.u32 $0x7, v35;
	v35 =	vand.u32 $0xF8, v35;
	v24 =	vld.idx.msk [tilespmem:v24+s26+$0x0], $0xffff;
	[tilespmem:v34+s0+$0x0] =	vst.idx.msk $0xffff, v28;
	v28 =	vshrl.u32 v37, $0x18  }
0x1fd: {  	v34 =	vadd.s32 v35, v39;
	v37 =	vshrl.u32 v37, $0x10;
	v35 =	vld [tilespmem:s11+$0x20];
	v28 =	vmul.u32 $0xC0, v28  }
0x1fe: {  	v27 =	vadd.s32 v27, v33;
	v33 =	vor.u32 v40, v34;
	v34 =	vand.u32 $0xF8, v37;
	v31 =	vld.idx.msk [tilespmem:v31+s26+$0x0], $0xffff  }
0x1ff: {  	[tilespmem:v21+s0+$0x0] =	vst.idx.msk $0xffff, v29;
	v21 =	vor.u32 s12, v6;
	v29 =	vand.u32 $0x7, v37;
	v28 =	vadd.s32 v34, v28  }
0x200: {  	v22 =	vor.u32 v22, v27;
	v27 =	vmul.u32 $0xC0, v36;
	v28 =	vor.u32 v29, v28;
	[tilespmem:v8+s0+$0x0] =	vst.idx.msk $0xffff, v26  }
0x201: {  	v34 =	vor.u32 s19, v1;
	v26 =	vor.u32 s19, v0;
	v29 =	vshrl.u32 v38, $0x10;
	v8 =	vmovc v10;
	v10 =	vmovc v14  }
0x202: {  	v14 =	vmovc v18;
	v36 =	vand.u32 $0x7, v29;
	v29 =	vand.u32 $0xF8, v29;
	[tilespmem:v20+s0+$0x0] =	vst.idx.msk $0xffff, v24;
	v20 =	vshrl.u32 v35, $0x8  }
0x203: {  	v18 =	vadd.s32 v29, v27;
	v27 =	vand.u32 $0xF8, v32;
	v24 =	vld.idx.msk [tilespmem:v33+s26+$0x0], $0xffff;
	v20 =	vand.u32 $0xFF, v20  }
0x204: {  	v29 =	vor.u32 s2, v1;
	v18 =	vor.u32 v36, v18;
	v20 =	vmul.u32 $0xC0, v20;
	[tilespmem:v21+s0+$0x0] =	vst.idx.msk $0xffff, v31  }
0x205: {  	v27 =	vadd.s32 v27, v30;
	v31 =	vand.u32 $0x7, v32;
	v21 =	vand.u32 $0xF8, v35;
	v30 =	vld.idx.msk [tilespmem:v28+s26+$0x0], $0xffff  }
0x206: {  	v32 =	vor.u32 s12, v7;
	s12 =	smov.u32 s13;
	s13 =	smov.u32 s2;
	v28 =	vand.u32 $0x7, v35;
	v22 =	vld.idx.msk [tilespmem:v22+s26+$0x0], $0xffff;
	v20 =	vadd.s32 v21, v20  }
0x207: {  	v27 =	vor.u32 v31, v27;
	v21 =	vor.u32 s19, v2;
	v20 =	vor.u32 v28, v20  }
0x208: {  	v36 =	vor.u32 s19, v3;
	v31 =	vand.u32 $0xF8, v23;
	v28 =	vshrl.u32 v23, $0x8  }
0x209: {  	v33 =	vshrl.u32 v23, $0x18;
	[tilespmem:v29+s0+$0x0] =	vst.idx.msk $0xffff, v24;
	v24 =	vand.u32 $0xFF, v28;
	v29 =	vand.u32 $0x7, v23  }
0x20a: {  	v37 =	vshrl.u32 v35, $0x18;
	v33 =	vmul.u32 $0xC0, v33;
	v28 =	vld [tilespmem:s9+$0x10];
	v24 =	vmul.u32 $0xC0, v24  }
0x20b: {  	v37 =	vmul.u32 $0xC0, v37;
	v35 =	vshrl.u32 v35, $0x10;
	v23 =	vshrl.u32 v23, $0x10;
	[tilespmem:v32+s0+$0x0] =	vst.idx.msk $0xffff, v30  }
0x20c: {  	[tilespmem:v26+s0+$0x0] =	vst.idx.msk $0xffff, v22;
	v20 =	vld.idx.msk [tilespmem:v20+s26+$0x0], $0xffff;
	v22 =	vand.u32 $0xF8, v35;
	v24 =	vadd.s32 v31, v24;
	v26 =	vand.u32 $0xF8, v23  }
0x20d: {  	v30 =	vor.u32 s12, v4;
	v31 =	vand.u32 $0x7, v35;
	v18 =	vld.idx.msk [tilespmem:v18+s26+$0x0], $0xffff;
	v22 =	vadd.s32 v22, v37  }
0x20e: {  	v35 =	vor.u32 v29, v24;
	v26 =	vadd.s32 v26, v33;
	v32 =	vld.idx.msk [tilespmem:v27+s26+$0x0], $0xffff;
	v31 =	vor.u32 v31, v22  }
0x20f: {  	v23 =	vand.u32 $0x7, v23;
	v24 =	vor.u32 s19, v4;
	v27 =	vshrl.u32 v28, $0x8  }
0x210: {  	v22 =	vor.u32 s19, v5;
	v29 =	vand.u32 $0xFF, v27;
	v27 =	vor.u32 v23, v26  }
0x211: {  	v37 =	vand.u32 $0xF8, v25;
	v26 =	vshrl.u32 v25, $0x8;
	v23 =	vmul.u32 $0xC0, v29  }
0x212: {  	v29 =	vand.u32 $0xF8, v28;
	[tilespmem:v30+s0+$0x0] =	vst.idx.msk $0xffff, v20;
	v20 =	vand.u32 $0xFF, v26;
	v26 =	vand.u32 $0x7, v25  }
.Ltmp1:
0x213: {  	[tilespmem:v34+s0+$0x0] =	vst.idx.msk $0xffff, v18;
	v18 =	vand.u32 $0x7, v28;
	v23 =	vadd.s32 v29, v23;
	v29 =	vld.idx.msk [tilespmem:v31+s26+$0x0], $0xffff;
	v20 =	vmul.u32 $0xC0, v20;
	(pc) =	sbr.rel @p1 .LBB2_4-.Ltmp1, $4  }
0x214: {  	v31 =	vor.u32 s12, v5;
	v33 =	vld [tilespmem:s9+$0xFFFFFFD0];
	v34 =	vor.u32 v18, v23;
	[tilespmem:v19+s0+$0x0] =	vst.idx.msk $0xffff, v32;
	v18 =	vshrl.u32 v25, $0x18;
	v19 =	vmovc v36  }
0x215: {  	v30 =	vshrl.u32 v25, $0x10;
	v23 =	vld [tilespmem:s11+$0xFFFFFFE0];
	v20 =	vadd.s32 v37, v20;
	v36 =	vmul.u32 $0xC0, v18  }
0x216: {  	v32 =	vld.idx.msk [tilespmem:v35+s26+$0x0], $0xffff;
	v25 =	vor.u32 v26, v20;
	v26 =	vand.u32 $0x7, v30;
	v30 =	vand.u32 $0xF8, v30  }
0x217: {  	s9 =	sadd.s32 $0x80, s9;
	v18 =	vor.u32 s19, v7;
	v20 =	vor.u32 s19, v6;
	v30 =	vadd.s32 v30, v36  }
0x218: {  	_ = 	snop  }
0x219: {  	v35 =	vshrl.u32 v28, $0x18;
	v36 =	vshrl.u32 v33, $0x8  }
0x21a: {  	v45 =	vshrl.u32 v28, $0x10;
	v35 =	vmul.u32 $0xC0, v35;
	v36 =	vand.u32 $0xFF, v36  }
0x21b: {  	v46 =	vor.u32 s13, v2;
	v37 =	vand.u32 $0xF8, v45;
	v36 =	vmul.u32 $0xC0, v36  }
0x21c: {  	v34 =	vld.idx.msk [tilespmem:v34+s26+$0x0], $0xffff;
	v28 =	vand.u32 $0x7, v45;
	v47 =	vand.u32 $0xF8, v33;
	v35 =	vadd.s32 v37, v35  }
0x21d: {  	v48 =	vand.u32 $0x7, v33;
	v28 =	vor.u32 v28, v35;
	v35 =	vadd.s32 v47, v36  }
0x21e: {  	v35 =	vor.u32 v48, v35;
	_ =	sdelay $0x1  }
0x21f: {  	v49 =	vshrl.u32 v33, $0x18  }
0x220: {  	v50 =	vshrl.u32 v33, $0x10;
	v51 =	vmul.u32 $0xC0, v49;
	[tilespmem:v46+s0+$0x0] =	vst.idx.msk $0xffff, v34  }
0x221: {  	v52 =	vor.u32 s13, v3;
	v53 =	vand.u32 $0xF8, v50;
	v28 =	vld.idx.msk [tilespmem:v28+s26+$0x0], $0xffff  }
0x222: {  	v33 =	vand.u32 $0x7, v50;
	v34 =	vadd.s32 v53, v51;
	v35 =	vld.idx.msk [tilespmem:v35+s26+$0x0], $0xffff  }
0x223: {  	v33 =	vor.u32 v33, v34;
	_ =	sdelay $0x2  }
0x224: {  	[tilespmem:v52+s0+$0x0] =	vst.idx.msk $0xffff, v28  }
0x225: {  	v28 =	vld [tilespmem:s14+$0x20];
	[tilespmem:v21+s0+$0x0] =	vst.idx.msk $0xffff, v35  }
0x226: {  	v21 =	vld.idx.msk [tilespmem:v33+s26+$0x0], $0xffff;
	_ =	sdelay $0x3  }
0x227: {  	v54 =	vshrl.u32 v28, $0x8  }
0x228: {  	v33 =	vand.u32 $0xFF, v54;
	[tilespmem:v19+s0+$0x0] =	vst.idx.msk $0xffff, v21  }
0x229: {  	v33 =	vmul.u32 $0xC0, v33;
	v21 =	vld [tilespmem:s14+$0xFFFFFFE0]  }
0x22a: {  	v55 =	vand.u32 $0xF8, v28  }
0x22b: {  	v56 =	vand.u32 $0x7, v28;
	v19 =	vadd.s32 v55, v33  }
0x22c: {  	v62 =	vor.u32 s13, v4;
	v19 =	vor.u32 v56, v19  }
0x22d: {  	v57 =	vshrl.u32 v23, $0x8;
	v58 =	vand.u32 $0xF8, v23;
	v40 =	vand.u32 $0x7, v23  }
0x22e: {  	v47 =	vshrl.u32 v23, $0x18;
	v33 =	vand.u32 $0xFF, v57;
	v61 =	vshrl.u32 v21, $0x8  }
0x22f: {  	v48 =	vshrl.u32 v23, $0x10;
	v33 =	vmul.u32 $0xC0, v33;
	v37 =	vand.u32 $0xFF, v61  }
0x230: {  	v59 =	vshrl.u32 v28, $0x18;
	v28 =	vshrl.u32 v28, $0x10;
	v63 =	vmul.u32 $0xC0, v37  }
0x231: {  	v35 =	vmul.u32 $0xC0, v59;
	v33 =	vadd.s32 v58, v33;
	v41 =	vand.u32 $0xF8, v21;
	v19 =	vld.idx.msk [tilespmem:v19+s26+$0x0], $0xffff  }
0x232: {  	[tilespmem:v13+s0+$0x0] =	vst.idx.msk $0xffff, v32;
	v42 =	vor.u32 v40, v33;
	v43 =	vand.u32 $0x7, v21;
	v44 =	vadd.s32 v41, v63  }
0x233: {  	[tilespmem:v31+s0+$0x0] =	vst.idx.msk $0xffff, v29;
	v27 =	vld.idx.msk [tilespmem:v27+s26+$0x0], $0xffff;
	v31 =	vmul.u32 $0xC0, v47;
	v60 =	vand.u32 $0xF8, v28;
	v46 =	vor.u32 v43, v44  }
0x234: {  	v49 =	vand.u32 $0xF8, v48;
	v28 =	vand.u32 $0x7, v28;
	v35 =	vadd.s32 v60, v35  }
0x235: {  	v23 =	vand.u32 $0x7, v48;
	v28 =	vor.u32 v28, v35;
	v50 =	vshrl.u32 v21, $0x18  }
0x236: {  	v45 =	vld [tilespmem:s11+$0x30];
	v31 =	vadd.s32 v49, v31;
	v21 =	vshrl.u32 v21, $0x10;
	[tilespmem:v62+s0+$0x0] =	vst.idx.msk $0xffff, v19;
	v19 =	vmul.u32 $0xC0, v50  }
0x237: {  	v23 =	vor.u32 v23, v31;
	v52 =	vand.u32 $0xF8, v21;
	v29 =	vld.idx.msk [tilespmem:v42+s26+$0x0], $0xffff  }
0x238: {  	[tilespmem:v12+s0+$0x0] =	vst.idx.msk $0xffff, v27;
	v21 =	vand.u32 $0x7, v21;
	v19 =	vadd.s32 v52, v19;
	v13 =	vld.idx.msk [tilespmem:v46+s26+$0x0], $0xffff  }
0x239: {  	v56 =	vld [tilespmem:s10+$0xFFFFFFF0];
	v54 =	vor.u32 v21, v19  }
0x23a: {  	v51 =	vor.u32 s13, v5;
	v28 =	vld.idx.msk [tilespmem:v28+s26+$0x0], $0xffff  }
0x23b: {  	v53 =	vshrl.u32 v45, $0x8  }
0x23c: {  	v59 =	vshrl.u32 v45, $0x18;
	v55 =	vand.u32 $0xFF, v53;
	[tilespmem:v17+s0+$0x0] =	vst.idx.msk $0xffff, v29  }
0x23d: {  	v60 =	vshrl.u32 v45, $0x10;
	v57 =	vand.u32 $0xF8, v45;
	v19 =	vmul.u32 $0xC0, v55;
	v23 =	vld.idx.msk [tilespmem:v23+s26+$0x0], $0xffff;
	[tilespmem:v24+s0+$0x0] =	vst.idx.msk $0xffff, v13  }
0x23e: {  	v58 =	vand.u32 $0x7, v45;
	v61 =	vshrl.u32 v56, $0x8;
	v31 =	vand.u32 $0xF8, v56;
	v12 =	vld.idx.msk [tilespmem:v54+s26+$0x0], $0xffff  }
0x23f: {  	v32 =	vand.u32 $0x7, v56;
	v37 =	vshrl.u32 v56, $0x10;
	v19 =	vadd.s32 v57, v19;
	[tilespmem:v51+s0+$0x0] =	vst.idx.msk $0xffff, v28  }
0x240: {  	v33 =	vshrl.u32 v56, $0x18;
	v39 =	vand.u32 $0xF8, v37;
	v17 =	vor.u32 v58, v19;
	v28 =	vld [tilespmem:s14+$0x30]  }
0x241: {  	v19 =	vmul.u32 $0xC0, v59;
	v13 =	vor.u32 v26, v30;
	v26 =	vand.u32 $0xFF, v61  }
0x242: {  	v63 =	vor.u32 s12, v6;
	v62 =	vand.u32 $0xF8, v60;
	v26 =	vmul.u32 $0xC0, v26;
	[tilespmem:v16+s0+$0x0] =	vst.idx.msk $0xffff, v23  }
0x243: {  	v24 =	vand.u32 $0x7, v60;
	v19 =	vadd.s32 v62, v19;
	v16 =	vmul.u32 $0xC0, v33;
	v36 =	vld [tilespmem:s11+$0xFFFFFFF0];
	[tilespmem:v22+s0+$0x0] =	vst.idx.msk $0xffff, v12  }
0x244: {  	v51 =	vor.u32 s13, v6;
	v19 =	vor.u32 v24, v19;
	v34 =	vadd.s32 v31, v26;
	v22 =	vld [tilespmem:s14+$0xFFFFFFF0]  }
0x245: {  	v16 =	vadd.s32 v39, v16;
	v35 =	vshrl.u32 v28, $0x8;
	v23 =	vor.u32 v32, v34  }
0x246: {  	v40 =	vand.u32 $0xF8, v28;
	v41 =	vand.u32 $0x7, v28;
	v42 =	vshrl.u32 v28, $0x18  }
0x247: {  	v44 =	vshrl.u32 v28, $0x10;
	v38 =	vand.u32 $0xFF, v35;
	v12 =	vand.u32 $0x7, v37  }
0x248: {  	v21 =	vmul.u32 $0xC0, v38;
	v12 =	vor.u32 v12, v16;
	v43 =	vshrl.u32 v36, $0x8  }
0x249: {  	v47 =	vand.u32 $0xF8, v36;
	v24 =	vand.u32 $0xFF, v43;
	v45 =	vshrl.u32 v22, $0x8  }
0x24a: {  	v21 =	vadd.s32 v40, v21;
	v24 =	vmul.u32 $0xC0, v24;
	v28 =	vand.u32 $0xFF, v45  }
0x24b: {  	v48 =	vand.u32 $0x7, v36;
	v16 =	vor.u32 v41, v21;
	v28 =	vmul.u32 $0xC0, v28  }
0x24c: {  	v21 =	vmul.u32 $0xC0, v42;
	v24 =	vadd.s32 v47, v24;
	v49 =	vand.u32 $0xF8, v22  }
0x24d: {  	v25 =	vld.idx.msk [tilespmem:v25+s26+$0x0], $0xffff;
	v24 =	vor.u32 v48, v24;
	v50 =	vand.u32 $0x7, v22;
	v28 =	vadd.s32 v49, v28  }
0x24e: {  	v46 =	vand.u32 $0xF8, v44;
	v27 =	vand.u32 $0x7, v44;
	v28 =	vor.u32 v50, v28  }
0x24f: {  	v17 =	vld.idx.msk [tilespmem:v17+s26+$0x0], $0xffff;
	v52 =	vshrl.u32 v36, $0x18;
	v26 =	vshrl.u32 v36, $0x10;
	v21 =	vadd.s32 v46, v21  }
0x250: {  	v23 =	vld.idx.msk [tilespmem:v23+s26+$0x0], $0xffff;
	v21 =	vor.u32 v27, v21;
	v27 =	vmul.u32 $0xC0, v52;
	v53 =	vshrl.u32 v22, $0x18  }
0x251: {  	v54 =	vand.u32 $0xF8, v26;
	v22 =	vshrl.u32 v22, $0x10;
	v31 =	vmul.u32 $0xC0, v53;
	v16 =	vld.idx.msk [tilespmem:v16+s26+$0x0], $0xffff  }
0x252: {  	[tilespmem:v9+s0+$0x0] =	vst.idx.msk $0xffff, v25;
	v55 =	vand.u32 $0x7, v26;
	v57 =	vand.u32 $0xF8, v22;
	v56 =	vadd.s32 v54, v27;
	v24 =	vld.idx.msk [tilespmem:v24+s26+$0x0], $0xffff  }
0x253: {  	v22 =	vand.u32 $0x7, v22;
	v9 =	vor.u32 v55, v56;
	v58 =	vadd.s32 v57, v31;
	v59 =	vld.idx.msk [tilespmem:v28+s26+$0x0], $0xffff  }
0x254: {  	v13 =	vld.idx.msk [tilespmem:v13+s26+$0x0], $0xffff;
	[tilespmem:v63+s0+$0x0] =	vst.idx.msk $0xffff, v17;
	v60 =	vor.u32 v22, v58  }
0x255: {  	v61 =	vor.u32 s12, v7;
	v19 =	vld.idx.msk [tilespmem:v19+s26+$0x0], $0xffff;
	[tilespmem:v11+s0+$0x0] =	vst.idx.msk $0xffff, v23  }
0x256: {  	v11 =	vld.idx.msk [tilespmem:v12+s26+$0x0], $0xffff;
	[tilespmem:v51+s0+$0x0] =	vst.idx.msk $0xffff, v16  }
0x257: {  	v63 =	vor.u32 s13, v7;
	v62 =	vld.idx.msk [tilespmem:v21+s26+$0x0], $0xffff;
	[tilespmem:v15+s0+$0x0] =	vst.idx.msk $0xffff, v24  }
0x258: {  	v9 =	vld.idx.msk [tilespmem:v9+s26+$0x0], $0xffff;
	[tilespmem:v20+s0+$0x0] =	vst.idx.msk $0xffff, v59  }
0x259: {  	s2 =	sld [smem:$0x7FF];
	[tilespmem:v8+s0+$0x0] =	vst.idx.msk $0xffff, v13;
	v8 =	vld.idx.msk [tilespmem:v60+s26+$0x0], $0xffff  }
0x25a: {  	[tilespmem:v61+s0+$0x0] =	vst.idx.msk $0xffff, v19  }
0x25b: {  	[tilespmem:v10+s0+$0x0] =	vst.idx.msk $0xffff, v11  }
0x25c: {  	p1 =	sne.s32 @!p0 s2, $0x1;
	[tilespmem:v63+s0+$0x0] =	vst.idx.msk $0xffff, v62  }
0x25d: {  	p1 =	por !p1, p0;
	[tilespmem:v14+s0+$0x0] =	vst.idx.msk $0xffff, v9  }
0x25e: {  	s2 =	sor.u32 @!p1 $0x100000, s7;
	[tilespmem:v18+s0+$0x0] =	vst.idx.msk $0xffff, v8  }
0x25f: {  	s5 =	rddreg [dreg:$0x9];
	[smem:s2], [sflag:$0x0] =	smem.add.s32 @!p1 $0x154;
	s2 =	simm.s32 @!p1 $0x0  }
0x260: {  	[hbm4b:s5+s30] =	stream.strided.scatter [tilespmem:s0], [sflag:$0x4], $0x4000, s31, s30, $0x38;
	[tilespmem:$0x1C000] =	vst v63  }
0x261: {  	s5 =	simm.s32 @!p1 $0x1;
	_ =	swait.done @!p1 [sflag:s2]  }
0x262: {  	[smem:$0x7FF] =	sst @!p1 s5  }
0x263: {  	_ =	sint @!p1 $0x2  }
0x264: {  	_ =	swait.notdone @!p1 [sflag:s2]  }
0x265: {  	s10 =	simm.s32 $0x1;
	s2 =	rddreg [dreg:$0xa]  }
0x266: {  	[tilespmem:s26], [sflag:$0x2] =	stream.strided.gather [hbm4b:s2+s23], $0x9000, s24, s23, $0x38;
	[tilespmem:$0x1C000] =	vst v63  }
.LBB2_6:
0x267: {  	_ =	swait.ge [sflag:s28], $0x9000  }
0x268: {  	[sflag:s28] =	ssyncset.done $0x0  }
0x269: {  	[sflag:s28] =	ssyncadd.s32 $0xFFFF7000  }
0x26a: {  	_ =	swait.ge [sflag:s3], $0x4000  }
0x26b: {  	[sflag:s3] =	ssyncset.done $0x0  }
0x26c: {  	s11 =	simm.s32 $0x40;
	[sflag:s3] =	ssyncadd.s32 $0xFFFFC000  }
0x26d: {  	v8 =	vld [tilespmem:s11+$0x0];
	_ =	sdelay $0x4  }
0x26e: {  	v9 =	vshrl.u32 v8, $0x8  }
0x26f: {  	v9 =	vand.u32 $0xFF, v9  }
0x270: {  	v9 =	vmul.u32 $0xC0, v9  }
0x271: {  	v10 =	vand.u32 $0xF8, v8  }
0x272: {  	v11 =	vand.u32 $0x7, v8;
	v9 =	vadd.s32 v10, v9  }
0x273: {  	v9 =	vor.u32 v11, v9  }
0x274: {  	s2 =	simm.s32 $0x1  }
0x275: {  	s5 =	simm.s32 $0x0;
	s2 =	sand.u32 $0x7, s2;
	v10 =	vshrl.u32 v8, $0x18  }
0x276: {  	s5 =	sand.u32 $0xFFFFFC00, s5;
	s2 =	sshll.u32 s2, $0x7;
	v8 =	vshrl.u32 v8, $0x10;
	v10 =	vmul.u32 $0xC0, v10  }
0x277: {  	s9 =	sor.u32 s5, s2;
	v11 =	vand.u32 $0xF8, v8  }
0x278: {  	v12 =	vor.u32 s9, v0;
	v8 =	vand.u32 $0x7, v8;
	v10 =	vadd.s32 v11, v10;
	v9 =	vld.idx.msk [tilespmem:v9+s25+$0x0], $0xffff  }
0x279: {  	v8 =	vor.u32 v8, v10;
	_ =	sdelay $0x3  }
0x27a: {  	[tilespmem:v12+s29+$0x0] =	vst.idx.msk $0xffff, v9  }
0x27b: {  	v9 =	vor.u32 s9, v1;
	v8 =	vld.idx.msk [tilespmem:v8+s25+$0x0], $0xffff;
	_ =	sdelay $0x4  }
0x27c: {  	[tilespmem:v9+s29+$0x0] =	vst.idx.msk $0xffff, v8  }
0x27d: {  	v8 =	vld [tilespmem:s11+$0x10];
	_ =	sdelay $0x4  }
0x27e: {  	v9 =	vshrl.u32 v8, $0x8  }
0x27f: {  	v9 =	vand.u32 $0xFF, v9  }
0x280: {  	v9 =	vmul.u32 $0xC0, v9  }
0x281: {  	v10 =	vld [tilespmem:s11+$0xFFFFFFC0];
	v11 =	vand.u32 $0xF8, v8  }
0x282: {  	s12 =	simm.s32 $0xC0;
	v12 =	vand.u32 $0x7, v8;
	v9 =	vadd.s32 v11, v9  }
0x283: {  	v11 =	vld [tilespmem:s12+$0x0];
	v9 =	vor.u32 v12, v9;
	_ =	sdelay $0x1  }
0x284: {  	v15 =	vor.u32 s9, v2;
	v13 =	vshrl.u32 v8, $0x18  }
0x285: {  	v8 =	vshrl.u32 v8, $0x10;
	v13 =	vmul.u32 $0xC0, v13;
	v12 =	vshrl.u32 v10, $0x8  }
0x286: {  	v14 =	vand.u32 $0xF8, v8;
	v8 =	vand.u32 $0x7, v8;
	v12 =	vand.u32 $0xFF, v12  }
0x287: {  	v13 =	vadd.s32 v14, v13;
	v12 =	vmul.u32 $0xC0, v12;
	v14 =	vshrl.u32 v11, $0x8;
	v9 =	vld.idx.msk [tilespmem:v9+s25+$0x0], $0xffff  }
0x288: {  	v16 =	vand.u32 $0xF8, v10;
	v8 =	vor.u32 v8, v13;
	v13 =	vand.u32 $0xFF, v14  }
0x289: {  	v12 =	vadd.s32 v16, v12;
	v14 =	vand.u32 $0x7, v10;
	v13 =	vmul.u32 $0xC0, v13  }
0x28a: {  	v12 =	vor.u32 v14, v12;
	v14 =	vand.u32 $0xF8, v11  }
0x28b: {  	s14 =	simm.s32 $0x0;
	v16 =	vshrl.u32 v10, $0x18;
	v17 =	vand.u32 $0x7, v11;
	v13 =	vadd.s32 v14, v13  }
0x28c: {  	s2 =	sand.u32 $0x6, s14;
	v14 =	vmul.u32 $0xC0, v16;
	v16 =	vld [tilespmem:s12+$0xFFFFFFC0];
	[tilespmem:v15+s29+$0x0] =	vst.idx.msk $0xffff, v9;
	v9 =	vor.u32 v17, v13  }
0x28d: {  	s15 =	simm.s32 $0x3;
	s2 =	sshll.u32 s2, $0x7;
	v18 =	vshrl.u32 v11, $0x18;
	v10 =	vshrl.u32 v10, $0x10;
	v15 =	vor.u32 s9, v3;
	v8 =	vld.idx.msk [tilespmem:v8+s25+$0x0], $0xffff  }
0x28e: {  	s13 =	simm.s32 $0x100;
	s2 =	sor.u32 s2, s5;
	s5 =	sand.u32 $0x7, s15;
	v11 =	vshrl.u32 v11, $0x10;
	v17 =	vand.u32 $0x7, v10;
	v10 =	vand.u32 $0xF8, v10  }
0x28f: {  	s13 =	sand.u32 $0xFFFFFC00, s13;
	s5 =	sshll.u32 s5, $0x7;
	v13 =	vor.u32 s2, v0;
	v10 =	vadd.s32 v10, v14;
	v12 =	vld.idx.msk [tilespmem:v12+s25+$0x0], $0xffff;
	v14 =	vmul.u32 $0xC0, v18  }
0x290: {  	s21 =	sor.u32 s13, s5;
	v10 =	vor.u32 v17, v10;
	v17 =	vand.u32 $0xF8, v11  }
0x291: {  	v18 =	vor.u32 s21, v0;
	v11 =	vand.u32 $0x7, v11;
	v14 =	vadd.s32 v17, v14;
	v9 =	vld.idx.msk [tilespmem:v9+s25+$0x0], $0xffff  }
0x292: {  	s17 =	simm.s32 $0x2;
	v17 =	vshrl.u32 v16, $0x8;
	[tilespmem:v15+s29+$0x0] =	vst.idx.msk $0xffff, v8;
	v8 =	vor.u32 v11, v14  }
0x293: {  	s5 =	sand.u32 $0x6, s17;
	v11 =	vand.u32 $0xFF, v17;
	v15 =	vld [tilespmem:s11+$0x20]  }
0x294: {  	s5 =	sshll.u32 s5, $0x7;
	[tilespmem:v13+s29+$0x0] =	vst.idx.msk $0xffff, v12;
	v11 =	vmul.u32 $0xC0, v11  }
0x295: {  	s14 =	sor.u32 s5, s13;
	s13 =	simm.s32 $0x140;
	v12 =	vor.u32 s2, v1;
	v13 =	vand.u32 $0xF8, v16;
	v10 =	vld.idx.msk [tilespmem:v10+s25+$0x0], $0xffff  }
0x296: {  	v32 =	vld [tilespmem:s13+$0xFFFFFFC0];
	v14 =	vand.u32 $0x7, v16;
	v11 =	vadd.s32 v13, v11;
	[tilespmem:v18+s29+$0x0] =	vst.idx.msk $0xffff, v9  }
0x297: {  	v9 =	vor.u32 v14, v11;
	v11 =	vor.u32 s21, v1;
	v8 =	vld.idx.msk [tilespmem:v8+s25+$0x0], $0xffff  }
0x298: {  	v23 =	vor.u32 s9, v4;
	v13 =	vshrl.u32 v15, $0x8  }
0x299: {  	v19 =	vor.u32 s2, v4;
	v27 =	vor.u32 s21, v2;
	v13 =	vand.u32 $0xFF, v13  }
0x29a: {  	v53 =	vor.u32 s21, v5;
	v14 =	vshrl.u32 v16, $0x18;
	[tilespmem:v12+s29+$0x0] =	vst.idx.msk $0xffff, v10;
	v12 =	vmul.u32 $0xC0, v13  }
0x29b: {  	v10 =	vmul.u32 $0xC0, v14;
	v14 =	vshrl.u32 v16, $0x10;
	v16 =	vand.u32 $0xF8, v15;
	v13 =	vld [tilespmem:s11+$0xFFFFFFD0]  }
0x29c: {  	v59 =	vshrl.u32 v32, $0x18;
	v20 =	vld.idx.msk [tilespmem:v9+s25+$0x0], $0xffff;
	v9 =	vand.u32 $0x7, v15;
	v12 =	vadd.s32 v16, v12;
	[tilespmem:v11+s29+$0x0] =	vst.idx.msk $0xffff, v8  }
0x29d: {  	v17 =	vor.u32 s14, v0;
	v18 =	vand.u32 $0xF8, v14;
	v11 =	vor.u32 v9, v12;
	v12 =	vld [tilespmem:s12+$0x10]  }
0x29e: {  	v10 =	vadd.s32 v18, v10;
	v18 =	vor.u32 s2, v5;
	v8 =	vand.u32 $0x7, v14  }
0x29f: {  	v16 =	vor.u32 s2, v2;
	v8 =	vor.u32 v8, v10;
	v10 =	vshrl.u32 v15, $0x18  }
0x2a0: {  	v14 =	vor.u32 s2, v3;
	v15 =	vshrl.u32 v15, $0x10;
	v10 =	vmul.u32 $0xC0, v10  }
0x2a1: {  	v9 =	vor.u32 s2, v6;
	v22 =	vand.u32 $0xF8, v15;
	v15 =	vand.u32 $0x7, v15  }
0x2a2: {  	v21 =	vshrl.u32 v13, $0x8;
	[tilespmem:v17+s29+$0x0] =	vst.idx.msk $0xffff, v20;
	v10 =	vadd.s32 v22, v10;
	v11 =	vld.idx.msk [tilespmem:v11+s25+$0x0], $0xffff;
	v17 =	vshrl.u32 v12, $0x8  }
0x2a3: {  	v25 =	vand.u32 $0x7, v13;
	v10 =	vor.u32 v15, v10;
	v15 =	vand.u32 $0xFF, v17  }
0x2a4: {  	v20 =	vor.u32 s14, v1;
	v22 =	vld.idx.msk [tilespmem:v8+s25+$0x0], $0xffff;
	v17 =	vand.u32 $0xFF, v21;
	v15 =	vmul.u32 $0xC0, v15  }
0x2a5: {  	v8 =	vor.u32 s2, v7;
	v24 =	vand.u32 $0xF8, v12;
	v17 =	vmul.u32 $0xC0, v17  }
0x2a6: {  	v26 =	vand.u32 $0x7, v12;
	v21 =	vand.u32 $0xF8, v13;
	v15 =	vadd.s32 v24, v15  }
0x2a7: {  	v24 =	vshrl.u32 v13, $0x18;
	v17 =	vadd.s32 v21, v17;
	[tilespmem:v23+s29+$0x0] =	vst.idx.msk $0xffff, v11;
	v11 =	vor.u32 v26, v15  }
0x2a8: {  	v13 =	vshrl.u32 v13, $0x10;
	v21 =	vshrl.u32 v12, $0x18;
	v12 =	vshrl.u32 v12, $0x10  }
0x2a9: {  	v15 =	vmul.u32 $0xC0, v24;
	v17 =	vor.u32 v25, v17;
	[tilespmem:v20+s29+$0x0] =	vst.idx.msk $0xffff, v22;
	v20 =	vand.u32 $0xF8, v13;
	v25 =	vld [tilespmem:s13+$0x0]  }
0x2aa: {  	v23 =	vor.u32 s9, v5;
	v13 =	vand.u32 $0x7, v13;
	v24 =	vmul.u32 $0xC0, v21;
	v22 =	vld [tilespmem:s12+$0xFFFFFFD0]  }
0x2ab: {  	v21 =	vor.u32 s14, v2;
	v10 =	vld.idx.msk [tilespmem:v10+s25+$0x0], $0xffff;
	v15 =	vadd.s32 v20, v15;
	v20 =	vand.u32 $0xF8, v12  }
0x2ac: {  	v15 =	vor.u32 v13, v15;
	v26 =	vld.idx.msk [tilespmem:v11+s25+$0x0], $0xffff;
	v11 =	vand.u32 $0x7, v12;
	v12 =	vadd.s32 v20, v24  }
0x2ad: {  	v13 =	vor.u32 s14, v4;
	v20 =	vor.u32 s14, v3;
	v24 =	vor.u32 v11, v12  }
0x2ae: {  	v31 =	vshrl.u32 v25, $0x8;
	v35 =	vand.u32 $0x7, v25;
	v57 =	vshrl.u32 v25, $0x18  }
0x2af: {  	v12 =	vor.u32 s14, v5;
	v28 =	vshrl.u32 v22, $0x8;
	v11 =	vor.u32 s14, v6  }
0x2b0: {  	s19 =	simm.s32 $0x5;
	[tilespmem:v23+s29+$0x0] =	vst.idx.msk $0xffff, v10;
	v10 =	vor.u32 s14, v7;
	v30 =	vand.u32 $0x7, v22;
	v33 =	vshrl.u32 v22, $0x10  }
0x2b1: {  	s20 =	simm.s32 $0x200;
	s2 =	sand.u32 $0x7, s19;
	v31 =	vand.u32 $0xFF, v31;
	v23 =	vand.u32 $0xFF, v28;
	v29 =	vld [tilespmem:s11+$0x30];
	v28 =	vand.u32 $0xF8, v22;
	[tilespmem:v27+s29+$0x0] =	vst.idx.msk $0xffff, v26  }
0x2b2: {  	s22 =	simm.s32 $0x4;
	s5 =	sand.u32 $0xFFFFFC00, s20;
	s2 =	sshll.u32 s2, $0x7;
	v22 =	vshrl.u32 v22, $0x18;
	v26 =	vmul.u32 $0xC0, v31;
	v27 =	vor.u32 s21, v3;
	v24 =	vld.idx.msk [tilespmem:v24+s25+$0x0], $0xffff  }
0x2b3: {  	v17 =	vld.idx.msk [tilespmem:v17+s25+$0x0], $0xffff;
	s14 =	sor.u32 s5, s2;
	s2 =	sand.u32 $0x6, s22;
	v23 =	vmul.u32 $0xC0, v23;
	v31 =	vmul.u32 $0xC0, v22;
	v22 =	vand.u32 $0xF8, v25  }
0x2b4: {  	v36 =	vor.u32 s14, v0;
	s2 =	sshll.u32 s2, $0x7;
	v63 =	vor.u32 s14, v1;
	v22 =	vadd.s32 v22, v26  }
0x2b5: {  	v42 =	vand.u32 $0x7, v33;
	s2 =	sor.u32 s2, s5;
	v23 =	vadd.s32 v28, v23;
	v22 =	vor.u32 v35, v22  }
0x2b6: {  	v61 =	vor.u32 s2, v0;
	v28 =	vor.u32 v30, v23;
	v34 =	vshrl.u32 v29, $0x8  }
0x2b7: {  	v26 =	vshrl.u32 v32, $0x8;
	v30 =	vand.u32 $0xF8, v29;
	v56 =	vand.u32 $0x7, v29;
	[tilespmem:v27+s29+$0x0] =	vst.idx.msk $0xffff, v24  }
0x2b8: {  	[tilespmem:v16+s29+$0x0] =	vst.idx.msk $0xffff, v17;
	v23 =	vand.u32 $0xFF, v34;
	v24 =	vshrl.u32 v25, $0x10;
	v25 =	vmul.u32 $0xC0, v57;
	v27 =	vld [tilespmem:s12+$0x20]  }
0x2b9: {  	v15 =	vld.idx.msk [tilespmem:v15+s25+$0x0], $0xffff;
	v26 =	vand.u32 $0xFF, v26;
	v23 =	vmul.u32 $0xC0, v23;
	v58 =	vand.u32 $0xF8, v24  }
0x2ba: {  	v26 =	vmul.u32 $0xC0, v26;
	v37 =	vand.u32 $0x7, v24;
	v22 =	vld.idx.msk [tilespmem:v22+s25+$0x0], $0xffff;
	v25 =	vadd.s32 v58, v25  }
0x2bb: {  	v23 =	vadd.s32 v30, v23;
	v30 =	vand.u32 $0xF8, v32;
	v25 =	vor.u32 v37, v25  }
0x2bc: {  	s20 =	simm.s32 $0x1C0;
	v24 =	vor.u32 v56, v23;
	v23 =	vand.u32 $0x7, v32;
	v26 =	vadd.s32 v30, v26  }
0x2bd: {  	v54 =	vld [tilespmem:s20+$0x0];
	v16 =	vshrl.u32 v29, $0x10;
	v17 =	vor.u32 v23, v26;
	v23 =	vshrl.u32 v27, $0x8  }
0x2be: {  	v60 =	vshrl.u32 v29, $0x18;
	v29 =	vand.u32 $0xF8, v16;
	[tilespmem:v14+s29+$0x0] =	vst.idx.msk $0xffff, v15;
	v23 =	vand.u32 $0xFF, v23  }
0x2bf: {  	v14 =	vand.u32 $0x7, v16;
	v30 =	vmul.u32 $0xC0, v59;
	[tilespmem:v36+s29+$0x0] =	vst.idx.msk $0xffff, v22;
	v22 =	vmul.u32 $0xC0, v23  }
0x2c0: {  	v26 =	vmul.u32 $0xC0, v60;
	v23 =	vshrl.u32 v32, $0x10;
	v62 =	vld.idx.msk [tilespmem:v25+s25+$0x0], $0xffff;
	v25 =	vand.u32 $0xF8, v27  }
0x2c1: {  	v41 =	vand.u32 $0x7, v27;
	v40 =	vand.u32 $0xF8, v23;
	v22 =	vadd.s32 v25, v22  }
0x2c2: {  	v59 =	vshrl.u32 v54, $0x8;
	v17 =	vld.idx.msk [tilespmem:v17+s25+$0x0], $0xffff;
	v25 =	vadd.s32 v40, v30;
	v30 =	vor.u32 v41, v22  }
0x2c3: {  	v15 =	vadd.s32 v29, v26;
	v29 =	vld [tilespmem:s11+$0xFFFFFFE0];
	v26 =	vand.u32 $0xF8, v33;
	v23 =	vand.u32 $0x7, v23  }
0x2c4: {  	v16 =	vor.u32 v23, v25;
	v25 =	vor.u32 v14, v15;
	v14 =	vshrl.u32 v27, $0x18  }
0x2c5: {  	v26 =	vadd.s32 v26, v31;
	v23 =	vshrl.u32 v27, $0x10;
	v14 =	vmul.u32 $0xC0, v14;
	[tilespmem:v63+s29+$0x0] =	vst.idx.msk $0xffff, v62  }
0x2c6: {  	v31 =	vor.u32 v42, v26;
	v26 =	vor.u32 s2, v3;
	v27 =	vand.u32 $0xF8, v23;
	v43 =	vld [tilespmem:s13+$0x10]  }
0x2c7: {  	[tilespmem:v61+s29+$0x0] =	vst.idx.msk $0xffff, v17;
	v44 =	vand.u32 $0x7, v23;
	v14 =	vadd.s32 v27, v14;
	v17 =	vld.idx.msk [tilespmem:v30+s25+$0x0], $0xffff;
	v30 =	vor.u32 s21, v4  }
0x2c8: {  	v42 =	vor.u32 s14, v2;
	v45 =	vshrl.u32 v29, $0x8;
	v14 =	vor.u32 v44, v14  }
0x2c9: {  	v46 =	vand.u32 $0xF8, v29;
	v47 =	vand.u32 $0x7, v29;
	v15 =	vor.u32 s2, v1;
	v16 =	vld.idx.msk [tilespmem:v16+s25+$0x0], $0xffff  }
0x2ca: {  	v28 =	vld.idx.msk [tilespmem:v28+s25+$0x0], $0xffff;
	v48 =	vshrl.u32 v29, $0x18;
	v29 =	vshrl.u32 v29, $0x10;
	v32 =	vand.u32 $0xFF, v45  }
0x2cb: {  	v36 =	vmul.u32 $0xC0, v48;
	v22 =	vor.u32 s9, v6;
	v41 =	vld [tilespmem:s20+$0xFFFFFFC0];
	v49 =	vshrl.u32 v43, $0x8  }
0x2cc: {  	v32 =	vmul.u32 $0xC0, v32;
	v23 =	vor.u32 s9, v7;
	v50 =	vand.u32 $0xFF, v49;
	[tilespmem:v30+s29+$0x0] =	vst.idx.msk $0xffff, v17  }
0x2cd: {  	v63 =	vor.u32 s14, v3;
	v27 =	vor.u32 s2, v2;
	v51 =	vld.idx.msk [tilespmem:v14+s25+$0x0], $0xffff;
	v14 =	vmul.u32 $0xC0, v50  }
0x2ce: {  	v44 =	vand.u32 $0xF8, v54;
	v30 =	vand.u32 $0xF8, v29;
	[tilespmem:v15+s29+$0x0] =	vst.idx.msk $0xffff, v16;
	v16 =	vand.u32 $0xF8, v43  }
0x2cf: {  	v15 =	vadd.s32 v30, v36;
	v30 =	vand.u32 $0x7, v43;
	v14 =	vadd.s32 v16, v14  }
0x2d0: {  	[tilespmem:v21+s29+$0x0] =	vst.idx.msk $0xffff, v28;
	v62 =	vshrl.u32 v41, $0x8;
	v21 =	vand.u32 $0x7, v41;
	v30 =	vor.u32 v30, v14  }
0x2d1: {  	v28 =	vshrl.u32 v41, $0x18;
	v38 =	vshrl.u32 v43, $0x18;
	v33 =	vshrl.u32 v43, $0x10  }
0x2d2: {  	v38 =	vmul.u32 $0xC0, v38;
	v57 =	vand.u32 $0xF8, v33;
	v17 =	vadd.s32 v46, v32  }
0x2d3: {  	v33 =	vand.u32 $0x7, v33;
	v29 =	vand.u32 $0x7, v29;
	v35 =	vor.u32 v47, v17;
	v52 =	vld [tilespmem:s13+$0xFFFFFFD0]  }
0x2d4: {  	v17 =	vor.u32 s2, v4;
	v38 =	vadd.s32 v57, v38;
	v50 =	vand.u32 $0xF8, v41  }
0x2d5: {  	v36 =	vshrl.u32 v54, $0x10;
	v33 =	vor.u32 v33, v38;
	v38 =	vand.u32 $0xFF, v59;
	v30 =	vld.idx.msk [tilespmem:v30+s25+$0x0], $0xffff  }
0x2d6: {  	v47 =	vor.u32 s21, v7;
	v29 =	vor.u32 v29, v15;
	v60 =	vmul.u32 $0xC0, v38  }
0x2d7: {  	v15 =	vor.u32 s2, v6;
	v16 =	vor.u32 s2, v5;
	v14 =	vor.u32 s2, v7  }
0x2d8: {  	v31 =	vld.idx.msk [tilespmem:v31+s25+$0x0], $0xffff;
	v37 =	vadd.s32 v44, v60;
	v39 =	vshrl.u32 v52, $0x8;
	v56 =	vand.u32 $0xF8, v52  }
0x2d9: {  	s9 =	simm.s32 $0x7;
	v46 =	vld.idx.msk [tilespmem:v24+s25+$0x0], $0xffff;
	[tilespmem:v53+s29+$0x0] =	vst.idx.msk $0xffff, v51;
	v58 =	vand.u32 $0x7, v52;
	v43 =	vshrl.u32 v52, $0x10;
	v32 =	vshrl.u32 v52, $0x18  }
0x2da: {  	s15 =	simm.s32 $0x300;
	s22 =	simm.s32 $0x6;
	s2 =	sand.u32 $0x7, s9;
	v51 =	vshrl.u32 v54, $0x18;
	v52 =	vand.u32 $0x7, v36;
	v36 =	vand.u32 $0xF8, v36;
	v35 =	vld.idx.msk [tilespmem:v35+s25+$0x0], $0xffff;
	[tilespmem:v42+s29+$0x0] =	vst.idx.msk $0xffff, v30  }
0x2db: {  	s17 =	sand.u32 $0x6, s22;
	s5 =	sand.u32 $0xFFFFFC00, s15;
	s2 =	sshll.u32 s2, $0x7;
	v55 =	vand.u32 $0xFF, v39;
	v32 =	vmul.u32 $0xC0, v32;
	v39 =	vand.u32 $0xFF, v62;
	v33 =	vld.idx.msk [tilespmem:v33+s25+$0x0], $0xffff  }
0x2dc: {  	s19 =	sor.u32 s5, s2;
	s2 =	sshll.u32 s17, $0x7;
	v40 =	vld [tilespmem:s12+$0x30];
	v44 =	vmul.u32 $0xC0, v51;
	v34 =	vmul.u32 $0xC0, v55;
	v30 =	vand.u32 $0x7, v54  }
0x2dd: {  	[tilespmem:v20+s29+$0x0] =	vst.idx.msk $0xffff, v31;
	v45 =	vor.u32 s19, v0;
	s2 =	sor.u32 s2, s5;
	v39 =	vmul.u32 $0xC0, v39;
	v30 =	vor.u32 v30, v37  }
0x2de: {  	[tilespmem:v22+s29+$0x0] =	vst.idx.msk $0xffff, v46;
	v57 =	vor.u32 s2, v0;
	v36 =	vadd.s32 v36, v44;
	v34 =	vadd.s32 v56, v34  }
0x2df: {  	v22 =	vor.u32 s2, v5;
	v39 =	vadd.s32 v50, v39;
	v34 =	vor.u32 v58, v34;
	[tilespmem:v19+s29+$0x0] =	vst.idx.msk $0xffff, v35  }
0x2e0: {  	v20 =	vor.u32 v21, v39;
	v21 =	vmul.u32 $0xC0, v28;
	v28 =	vshrl.u32 v41, $0x10;
	v29 =	vld.idx.msk [tilespmem:v29+s25+$0x0], $0xffff;
	[tilespmem:v63+s29+$0x0] =	vst.idx.msk $0xffff, v33  }
0x2e1: {  	v39 =	vor.u32 s2, v1;
	v61 =	vshrl.u32 v40, $0x8;
	v48 =	vand.u32 $0xF8, v40;
	v54 =	vld [tilespmem:s13+$0x20]  }
0x2e2: {  	v49 =	vand.u32 $0x7, v40;
	v53 =	vshrl.u32 v40, $0x18;
	v40 =	vshrl.u32 v40, $0x10;
	v30 =	vld.idx.msk [tilespmem:v30+s25+$0x0], $0xffff  }
0x2e3: {  	v58 =	vand.u32 $0x7, v28;
	v28 =	vand.u32 $0xF8, v28;
	v33 =	vor.u32 v52, v36  }
0x2e4: {  	v38 =	vand.u32 $0xFF, v61;
	v55 =	vand.u32 $0xF8, v40;
	v40 =	vand.u32 $0x7, v40  }
0x2e5: {  	v56 =	vld [tilespmem:s12+$0xFFFFFFE0];
	v21 =	vadd.s32 v28, v21;
	v28 =	vand.u32 $0xF8, v43;
	v61 =	vand.u32 $0x7, v43  }
0x2e6: {  	v38 =	vmul.u32 $0xC0, v38;
	v42 =	vor.u32 s21, v6;
	v20 =	vld.idx.msk [tilespmem:v20+s25+$0x0], $0xffff;
	[tilespmem:v18+s29+$0x0] =	vst.idx.msk $0xffff, v29;
	v59 =	vshrl.u32 v54, $0x8  }
0x2e7: {  	v60 =	vor.u32 v58, v21;
	v21 =	vor.u32 s19, v1;
	v50 =	vld [tilespmem:s11+$0xFFFFFFF0];
	[tilespmem:v45+s29+$0x0] =	vst.idx.msk $0xffff, v30;
	v30 =	vand.u32 $0xFF, v59  }
0x2e8: {  	v28 =	vadd.s32 v28, v32;
	v37 =	vmul.u32 $0xC0, v53;
	v19 =	vld.idx.msk [tilespmem:v33+s25+$0x0], $0xffff;
	v30 =	vmul.u32 $0xC0, v30  }
0x2e9: {  	v35 =	vor.u32 v61, v28;
	v38 =	vadd.s32 v48, v38;
	v62 =	vand.u32 $0xF8, v54  }
0x2ea: {  	v38 =	vor.u32 v49, v38;
	v63 =	vand.u32 $0x7, v54;
	v30 =	vadd.s32 v62, v30  }
0x2eb: {  	v18 =	vand.u32 $0x7, v56;
	v36 =	vadd.s32 v55, v37;
	v30 =	vor.u32 v63, v30  }
0x2ec: {  	v31 =	vor.u32 v40, v36;
	v36 =	vshrl.u32 v56, $0x10;
	[tilespmem:v57+s29+$0x0] =	vst.idx.msk $0xffff, v20;
	v45 =	vshrl.u32 v56, $0x8  }
0x2ed: {  	v48 =	vld.idx.msk [tilespmem:v34+s25+$0x0], $0xffff;
	v57 =	vand.u32 $0xF8, v50;
	v24 =	vand.u32 $0xFF, v45;
	v28 =	vshrl.u32 v54, $0x18;
	[tilespmem:v21+s29+$0x0] =	vst.idx.msk $0xffff, v19  }
0x2ee: {  	v61 =	vshrl.u32 v50, $0x10;
	v24 =	vmul.u32 $0xC0, v24;
	v49 =	vmul.u32 $0xC0, v28;
	v28 =	vld [tilespmem:s20+$0x10]  }
0x2ef: {  	v51 =	vld.idx.msk [tilespmem:v38+s25+$0x0], $0xffff;
	v59 =	vand.u32 $0x7, v50;
	v19 =	vand.u32 $0xF8, v56;
	v21 =	vshrl.u32 v54, $0x10  }
0x2f0: {  	v29 =	vand.u32 $0xF8, v21;
	v19 =	vadd.s32 v19, v24;
	v20 =	vld.idx.msk [tilespmem:v30+s25+$0x0], $0xffff;
	v30 =	vor.u32 s14, v4  }
0x2f1: {  	v21 =	vand.u32 $0x7, v21;
	v24 =	vadd.s32 v29, v49;
	v29 =	vshrl.u32 v56, $0x18  }
0x2f2: {  	[tilespmem:v27+s29+$0x0] =	vst.idx.msk $0xffff, v48;
	v53 =	vld.idx.msk [tilespmem:v60+s25+$0x0], $0xffff;
	v54 =	vand.u32 $0x7, v36;
	v29 =	vmul.u32 $0xC0, v29;
	v52 =	vor.u32 v21, v24  }
0x2f3: {  	v35 =	vld.idx.msk [tilespmem:v35+s25+$0x0], $0xffff;
	v63 =	vand.u32 $0xF8, v61;
	v24 =	vand.u32 $0xF8, v36;
	v27 =	vshrl.u32 v28, $0x8  }
0x2f4: {  	[tilespmem:v42+s29+$0x0] =	vst.idx.msk $0xffff, v51;
	v18 =	vor.u32 v18, v19;
	v29 =	vadd.s32 v24, v29;
	v55 =	vand.u32 $0xFF, v27  }
0x2f5: {  	v25 =	vld.idx.msk [tilespmem:v25+s25+$0x0], $0xffff;
	v56 =	vshrl.u32 v50, $0x8;
	v27 =	vor.u32 v54, v29;
	v29 =	vmul.u32 $0xC0, v55;
	[tilespmem:v30+s29+$0x0] =	vst.idx.msk $0xffff, v20  }
0x2f6: {  	s11 =	sshll.u32 s10, $0x1;
	v31 =	vld.idx.msk [tilespmem:v31+s25+$0x0], $0xffff;
	v19 =	vor.u32 s2, v3;
	v33 =	vand.u32 $0xFF, v56;
	v58 =	vand.u32 $0xF8, v28;
	s21 =	rddreg [dreg:$0x3]  }
0x2f7: {  	v60 =	vmul.u32 $0xC0, v33;
	v20 =	vadd.s32 v58, v29;
	v30 =	vand.u32 $0x7, v28;
	[tilespmem:v39+s29+$0x0] =	vst.idx.msk $0xffff, v53;
	v29 =	vld.idx.msk [tilespmem:v52+s25+$0x0], $0xffff;
	s5 =	sadd.s32 s21, s11  }
0x2f8: {  	v34 =	vor.u32 v30, v20;
	v30 =	vor.u32 s14, v5;
	v20 =	vshrl.u32 v50, $0x18;
	v33 =	vld [tilespmem:s20+$0xFFFFFFD0];
	s5 =	sshll.u32 s5, $0x12  }
0x2f9: {  	v21 =	vor.u32 s2, v2;
	[tilespmem:v26+s29+$0x0] =	vst.idx.msk $0xffff, v35;
	v26 =	vadd.s32 v57, v60;
	v62 =	vmul.u32 $0xC0, v20;
	s5 =	sor.u32 s8, s5  }
0x2fa: {  	v24 =	vor.u32 s2, v4;
	v32 =	vld.idx.msk [tilespmem:v18+s25+$0x0], $0xffff;
	v18 =	vor.u32 s2, v7;
	[tilespmem:v23+s29+$0x0] =	vst.idx.msk $0xffff, v25;
	v25 =	vor.u32 v59, v26;
	s5 =	sshrl.u32 s5, $0x3  }
0x2fb: {  	s9 =	simm.s32 $0x240;
	[tilespmem:v47+s29+$0x0] =	vst.idx.msk $0xffff, v31;
	v23 =	vld [tilespmem:s13+$0xFFFFFFE0];
	v26 =	vand.u32 $0x7, v61;
	v20 =	vor.u32 s2, v6;
	v31 =	vadd.s32 v63, v62;
	s21 =	sadd.s32 s18, s5  }
.LBB2_7:
0x2fc: {  	v35 =	vld [tilespmem:s9+$0x0];
	v36 =	vshrl.u32 v28, $0x18;
	v26 =	vor.u32 v26, v31  }
0x2fd: {  	v28 =	vshrl.u32 v28, $0x10;
	v31 =	vshrl.u32 v33, $0x8;
	v34 =	vld.idx.msk [tilespmem:v34+s25+$0x0], $0xffff;
	v36 =	vmul.u32 $0xC0, v36;
	[tilespmem:v30+s29+$0x0] =	vst.idx.msk $0xffff, v29  }
0x2fe: {  	v30 =	vand.u32 $0xF8, v33;
	v29 =	vand.u32 $0xFF, v31;
	v31 =	vand.u32 $0xF8, v28;
	v37 =	vld [tilespmem:s13+$0x30]  }
0x2ff: {  	v39 =	vor.u32 s19, v2;
	v28 =	vand.u32 $0x7, v28;
	v38 =	vld [tilespmem:s9+$0xFFFFFFC0];
	v31 =	vadd.s32 v31, v36  }
0x300: {  	v36 =	vand.u32 $0x7, v33;
	v29 =	vmul.u32 $0xC0, v29;
	v28 =	vor.u32 v28, v31;
	[tilespmem:v13+s29+$0x0] =	vst.idx.msk $0xffff, v32;
	v25 =	vld.idx.msk [tilespmem:v25+s25+$0x0], $0xffff  }
0x301: {  	v32 =	vshrl.u32 v33, $0x10;
	v33 =	vshrl.u32 v33, $0x18;
	v13 =	vmovc v17;
	v17 =	vmovc v24;
	v31 =	vshrl.u32 v35, $0x8;
	v27 =	vld.idx.msk [tilespmem:v27+s25+$0x0], $0xffff  }
0x302: {  	v29 =	vadd.s32 v30, v29;
	v30 =	vmul.u32 $0xC0, v33;
	v24 =	vand.u32 $0xFF, v31  }
0x303: {  	v29 =	vor.u32 v36, v29;
	v24 =	vmul.u32 $0xC0, v24;
	v31 =	vshrl.u32 v37, $0x8  }
0x304: {  	v36 =	vand.u32 $0xF8, v35;
	v33 =	vshrl.u32 v38, $0x8;
	[tilespmem:v39+s29+$0x0] =	vst.idx.msk $0xffff, v34;
	v31 =	vand.u32 $0xFF, v31  }
0x305: {  	v34 =	vand.u32 $0x7, v35;
	v24 =	vadd.s32 v36, v24;
	v28 =	vld.idx.msk [tilespmem:v28+s25+$0x0], $0xffff;
	v31 =	vmul.u32 $0xC0, v31  }
0x306: {  	s2 =	sadd.s32 $0x3, s22;
	s22 =	sadd.s32 $0x2, s22;
	v36 =	vand.u32 $0xF8, v37;
	v24 =	vor.u32 v34, v24;
	v34 =	vor.u32 s19, v3;
	[tilespmem:v9+s29+$0x0] =	vst.idx.msk $0xffff, v25;
	v9 =	vmovc v11  }
0x307: {  	s5 =	sand.u32 $0x6, s22;
	s15 =	sshll.u32 s22, $0x7;
	s2 =	sand.u32 $0x7, s2;
	v40 =	vand.u32 $0xFF, v33;
	v25 =	vand.u32 $0x7, v37;
	v31 =	vadd.s32 v36, v31;
	[tilespmem:v12+s29+$0x0] =	vst.idx.msk $0xffff, v27;
	v26 =	vld.idx.msk [tilespmem:v26+s25+$0x0], $0xffff  }
0x308: {  	s15 =	sand.u32 $0xFFFFFC00, s15;
	s5 =	sshll.u32 s5, $0x7;
	s17 =	sshll.u32 s2, $0x7;
	v33 =	vmul.u32 $0xC0, v40;
	v27 =	vand.u32 $0xF8, v38;
	v12 =	vmovc v16;
	v16 =	vmovc v22;
	v29 =	vld.idx.msk [tilespmem:v29+s25+$0x0], $0xffff;
	v31 =	vor.u32 v25, v31  }
0x309: {  	p1 =	slt.u32 s22, $0x7E;
	s2 =	sor.u32 s5, s15;
	s5 =	sor.u32 s15, s17;
	v39 =	vshrl.u32 v35, $0x18;
	v11 =	vmovc v15;
	v15 =	vmovc v20;
	v22 =	vand.u32 $0x7, v38;
	v36 =	vshrl.u32 v38, $0x18;
	v25 =	vld [tilespmem:s12+$0xFFFFFFF0]  }
0x30a: {  	v35 =	vshrl.u32 v35, $0x10;
	v39 =	vmul.u32 $0xC0, v39;
	v20 =	vor.u32 s5, v0;
	s12 =	smov.u32 s13;
	s13 =	smov.u32 s20;
	s20 =	smov.u32 s9  }
0x30b: {  	v40 =	vand.u32 $0x7, v35;
	v35 =	vand.u32 $0xF8, v35;
	v24 =	vld.idx.msk [tilespmem:v24+s25+$0x0], $0xffff;
	[tilespmem:v34+s29+$0x0] =	vst.idx.msk $0xffff, v28;
	v28 =	vshrl.u32 v37, $0x18  }
0x30c: {  	v34 =	vadd.s32 v35, v39;
	v37 =	vshrl.u32 v37, $0x10;
	v35 =	vld [tilespmem:s13+$0x20];
	v28 =	vmul.u32 $0xC0, v28  }
0x30d: {  	v27 =	vadd.s32 v27, v33;
	v33 =	vor.u32 v40, v34;
	v34 =	vand.u32 $0xF8, v37;
	v31 =	vld.idx.msk [tilespmem:v31+s25+$0x0], $0xffff  }
0x30e: {  	[tilespmem:v21+s29+$0x0] =	vst.idx.msk $0xffff, v29;
	v21 =	vor.u32 s14, v6;
	v29 =	vand.u32 $0x7, v37;
	v28 =	vadd.s32 v34, v28  }
0x30f: {  	v22 =	vor.u32 v22, v27;
	v27 =	vmul.u32 $0xC0, v36;
	v28 =	vor.u32 v29, v28;
	[tilespmem:v8+s29+$0x0] =	vst.idx.msk $0xffff, v26  }
0x310: {  	v34 =	vor.u32 s2, v1;
	v26 =	vor.u32 s2, v0;
	v29 =	vshrl.u32 v38, $0x10;
	v8 =	vmovc v10;
	v10 =	vmovc v14  }
0x311: {  	v14 =	vmovc v18;
	v36 =	vand.u32 $0x7, v29;
	v29 =	vand.u32 $0xF8, v29;
	[tilespmem:v20+s29+$0x0] =	vst.idx.msk $0xffff, v24;
	v20 =	vshrl.u32 v35, $0x8  }
0x312: {  	v18 =	vadd.s32 v29, v27;
	v27 =	vand.u32 $0xF8, v32;
	v24 =	vld.idx.msk [tilespmem:v33+s25+$0x0], $0xffff;
	v20 =	vand.u32 $0xFF, v20  }
0x313: {  	v29 =	vor.u32 s5, v1;
	v18 =	vor.u32 v36, v18;
	v20 =	vmul.u32 $0xC0, v20;
	[tilespmem:v21+s29+$0x0] =	vst.idx.msk $0xffff, v31  }
0x314: {  	v27 =	vadd.s32 v27, v30;
	v31 =	vand.u32 $0x7, v32;
	v21 =	vand.u32 $0xF8, v35;
	v30 =	vld.idx.msk [tilespmem:v28+s25+$0x0], $0xffff  }
0x315: {  	v32 =	vor.u32 s14, v7;
	s14 =	smov.u32 s19;
	s19 =	smov.u32 s5;
	v28 =	vand.u32 $0x7, v35;
	v22 =	vld.idx.msk [tilespmem:v22+s25+$0x0], $0xffff;
	v20 =	vadd.s32 v21, v20  }
0x316: {  	v27 =	vor.u32 v31, v27;
	v21 =	vor.u32 s2, v2;
	v20 =	vor.u32 v28, v20  }
0x317: {  	v33 =	vand.u32 $0xF8, v23;
	v31 =	vor.u32 s2, v3;
	v28 =	vshrl.u32 v23, $0x8  }
0x318: {  	v36 =	vshrl.u32 v23, $0x18;
	[tilespmem:v29+s29+$0x0] =	vst.idx.msk $0xffff, v24;
	v24 =	vand.u32 $0xFF, v28;
	v29 =	vand.u32 $0x7, v23  }
0x319: {  	v37 =	vshrl.u32 v35, $0x18;
	v36 =	vmul.u32 $0xC0, v36;
	v28 =	vld [tilespmem:s9+$0x10];
	v24 =	vmul.u32 $0xC0, v24  }
0x31a: {  	v37 =	vmul.u32 $0xC0, v37;
	v35 =	vshrl.u32 v35, $0x10;
	v23 =	vshrl.u32 v23, $0x10;
	[tilespmem:v32+s29+$0x0] =	vst.idx.msk $0xffff, v30  }
0x31b: {  	[tilespmem:v26+s29+$0x0] =	vst.idx.msk $0xffff, v22;
	v20 =	vld.idx.msk [tilespmem:v20+s25+$0x0], $0xffff;
	v22 =	vand.u32 $0xF8, v35;
	v24 =	vadd.s32 v33, v24;
	v26 =	vand.u32 $0xF8, v23  }
0x31c: {  	v30 =	vor.u32 s14, v4;
	v32 =	vand.u32 $0x7, v35;
	v18 =	vld.idx.msk [tilespmem:v18+s25+$0x0], $0xffff;
	v22 =	vadd.s32 v22, v37  }
0x31d: {  	v37 =	vor.u32 v29, v24;
	v26 =	vadd.s32 v26, v36;
	v35 =	vld.idx.msk [tilespmem:v27+s25+$0x0], $0xffff;
	v32 =	vor.u32 v32, v22  }
0x31e: {  	v23 =	vand.u32 $0x7, v23;
	v24 =	vor.u32 s2, v4;
	v27 =	vshrl.u32 v28, $0x8  }
0x31f: {  	v22 =	vor.u32 s2, v5;
	v29 =	vand.u32 $0xFF, v27;
	v27 =	vor.u32 v23, v26  }
0x320: {  	v36 =	vand.u32 $0xF8, v25;
	v26 =	vshrl.u32 v25, $0x8;
	v23 =	vmul.u32 $0xC0, v29  }
0x321: {  	v29 =	vand.u32 $0xF8, v28;
	[tilespmem:v30+s29+$0x0] =	vst.idx.msk $0xffff, v20;
	v20 =	vand.u32 $0xFF, v26;
	v26 =	vand.u32 $0x7, v25  }
.Ltmp2:
0x322: {  	[tilespmem:v34+s29+$0x0] =	vst.idx.msk $0xffff, v18;
	v18 =	vand.u32 $0x7, v28;
	v23 =	vadd.s32 v29, v23;
	v29 =	vld.idx.msk [tilespmem:v32+s25+$0x0], $0xffff;
	v20 =	vmul.u32 $0xC0, v20;
	(pc) =	sbr.rel @p1 .LBB2_7-.Ltmp2, $4  }
0x323: {  	v30 =	vor.u32 s14, v5;
	v33 =	vld [tilespmem:s9+$0xFFFFFFD0];
	v34 =	vor.u32 v18, v23;
	[tilespmem:v19+s29+$0x0] =	vst.idx.msk $0xffff, v35;
	v18 =	vshrl.u32 v25, $0x18;
	v19 =	vmovc v31  }
0x324: {  	v31 =	vshrl.u32 v25, $0x10;
	v23 =	vld [tilespmem:s13+$0xFFFFFFE0];
	v20 =	vadd.s32 v36, v20;
	v35 =	vmul.u32 $0xC0, v18  }
0x325: {  	v32 =	vld.idx.msk [tilespmem:v37+s25+$0x0], $0xffff;
	v25 =	vor.u32 v26, v20;
	v26 =	vand.u32 $0x7, v31;
	v31 =	vand.u32 $0xF8, v31  }
0x326: {  	s9 =	sadd.s32 $0x80, s9;
	v18 =	vor.u32 s2, v7;
	v20 =	vor.u32 s2, v6;
	v31 =	vadd.s32 v31, v35  }
0x327: {  	_ = 	snop  }
0x328: {  	v35 =	vshrl.u32 v28, $0x18  }
0x329: {  	v28 =	vshrl.u32 v28, $0x10;
	v36 =	vshrl.u32 v33, $0x8;
	v35 =	vmul.u32 $0xC0, v35  }
0x32a: {  	v38 =	vor.u32 s19, v2;
	v37 =	vand.u32 $0xF8, v28;
	v36 =	vand.u32 $0xFF, v36  }
0x32b: {  	v34 =	vld.idx.msk [tilespmem:v34+s25+$0x0], $0xffff;
	v28 =	vand.u32 $0x7, v28;
	v35 =	vadd.s32 v37, v35;
	v36 =	vmul.u32 $0xC0, v36  }
0x32c: {  	v49 =	vand.u32 $0xF8, v33;
	v28 =	vor.u32 v28, v35  }
0x32d: {  	v50 =	vand.u32 $0x7, v33;
	v36 =	vadd.s32 v49, v36  }
0x32e: {  	v35 =	vor.u32 v50, v36;
	_ =	sdelay $0x1  }
0x32f: {  	v51 =	vshrl.u32 v33, $0x18;
	[tilespmem:v38+s29+$0x0] =	vst.idx.msk $0xffff, v34  }
0x330: {  	v54 =	vor.u32 s19, v3;
	v52 =	vshrl.u32 v33, $0x10;
	v53 =	vmul.u32 $0xC0, v51;
	v28 =	vld.idx.msk [tilespmem:v28+s25+$0x0], $0xffff  }
0x331: {  	v55 =	vand.u32 $0xF8, v52  }
0x332: {  	v33 =	vand.u32 $0x7, v52;
	v34 =	vadd.s32 v55, v53;
	v35 =	vld.idx.msk [tilespmem:v35+s25+$0x0], $0xffff  }
0x333: {  	v33 =	vor.u32 v33, v34;
	_ =	sdelay $0x1  }
0x334: {  	[tilespmem:v54+s29+$0x0] =	vst.idx.msk $0xffff, v28  }
0x335: {  	v28 =	vld [tilespmem:s20+$0x20]  }
0x336: {  	[tilespmem:v21+s29+$0x0] =	vst.idx.msk $0xffff, v35  }
0x337: {  	v21 =	vld.idx.msk [tilespmem:v33+s25+$0x0], $0xffff;
	_ =	sdelay $0x2  }
0x338: {  	v56 =	vshrl.u32 v28, $0x8  }
0x339: {  	v33 =	vand.u32 $0xFF, v56  }
0x33a: {  	v33 =	vmul.u32 $0xC0, v33;
	[tilespmem:v19+s29+$0x0] =	vst.idx.msk $0xffff, v21  }
0x33b: {  	v19 =	vand.u32 $0xF8, v28;
	v21 =	vld [tilespmem:s20+$0xFFFFFFE0]  }
0x33c: {  	v57 =	vand.u32 $0x7, v28;
	v19 =	vadd.s32 v19, v33  }
0x33d: {  	v19 =	vor.u32 v57, v19  }
0x33e: {  	v39 =	vor.u32 s19, v4;
	v58 =	vshrl.u32 v23, $0x8;
	v61 =	vshrl.u32 v28, $0x18  }
0x33f: {  	v59 =	vand.u32 $0xF8, v23;
	v60 =	vand.u32 $0x7, v23;
	v36 =	vmul.u32 $0xC0, v61  }
0x340: {  	v28 =	vshrl.u32 v28, $0x10;
	v33 =	vand.u32 $0xFF, v58;
	v62 =	vshrl.u32 v21, $0x8  }
0x341: {  	v63 =	vand.u32 $0xF8, v28;
	v33 =	vmul.u32 $0xC0, v33;
	v37 =	vand.u32 $0xFF, v62  }
0x342: {  	v28 =	vand.u32 $0x7, v28;
	v36 =	vadd.s32 v63, v36;
	v19 =	vld.idx.msk [tilespmem:v19+s25+$0x0], $0xffff;
	v37 =	vmul.u32 $0xC0, v37  }
0x343: {  	[tilespmem:v30+s29+$0x0] =	vst.idx.msk $0xffff, v29;
	v28 =	vor.u32 v28, v36;
	v33 =	vadd.s32 v59, v33;
	v36 =	vand.u32 $0xF8, v21  }
0x344: {  	[tilespmem:v13+s29+$0x0] =	vst.idx.msk $0xffff, v32;
	v29 =	vor.u32 v60, v33;
	v30 =	vand.u32 $0x7, v21;
	v37 =	vadd.s32 v36, v37  }
0x345: {  	v27 =	vld.idx.msk [tilespmem:v27+s25+$0x0], $0xffff;
	v13 =	vor.u32 v30, v37  }
0x346: {  	v41 =	vor.u32 s19, v5;
	v38 =	vld [tilespmem:s13+$0x30];
	v30 =	vshrl.u32 v23, $0x18  }
0x347: {  	v23 =	vshrl.u32 v23, $0x10;
	v30 =	vmul.u32 $0xC0, v30;
	[tilespmem:v39+s29+$0x0] =	vst.idx.msk $0xffff, v19;
	v19 =	vshrl.u32 v21, $0x18  }
0x348: {  	v40 =	vand.u32 $0xF8, v23;
	v21 =	vshrl.u32 v21, $0x10;
	v28 =	vld.idx.msk [tilespmem:v28+s25+$0x0], $0xffff;
	v19 =	vmul.u32 $0xC0, v19  }
0x349: {  	v29 =	vld.idx.msk [tilespmem:v29+s25+$0x0], $0xffff;
	v23 =	vand.u32 $0x7, v23;
	v30 =	vadd.s32 v40, v30;
	v42 =	vand.u32 $0xF8, v21  }
0x34a: {  	v21 =	vand.u32 $0x7, v21;
	v23 =	vor.u32 v23, v30;
	v19 =	vadd.s32 v42, v19;
	v13 =	vld.idx.msk [tilespmem:v13+s25+$0x0], $0xffff  }
0x34b: {  	[tilespmem:v12+s29+$0x0] =	vst.idx.msk $0xffff, v27;
	v30 =	vshrl.u32 v38, $0x8;
	v12 =	vor.u32 v21, v19  }
0x34c: {  	v19 =	vand.u32 $0xFF, v30;
	v21 =	vld [tilespmem:s12+$0xFFFFFFF0]  }
0x34d: {  	v19 =	vmul.u32 $0xC0, v19;
	[tilespmem:v41+s29+$0x0] =	vst.idx.msk $0xffff, v28  }
0x34e: {  	v27 =	vand.u32 $0xF8, v38;
	[tilespmem:v17+s29+$0x0] =	vst.idx.msk $0xffff, v29;
	v28 =	vld [tilespmem:s20+$0x30]  }
0x34f: {  	v17 =	vand.u32 $0x7, v38;
	v19 =	vadd.s32 v27, v19;
	v23 =	vld.idx.msk [tilespmem:v23+s25+$0x0], $0xffff;
	[tilespmem:v24+s29+$0x0] =	vst.idx.msk $0xffff, v13  }
0x350: {  	v13 =	vor.u32 v26, v31;
	v17 =	vor.u32 v17, v19;
	v19 =	vshrl.u32 v38, $0x18;
	v12 =	vld.idx.msk [tilespmem:v12+s25+$0x0], $0xffff  }
0x351: {  	v24 =	vshrl.u32 v38, $0x10;
	v19 =	vmul.u32 $0xC0, v19;
	v26 =	vshrl.u32 v21, $0x8  }
0x352: {  	v29 =	vor.u32 s14, v6;
	v27 =	vand.u32 $0xF8, v24;
	v26 =	vand.u32 $0xFF, v26  }
0x353: {  	v24 =	vand.u32 $0x7, v24;
	v19 =	vadd.s32 v27, v19;
	v26 =	vmul.u32 $0xC0, v26  }
0x354: {  	v27 =	vand.u32 $0x7, v21;
	v19 =	vor.u32 v24, v19;
	v24 =	vand.u32 $0xF8, v21;
	[tilespmem:v16+s29+$0x0] =	vst.idx.msk $0xffff, v23  }
0x355: {  	v16 =	vshrl.u32 v21, $0x18;
	v23 =	vadd.s32 v24, v26;
	v24 =	vshrl.u32 v28, $0x8;
	v26 =	vld [tilespmem:s13+$0xFFFFFFF0];
	[tilespmem:v22+s29+$0x0] =	vst.idx.msk $0xffff, v12  }
0x356: {  	v16 =	vmul.u32 $0xC0, v16;
	v12 =	vshrl.u32 v21, $0x10;
	v21 =	vand.u32 $0xFF, v24;
	v22 =	vld [tilespmem:s20+$0xFFFFFFF0]  }
0x357: {  	v23 =	vor.u32 v27, v23;
	v24 =	vand.u32 $0xF8, v12;
	v21 =	vmul.u32 $0xC0, v21  }
0x358: {  	v12 =	vand.u32 $0x7, v12;
	v16 =	vadd.s32 v24, v16;
	v24 =	vand.u32 $0xF8, v28  }
0x359: {  	v12 =	vor.u32 v12, v16;
	v16 =	vand.u32 $0x7, v28;
	v21 =	vadd.s32 v24, v21  }
0x35a: {  	v27 =	vshrl.u32 v28, $0x10;
	v16 =	vor.u32 v16, v21;
	v24 =	vshrl.u32 v26, $0x8  }
0x35b: {  	v21 =	vshrl.u32 v28, $0x18;
	v24 =	vand.u32 $0xFF, v24;
	v28 =	vshrl.u32 v22, $0x8  }
0x35c: {  	v30 =	vand.u32 $0xF8, v27;
	v24 =	vmul.u32 $0xC0, v24;
	v28 =	vand.u32 $0xFF, v28  }
0x35d: {  	v31 =	vand.u32 $0xF8, v26;
	v43 =	vand.u32 $0x7, v26;
	v28 =	vmul.u32 $0xC0, v28  }
0x35e: {  	v25 =	vld.idx.msk [tilespmem:v25+s25+$0x0], $0xffff;
	v21 =	vmul.u32 $0xC0, v21;
	v24 =	vadd.s32 v31, v24;
	v31 =	vand.u32 $0xF8, v22  }
0x35f: {  	v17 =	vld.idx.msk [tilespmem:v17+s25+$0x0], $0xffff;
	v44 =	vand.u32 $0x7, v22;
	v24 =	vor.u32 v43, v24;
	v28 =	vadd.s32 v31, v28  }
0x360: {  	v27 =	vand.u32 $0x7, v27;
	v21 =	vadd.s32 v30, v21;
	v28 =	vor.u32 v44, v28  }
0x361: {  	v23 =	vld.idx.msk [tilespmem:v23+s25+$0x0], $0xffff;
	v30 =	vor.u32 s19, v6;
	v21 =	vor.u32 v27, v21;
	v27 =	vshrl.u32 v26, $0x18  }
0x362: {  	v26 =	vshrl.u32 v26, $0x10;
	v27 =	vmul.u32 $0xC0, v27;
	v31 =	vshrl.u32 v22, $0x18  }
0x363: {  	[tilespmem:v9+s29+$0x0] =	vst.idx.msk $0xffff, v25;
	v16 =	vld.idx.msk [tilespmem:v16+s25+$0x0], $0xffff;
	v45 =	vand.u32 $0xF8, v26;
	v22 =	vshrl.u32 v22, $0x10;
	v31 =	vmul.u32 $0xC0, v31  }
0x364: {  	[tilespmem:v29+s29+$0x0] =	vst.idx.msk $0xffff, v17;
	v9 =	vand.u32 $0x7, v26;
	v25 =	vadd.s32 v45, v27;
	v26 =	vand.u32 $0xF8, v22;
	v24 =	vld.idx.msk [tilespmem:v24+s25+$0x0], $0xffff  }
0x365: {  	v22 =	vand.u32 $0x7, v22;
	v9 =	vor.u32 v9, v25;
	v25 =	vadd.s32 v26, v31;
	v26 =	vld.idx.msk [tilespmem:v28+s25+$0x0], $0xffff  }
0x366: {  	v13 =	vld.idx.msk [tilespmem:v13+s25+$0x0], $0xffff;
	[tilespmem:v11+s29+$0x0] =	vst.idx.msk $0xffff, v23;
	v17 =	vor.u32 v22, v25  }
0x367: {  	v11 =	vld.idx.msk [tilespmem:v12+s25+$0x0], $0xffff  }
0x368: {  	v19 =	vld.idx.msk [tilespmem:v19+s25+$0x0], $0xffff;
	v22 =	vor.u32 s14, v7;
	[tilespmem:v30+s29+$0x0] =	vst.idx.msk $0xffff, v16  }
0x369: {  	v16 =	vor.u32 s19, v7;
	v12 =	vld.idx.msk [tilespmem:v21+s25+$0x0], $0xffff;
	[tilespmem:v15+s29+$0x0] =	vst.idx.msk $0xffff, v24  }
0x36a: {  	v9 =	vld.idx.msk [tilespmem:v9+s25+$0x0], $0xffff;
	[tilespmem:v20+s29+$0x0] =	vst.idx.msk $0xffff, v26  }
0x36b: {  	[tilespmem:v8+s29+$0x0] =	vst.idx.msk $0xffff, v13;
	v8 =	vld.idx.msk [tilespmem:v17+s25+$0x0], $0xffff  }
0x36c: {  	s2 =	sld [smem:$0x7FF];
	[tilespmem:v10+s29+$0x0] =	vst.idx.msk $0xffff, v11  }
0x36d: {  	[tilespmem:v22+s29+$0x0] =	vst.idx.msk $0xffff, v19  }
0x36e: {  	[tilespmem:v16+s29+$0x0] =	vst.idx.msk $0xffff, v12  }
0x36f: {  	p1 =	sne.s32 @!p0 s2, $0x1;
	[tilespmem:v14+s29+$0x0] =	vst.idx.msk $0xffff, v9  }
0x370: {  	p1 =	por !p1, p0;
	[tilespmem:v18+s29+$0x0] =	vst.idx.msk $0xffff, v8  }
0x371: {  	[hbm4b:s21+s30] =	stream.strided.scatter [tilespmem:s29], [sflag:$0x3], $0x4000, s31, s30, $0x38;
	[tilespmem:$0x1C000] =	vst v63  }
0x372: {  	s2 =	sor.u32 @!p1 $0x100000, s7;
	s5 =	rddreg [dreg:$0xb]  }
0x373: {  	[smem:s2], [sflag:$0x0] =	smem.add.s32 @!p1 $0x1A9;
	s2 =	simm.s32 @!p1 $0x0;
	s5 =	sadd.s32 s11, s5  }
0x374: {  	s9 =	simm.s32 @!p1 $0x1;
	_ =	swait.done @!p1 [sflag:s2];
	s5 =	sshll.u32 s5, $0x12  }
0x375: {  	[smem:$0x7FF] =	sst @!p1 s9;
	s5 =	sadd.s32 s5, s16  }
0x376: {  	_ =	sint @!p1 $0x2;
	s5 =	sshrl.u32 s5, $0x3  }
0x377: {  	_ =	swait.notdone @!p1 [sflag:s2];
	s12 =	sadd.s32 s4, s5  }
0x378: {  	[tilespmem:s25], [sflag:$0x1] =	stream.strided.gather [hbm4b:s12+s23], $0x9000, s24, s23, $0x38;
	[tilespmem:$0x1C000] =	vst v63  }
0x379: {  	_ =	swait.ge [sflag:s1], $0x9000  }
0x37a: {  	[sflag:s1] =	ssyncset.done $0x0  }
0x37b: {  	[sflag:s1] =	ssyncadd.s32 $0xFFFF7000  }
0x37c: {  	_ =	swait.ge [sflag:s6], $0x4000  }
0x37d: {  	[sflag:s6] =	ssyncset.done $0x0  }
0x37e: {  	s21 =	simm.s32 $0x40;
	[sflag:s6] =	ssyncadd.s32 $0xFFFFC000  }
0x37f: {  	v8 =	vld [tilespmem:s21+$0x0];
	_ =	sdelay $0x4  }
0x380: {  	v9 =	vshrl.u32 v8, $0x8  }
0x381: {  	v9 =	vand.u32 $0xFF, v9  }
0x382: {  	v9 =	vmul.u32 $0xC0, v9  }
0x383: {  	v10 =	vand.u32 $0xF8, v8  }
0x384: {  	v11 =	vand.u32 $0x7, v8;
	v9 =	vadd.s32 v10, v9  }
0x385: {  	v9 =	vor.u32 v11, v9  }
0x386: {  	s13 =	simm.s32 $0x1  }
0x387: {  	s14 =	simm.s32 $0x0;
	s2 =	sand.u32 $0x7, s13;
	v10 =	vshrl.u32 v8, $0x18  }
0x388: {  	s5 =	sand.u32 $0xFFFFFC00, s14;
	s2 =	sshll.u32 s2, $0x7;
	v8 =	vshrl.u32 v8, $0x10;
	v10 =	vmul.u32 $0xC0, v10  }
0x389: {  	s19 =	sor.u32 s5, s2;
	v11 =	vand.u32 $0xF8, v8  }
0x38a: {  	v12 =	vor.u32 s19, v0;
	v8 =	vand.u32 $0x7, v8;
	v10 =	vadd.s32 v11, v10;
	v9 =	vld.idx.msk [tilespmem:v9+s26+$0x0], $0xffff  }
0x38b: {  	v8 =	vor.u32 v8, v10;
	_ =	sdelay $0x3  }
0x38c: {  	[tilespmem:v12+s0+$0x0] =	vst.idx.msk $0xffff, v9  }
0x38d: {  	v9 =	vor.u32 s19, v1;
	v8 =	vld.idx.msk [tilespmem:v8+s26+$0x0], $0xffff;
	_ =	sdelay $0x4  }
0x38e: {  	[tilespmem:v9+s0+$0x0] =	vst.idx.msk $0xffff, v8  }
0x38f: {  	v8 =	vld [tilespmem:s21+$0x10];
	_ =	sdelay $0x4  }
0x390: {  	v9 =	vshrl.u32 v8, $0x8  }
0x391: {  	v9 =	vand.u32 $0xFF, v9  }
0x392: {  	v9 =	vmul.u32 $0xC0, v9  }
0x393: {  	v10 =	vld [tilespmem:s21+$0xFFFFFFC0];
	v11 =	vand.u32 $0xF8, v8  }
0x394: {  	s12 =	simm.s32 $0xC0;
	v12 =	vand.u32 $0x7, v8;
	v9 =	vadd.s32 v11, v9  }
0x395: {  	v11 =	vld [tilespmem:s12+$0x0];
	v9 =	vor.u32 v12, v9;
	_ =	sdelay $0x1  }
0x396: {  	v15 =	vor.u32 s19, v2;
	v13 =	vshrl.u32 v8, $0x18  }
0x397: {  	v8 =	vshrl.u32 v8, $0x10;
	v13 =	vmul.u32 $0xC0, v13;
	v12 =	vshrl.u32 v10, $0x8  }
0x398: {  	v14 =	vand.u32 $0xF8, v8;
	v8 =	vand.u32 $0x7, v8;
	v12 =	vand.u32 $0xFF, v12  }
0x399: {  	v13 =	vadd.s32 v14, v13;
	v12 =	vmul.u32 $0xC0, v12;
	v14 =	vshrl.u32 v11, $0x8;
	v9 =	vld.idx.msk [tilespmem:v9+s26+$0x0], $0xffff  }
0x39a: {  	v16 =	vand.u32 $0xF8, v10;
	v8 =	vor.u32 v8, v13;
	v13 =	vand.u32 $0xFF, v14  }
0x39b: {  	v12 =	vadd.s32 v16, v12;
	v14 =	vand.u32 $0x7, v10;
	v13 =	vmul.u32 $0xC0, v13  }
0x39c: {  	v12 =	vor.u32 v14, v12;
	v14 =	vand.u32 $0xF8, v11  }
0x39d: {  	s15 =	simm.s32 $0x0;
	v16 =	vshrl.u32 v10, $0x18;
	v17 =	vand.u32 $0x7, v11;
	v13 =	vadd.s32 v14, v13  }
0x39e: {  	s2 =	sand.u32 $0x6, s15;
	v14 =	vmul.u32 $0xC0, v16;
	v16 =	vld [tilespmem:s12+$0xFFFFFFC0];
	[tilespmem:v15+s0+$0x0] =	vst.idx.msk $0xffff, v9;
	v9 =	vor.u32 v17, v13  }
0x39f: {  	s17 =	simm.s32 $0x3;
	s2 =	sshll.u32 s2, $0x7;
	v18 =	vshrl.u32 v11, $0x18;
	v10 =	vshrl.u32 v10, $0x10;
	v15 =	vor.u32 s19, v3;
	v8 =	vld.idx.msk [tilespmem:v8+s26+$0x0], $0xffff  }
0x3a0: {  	s20 =	simm.s32 $0x100;
	s2 =	sor.u32 s2, s5;
	s5 =	sand.u32 $0x7, s17;
	v11 =	vshrl.u32 v11, $0x10;
	v17 =	vand.u32 $0x7, v10;
	v10 =	vand.u32 $0xF8, v10  }
0x3a1: {  	s22 =	sand.u32 $0xFFFFFC00, s20;
	s5 =	sshll.u32 s5, $0x7;
	v13 =	vor.u32 s2, v0;
	v10 =	vadd.s32 v10, v14;
	v12 =	vld.idx.msk [tilespmem:v12+s26+$0x0], $0xffff;
	v14 =	vmul.u32 $0xC0, v18  }
0x3a2: {  	s9 =	sor.u32 s22, s5;
	v10 =	vor.u32 v17, v10;
	v17 =	vand.u32 $0xF8, v11  }
0x3a3: {  	v18 =	vor.u32 s9, v0;
	v11 =	vand.u32 $0x7, v11;
	v14 =	vadd.s32 v17, v14;
	v9 =	vld.idx.msk [tilespmem:v9+s26+$0x0], $0xffff  }
0x3a4: {  	v17 =	vshrl.u32 v16, $0x8;
	[tilespmem:v15+s0+$0x0] =	vst.idx.msk $0xffff, v8;
	v8 =	vor.u32 v11, v14  }
0x3a5: {  	s13 =	simm.s32 $0x140;
	v11 =	vand.u32 $0xFF, v17;
	v15 =	vld [tilespmem:s21+$0x20]  }
0x3a6: {  	v46 =	vld [tilespmem:s13+$0xFFFFFFC0];
	[tilespmem:v13+s0+$0x0] =	vst.idx.msk $0xffff, v12;
	v11 =	vmul.u32 $0xC0, v11  }
0x3a7: {  	v12 =	vor.u32 s2, v1;
	v13 =	vand.u32 $0xF8, v16;
	v10 =	vld.idx.msk [tilespmem:v10+s26+$0x0], $0xffff  }
0x3a8: {  	s14 =	simm.s32 $0x2;
	v14 =	vand.u32 $0x7, v16;
	v11 =	vadd.s32 v13, v11;
	[tilespmem:v18+s0+$0x0] =	vst.idx.msk $0xffff, v9  }
0x3a9: {  	s5 =	sand.u32 $0x6, s14;
	v9 =	vor.u32 v14, v11;
	v11 =	vor.u32 s9, v1;
	v8 =	vld.idx.msk [tilespmem:v8+s26+$0x0], $0xffff  }
0x3aa: {  	v23 =	vor.u32 s19, v4;
	v19 =	vor.u32 s2, v4;
	s5 =	sshll.u32 s5, $0x7;
	v13 =	vshrl.u32 v15, $0x8  }
0x3ab: {  	v27 =	vor.u32 s9, v2;
	s15 =	sor.u32 s5, s22;
	v55 =	vshrl.u32 v46, $0x18;
	v13 =	vand.u32 $0xFF, v13  }
0x3ac: {  	v17 =	vor.u32 s15, v0;
	v14 =	vshrl.u32 v16, $0x18;
	[tilespmem:v12+s0+$0x0] =	vst.idx.msk $0xffff, v10;
	v12 =	vmul.u32 $0xC0, v13  }
0x3ad: {  	v10 =	vmul.u32 $0xC0, v14;
	v14 =	vshrl.u32 v16, $0x10;
	v16 =	vand.u32 $0xF8, v15;
	v13 =	vld [tilespmem:s21+$0xFFFFFFD0]  }
0x3ae: {  	v18 =	vand.u32 $0xF8, v14;
	v20 =	vld.idx.msk [tilespmem:v9+s26+$0x0], $0xffff;
	v9 =	vand.u32 $0x7, v15;
	v12 =	vadd.s32 v16, v12;
	[tilespmem:v11+s0+$0x0] =	vst.idx.msk $0xffff, v8  }
0x3af: {  	v10 =	vadd.s32 v18, v10;
	v8 =	vand.u32 $0x7, v14;
	v11 =	vor.u32 v9, v12;
	v12 =	vld [tilespmem:s12+$0x10]  }
0x3b0: {  	v18 =	vor.u32 s2, v5;
	v16 =	vor.u32 s2, v2;
	v8 =	vor.u32 v8, v10  }
0x3b1: {  	v14 =	vor.u32 s2, v3;
	v10 =	vshrl.u32 v15, $0x18;
	v15 =	vshrl.u32 v15, $0x10  }
0x3b2: {  	v9 =	vor.u32 s2, v6;
	v10 =	vmul.u32 $0xC0, v10;
	v22 =	vand.u32 $0xF8, v15  }
0x3b3: {  	v15 =	vand.u32 $0x7, v15;
	v21 =	vshrl.u32 v13, $0x8;
	v25 =	vand.u32 $0x7, v13  }
0x3b4: {  	s17 =	simm.s32 $0x5;
	[tilespmem:v17+s0+$0x0] =	vst.idx.msk $0xffff, v20;
	v10 =	vadd.s32 v22, v10;
	v20 =	vor.u32 s15, v1;
	v11 =	vld.idx.msk [tilespmem:v11+s26+$0x0], $0xffff;
	v17 =	vshrl.u32 v12, $0x8  }
0x3b5: {  	s20 =	simm.s32 $0x200;
	v10 =	vor.u32 v15, v10;
	v22 =	vld.idx.msk [tilespmem:v8+s26+$0x0], $0xffff;
	v8 =	vor.u32 s2, v7;
	s2 =	sand.u32 $0x7, s17;
	v15 =	vand.u32 $0xFF, v17  }
0x3b6: {  	s5 =	sand.u32 $0xFFFFFC00, s20;
	v24 =	vand.u32 $0xF8, v12;
	v17 =	vand.u32 $0xFF, v21;
	s2 =	sshll.u32 s2, $0x7;
	v15 =	vmul.u32 $0xC0, v15  }
0x3b7: {  	v26 =	vand.u32 $0x7, v12;
	v21 =	vand.u32 $0xF8, v13;
	v17 =	vmul.u32 $0xC0, v17;
	s14 =	sor.u32 s5, s2  }
0x3b8: {  	v53 =	vor.u32 s14, v0;
	v59 =	vor.u32 s14, v1;
	v15 =	vadd.s32 v24, v15  }
0x3b9: {  	v24 =	vshrl.u32 v13, $0x18;
	v17 =	vadd.s32 v21, v17;
	[tilespmem:v23+s0+$0x0] =	vst.idx.msk $0xffff, v11;
	v11 =	vor.u32 v26, v15  }
0x3ba: {  	s22 =	simm.s32 $0x4;
	v13 =	vshrl.u32 v13, $0x10;
	v21 =	vshrl.u32 v12, $0x18;
	v12 =	vshrl.u32 v12, $0x10  }
0x3bb: {  	s2 =	sand.u32 $0x6, s22;
	v15 =	vmul.u32 $0xC0, v24;
	v17 =	vor.u32 v25, v17;
	[tilespmem:v20+s0+$0x0] =	vst.idx.msk $0xffff, v22;
	v20 =	vand.u32 $0xF8, v13;
	v25 =	vld [tilespmem:s13+$0x0]  }
0x3bc: {  	s2 =	sshll.u32 s2, $0x7;
	v23 =	vor.u32 s19, v5;
	v13 =	vand.u32 $0x7, v13;
	v24 =	vmul.u32 $0xC0, v21;
	v22 =	vld [tilespmem:s12+$0xFFFFFFD0]  }
0x3bd: {  	s2 =	sor.u32 s2, s5;
	v21 =	vor.u32 s15, v2;
	v10 =	vld.idx.msk [tilespmem:v10+s26+$0x0], $0xffff;
	v15 =	vadd.s32 v20, v15;
	v20 =	vand.u32 $0xF8, v12  }
0x3be: {  	v57 =	vor.u32 s2, v0;
	v26 =	vld.idx.msk [tilespmem:v11+s26+$0x0], $0xffff;
	v11 =	vand.u32 $0x7, v12;
	v12 =	vadd.s32 v20, v24  }
0x3bf: {  	v15 =	vor.u32 v13, v15;
	v13 =	vor.u32 s15, v4;
	v24 =	vor.u32 v11, v12  }
0x3c0: {  	v20 =	vor.u32 s15, v3;
	v31 =	vshrl.u32 v25, $0x8;
	v49 =	vand.u32 $0x7, v25  }
0x3c1: {  	v51 =	vshrl.u32 v25, $0x18;
	v12 =	vor.u32 s15, v5;
	v28 =	vshrl.u32 v22, $0x8  }
0x3c2: {  	v17 =	vld.idx.msk [tilespmem:v17+s26+$0x0], $0xffff;
	[tilespmem:v23+s0+$0x0] =	vst.idx.msk $0xffff, v10;
	v30 =	vand.u32 $0x7, v22;
	v47 =	vshrl.u32 v22, $0x10;
	v31 =	vand.u32 $0xFF, v31  }
0x3c3: {  	v23 =	vand.u32 $0xFF, v28;
	v29 =	vld [tilespmem:s21+$0x30];
	v28 =	vand.u32 $0xF8, v22;
	v22 =	vshrl.u32 v22, $0x18;
	[tilespmem:v27+s0+$0x0] =	vst.idx.msk $0xffff, v26  }
0x3c4: {  	v23 =	vmul.u32 $0xC0, v23;
	v26 =	vmul.u32 $0xC0, v31;
	v27 =	vor.u32 s9, v3;
	v24 =	vld.idx.msk [tilespmem:v24+s26+$0x0], $0xffff  }
0x3c5: {  	v11 =	vor.u32 s15, v6;
	v31 =	vmul.u32 $0xC0, v22;
	v22 =	vand.u32 $0xF8, v25  }
0x3c6: {  	v10 =	vor.u32 s15, v7;
	v23 =	vadd.s32 v28, v23;
	v22 =	vadd.s32 v22, v26  }
0x3c7: {  	v62 =	vand.u32 $0x7, v47;
	v28 =	vor.u32 v30, v23;
	v22 =	vor.u32 v49, v22  }
0x3c8: {  	[tilespmem:v16+s0+$0x0] =	vst.idx.msk $0xffff, v17;
	v48 =	vshrl.u32 v29, $0x8;
	v26 =	vshrl.u32 v46, $0x8;
	v30 =	vand.u32 $0xF8, v29  }
0x3c9: {  	v50 =	vand.u32 $0x7, v29;
	v56 =	vshrl.u32 v29, $0x18;
	v16 =	vshrl.u32 v29, $0x10;
	[tilespmem:v27+s0+$0x0] =	vst.idx.msk $0xffff, v24  }
0x3ca: {  	v23 =	vand.u32 $0xFF, v48;
	v24 =	vshrl.u32 v25, $0x10;
	v25 =	vmul.u32 $0xC0, v51;
	v27 =	vld [tilespmem:s12+$0x20]  }
0x3cb: {  	v15 =	vld.idx.msk [tilespmem:v15+s26+$0x0], $0xffff;
	v26 =	vand.u32 $0xFF, v26;
	v23 =	vmul.u32 $0xC0, v23;
	v52 =	vand.u32 $0xF8, v24  }
0x3cc: {  	v26 =	vmul.u32 $0xC0, v26;
	v54 =	vand.u32 $0x7, v24;
	v22 =	vld.idx.msk [tilespmem:v22+s26+$0x0], $0xffff;
	v25 =	vadd.s32 v52, v25  }
0x3cd: {  	v23 =	vadd.s32 v30, v23;
	v30 =	vand.u32 $0xF8, v46;
	v25 =	vor.u32 v54, v25  }
0x3ce: {  	v24 =	vor.u32 v50, v23;
	v23 =	vand.u32 $0x7, v46;
	v26 =	vadd.s32 v30, v26  }
0x3cf: {  	s20 =	simm.s32 $0x1C0;
	v29 =	vand.u32 $0xF8, v16;
	v17 =	vor.u32 v23, v26;
	v23 =	vshrl.u32 v27, $0x8  }
0x3d0: {  	v48 =	vor.u32 s9, v5;
	v49 =	vld [tilespmem:s20+$0x0];
	[tilespmem:v14+s0+$0x0] =	vst.idx.msk $0xffff, v15;
	v26 =	vmul.u32 $0xC0, v56;
	v23 =	vand.u32 $0xFF, v23  }
0x3d1: {  	v14 =	vand.u32 $0x7, v16;
	v28 =	vld.idx.msk [tilespmem:v28+s26+$0x0], $0xffff;
	v30 =	vmul.u32 $0xC0, v55;
	[tilespmem:v53+s0+$0x0] =	vst.idx.msk $0xffff, v22;
	v22 =	vmul.u32 $0xC0, v23  }
0x3d2: {  	v15 =	vadd.s32 v29, v26;
	v23 =	vshrl.u32 v46, $0x10;
	v58 =	vld.idx.msk [tilespmem:v25+s26+$0x0], $0xffff;
	v25 =	vand.u32 $0xF8, v27  }
0x3d3: {  	v61 =	vand.u32 $0x7, v27;
	v60 =	vand.u32 $0xF8, v23;
	v22 =	vadd.s32 v25, v22  }
0x3d4: {  	v26 =	vand.u32 $0xF8, v47;
	v17 =	vld.idx.msk [tilespmem:v17+s26+$0x0], $0xffff;
	v25 =	vadd.s32 v60, v30;
	v30 =	vor.u32 v61, v22  }
0x3d5: {  	v56 =	vshrl.u32 v49, $0x8;
	v29 =	vld [tilespmem:s21+$0xFFFFFFE0];
	v26 =	vadd.s32 v26, v31;
	v23 =	vand.u32 $0x7, v23  }
0x3d6: {  	[tilespmem:v21+s0+$0x0] =	vst.idx.msk $0xffff, v28;
	v16 =	vor.u32 v23, v25;
	v25 =	vor.u32 v14, v15;
	v14 =	vshrl.u32 v27, $0x18  }
0x3d7: {  	v28 =	vshrl.u32 v49, $0x10;
	v23 =	vshrl.u32 v27, $0x10;
	v14 =	vmul.u32 $0xC0, v14;
	[tilespmem:v59+s0+$0x0] =	vst.idx.msk $0xffff, v58  }
0x3d8: {  	v31 =	vor.u32 v62, v26;
	v26 =	vor.u32 s2, v3;
	v27 =	vand.u32 $0xF8, v23;
	v63 =	vld [tilespmem:s13+$0x10]  }
0x3d9: {  	[tilespmem:v57+s0+$0x0] =	vst.idx.msk $0xffff, v17;
	v39 =	vand.u32 $0x7, v23;
	v14 =	vadd.s32 v27, v14;
	v17 =	vld.idx.msk [tilespmem:v30+s26+$0x0], $0xffff;
	v30 =	vor.u32 s9, v4  }
0x3da: {  	v40 =	vshrl.u32 v29, $0x8;
	v41 =	vand.u32 $0xF8, v29;
	v14 =	vor.u32 v39, v14  }
0x3db: {  	v42 =	vand.u32 $0x7, v29;
	v43 =	vshrl.u32 v29, $0x18;
	v15 =	vor.u32 s2, v1;
	v16 =	vld.idx.msk [tilespmem:v16+s26+$0x0], $0xffff  }
0x3dc: {  	v29 =	vshrl.u32 v29, $0x10;
	v32 =	vand.u32 $0xFF, v40;
	v36 =	vmul.u32 $0xC0, v43  }
0x3dd: {  	v60 =	vor.u32 s14, v3;
	v22 =	vor.u32 s19, v6;
	v44 =	vshrl.u32 v63, $0x8  }
0x3de: {  	v32 =	vmul.u32 $0xC0, v32;
	v23 =	vor.u32 s19, v7;
	v45 =	vand.u32 $0xFF, v44;
	[tilespmem:v30+s0+$0x0] =	vst.idx.msk $0xffff, v17  }
0x3df: {  	v27 =	vor.u32 s2, v2;
	v50 =	vshrl.u32 v63, $0x18;
	v46 =	vld.idx.msk [tilespmem:v14+s26+$0x0], $0xffff;
	v14 =	vmul.u32 $0xC0, v45  }
0x3e0: {  	v33 =	vshrl.u32 v63, $0x10;
	v30 =	vand.u32 $0xF8, v29;
	[tilespmem:v15+s0+$0x0] =	vst.idx.msk $0xffff, v16;
	v16 =	vand.u32 $0xF8, v63  }
0x3e1: {  	v15 =	vadd.s32 v30, v36;
	v30 =	vand.u32 $0x7, v63;
	v14 =	vadd.s32 v16, v14  }
0x3e2: {  	v38 =	vmul.u32 $0xC0, v50;
	v54 =	vand.u32 $0xF8, v33;
	v30 =	vor.u32 v30, v14  }
0x3e3: {  	v33 =	vand.u32 $0x7, v33;
	v44 =	vand.u32 $0xF8, v49;
	v17 =	vadd.s32 v41, v32;
	v41 =	vld [tilespmem:s20+$0xFFFFFFC0]  }
0x3e4: {  	v29 =	vand.u32 $0x7, v29;
	v35 =	vor.u32 v42, v17;
	v38 =	vadd.s32 v54, v38  }
0x3e5: {  	v47 =	vld [tilespmem:s13+$0xFFFFFFD0];
	v17 =	vor.u32 s2, v4;
	v33 =	vor.u32 v33, v38;
	v38 =	vand.u32 $0xFF, v56  }
0x3e6: {  	v42 =	vor.u32 s14, v2;
	v45 =	vshrl.u32 v49, $0x18;
	v57 =	vmul.u32 $0xC0, v38  }
0x3e7: {  	v29 =	vor.u32 v29, v15;
	v15 =	vor.u32 s2, v6;
	v16 =	vor.u32 s2, v5;
	v30 =	vld.idx.msk [tilespmem:v30+s26+$0x0], $0xffff  }
0x3e8: {  	v14 =	vor.u32 s2, v7;
	v59 =	vshrl.u32 v41, $0x8;
	v37 =	vadd.s32 v44, v57  }
0x3e9: {  	v63 =	vand.u32 $0xF8, v41;
	v50 =	vshrl.u32 v41, $0x18;
	v57 =	vshrl.u32 v41, $0x10  }
0x3ea: {  	v31 =	vld.idx.msk [tilespmem:v31+s26+$0x0], $0xffff;
	v51 =	vshrl.u32 v47, $0x8;
	v53 =	vand.u32 $0xF8, v47;
	v55 =	vand.u32 $0x7, v47  }
0x3eb: {  	s5 =	simm.s32 $0x7;
	[tilespmem:v48+s0+$0x0] =	vst.idx.msk $0xffff, v46;
	v43 =	vshrl.u32 v47, $0x10;
	v32 =	vshrl.u32 v47, $0x18;
	v39 =	vand.u32 $0xFF, v59;
	v35 =	vld.idx.msk [tilespmem:v35+s26+$0x0], $0xffff  }
0x3ec: {  	s15 =	simm.s32 $0x300;
	s2 =	sand.u32 $0x7, s5;
	v48 =	vmul.u32 $0xC0, v45;
	v45 =	vor.u32 s9, v7;
	v54 =	vmul.u32 $0xC0, v50;
	v40 =	vld [tilespmem:s12+$0x30];
	[tilespmem:v42+s0+$0x0] =	vst.idx.msk $0xffff, v30  }
0x3ed: {  	s22 =	simm.s32 $0x6;
	s5 =	sand.u32 $0xFFFFFC00, s15;
	s2 =	sshll.u32 s2, $0x7;
	v52 =	vand.u32 $0xFF, v51;
	v32 =	vmul.u32 $0xC0, v32;
	v39 =	vmul.u32 $0xC0, v39;
	v33 =	vld.idx.msk [tilespmem:v33+s26+$0x0], $0xffff  }
0x3ee: {  	s17 =	sand.u32 $0x6, s22;
	s19 =	sor.u32 s5, s2;
	v51 =	vand.u32 $0xF8, v28;
	v34 =	vmul.u32 $0xC0, v52;
	v30 =	vand.u32 $0x7, v49  }
0x3ef: {  	s2 =	sshll.u32 s17, $0x7;
	v47 =	vld.idx.msk [tilespmem:v24+s26+$0x0], $0xffff;
	v46 =	vor.u32 s19, v0;
	v28 =	vand.u32 $0x7, v28;
	v30 =	vor.u32 v30, v37  }
0x3f0: {  	[tilespmem:v20+s0+$0x0] =	vst.idx.msk $0xffff, v31;
	s2 =	sor.u32 s2, s5;
	v44 =	vand.u32 $0x7, v43;
	v36 =	vadd.s32 v51, v48;
	v34 =	vadd.s32 v53, v34  }
0x3f1: {  	v56 =	vor.u32 s2, v0;
	v39 =	vadd.s32 v63, v39;
	v34 =	vor.u32 v55, v34;
	v55 =	vld [tilespmem:s12+$0xFFFFFFE0];
	[tilespmem:v19+s0+$0x0] =	vst.idx.msk $0xffff, v35  }
0x3f2: {  	v28 =	vor.u32 v28, v36;
	v58 =	vshrl.u32 v40, $0x8;
	v61 =	vand.u32 $0xF8, v40;
	v29 =	vld.idx.msk [tilespmem:v29+s26+$0x0], $0xffff;
	[tilespmem:v60+s0+$0x0] =	vst.idx.msk $0xffff, v33  }
0x3f3: {  	v62 =	vand.u32 $0x7, v40;
	v52 =	vshrl.u32 v40, $0x18;
	v40 =	vshrl.u32 v40, $0x10;
	v37 =	vld [tilespmem:s13+$0x20]  }
0x3f4: {  	[tilespmem:v22+s0+$0x0] =	vst.idx.msk $0xffff, v47;
	v22 =	vor.u32 s2, v5;
	v38 =	vand.u32 $0xFF, v58;
	v53 =	vand.u32 $0xF8, v40;
	v30 =	vld.idx.msk [tilespmem:v30+s26+$0x0], $0xffff  }
0x3f5: {  	v40 =	vand.u32 $0x7, v40;
	v38 =	vmul.u32 $0xC0, v38;
	v49 =	vand.u32 $0x7, v41  }
0x3f6: {  	v58 =	vand.u32 $0x7, v57;
	v42 =	vor.u32 s9, v6;
	v31 =	vor.u32 v49, v39  }
0x3f7: {  	v39 =	vand.u32 $0xF8, v57;
	v38 =	vadd.s32 v61, v38;
	v50 =	vshrl.u32 v55, $0x18  }
0x3f8: {  	v36 =	vshrl.u32 v55, $0x10;
	v21 =	vor.u32 v62, v38;
	[tilespmem:v18+s0+$0x0] =	vst.idx.msk $0xffff, v29;
	v59 =	vshrl.u32 v37, $0x8  }
0x3f9: {  	v18 =	vand.u32 $0x7, v55;
	v49 =	vld [tilespmem:s21+$0xFFFFFFF0];
	v33 =	vmul.u32 $0xC0, v52;
	[tilespmem:v46+s0+$0x0] =	vst.idx.msk $0xffff, v30;
	v61 =	vand.u32 $0xFF, v59  }
0x3fa: {  	v60 =	vand.u32 $0xF8, v43;
	v19 =	vld.idx.msk [tilespmem:v28+s26+$0x0], $0xffff;
	v28 =	vor.u32 s19, v1;
	v62 =	vmul.u32 $0xC0, v61  }
0x3fb: {  	v34 =	vld.idx.msk [tilespmem:v34+s26+$0x0], $0xffff;
	v52 =	vand.u32 $0xF8, v36;
	v32 =	vadd.s32 v60, v32;
	v63 =	vand.u32 $0xF8, v37  }
0x3fc: {  	v31 =	vld.idx.msk [tilespmem:v31+s26+$0x0], $0xffff;
	v20 =	vadd.s32 v53, v33;
	v24 =	vand.u32 $0x7, v37;
	v33 =	vadd.s32 v63, v62  }
0x3fd: {  	v32 =	vor.u32 v44, v32;
	v51 =	vld.idx.msk [tilespmem:v21+s26+$0x0], $0xffff;
	v21 =	vor.u32 s2, v2;
	v24 =	vor.u32 v24, v33  }
0x3fe: {  	v53 =	vor.u32 s14, v4;
	v20 =	vor.u32 v40, v20;
	v30 =	vadd.s32 v39, v54  }
0x3ff: {  	v57 =	vshrl.u32 v49, $0x8;
	v60 =	vand.u32 $0x7, v49;
	v30 =	vor.u32 v58, v30;
	[tilespmem:v28+s0+$0x0] =	vst.idx.msk $0xffff, v19  }
0x400: {  	[tilespmem:v27+s0+$0x0] =	vst.idx.msk $0xffff, v34;
	v34 =	vand.u32 $0xFF, v57;
	v39 =	vor.u32 s2, v1;
	v48 =	vshrl.u32 v37, $0x18;
	v28 =	vld [tilespmem:s20+$0x10]  }
0x401: {  	v46 =	vshrl.u32 v55, $0x8;
	v37 =	vshrl.u32 v37, $0x10;
	v33 =	vmul.u32 $0xC0, v48  }
0x402: {  	[tilespmem:v56+s0+$0x0] =	vst.idx.msk $0xffff, v31;
	v54 =	vand.u32 $0x7, v36;
	v35 =	vand.u32 $0xFF, v46;
	v29 =	vand.u32 $0xF8, v37;
	v31 =	vld.idx.msk [tilespmem:v24+s26+$0x0], $0xffff  }
0x403: {  	v58 =	vand.u32 $0xF8, v49;
	v37 =	vand.u32 $0x7, v37;
	v29 =	vadd.s32 v29, v33  }
0x404: {  	v35 =	vmul.u32 $0xC0, v35;
	v62 =	vmul.u32 $0xC0, v34;
	v30 =	vld.idx.msk [tilespmem:v30+s26+$0x0], $0xffff;
	v29 =	vor.u32 v37, v29  }
0x405: {  	v63 =	vshrl.u32 v49, $0x10;
	v19 =	vand.u32 $0xF8, v55;
	v27 =	vshrl.u32 v28, $0x8  }
0x406: {  	v32 =	vld.idx.msk [tilespmem:v32+s26+$0x0], $0xffff;
	[tilespmem:v42+s0+$0x0] =	vst.idx.msk $0xffff, v51;
	v19 =	vadd.s32 v19, v35;
	v33 =	vmul.u32 $0xC0, v50;
	v55 =	vand.u32 $0xFF, v27  }
0x407: {  	v20 =	vld.idx.msk [tilespmem:v20+s26+$0x0], $0xffff;
	v35 =	vand.u32 $0xF8, v63;
	v18 =	vor.u32 v18, v19;
	v56 =	vmul.u32 $0xC0, v55;
	[tilespmem:v53+s0+$0x0] =	vst.idx.msk $0xffff, v31  }
0x408: {  	v25 =	vld.idx.msk [tilespmem:v25+s26+$0x0], $0xffff;
	v33 =	vadd.s32 v52, v33;
	v59 =	vand.u32 $0xF8, v28;
	v61 =	vand.u32 $0x7, v28;
	s21 =	rddreg [dreg:$0xc]  }
0x409: {  	v27 =	vor.u32 v54, v33;
	v31 =	vadd.s32 v59, v56;
	[tilespmem:v39+s0+$0x0] =	vst.idx.msk $0xffff, v30;
	v29 =	vld.idx.msk [tilespmem:v29+s26+$0x0], $0xffff;
	s5 =	sadd.s32 s11, s21  }
0x40a: {  	v34 =	vor.u32 v61, v31;
	v30 =	vor.u32 s14, v5;
	v31 =	vshrl.u32 v49, $0x18;
	v33 =	vld [tilespmem:s20+$0xFFFFFFD0];
	s5 =	sshll.u32 s5, $0x12  }
0x40b: {  	v19 =	vor.u32 s2, v3;
	v24 =	vor.u32 s2, v4;
	[tilespmem:v26+s0+$0x0] =	vst.idx.msk $0xffff, v32;
	v31 =	vmul.u32 $0xC0, v31;
	s5 =	sor.u32 s8, s5  }
0x40c: {  	v26 =	vadd.s32 v58, v62;
	[tilespmem:v45+s0+$0x0] =	vst.idx.msk $0xffff, v20;
	v32 =	vld.idx.msk [tilespmem:v18+s26+$0x0], $0xffff;
	v20 =	vor.u32 s2, v6;
	v18 =	vor.u32 s2, v7;
	s5 =	sshrl.u32 s5, $0x3  }
0x40d: {  	s9 =	simm.s32 $0x240;
	[tilespmem:v23+s0+$0x0] =	vst.idx.msk $0xffff, v25;
	v23 =	vld [tilespmem:s13+$0xFFFFFFE0];
	v25 =	vor.u32 v60, v26;
	v26 =	vand.u32 $0x7, v63;
	v31 =	vadd.s32 v35, v31;
	s21 =	sadd.s32 s18, s5  }
.LBB2_9:
0x40e: {  	v35 =	vld [tilespmem:s9+$0x0];
	v36 =	vshrl.u32 v28, $0x18;
	v26 =	vor.u32 v26, v31  }
0x40f: {  	v28 =	vshrl.u32 v28, $0x10;
	v31 =	vshrl.u32 v33, $0x8;
	v34 =	vld.idx.msk [tilespmem:v34+s26+$0x0], $0xffff;
	v36 =	vmul.u32 $0xC0, v36;
	[tilespmem:v30+s0+$0x0] =	vst.idx.msk $0xffff, v29  }
0x410: {  	v30 =	vand.u32 $0xF8, v33;
	v29 =	vand.u32 $0xFF, v31;
	v31 =	vand.u32 $0xF8, v28;
	v37 =	vld [tilespmem:s13+$0x30]  }
0x411: {  	v39 =	vor.u32 s19, v2;
	v28 =	vand.u32 $0x7, v28;
	v38 =	vld [tilespmem:s9+$0xFFFFFFC0];
	v31 =	vadd.s32 v31, v36  }
0x412: {  	v36 =	vand.u32 $0x7, v33;
	v29 =	vmul.u32 $0xC0, v29;
	v28 =	vor.u32 v28, v31;
	[tilespmem:v13+s0+$0x0] =	vst.idx.msk $0xffff, v32;
	v25 =	vld.idx.msk [tilespmem:v25+s26+$0x0], $0xffff  }
0x413: {  	v32 =	vshrl.u32 v33, $0x10;
	v33 =	vshrl.u32 v33, $0x18;
	v13 =	vmovc v17;
	v17 =	vmovc v24;
	v31 =	vshrl.u32 v35, $0x8;
	v27 =	vld.idx.msk [tilespmem:v27+s26+$0x0], $0xffff  }
0x414: {  	v29 =	vadd.s32 v30, v29;
	v30 =	vmul.u32 $0xC0, v33;
	v24 =	vand.u32 $0xFF, v31  }
0x415: {  	v29 =	vor.u32 v36, v29;
	v24 =	vmul.u32 $0xC0, v24;
	v31 =	vshrl.u32 v37, $0x8  }
0x416: {  	v36 =	vand.u32 $0xF8, v35;
	v33 =	vshrl.u32 v38, $0x8;
	[tilespmem:v39+s0+$0x0] =	vst.idx.msk $0xffff, v34;
	v31 =	vand.u32 $0xFF, v31  }
0x417: {  	v34 =	vand.u32 $0x7, v35;
	v24 =	vadd.s32 v36, v24;
	v28 =	vld.idx.msk [tilespmem:v28+s26+$0x0], $0xffff;
	v31 =	vmul.u32 $0xC0, v31  }
0x418: {  	s2 =	sadd.s32 $0x3, s22;
	s22 =	sadd.s32 $0x2, s22;
	v36 =	vand.u32 $0xF8, v37;
	v24 =	vor.u32 v34, v24;
	v34 =	vor.u32 s19, v3;
	[tilespmem:v9+s0+$0x0] =	vst.idx.msk $0xffff, v25;
	v9 =	vmovc v11  }
0x419: {  	s5 =	sand.u32 $0x6, s22;
	s15 =	sshll.u32 s22, $0x7;
	s2 =	sand.u32 $0x7, s2;
	v40 =	vand.u32 $0xFF, v33;
	v25 =	vand.u32 $0x7, v37;
	v31 =	vadd.s32 v36, v31;
	[tilespmem:v12+s0+$0x0] =	vst.idx.msk $0xffff, v27;
	v26 =	vld.idx.msk [tilespmem:v26+s26+$0x0], $0xffff  }
0x41a: {  	s15 =	sand.u32 $0xFFFFFC00, s15;
	s5 =	sshll.u32 s5, $0x7;
	s17 =	sshll.u32 s2, $0x7;
	v33 =	vmul.u32 $0xC0, v40;
	v27 =	vand.u32 $0xF8, v38;
	v12 =	vmovc v16;
	v16 =	vmovc v22;
	v29 =	vld.idx.msk [tilespmem:v29+s26+$0x0], $0xffff;
	v31 =	vor.u32 v25, v31  }
0x41b: {  	p1 =	slt.u32 s22, $0x7E;
	s2 =	sor.u32 s5, s15;
	s5 =	sor.u32 s15, s17;
	v39 =	vshrl.u32 v35, $0x18;
	v11 =	vmovc v15;
	v15 =	vmovc v20;
	v22 =	vand.u32 $0x7, v38;
	v36 =	vshrl.u32 v38, $0x18;
	v25 =	vld [tilespmem:s12+$0xFFFFFFF0]  }
0x41c: {  	v35 =	vshrl.u32 v35, $0x10;
	v39 =	vmul.u32 $0xC0, v39;
	v20 =	vor.u32 s5, v0;
	s12 =	smov.u32 s13;
	s13 =	smov.u32 s20;
	s20 =	smov.u32 s9  }
0x41d: {  	v40 =	vand.u32 $0x7, v35;
	v35 =	vand.u32 $0xF8, v35;
	v24 =	vld.idx.msk [tilespmem:v24+s26+$0x0], $0xffff;
	[tilespmem:v34+s0+$0x0] =	vst.idx.msk $0xffff, v28;
	v28 =	vshrl.u32 v37, $0x18  }
0x41e: {  	v34 =	vadd.s32 v35, v39;
	v37 =	vshrl.u32 v37, $0x10;
	v35 =	vld [tilespmem:s13+$0x20];
	v28 =	vmul.u32 $0xC0, v28  }
0x41f: {  	v27 =	vadd.s32 v27, v33;
	v33 =	vor.u32 v40, v34;
	v34 =	vand.u32 $0xF8, v37;
	v31 =	vld.idx.msk [tilespmem:v31+s26+$0x0], $0xffff  }
0x420: {  	[tilespmem:v21+s0+$0x0] =	vst.idx.msk $0xffff, v29;
	v21 =	vor.u32 s14, v6;
	v29 =	vand.u32 $0x7, v37;
	v28 =	vadd.s32 v34, v28  }
0x421: {  	v22 =	vor.u32 v22, v27;
	v27 =	vmul.u32 $0xC0, v36;
	v28 =	vor.u32 v29, v28;
	[tilespmem:v8+s0+$0x0] =	vst.idx.msk $0xffff, v26  }
0x422: {  	v34 =	vor.u32 s2, v1;
	v26 =	vor.u32 s2, v0;
	v29 =	vshrl.u32 v38, $0x10;
	v8 =	vmovc v10;
	v10 =	vmovc v14  }
0x423: {  	v14 =	vmovc v18;
	v36 =	vand.u32 $0x7, v29;
	v29 =	vand.u32 $0xF8, v29;
	[tilespmem:v20+s0+$0x0] =	vst.idx.msk $0xffff, v24;
	v20 =	vshrl.u32 v35, $0x8  }
0x424: {  	v18 =	vadd.s32 v29, v27;
	v27 =	vand.u32 $0xF8, v32;
	v24 =	vld.idx.msk [tilespmem:v33+s26+$0x0], $0xffff;
	v20 =	vand.u32 $0xFF, v20  }
0x425: {  	v29 =	vor.u32 s5, v1;
	v18 =	vor.u32 v36, v18;
	v20 =	vmul.u32 $0xC0, v20;
	[tilespmem:v21+s0+$0x0] =	vst.idx.msk $0xffff, v31  }
0x426: {  	v27 =	vadd.s32 v27, v30;
	v31 =	vand.u32 $0x7, v32;
	v21 =	vand.u32 $0xF8, v35;
	v30 =	vld.idx.msk [tilespmem:v28+s26+$0x0], $0xffff  }
0x427: {  	v32 =	vor.u32 s14, v7;
	s14 =	smov.u32 s19;
	s19 =	smov.u32 s5;
	v28 =	vand.u32 $0x7, v35;
	v22 =	vld.idx.msk [tilespmem:v22+s26+$0x0], $0xffff;
	v20 =	vadd.s32 v21, v20  }
0x428: {  	v27 =	vor.u32 v31, v27;
	v21 =	vor.u32 s2, v2;
	v20 =	vor.u32 v28, v20  }
0x429: {  	v33 =	vand.u32 $0xF8, v23;
	v31 =	vor.u32 s2, v3;
	v28 =	vshrl.u32 v23, $0x8  }
0x42a: {  	v36 =	vshrl.u32 v23, $0x18;
	[tilespmem:v29+s0+$0x0] =	vst.idx.msk $0xffff, v24;
	v24 =	vand.u32 $0xFF, v28;
	v29 =	vand.u32 $0x7, v23  }
0x42b: {  	v37 =	vshrl.u32 v35, $0x18;
	v36 =	vmul.u32 $0xC0, v36;
	v28 =	vld [tilespmem:s9+$0x10];
	v24 =	vmul.u32 $0xC0, v24  }
0x42c: {  	v37 =	vmul.u32 $0xC0, v37;
	v35 =	vshrl.u32 v35, $0x10;
	v23 =	vshrl.u32 v23, $0x10;
	[tilespmem:v32+s0+$0x0] =	vst.idx.msk $0xffff, v30  }
0x42d: {  	[tilespmem:v26+s0+$0x0] =	vst.idx.msk $0xffff, v22;
	v20 =	vld.idx.msk [tilespmem:v20+s26+$0x0], $0xffff;
	v22 =	vand.u32 $0xF8, v35;
	v24 =	vadd.s32 v33, v24;
	v26 =	vand.u32 $0xF8, v23  }
0x42e: {  	v30 =	vor.u32 s14, v4;
	v32 =	vand.u32 $0x7, v35;
	v18 =	vld.idx.msk [tilespmem:v18+s26+$0x0], $0xffff;
	v22 =	vadd.s32 v22, v37  }
0x42f: {  	v37 =	vor.u32 v29, v24;
	v26 =	vadd.s32 v26, v36;
	v35 =	vld.idx.msk [tilespmem:v27+s26+$0x0], $0xffff;
	v32 =	vor.u32 v32, v22  }
0x430: {  	v23 =	vand.u32 $0x7, v23;
	v24 =	vor.u32 s2, v4;
	v27 =	vshrl.u32 v28, $0x8  }
0x431: {  	v22 =	vor.u32 s2, v5;
	v29 =	vand.u32 $0xFF, v27;
	v27 =	vor.u32 v23, v26  }
0x432: {  	v36 =	vand.u32 $0xF8, v25;
	v26 =	vshrl.u32 v25, $0x8;
	v23 =	vmul.u32 $0xC0, v29  }
0x433: {  	v29 =	vand.u32 $0xF8, v28;
	[tilespmem:v30+s0+$0x0] =	vst.idx.msk $0xffff, v20;
	v20 =	vand.u32 $0xFF, v26;
	v26 =	vand.u32 $0x7, v25  }
.Ltmp3:
0x434: {  	[tilespmem:v34+s0+$0x0] =	vst.idx.msk $0xffff, v18;
	v18 =	vand.u32 $0x7, v28;
	v23 =	vadd.s32 v29, v23;
	v29 =	vld.idx.msk [tilespmem:v32+s26+$0x0], $0xffff;
	v20 =	vmul.u32 $0xC0, v20;
	(pc) =	sbr.rel @p1 .LBB2_9-.Ltmp3, $4  }
0x435: {  	v30 =	vor.u32 s14, v5;
	v33 =	vld [tilespmem:s9+$0xFFFFFFD0];
	v34 =	vor.u32 v18, v23;
	[tilespmem:v19+s0+$0x0] =	vst.idx.msk $0xffff, v35;
	v18 =	vshrl.u32 v25, $0x18;
	v19 =	vmovc v31  }
0x436: {  	v31 =	vshrl.u32 v25, $0x10;
	v23 =	vld [tilespmem:s13+$0xFFFFFFE0];
	v20 =	vadd.s32 v36, v20;
	v35 =	vmul.u32 $0xC0, v18  }
0x437: {  	v32 =	vld.idx.msk [tilespmem:v37+s26+$0x0], $0xffff;
	v25 =	vor.u32 v26, v20;
	v26 =	vand.u32 $0x7, v31;
	v31 =	vand.u32 $0xF8, v31  }
0x438: {  	s9 =	sadd.s32 $0x80, s9;
	v18 =	vor.u32 s2, v7;
	v20 =	vor.u32 s2, v6;
	v31 =	vadd.s32 v31, v35  }
0x439: {  	_ = 	snop  }
0x43a: {  	v35 =	vshrl.u32 v28, $0x18;
	v36 =	vshrl.u32 v33, $0x8  }
0x43b: {  	v45 =	vshrl.u32 v28, $0x10;
	v35 =	vmul.u32 $0xC0, v35;
	v36 =	vand.u32 $0xFF, v36  }
0x43c: {  	v46 =	vor.u32 s19, v2;
	v37 =	vand.u32 $0xF8, v45;
	v36 =	vmul.u32 $0xC0, v36  }
0x43d: {  	v34 =	vld.idx.msk [tilespmem:v34+s26+$0x0], $0xffff;
	v28 =	vand.u32 $0x7, v45;
	v47 =	vand.u32 $0xF8, v33;
	v35 =	vadd.s32 v37, v35  }
0x43e: {  	v48 =	vand.u32 $0x7, v33;
	v28 =	vor.u32 v28, v35;
	v35 =	vadd.s32 v47, v36  }
0x43f: {  	v35 =	vor.u32 v48, v35;
	_ =	sdelay $0x1  }
0x440: {  	v49 =	vshrl.u32 v33, $0x18  }
0x441: {  	v50 =	vshrl.u32 v33, $0x10;
	v51 =	vmul.u32 $0xC0, v49;
	[tilespmem:v46+s0+$0x0] =	vst.idx.msk $0xffff, v34  }
0x442: {  	v52 =	vor.u32 s19, v3;
	v53 =	vand.u32 $0xF8, v50;
	v28 =	vld.idx.msk [tilespmem:v28+s26+$0x0], $0xffff  }
0x443: {  	v33 =	vand.u32 $0x7, v50;
	v34 =	vadd.s32 v53, v51;
	v35 =	vld.idx.msk [tilespmem:v35+s26+$0x0], $0xffff  }
0x444: {  	v33 =	vor.u32 v33, v34;
	_ =	sdelay $0x2  }
0x445: {  	[tilespmem:v52+s0+$0x0] =	vst.idx.msk $0xffff, v28  }
0x446: {  	v28 =	vld [tilespmem:s20+$0x20];
	[tilespmem:v21+s0+$0x0] =	vst.idx.msk $0xffff, v35  }
0x447: {  	v21 =	vld.idx.msk [tilespmem:v33+s26+$0x0], $0xffff;
	_ =	sdelay $0x3  }
0x448: {  	v54 =	vshrl.u32 v28, $0x8  }
0x449: {  	v33 =	vand.u32 $0xFF, v54;
	[tilespmem:v19+s0+$0x0] =	vst.idx.msk $0xffff, v21  }
0x44a: {  	v33 =	vmul.u32 $0xC0, v33;
	v21 =	vld [tilespmem:s20+$0xFFFFFFE0]  }
0x44b: {  	v55 =	vand.u32 $0xF8, v28  }
0x44c: {  	v56 =	vand.u32 $0x7, v28;
	v19 =	vadd.s32 v55, v33  }
0x44d: {  	v62 =	vor.u32 s19, v4;
	v19 =	vor.u32 v56, v19  }
0x44e: {  	v57 =	vshrl.u32 v23, $0x8;
	v58 =	vand.u32 $0xF8, v23;
	v40 =	vand.u32 $0x7, v23  }
0x44f: {  	v47 =	vshrl.u32 v23, $0x18;
	v33 =	vand.u32 $0xFF, v57;
	v61 =	vshrl.u32 v21, $0x8  }
0x450: {  	v48 =	vshrl.u32 v23, $0x10;
	v33 =	vmul.u32 $0xC0, v33;
	v37 =	vand.u32 $0xFF, v61  }
0x451: {  	v59 =	vshrl.u32 v28, $0x18;
	v28 =	vshrl.u32 v28, $0x10;
	v63 =	vmul.u32 $0xC0, v37  }
0x452: {  	v35 =	vmul.u32 $0xC0, v59;
	v33 =	vadd.s32 v58, v33;
	v41 =	vand.u32 $0xF8, v21;
	v19 =	vld.idx.msk [tilespmem:v19+s26+$0x0], $0xffff  }
0x453: {  	[tilespmem:v13+s0+$0x0] =	vst.idx.msk $0xffff, v32;
	v42 =	vor.u32 v40, v33;
	v43 =	vand.u32 $0x7, v21;
	v44 =	vadd.s32 v41, v63  }
0x454: {  	[tilespmem:v30+s0+$0x0] =	vst.idx.msk $0xffff, v29;
	v27 =	vld.idx.msk [tilespmem:v27+s26+$0x0], $0xffff;
	v30 =	vmul.u32 $0xC0, v47;
	v60 =	vand.u32 $0xF8, v28;
	v46 =	vor.u32 v43, v44  }
0x455: {  	v49 =	vand.u32 $0xF8, v48;
	v28 =	vand.u32 $0x7, v28;
	v35 =	vadd.s32 v60, v35  }
0x456: {  	v23 =	vand.u32 $0x7, v48;
	v28 =	vor.u32 v28, v35;
	v50 =	vshrl.u32 v21, $0x18  }
0x457: {  	v45 =	vld [tilespmem:s13+$0x30];
	v30 =	vadd.s32 v49, v30;
	v21 =	vshrl.u32 v21, $0x10;
	[tilespmem:v62+s0+$0x0] =	vst.idx.msk $0xffff, v19;
	v19 =	vmul.u32 $0xC0, v50  }
0x458: {  	v23 =	vor.u32 v23, v30;
	v52 =	vand.u32 $0xF8, v21;
	v29 =	vld.idx.msk [tilespmem:v42+s26+$0x0], $0xffff  }
0x459: {  	[tilespmem:v12+s0+$0x0] =	vst.idx.msk $0xffff, v27;
	v21 =	vand.u32 $0x7, v21;
	v19 =	vadd.s32 v52, v19;
	v13 =	vld.idx.msk [tilespmem:v46+s26+$0x0], $0xffff  }
0x45a: {  	v56 =	vld [tilespmem:s12+$0xFFFFFFF0];
	v54 =	vor.u32 v21, v19  }
0x45b: {  	v51 =	vor.u32 s19, v5;
	v28 =	vld.idx.msk [tilespmem:v28+s26+$0x0], $0xffff  }
0x45c: {  	v53 =	vshrl.u32 v45, $0x8  }
0x45d: {  	v59 =	vshrl.u32 v45, $0x18;
	v55 =	vand.u32 $0xFF, v53;
	[tilespmem:v17+s0+$0x0] =	vst.idx.msk $0xffff, v29  }
0x45e: {  	v60 =	vshrl.u32 v45, $0x10;
	v57 =	vand.u32 $0xF8, v45;
	v19 =	vmul.u32 $0xC0, v55;
	v23 =	vld.idx.msk [tilespmem:v23+s26+$0x0], $0xffff;
	[tilespmem:v24+s0+$0x0] =	vst.idx.msk $0xffff, v13  }
0x45f: {  	v58 =	vand.u32 $0x7, v45;
	v61 =	vshrl.u32 v56, $0x8;
	v32 =	vand.u32 $0x7, v56;
	v12 =	vld.idx.msk [tilespmem:v54+s26+$0x0], $0xffff  }
0x460: {  	v33 =	vshrl.u32 v56, $0x18;
	v37 =	vshrl.u32 v56, $0x10;
	v19 =	vadd.s32 v57, v19;
	[tilespmem:v51+s0+$0x0] =	vst.idx.msk $0xffff, v28  }
0x461: {  	v39 =	vand.u32 $0xF8, v37;
	v63 =	vor.u32 s14, v6;
	v17 =	vor.u32 v58, v19;
	v28 =	vld [tilespmem:s20+$0x30]  }
0x462: {  	v19 =	vmul.u32 $0xC0, v59;
	v13 =	vor.u32 v26, v31;
	v26 =	vand.u32 $0xFF, v61  }
0x463: {  	v62 =	vand.u32 $0xF8, v60;
	v24 =	vand.u32 $0x7, v60;
	v26 =	vmul.u32 $0xC0, v26;
	[tilespmem:v16+s0+$0x0] =	vst.idx.msk $0xffff, v23  }
0x464: {  	v19 =	vadd.s32 v62, v19;
	v31 =	vand.u32 $0xF8, v56;
	v16 =	vmul.u32 $0xC0, v33;
	v36 =	vld [tilespmem:s13+$0xFFFFFFF0];
	[tilespmem:v22+s0+$0x0] =	vst.idx.msk $0xffff, v12  }
0x465: {  	v51 =	vor.u32 s19, v6;
	v19 =	vor.u32 v24, v19;
	v34 =	vadd.s32 v31, v26;
	v22 =	vld [tilespmem:s20+$0xFFFFFFF0]  }
0x466: {  	v16 =	vadd.s32 v39, v16;
	v35 =	vshrl.u32 v28, $0x8;
	v23 =	vor.u32 v32, v34  }
0x467: {  	v40 =	vand.u32 $0xF8, v28;
	v41 =	vand.u32 $0x7, v28;
	v42 =	vshrl.u32 v28, $0x18  }
0x468: {  	v44 =	vshrl.u32 v28, $0x10;
	v38 =	vand.u32 $0xFF, v35;
	v12 =	vand.u32 $0x7, v37  }
0x469: {  	v21 =	vmul.u32 $0xC0, v38;
	v12 =	vor.u32 v12, v16;
	v43 =	vshrl.u32 v36, $0x8  }
0x46a: {  	v47 =	vand.u32 $0xF8, v36;
	v24 =	vand.u32 $0xFF, v43;
	v45 =	vshrl.u32 v22, $0x8  }
0x46b: {  	v21 =	vadd.s32 v40, v21;
	v24 =	vmul.u32 $0xC0, v24;
	v28 =	vand.u32 $0xFF, v45  }
0x46c: {  	v48 =	vand.u32 $0x7, v36;
	v16 =	vor.u32 v41, v21;
	v28 =	vmul.u32 $0xC0, v28  }
0x46d: {  	v21 =	vmul.u32 $0xC0, v42;
	v24 =	vadd.s32 v47, v24;
	v49 =	vand.u32 $0xF8, v22  }
0x46e: {  	v25 =	vld.idx.msk [tilespmem:v25+s26+$0x0], $0xffff;
	v24 =	vor.u32 v48, v24;
	v50 =	vand.u32 $0x7, v22;
	v28 =	vadd.s32 v49, v28  }
0x46f: {  	v46 =	vand.u32 $0xF8, v44;
	v27 =	vand.u32 $0x7, v44;
	v28 =	vor.u32 v50, v28  }
0x470: {  	v17 =	vld.idx.msk [tilespmem:v17+s26+$0x0], $0xffff;
	v52 =	vshrl.u32 v36, $0x18;
	v26 =	vshrl.u32 v36, $0x10;
	v21 =	vadd.s32 v46, v21  }
0x471: {  	v23 =	vld.idx.msk [tilespmem:v23+s26+$0x0], $0xffff;
	v21 =	vor.u32 v27, v21;
	v27 =	vmul.u32 $0xC0, v52;
	v53 =	vshrl.u32 v22, $0x18  }
0x472: {  	v54 =	vand.u32 $0xF8, v26;
	v22 =	vshrl.u32 v22, $0x10;
	v31 =	vmul.u32 $0xC0, v53;
	v16 =	vld.idx.msk [tilespmem:v16+s26+$0x0], $0xffff  }
0x473: {  	[tilespmem:v9+s0+$0x0] =	vst.idx.msk $0xffff, v25;
	v55 =	vand.u32 $0x7, v26;
	v57 =	vand.u32 $0xF8, v22;
	v56 =	vadd.s32 v54, v27;
	v24 =	vld.idx.msk [tilespmem:v24+s26+$0x0], $0xffff  }
0x474: {  	v22 =	vand.u32 $0x7, v22;
	v9 =	vor.u32 v55, v56;
	v58 =	vadd.s32 v57, v31;
	v59 =	vld.idx.msk [tilespmem:v28+s26+$0x0], $0xffff  }
0x475: {  	v13 =	vld.idx.msk [tilespmem:v13+s26+$0x0], $0xffff;
	[tilespmem:v63+s0+$0x0] =	vst.idx.msk $0xffff, v17;
	v60 =	vor.u32 v22, v58  }
0x476: {  	v61 =	vor.u32 s14, v7;
	v19 =	vld.idx.msk [tilespmem:v19+s26+$0x0], $0xffff;
	[tilespmem:v11+s0+$0x0] =	vst.idx.msk $0xffff, v23  }
0x477: {  	v11 =	vld.idx.msk [tilespmem:v12+s26+$0x0], $0xffff;
	[tilespmem:v51+s0+$0x0] =	vst.idx.msk $0xffff, v16  }
0x478: {  	v63 =	vor.u32 s19, v7;
	v62 =	vld.idx.msk [tilespmem:v21+s26+$0x0], $0xffff;
	[tilespmem:v15+s0+$0x0] =	vst.idx.msk $0xffff, v24  }
0x479: {  	v9 =	vld.idx.msk [tilespmem:v9+s26+$0x0], $0xffff;
	[tilespmem:v20+s0+$0x0] =	vst.idx.msk $0xffff, v59  }
0x47a: {  	s2 =	sld [smem:$0x7FF];
	[tilespmem:v8+s0+$0x0] =	vst.idx.msk $0xffff, v13;
	v8 =	vld.idx.msk [tilespmem:v60+s26+$0x0], $0xffff  }
0x47b: {  	[tilespmem:v61+s0+$0x0] =	vst.idx.msk $0xffff, v19  }
0x47c: {  	[tilespmem:v10+s0+$0x0] =	vst.idx.msk $0xffff, v11  }
0x47d: {  	p1 =	sne.s32 @!p0 s2, $0x1;
	[tilespmem:v63+s0+$0x0] =	vst.idx.msk $0xffff, v62  }
0x47e: {  	p1 =	por !p1, p0;
	[tilespmem:v14+s0+$0x0] =	vst.idx.msk $0xffff, v9  }
0x47f: {  	s2 =	sor.u32 @!p1 $0x100000, s7;
	[tilespmem:v18+s0+$0x0] =	vst.idx.msk $0xffff, v8  }
0x480: {  	[hbm4b:s21+s30] =	stream.strided.scatter [tilespmem:s0], [sflag:$0x4], $0x4000, s31, s30, $0x38;
	[tilespmem:$0x1C000] =	vst v63  }
0x481: {  	s5 =	rddreg [dreg:$0xd];
	[smem:s2], [sflag:$0x0] =	smem.add.s32 @!p1 $0x1FF;
	s2 =	simm.s32 @!p1 $0x0  }
0x482: {  	s9 =	simm.s32 @!p1 $0x1;
	_ =	swait.done @!p1 [sflag:s2]  }
0x483: {  	[smem:$0x7FF] =	sst @!p1 s9  }
0x484: {  	s10 =	sadd.s32 $0x1, s10;
	_ =	sint @!p1 $0x2  }
0x485: {  	s5 =	sadd.s32 s11, s5;
	_ =	swait.notdone @!p1 [sflag:s2];
	p1 =	sne.s32 s10, $0x5F  }
.Ltmp4:
0x486: {  	s5 =	sshll.u32 s5, $0x12;
	(pc) =	sbr.rel @p1 .LBB2_6-.Ltmp4, $4  }
0x487: {  	s5 =	sadd.s32 s5, s16  }
0x488: {  	s5 =	sshrl.u32 s5, $0x3  }
0x489: {  	s22 =	sadd.s32 s4, s5  }
0x48a: {  	[tilespmem:s26], [sflag:$0x2] =	stream.strided.gather [hbm4b:s22+s23], $0x9000, s24, s23, $0x38;
	[tilespmem:$0x1C000] =	vst v63  }
0x48b: {  	_ =	swait.ge [sflag:s28], $0x9000  }
0x48c: {  	[sflag:s28] =	ssyncset.done $0x0  }
0x48d: {  	[sflag:s28] =	ssyncadd.s32 $0xFFFF7000  }
0x48e: {  	_ =	swait.ge [sflag:s3], $0x4000  }
0x48f: {  	[sflag:s3] =	ssyncset.done $0x0  }
0x490: {  	s19 =	simm.s32 $0x40;
	[sflag:s3] =	ssyncadd.s32 $0xFFFFC000  }
0x491: {  	v8 =	vld [tilespmem:s19+$0x0];
	_ =	sdelay $0x4  }
0x492: {  	v9 =	vshrl.u32 v8, $0x8  }
0x493: {  	v9 =	vand.u32 $0xFF, v9  }
0x494: {  	v9 =	vmul.u32 $0xC0, v9  }
0x495: {  	v10 =	vand.u32 $0xF8, v8  }
0x496: {  	v11 =	vand.u32 $0x7, v8;
	v9 =	vadd.s32 v10, v9  }
0x497: {  	v9 =	vor.u32 v11, v9  }
0x498: {  	s2 =	simm.s32 $0x1  }
0x499: {  	s5 =	simm.s32 $0x0;
	s2 =	sand.u32 $0x7, s2;
	v10 =	vshrl.u32 v8, $0x18  }
0x49a: {  	s5 =	sand.u32 $0xFFFFFC00, s5;
	s2 =	sshll.u32 s2, $0x7;
	v8 =	vshrl.u32 v8, $0x10;
	v10 =	vmul.u32 $0xC0, v10  }
0x49b: {  	s9 =	sor.u32 s5, s2;
	v11 =	vand.u32 $0xF8, v8  }
0x49c: {  	v12 =	vor.u32 s9, v0;
	v8 =	vand.u32 $0x7, v8;
	v10 =	vadd.s32 v11, v10;
	v9 =	vld.idx.msk [tilespmem:v9+s25+$0x0], $0xffff  }
0x49d: {  	v8 =	vor.u32 v8, v10;
	_ =	sdelay $0x3  }
0x49e: {  	[tilespmem:v12+s29+$0x0] =	vst.idx.msk $0xffff, v9  }
0x49f: {  	v9 =	vor.u32 s9, v1;
	v8 =	vld.idx.msk [tilespmem:v8+s25+$0x0], $0xffff;
	_ =	sdelay $0x4  }
0x4a0: {  	[tilespmem:v9+s29+$0x0] =	vst.idx.msk $0xffff, v8  }
0x4a1: {  	v8 =	vld [tilespmem:s19+$0x10];
	_ =	sdelay $0x4  }
0x4a2: {  	v9 =	vshrl.u32 v8, $0x8  }
0x4a3: {  	v9 =	vand.u32 $0xFF, v9  }
0x4a4: {  	v9 =	vmul.u32 $0xC0, v9  }
0x4a5: {  	v10 =	vld [tilespmem:s19+$0xFFFFFFC0];
	v11 =	vand.u32 $0xF8, v8  }
0x4a6: {  	s10 =	simm.s32 $0xC0;
	v12 =	vand.u32 $0x7, v8;
	v9 =	vadd.s32 v11, v9  }
0x4a7: {  	v11 =	vld [tilespmem:s10+$0x0];
	v9 =	vor.u32 v12, v9;
	_ =	sdelay $0x1  }
0x4a8: {  	v15 =	vor.u32 s9, v2;
	v13 =	vshrl.u32 v8, $0x18  }
0x4a9: {  	v8 =	vshrl.u32 v8, $0x10;
	v13 =	vmul.u32 $0xC0, v13;
	v12 =	vshrl.u32 v10, $0x8  }
0x4aa: {  	v14 =	vand.u32 $0xF8, v8;
	v8 =	vand.u32 $0x7, v8;
	v12 =	vand.u32 $0xFF, v12  }
0x4ab: {  	v13 =	vadd.s32 v14, v13;
	v12 =	vmul.u32 $0xC0, v12;
	v14 =	vshrl.u32 v11, $0x8;
	v9 =	vld.idx.msk [tilespmem:v9+s25+$0x0], $0xffff  }
0x4ac: {  	v16 =	vand.u32 $0xF8, v10;
	v8 =	vor.u32 v8, v13;
	v13 =	vand.u32 $0xFF, v14  }
0x4ad: {  	v12 =	vadd.s32 v16, v12;
	v14 =	vand.u32 $0x7, v10;
	v13 =	vmul.u32 $0xC0, v13  }
0x4ae: {  	v12 =	vor.u32 v14, v12;
	v14 =	vand.u32 $0xF8, v11  }
0x4af: {  	s21 =	simm.s32 $0x0;
	v16 =	vshrl.u32 v10, $0x18;
	v17 =	vand.u32 $0x7, v11;
	v13 =	vadd.s32 v14, v13  }
0x4b0: {  	s2 =	sand.u32 $0x6, s21;
	v14 =	vmul.u32 $0xC0, v16;
	v16 =	vld [tilespmem:s10+$0xFFFFFFC0];
	[tilespmem:v15+s29+$0x0] =	vst.idx.msk $0xffff, v9;
	v9 =	vor.u32 v17, v13  }
0x4b1: {  	s22 =	simm.s32 $0x3;
	s2 =	sshll.u32 s2, $0x7;
	v18 =	vshrl.u32 v11, $0x18;
	v10 =	vshrl.u32 v10, $0x10;
	v15 =	vor.u32 s9, v3;
	v8 =	vld.idx.msk [tilespmem:v8+s25+$0x0], $0xffff  }
0x4b2: {  	s11 =	simm.s32 $0x100;
	s2 =	sor.u32 s2, s5;
	s5 =	sand.u32 $0x7, s22;
	v11 =	vshrl.u32 v11, $0x10;
	v17 =	vand.u32 $0x7, v10;
	v10 =	vand.u32 $0xF8, v10  }
0x4b3: {  	s11 =	sand.u32 $0xFFFFFC00, s11;
	s5 =	sshll.u32 s5, $0x7;
	v13 =	vor.u32 s2, v0;
	v10 =	vadd.s32 v10, v14;
	v12 =	vld.idx.msk [tilespmem:v12+s25+$0x0], $0xffff;
	v14 =	vmul.u32 $0xC0, v18  }
0x4b4: {  	s21 =	sor.u32 s11, s5;
	v10 =	vor.u32 v17, v10;
	v17 =	vand.u32 $0xF8, v11  }
0x4b5: {  	v18 =	vor.u32 s21, v0;
	v11 =	vand.u32 $0x7, v11;
	v14 =	vadd.s32 v17, v14;
	v9 =	vld.idx.msk [tilespmem:v9+s25+$0x0], $0xffff  }
0x4b6: {  	s12 =	simm.s32 $0x2;
	v17 =	vshrl.u32 v16, $0x8;
	[tilespmem:v15+s29+$0x0] =	vst.idx.msk $0xffff, v8;
	v8 =	vor.u32 v11, v14  }
0x4b7: {  	s5 =	sand.u32 $0x6, s12;
	v11 =	vand.u32 $0xFF, v17;
	v15 =	vld [tilespmem:s19+$0x20]  }
0x4b8: {  	s5 =	sshll.u32 s5, $0x7;
	[tilespmem:v13+s29+$0x0] =	vst.idx.msk $0xffff, v12;
	v11 =	vmul.u32 $0xC0, v11  }
0x4b9: {  	s12 =	sor.u32 s5, s11;
	s11 =	simm.s32 $0x140;
	v12 =	vor.u32 s2, v1;
	v13 =	vand.u32 $0xF8, v16;
	v10 =	vld.idx.msk [tilespmem:v10+s25+$0x0], $0xffff  }
0x4ba: {  	v32 =	vld [tilespmem:s11+$0xFFFFFFC0];
	v14 =	vand.u32 $0x7, v16;
	v11 =	vadd.s32 v13, v11;
	[tilespmem:v18+s29+$0x0] =	vst.idx.msk $0xffff, v9  }
0x4bb: {  	v9 =	vor.u32 v14, v11;
	v11 =	vor.u32 s21, v1;
	v8 =	vld.idx.msk [tilespmem:v8+s25+$0x0], $0xffff  }
0x4bc: {  	v23 =	vor.u32 s9, v4;
	v13 =	vshrl.u32 v15, $0x8  }
0x4bd: {  	v19 =	vor.u32 s2, v4;
	v27 =	vor.u32 s21, v2;
	v13 =	vand.u32 $0xFF, v13  }
0x4be: {  	v55 =	vor.u32 s21, v5;
	v14 =	vshrl.u32 v16, $0x18;
	[tilespmem:v12+s29+$0x0] =	vst.idx.msk $0xffff, v10;
	v12 =	vmul.u32 $0xC0, v13  }
0x4bf: {  	v10 =	vmul.u32 $0xC0, v14;
	v14 =	vshrl.u32 v16, $0x10;
	v16 =	vand.u32 $0xF8, v15;
	v13 =	vld [tilespmem:s19+$0xFFFFFFD0]  }
0x4c0: {  	v61 =	vshrl.u32 v32, $0x18;
	v20 =	vld.idx.msk [tilespmem:v9+s25+$0x0], $0xffff;
	v9 =	vand.u32 $0x7, v15;
	v12 =	vadd.s32 v16, v12;
	[tilespmem:v11+s29+$0x0] =	vst.idx.msk $0xffff, v8  }
0x4c1: {  	v17 =	vor.u32 s12, v0;
	v18 =	vand.u32 $0xF8, v14;
	v11 =	vor.u32 v9, v12;
	v12 =	vld [tilespmem:s10+$0x10]  }
0x4c2: {  	v10 =	vadd.s32 v18, v10;
	v18 =	vor.u32 s2, v5;
	v8 =	vand.u32 $0x7, v14  }
0x4c3: {  	v16 =	vor.u32 s2, v2;
	v8 =	vor.u32 v8, v10;
	v10 =	vshrl.u32 v15, $0x18  }
0x4c4: {  	v14 =	vor.u32 s2, v3;
	v15 =	vshrl.u32 v15, $0x10;
	v10 =	vmul.u32 $0xC0, v10  }
0x4c5: {  	v9 =	vor.u32 s2, v6;
	v22 =	vand.u32 $0xF8, v15;
	v15 =	vand.u32 $0x7, v15  }
0x4c6: {  	v21 =	vshrl.u32 v13, $0x8;
	[tilespmem:v17+s29+$0x0] =	vst.idx.msk $0xffff, v20;
	v10 =	vadd.s32 v22, v10;
	v11 =	vld.idx.msk [tilespmem:v11+s25+$0x0], $0xffff;
	v17 =	vshrl.u32 v12, $0x8  }
0x4c7: {  	v25 =	vand.u32 $0x7, v13;
	v10 =	vor.u32 v15, v10;
	v15 =	vand.u32 $0xFF, v17  }
0x4c8: {  	v20 =	vor.u32 s12, v1;
	v22 =	vld.idx.msk [tilespmem:v8+s25+$0x0], $0xffff;
	v17 =	vand.u32 $0xFF, v21;
	v15 =	vmul.u32 $0xC0, v15  }
0x4c9: {  	v8 =	vor.u32 s2, v7;
	v24 =	vand.u32 $0xF8, v12;
	v17 =	vmul.u32 $0xC0, v17  }
0x4ca: {  	v26 =	vand.u32 $0x7, v12;
	v21 =	vand.u32 $0xF8, v13;
	v15 =	vadd.s32 v24, v15  }
0x4cb: {  	v24 =	vshrl.u32 v13, $0x18;
	v17 =	vadd.s32 v21, v17;
	[tilespmem:v23+s29+$0x0] =	vst.idx.msk $0xffff, v11;
	v11 =	vor.u32 v26, v15  }
0x4cc: {  	v13 =	vshrl.u32 v13, $0x10;
	v21 =	vshrl.u32 v12, $0x18;
	v17 =	vor.u32 v25, v17;
	v25 =	vld [tilespmem:s11+$0x0]  }
0x4cd: {  	v12 =	vshrl.u32 v12, $0x10;
	v15 =	vmul.u32 $0xC0, v24;
	[tilespmem:v20+s29+$0x0] =	vst.idx.msk $0xffff, v22;
	v20 =	vand.u32 $0xF8, v13  }
0x4ce: {  	v23 =	vor.u32 s9, v5;
	v13 =	vand.u32 $0x7, v13;
	v24 =	vmul.u32 $0xC0, v21;
	v22 =	vld [tilespmem:s10+$0xFFFFFFD0]  }
0x4cf: {  	v21 =	vor.u32 s12, v2;
	v10 =	vld.idx.msk [tilespmem:v10+s25+$0x0], $0xffff;
	v15 =	vadd.s32 v20, v15;
	v20 =	vand.u32 $0xF8, v12  }
0x4d0: {  	v15 =	vor.u32 v13, v15;
	v13 =	vor.u32 s12, v4;
	v26 =	vld.idx.msk [tilespmem:v11+s25+$0x0], $0xffff;
	v11 =	vand.u32 $0x7, v12  }
0x4d1: {  	s13 =	simm.s32 $0x5;
	v12 =	vadd.s32 v20, v24;
	v20 =	vor.u32 s12, v3;
	v31 =	vshrl.u32 v25, $0x8  }
0x4d2: {  	s14 =	simm.s32 $0x200;
	s2 =	sand.u32 $0x7, s13;
	v35 =	vand.u32 $0x7, v25;
	v59 =	vshrl.u32 v25, $0x18;
	v24 =	vor.u32 v11, v12  }
0x4d3: {  	s15 =	simm.s32 $0x4;
	s5 =	sand.u32 $0xFFFFFC00, s14;
	s2 =	sshll.u32 s2, $0x7;
	v12 =	vor.u32 s12, v5;
	v28 =	vshrl.u32 v22, $0x8;
	v11 =	vor.u32 s12, v6  }
0x4d4: {  	[tilespmem:v23+s29+$0x0] =	vst.idx.msk $0xffff, v10;
	v10 =	vor.u32 s12, v7;
	v30 =	vand.u32 $0x7, v22;
	v33 =	vshrl.u32 v22, $0x10;
	s12 =	sor.u32 s5, s2;
	s2 =	sand.u32 $0x6, s15  }
0x4d5: {  	v31 =	vand.u32 $0xFF, v31;
	v23 =	vand.u32 $0xFF, v28;
	v29 =	vld [tilespmem:s19+$0x30];
	v28 =	vand.u32 $0xF8, v22;
	s2 =	sshll.u32 s2, $0x7  }
0x4d6: {  	v22 =	vshrl.u32 v22, $0x18;
	v36 =	vor.u32 s12, v0;
	v23 =	vmul.u32 $0xC0, v23;
	s2 =	sor.u32 s2, s5  }
0x4d7: {  	v17 =	vld.idx.msk [tilespmem:v17+s25+$0x0], $0xffff;
	v41 =	vor.u32 s12, v1;
	v44 =	vand.u32 $0x7, v33;
	v63 =	vor.u32 s2, v0;
	[tilespmem:v27+s29+$0x0] =	vst.idx.msk $0xffff, v26  }
0x4d8: {  	v26 =	vmul.u32 $0xC0, v31;
	v27 =	vor.u32 s21, v3;
	v23 =	vadd.s32 v28, v23;
	v24 =	vld.idx.msk [tilespmem:v24+s25+$0x0], $0xffff  }
0x4d9: {  	v31 =	vmul.u32 $0xC0, v22;
	v22 =	vand.u32 $0xF8, v25;
	v28 =	vor.u32 v30, v23  }
0x4da: {  	v34 =	vshrl.u32 v29, $0x8;
	v22 =	vadd.s32 v22, v26;
	v26 =	vshrl.u32 v32, $0x8  }
0x4db: {  	s14 =	simm.s32 $0x1C0;
	v30 =	vand.u32 $0xF8, v29;
	v58 =	vand.u32 $0x7, v29;
	v22 =	vor.u32 v35, v22  }
0x4dc: {  	v56 =	vld [tilespmem:s14+$0x0];
	[tilespmem:v16+s29+$0x0] =	vst.idx.msk $0xffff, v17;
	v62 =	vshrl.u32 v29, $0x18;
	v16 =	vshrl.u32 v29, $0x10;
	v23 =	vand.u32 $0xFF, v34  }
0x4dd: {  	v15 =	vld.idx.msk [tilespmem:v15+s25+$0x0], $0xffff;
	v26 =	vand.u32 $0xFF, v26;
	v29 =	vand.u32 $0xF8, v16;
	v23 =	vmul.u32 $0xC0, v23;
	[tilespmem:v27+s29+$0x0] =	vst.idx.msk $0xffff, v24  }
0x4de: {  	v26 =	vmul.u32 $0xC0, v26;
	v24 =	vshrl.u32 v25, $0x10;
	v25 =	vmul.u32 $0xC0, v59;
	v27 =	vld [tilespmem:s10+$0x20]  }
0x4df: {  	v23 =	vadd.s32 v30, v23;
	v30 =	vand.u32 $0xF8, v32;
	v60 =	vand.u32 $0xF8, v24  }
0x4e0: {  	v37 =	vand.u32 $0x7, v24;
	v24 =	vor.u32 v58, v23;
	v22 =	vld.idx.msk [tilespmem:v22+s25+$0x0], $0xffff;
	v25 =	vadd.s32 v60, v25  }
0x4e1: {  	v23 =	vand.u32 $0x7, v32;
	v26 =	vadd.s32 v30, v26;
	v25 =	vor.u32 v37, v25  }
0x4e2: {  	[tilespmem:v14+s29+$0x0] =	vst.idx.msk $0xffff, v15;
	v14 =	vand.u32 $0x7, v16;
	v17 =	vor.u32 v23, v26;
	v26 =	vmul.u32 $0xC0, v62  }
0x4e3: {  	v30 =	vmul.u32 $0xC0, v61;
	v61 =	vshrl.u32 v56, $0x8;
	v23 =	vshrl.u32 v27, $0x8  }
0x4e4: {  	v15 =	vadd.s32 v29, v26;
	v29 =	vld [tilespmem:s19+$0xFFFFFFE0];
	v26 =	vand.u32 $0xF8, v33;
	v23 =	vand.u32 $0xFF, v23  }
0x4e5: {  	v26 =	vadd.s32 v26, v31;
	v43 =	vand.u32 $0x7, v27;
	[tilespmem:v36+s29+$0x0] =	vst.idx.msk $0xffff, v22;
	v22 =	vmul.u32 $0xC0, v23  }
0x4e6: {  	v31 =	vor.u32 v44, v26;
	v23 =	vshrl.u32 v32, $0x10;
	v40 =	vld.idx.msk [tilespmem:v25+s25+$0x0], $0xffff;
	v25 =	vand.u32 $0xF8, v27  }
0x4e7: {  	v26 =	vor.u32 s2, v3;
	v42 =	vand.u32 $0xF8, v23;
	v22 =	vadd.s32 v25, v22  }
0x4e8: {  	v44 =	vand.u32 $0xF8, v56;
	v17 =	vld.idx.msk [tilespmem:v17+s25+$0x0], $0xffff;
	v25 =	vadd.s32 v42, v30;
	v30 =	vor.u32 v43, v22  }
0x4e9: {  	v23 =	vand.u32 $0x7, v23;
	v47 =	vshrl.u32 v29, $0x8;
	v48 =	vand.u32 $0xF8, v29  }
0x4ea: {  	v28 =	vld.idx.msk [tilespmem:v28+s25+$0x0], $0xffff;
	v16 =	vor.u32 v23, v25;
	v25 =	vor.u32 v14, v15;
	v14 =	vshrl.u32 v27, $0x18  }
0x4eb: {  	v49 =	vand.u32 $0x7, v29;
	v23 =	vshrl.u32 v27, $0x10;
	v14 =	vmul.u32 $0xC0, v14;
	[tilespmem:v41+s29+$0x0] =	vst.idx.msk $0xffff, v40;
	v41 =	vld [tilespmem:s14+$0xFFFFFFC0]  }
0x4ec: {  	v50 =	vshrl.u32 v29, $0x18;
	v29 =	vshrl.u32 v29, $0x10;
	v27 =	vand.u32 $0xF8, v23;
	v45 =	vld [tilespmem:s11+$0x10]  }
0x4ed: {  	[tilespmem:v63+s29+$0x0] =	vst.idx.msk $0xffff, v17;
	v46 =	vand.u32 $0x7, v23;
	v14 =	vadd.s32 v27, v14;
	v17 =	vld.idx.msk [tilespmem:v30+s25+$0x0], $0xffff;
	v30 =	vor.u32 s21, v4  }
0x4ee: {  	v32 =	vand.u32 $0xFF, v47;
	v36 =	vmul.u32 $0xC0, v50;
	v14 =	vor.u32 v46, v14  }
0x4ef: {  	v42 =	vor.u32 s12, v2;
	v22 =	vor.u32 s9, v6;
	v15 =	vor.u32 s2, v1;
	v16 =	vld.idx.msk [tilespmem:v16+s25+$0x0], $0xffff  }
0x4f0: {  	v32 =	vmul.u32 $0xC0, v32;
	v23 =	vor.u32 s9, v7;
	v27 =	vor.u32 s2, v2  }
0x4f1: {  	[tilespmem:v21+s29+$0x0] =	vst.idx.msk $0xffff, v28;
	v21 =	vand.u32 $0x7, v41;
	v28 =	vshrl.u32 v41, $0x18;
	v51 =	vshrl.u32 v45, $0x8  }
0x4f2: {  	v38 =	vshrl.u32 v45, $0x18;
	v33 =	vshrl.u32 v45, $0x10;
	v52 =	vand.u32 $0xFF, v51;
	[tilespmem:v30+s29+$0x0] =	vst.idx.msk $0xffff, v17  }
0x4f3: {  	v38 =	vmul.u32 $0xC0, v38;
	v59 =	vand.u32 $0xF8, v33;
	v53 =	vld.idx.msk [tilespmem:v14+s25+$0x0], $0xffff;
	v14 =	vmul.u32 $0xC0, v52  }
0x4f4: {  	v33 =	vand.u32 $0x7, v33;
	v30 =	vand.u32 $0xF8, v29;
	[tilespmem:v15+s29+$0x0] =	vst.idx.msk $0xffff, v16;
	v16 =	vand.u32 $0xF8, v45  }
0x4f5: {  	v15 =	vadd.s32 v30, v36;
	v30 =	vand.u32 $0x7, v45;
	v14 =	vadd.s32 v16, v14  }
0x4f6: {  	v17 =	vadd.s32 v48, v32;
	v29 =	vand.u32 $0x7, v29;
	v30 =	vor.u32 v30, v14  }
0x4f7: {  	v48 =	vshrl.u32 v41, $0x8;
	v35 =	vor.u32 v49, v17;
	v54 =	vld [tilespmem:s11+$0xFFFFFFD0];
	v38 =	vadd.s32 v59, v38  }
0x4f8: {  	v17 =	vor.u32 s2, v4;
	v33 =	vor.u32 v33, v38;
	v38 =	vand.u32 $0xFF, v61  }
0x4f9: {  	v49 =	vor.u32 s12, v3;
	v52 =	vand.u32 $0xF8, v41;
	v62 =	vmul.u32 $0xC0, v38  }
0x4fa: {  	v36 =	vshrl.u32 v56, $0x10;
	v29 =	vor.u32 v29, v15;
	v15 =	vor.u32 s2, v6  }
0x4fb: {  	v16 =	vor.u32 s2, v5;
	v14 =	vor.u32 s2, v7;
	v37 =	vadd.s32 v44, v62;
	v30 =	vld.idx.msk [tilespmem:v30+s25+$0x0], $0xffff  }
0x4fc: {  	s17 =	simm.s32 $0x7;
	s20 =	simm.s32 $0x300;
	v39 =	vshrl.u32 v54, $0x8;
	v58 =	vand.u32 $0xF8, v54;
	v60 =	vand.u32 $0x7, v54  }
0x4fd: {  	s5 =	sand.u32 $0xFFFFFC00, s20;
	s20 =	simm.s32 $0x6;
	v31 =	vld.idx.msk [tilespmem:v31+s25+$0x0], $0xffff;
	s2 =	sand.u32 $0x7, s17;
	[tilespmem:v55+s29+$0x0] =	vst.idx.msk $0xffff, v53;
	v43 =	vshrl.u32 v54, $0x10;
	v32 =	vshrl.u32 v54, $0x18;
	v53 =	vshrl.u32 v56, $0x18  }
0x4fe: {  	s22 =	sand.u32 $0x6, s20;
	s2 =	sshll.u32 s2, $0x7;
	v54 =	vand.u32 $0x7, v36;
	v36 =	vand.u32 $0xF8, v36;
	v35 =	vld.idx.msk [tilespmem:v35+s25+$0x0], $0xffff;
	v57 =	vand.u32 $0xFF, v39  }
0x4ff: {  	s13 =	sor.u32 s5, s2;
	s2 =	sshll.u32 s22, $0x7;
	v40 =	vld [tilespmem:s10+$0x30];
	v32 =	vmul.u32 $0xC0, v32;
	v39 =	vand.u32 $0xFF, v48;
	v44 =	vmul.u32 $0xC0, v53  }
0x500: {  	s2 =	sor.u32 s2, s5;
	v34 =	vmul.u32 $0xC0, v57;
	v39 =	vmul.u32 $0xC0, v39;
	[tilespmem:v42+s29+$0x0] =	vst.idx.msk $0xffff, v30;
	v30 =	vand.u32 $0x7, v56  }
0x501: {  	v45 =	vor.u32 s13, v0;
	v59 =	vor.u32 s2, v0;
	v33 =	vld.idx.msk [tilespmem:v33+s25+$0x0], $0xffff;
	v30 =	vor.u32 v30, v37  }
0x502: {  	v48 =	vld.idx.msk [tilespmem:v24+s25+$0x0], $0xffff;
	v36 =	vadd.s32 v36, v44;
	v34 =	vadd.s32 v58, v34;
	v39 =	vadd.s32 v52, v39  }
0x503: {  	[tilespmem:v20+s29+$0x0] =	vst.idx.msk $0xffff, v31;
	v34 =	vor.u32 v60, v34;
	v20 =	vor.u32 v21, v39;
	v21 =	vmul.u32 $0xC0, v28  }
0x504: {  	v58 =	vld [tilespmem:s10+$0xFFFFFFE0];
	v28 =	vshrl.u32 v41, $0x10;
	v39 =	vor.u32 s2, v1;
	[tilespmem:v19+s29+$0x0] =	vst.idx.msk $0xffff, v35;
	v63 =	vshrl.u32 v40, $0x8  }
0x505: {  	v50 =	vand.u32 $0xF8, v40;
	v51 =	vand.u32 $0x7, v40;
	v55 =	vshrl.u32 v40, $0x18;
	v29 =	vld.idx.msk [tilespmem:v29+s25+$0x0], $0xffff  }
0x506: {  	v40 =	vshrl.u32 v40, $0x10;
	v60 =	vand.u32 $0x7, v28;
	v28 =	vand.u32 $0xF8, v28;
	[tilespmem:v49+s29+$0x0] =	vst.idx.msk $0xffff, v33;
	v30 =	vld.idx.msk [tilespmem:v30+s25+$0x0], $0xffff  }
0x507: {  	[tilespmem:v22+s29+$0x0] =	vst.idx.msk $0xffff, v48;
	v22 =	vor.u32 s2, v5;
	v38 =	vand.u32 $0xFF, v63;
	v33 =	vor.u32 v54, v36;
	v56 =	vld [tilespmem:s11+$0x20]  }
0x508: {  	v57 =	vand.u32 $0xF8, v40;
	v40 =	vand.u32 $0x7, v40;
	v21 =	vadd.s32 v28, v21  }
0x509: {  	v28 =	vand.u32 $0xF8, v43;
	v63 =	vand.u32 $0x7, v43;
	v38 =	vmul.u32 $0xC0, v38  }
0x50a: {  	v42 =	vor.u32 s21, v6;
	v62 =	vor.u32 v60, v21;
	v28 =	vadd.s32 v28, v32  }
0x50b: {  	v21 =	vor.u32 s13, v1;
	v37 =	vmul.u32 $0xC0, v55;
	v35 =	vor.u32 v63, v28;
	v20 =	vld.idx.msk [tilespmem:v20+s25+$0x0], $0xffff;
	[tilespmem:v45+s29+$0x0] =	vst.idx.msk $0xffff, v30  }
0x50c: {  	v47 =	vshrl.u32 v58, $0x8;
	v38 =	vadd.s32 v50, v38;
	[tilespmem:v18+s29+$0x0] =	vst.idx.msk $0xffff, v29;
	v61 =	vshrl.u32 v56, $0x8;
	v19 =	vld.idx.msk [tilespmem:v33+s25+$0x0], $0xffff  }
0x50d: {  	v24 =	vand.u32 $0xFF, v47;
	v38 =	vor.u32 v51, v38;
	v52 =	vld [tilespmem:s19+$0xFFFFFFF0];
	v30 =	vand.u32 $0xFF, v61  }
0x50e: {  	v24 =	vmul.u32 $0xC0, v24;
	v18 =	vand.u32 $0x7, v58;
	v30 =	vmul.u32 $0xC0, v30  }
0x50f: {  	v36 =	vadd.s32 v57, v37;
	v49 =	vor.u32 s21, v7;
	v45 =	vand.u32 $0xF8, v56  }
0x510: {  	v31 =	vor.u32 v40, v36;
	v46 =	vand.u32 $0x7, v56;
	v30 =	vadd.s32 v45, v30  }
0x511: {  	v50 =	vld.idx.msk [tilespmem:v34+s25+$0x0], $0xffff;
	v36 =	vshrl.u32 v58, $0x10;
	v28 =	vshrl.u32 v56, $0x18;
	v30 =	vor.u32 v46, v30;
	[tilespmem:v21+s29+$0x0] =	vst.idx.msk $0xffff, v19  }
0x512: {  	[tilespmem:v59+s29+$0x0] =	vst.idx.msk $0xffff, v20;
	v59 =	vand.u32 $0xF8, v52;
	v51 =	vmul.u32 $0xC0, v28;
	v61 =	vand.u32 $0x7, v52;
	v28 =	vld [tilespmem:s14+$0x10]  }
0x513: {  	v19 =	vand.u32 $0xF8, v58;
	v21 =	vshrl.u32 v56, $0x10;
	v56 =	vand.u32 $0x7, v36  }
0x514: {  	v53 =	vld.idx.msk [tilespmem:v38+s25+$0x0], $0xffff;
	v29 =	vand.u32 $0xF8, v21;
	v19 =	vadd.s32 v19, v24;
	v21 =	vand.u32 $0x7, v21  }
0x515: {  	v55 =	vld.idx.msk [tilespmem:v62+s25+$0x0], $0xffff;
	v24 =	vadd.s32 v29, v51;
	v29 =	vshrl.u32 v58, $0x18;
	v18 =	vor.u32 v18, v19  }
0x516: {  	v19 =	vor.u32 s2, v3;
	v29 =	vmul.u32 $0xC0, v29;
	v20 =	vld.idx.msk [tilespmem:v30+s25+$0x0], $0xffff;
	v30 =	vor.u32 s12, v4  }
0x517: {  	[tilespmem:v27+s29+$0x0] =	vst.idx.msk $0xffff, v50;
	v54 =	vor.u32 v21, v24;
	v24 =	vand.u32 $0xF8, v36;
	v27 =	vshrl.u32 v28, $0x8  }
0x518: {  	v35 =	vld.idx.msk [tilespmem:v35+s25+$0x0], $0xffff;
	v58 =	vshrl.u32 v52, $0x8;
	v29 =	vadd.s32 v24, v29;
	v57 =	vand.u32 $0xFF, v27  }
0x519: {  	v25 =	vld.idx.msk [tilespmem:v25+s25+$0x0], $0xffff;
	[tilespmem:v42+s29+$0x0] =	vst.idx.msk $0xffff, v53;
	v33 =	vand.u32 $0xFF, v58;
	v27 =	vor.u32 v56, v29;
	v29 =	vmul.u32 $0xC0, v57  }
0x51a: {  	[tilespmem:v39+s29+$0x0] =	vst.idx.msk $0xffff, v55;
	v60 =	vld.idx.msk [tilespmem:v31+s25+$0x0], $0xffff;
	v21 =	vor.u32 s2, v2;
	v62 =	vmul.u32 $0xC0, v33;
	v31 =	vand.u32 $0xF8, v28  }
0x51b: {  	v33 =	vld [tilespmem:s14+$0xFFFFFFD0];
	v24 =	vor.u32 s2, v4;
	[tilespmem:v30+s29+$0x0] =	vst.idx.msk $0xffff, v20;
	v20 =	vadd.s32 v31, v29;
	v30 =	vand.u32 $0x7, v28  }
0x51c: {  	v31 =	vor.u32 s12, v5;
	v29 =	vld.idx.msk [tilespmem:v54+s25+$0x0], $0xffff;
	v34 =	vor.u32 v30, v20;
	v20 =	vshrl.u32 v52, $0x18  }
0x51d: {  	[tilespmem:v26+s29+$0x0] =	vst.idx.msk $0xffff, v35;
	v26 =	vadd.s32 v59, v62;
	v30 =	vshrl.u32 v52, $0x10;
	v63 =	vmul.u32 $0xC0, v20  }
0x51e: {  	[tilespmem:v23+s29+$0x0] =	vst.idx.msk $0xffff, v25;
	v23 =	vld [tilespmem:s11+$0xFFFFFFE0];
	v25 =	vor.u32 v61, v26;
	v26 =	vand.u32 $0x7, v30;
	v30 =	vand.u32 $0xF8, v30  }
0x51f: {  	s9 =	simm.s32 $0x240;
	[tilespmem:v49+s29+$0x0] =	vst.idx.msk $0xffff, v60;
	v32 =	vld.idx.msk [tilespmem:v18+s25+$0x0], $0xffff;
	v18 =	vor.u32 s2, v7;
	v20 =	vor.u32 s2, v6;
	v30 =	vadd.s32 v30, v63  }
.LBB2_12:
0x520: {  	v35 =	vld [tilespmem:s9+$0x0];
	v36 =	vshrl.u32 v28, $0x18;
	v26 =	vor.u32 v26, v30  }
0x521: {  	v28 =	vshrl.u32 v28, $0x10;
	v30 =	vshrl.u32 v33, $0x8;
	v34 =	vld.idx.msk [tilespmem:v34+s25+$0x0], $0xffff;
	v36 =	vmul.u32 $0xC0, v36;
	[tilespmem:v31+s29+$0x0] =	vst.idx.msk $0xffff, v29  }
0x522: {  	v31 =	vand.u32 $0xF8, v28;
	v29 =	vand.u32 $0xFF, v30;
	v30 =	vand.u32 $0xF8, v33;
	v37 =	vld [tilespmem:s11+$0x30]  }
0x523: {  	v39 =	vor.u32 s13, v2;
	v28 =	vand.u32 $0x7, v28;
	v38 =	vld [tilespmem:s9+$0xFFFFFFC0];
	v31 =	vadd.s32 v31, v36  }
0x524: {  	v36 =	vand.u32 $0x7, v33;
	v29 =	vmul.u32 $0xC0, v29;
	v28 =	vor.u32 v28, v31;
	[tilespmem:v13+s29+$0x0] =	vst.idx.msk $0xffff, v32;
	v25 =	vld.idx.msk [tilespmem:v25+s25+$0x0], $0xffff  }
0x525: {  	v32 =	vshrl.u32 v33, $0x10;
	v33 =	vshrl.u32 v33, $0x18;
	v13 =	vmovc v17;
	v17 =	vmovc v24;
	v31 =	vshrl.u32 v35, $0x8;
	v27 =	vld.idx.msk [tilespmem:v27+s25+$0x0], $0xffff  }
0x526: {  	v29 =	vadd.s32 v30, v29;
	v30 =	vmul.u32 $0xC0, v33;
	v24 =	vand.u32 $0xFF, v31  }
0x527: {  	v29 =	vor.u32 v36, v29;
	v24 =	vmul.u32 $0xC0, v24;
	v31 =	vshrl.u32 v37, $0x8  }
0x528: {  	v36 =	vand.u32 $0xF8, v35;
	v33 =	vshrl.u32 v38, $0x8;
	[tilespmem:v39+s29+$0x0] =	vst.idx.msk $0xffff, v34;
	v31 =	vand.u32 $0xFF, v31  }
0x529: {  	v34 =	vand.u32 $0x7, v35;
	v24 =	vadd.s32 v36, v24;
	v28 =	vld.idx.msk [tilespmem:v28+s25+$0x0], $0xffff;
	v31 =	vmul.u32 $0xC0, v31  }
0x52a: {  	s2 =	sadd.s32 $0x3, s20;
	s20 =	sadd.s32 $0x2, s20;
	v36 =	vand.u32 $0xF8, v37;
	v24 =	vor.u32 v34, v24;
	v34 =	vor.u32 s13, v3;
	[tilespmem:v9+s29+$0x0] =	vst.idx.msk $0xffff, v25;
	v9 =	vmovc v11  }
0x52b: {  	s5 =	sand.u32 $0x6, s20;
	s15 =	sshll.u32 s20, $0x7;
	s2 =	sand.u32 $0x7, s2;
	v40 =	vand.u32 $0xFF, v33;
	v25 =	vand.u32 $0x7, v37;
	v31 =	vadd.s32 v36, v31;
	[tilespmem:v12+s29+$0x0] =	vst.idx.msk $0xffff, v27;
	v26 =	vld.idx.msk [tilespmem:v26+s25+$0x0], $0xffff  }
0x52c: {  	s15 =	sand.u32 $0xFFFFFC00, s15;
	s5 =	sshll.u32 s5, $0x7;
	s17 =	sshll.u32 s2, $0x7;
	v33 =	vmul.u32 $0xC0, v40;
	v27 =	vand.u32 $0xF8, v38;
	v12 =	vmovc v16;
	v16 =	vmovc v22;
	v29 =	vld.idx.msk [tilespmem:v29+s25+$0x0], $0xffff;
	v31 =	vor.u32 v25, v31  }
0x52d: {  	p1 =	slt.u32 s20, $0x7E;
	s2 =	sor.u32 s5, s15;
	s5 =	sor.u32 s15, s17;
	v39 =	vshrl.u32 v35, $0x18;
	v11 =	vmovc v15;
	v15 =	vmovc v20;
	v22 =	vand.u32 $0x7, v38;
	v36 =	vshrl.u32 v38, $0x18;
	v25 =	vld [tilespmem:s10+$0xFFFFFFF0]  }
0x52e: {  	v35 =	vshrl.u32 v35, $0x10;
	v39 =	vmul.u32 $0xC0, v39;
	v20 =	vor.u32 s5, v0;
	s10 =	smov.u32 s11;
	s11 =	smov.u32 s14;
	s14 =	smov.u32 s9  }
0x52f: {  	v40 =	vand.u32 $0x7, v35;
	v35 =	vand.u32 $0xF8, v35;
	v24 =	vld.idx.msk [tilespmem:v24+s25+$0x0], $0xffff;
	[tilespmem:v34+s29+$0x0] =	vst.idx.msk $0xffff, v28;
	v28 =	vshrl.u32 v37, $0x18  }
0x530: {  	v34 =	vadd.s32 v35, v39;
	v37 =	vshrl.u32 v37, $0x10;
	v35 =	vld [tilespmem:s11+$0x20];
	v28 =	vmul.u32 $0xC0, v28  }
0x531: {  	v27 =	vadd.s32 v27, v33;
	v33 =	vor.u32 v40, v34;
	v34 =	vand.u32 $0xF8, v37;
	v31 =	vld.idx.msk [tilespmem:v31+s25+$0x0], $0xffff  }
0x532: {  	[tilespmem:v21+s29+$0x0] =	vst.idx.msk $0xffff, v29;
	v21 =	vor.u32 s12, v6;
	v29 =	vand.u32 $0x7, v37;
	v28 =	vadd.s32 v34, v28  }
0x533: {  	v22 =	vor.u32 v22, v27;
	v27 =	vmul.u32 $0xC0, v36;
	v28 =	vor.u32 v29, v28;
	[tilespmem:v8+s29+$0x0] =	vst.idx.msk $0xffff, v26  }
0x534: {  	v34 =	vor.u32 s2, v1;
	v26 =	vor.u32 s2, v0;
	v29 =	vshrl.u32 v38, $0x10;
	v8 =	vmovc v10;
	v10 =	vmovc v14  }
0x535: {  	v14 =	vmovc v18;
	v36 =	vand.u32 $0x7, v29;
	v29 =	vand.u32 $0xF8, v29;
	[tilespmem:v20+s29+$0x0] =	vst.idx.msk $0xffff, v24;
	v20 =	vshrl.u32 v35, $0x8  }
0x536: {  	v18 =	vadd.s32 v29, v27;
	v27 =	vand.u32 $0xF8, v32;
	v24 =	vld.idx.msk [tilespmem:v33+s25+$0x0], $0xffff;
	v20 =	vand.u32 $0xFF, v20  }
0x537: {  	v29 =	vor.u32 s5, v1;
	v18 =	vor.u32 v36, v18;
	v20 =	vmul.u32 $0xC0, v20;
	[tilespmem:v21+s29+$0x0] =	vst.idx.msk $0xffff, v31  }
0x538: {  	v27 =	vadd.s32 v27, v30;
	v31 =	vand.u32 $0x7, v32;
	v21 =	vand.u32 $0xF8, v35;
	v30 =	vld.idx.msk [tilespmem:v28+s25+$0x0], $0xffff  }
0x539: {  	v32 =	vor.u32 s12, v7;
	s12 =	smov.u32 s13;
	s13 =	smov.u32 s5;
	v28 =	vand.u32 $0x7, v35;
	v22 =	vld.idx.msk [tilespmem:v22+s25+$0x0], $0xffff;
	v20 =	vadd.s32 v21, v20  }
0x53a: {  	v27 =	vor.u32 v31, v27;
	v21 =	vor.u32 s2, v2;
	v20 =	vor.u32 v28, v20  }
0x53b: {  	v36 =	vor.u32 s2, v3;
	v31 =	vand.u32 $0xF8, v23;
	v28 =	vshrl.u32 v23, $0x8  }
0x53c: {  	v33 =	vshrl.u32 v23, $0x18;
	[tilespmem:v29+s29+$0x0] =	vst.idx.msk $0xffff, v24;
	v24 =	vand.u32 $0xFF, v28;
	v29 =	vand.u32 $0x7, v23  }
0x53d: {  	v37 =	vshrl.u32 v35, $0x18;
	v33 =	vmul.u32 $0xC0, v33;
	v28 =	vld [tilespmem:s9+$0x10];
	v24 =	vmul.u32 $0xC0, v24  }
0x53e: {  	v37 =	vmul.u32 $0xC0, v37;
	v35 =	vshrl.u32 v35, $0x10;
	v23 =	vshrl.u32 v23, $0x10;
	[tilespmem:v32+s29+$0x0] =	vst.idx.msk $0xffff, v30  }
0x53f: {  	[tilespmem:v26+s29+$0x0] =	vst.idx.msk $0xffff, v22;
	v20 =	vld.idx.msk [tilespmem:v20+s25+$0x0], $0xffff;
	v22 =	vand.u32 $0xF8, v35;
	v24 =	vadd.s32 v31, v24;
	v26 =	vand.u32 $0xF8, v23  }
0x540: {  	v30 =	vor.u32 s12, v4;
	v31 =	vand.u32 $0x7, v35;
	v18 =	vld.idx.msk [tilespmem:v18+s25+$0x0], $0xffff;
	v22 =	vadd.s32 v22, v37  }
0x541: {  	v35 =	vor.u32 v29, v24;
	v26 =	vadd.s32 v26, v33;
	v32 =	vld.idx.msk [tilespmem:v27+s25+$0x0], $0xffff;
	v31 =	vor.u32 v31, v22  }
0x542: {  	v23 =	vand.u32 $0x7, v23;
	v24 =	vor.u32 s2, v4;
	v27 =	vshrl.u32 v28, $0x8  }
0x543: {  	v22 =	vor.u32 s2, v5;
	v29 =	vand.u32 $0xFF, v27;
	v27 =	vor.u32 v23, v26  }
0x544: {  	v37 =	vand.u32 $0xF8, v25;
	v26 =	vshrl.u32 v25, $0x8;
	v23 =	vmul.u32 $0xC0, v29  }
0x545: {  	v29 =	vand.u32 $0xF8, v28;
	[tilespmem:v30+s29+$0x0] =	vst.idx.msk $0xffff, v20;
	v20 =	vand.u32 $0xFF, v26;
	v26 =	vand.u32 $0x7, v25  }
.Ltmp5:
0x546: {  	[tilespmem:v34+s29+$0x0] =	vst.idx.msk $0xffff, v18;
	v18 =	vand.u32 $0x7, v28;
	v23 =	vadd.s32 v29, v23;
	v29 =	vld.idx.msk [tilespmem:v31+s25+$0x0], $0xffff;
	v20 =	vmul.u32 $0xC0, v20;
	(pc) =	sbr.rel @p1 .LBB2_12-.Ltmp5, $4  }
0x547: {  	v31 =	vor.u32 s12, v5;
	v33 =	vld [tilespmem:s9+$0xFFFFFFD0];
	v34 =	vor.u32 v18, v23;
	[tilespmem:v19+s29+$0x0] =	vst.idx.msk $0xffff, v32;
	v18 =	vshrl.u32 v25, $0x18;
	v19 =	vmovc v36  }
0x548: {  	v30 =	vshrl.u32 v25, $0x10;
	v23 =	vld [tilespmem:s11+$0xFFFFFFE0];
	v20 =	vadd.s32 v37, v20;
	v36 =	vmul.u32 $0xC0, v18  }
0x549: {  	v32 =	vld.idx.msk [tilespmem:v35+s25+$0x0], $0xffff;
	v25 =	vor.u32 v26, v20;
	v26 =	vand.u32 $0x7, v30;
	v30 =	vand.u32 $0xF8, v30  }
0x54a: {  	s9 =	sadd.s32 $0x80, s9;
	v18 =	vor.u32 s2, v7;
	v20 =	vor.u32 s2, v6;
	v30 =	vadd.s32 v30, v36  }
0x54b: {  	_ = 	snop  }
0x54c: {  	v35 =	vshrl.u32 v28, $0x18  }
0x54d: {  	v28 =	vshrl.u32 v28, $0x10;
	v36 =	vshrl.u32 v33, $0x8;
	v35 =	vmul.u32 $0xC0, v35  }
0x54e: {  	v38 =	vor.u32 s13, v2;
	v37 =	vand.u32 $0xF8, v28;
	v36 =	vand.u32 $0xFF, v36  }
0x54f: {  	v34 =	vld.idx.msk [tilespmem:v34+s25+$0x0], $0xffff;
	v28 =	vand.u32 $0x7, v28;
	v35 =	vadd.s32 v37, v35;
	v36 =	vmul.u32 $0xC0, v36  }
0x550: {  	v49 =	vand.u32 $0xF8, v33;
	v28 =	vor.u32 v28, v35  }
0x551: {  	v50 =	vand.u32 $0x7, v33;
	v36 =	vadd.s32 v49, v36  }
0x552: {  	v35 =	vor.u32 v50, v36;
	_ =	sdelay $0x1  }
0x553: {  	v51 =	vshrl.u32 v33, $0x18;
	[tilespmem:v38+s29+$0x0] =	vst.idx.msk $0xffff, v34  }
0x554: {  	v54 =	vor.u32 s13, v3;
	v52 =	vshrl.u32 v33, $0x10;
	v53 =	vmul.u32 $0xC0, v51;
	v28 =	vld.idx.msk [tilespmem:v28+s25+$0x0], $0xffff  }
0x555: {  	v55 =	vand.u32 $0xF8, v52  }
0x556: {  	v33 =	vand.u32 $0x7, v52;
	v34 =	vadd.s32 v55, v53;
	v35 =	vld.idx.msk [tilespmem:v35+s25+$0x0], $0xffff  }
0x557: {  	v33 =	vor.u32 v33, v34;
	_ =	sdelay $0x1  }
0x558: {  	[tilespmem:v54+s29+$0x0] =	vst.idx.msk $0xffff, v28  }
0x559: {  	v28 =	vld [tilespmem:s14+$0x20]  }
0x55a: {  	[tilespmem:v21+s29+$0x0] =	vst.idx.msk $0xffff, v35  }
0x55b: {  	v21 =	vld.idx.msk [tilespmem:v33+s25+$0x0], $0xffff;
	_ =	sdelay $0x2  }
0x55c: {  	v56 =	vshrl.u32 v28, $0x8  }
0x55d: {  	v33 =	vand.u32 $0xFF, v56  }
0x55e: {  	v33 =	vmul.u32 $0xC0, v33;
	[tilespmem:v19+s29+$0x0] =	vst.idx.msk $0xffff, v21  }
0x55f: {  	v19 =	vand.u32 $0xF8, v28;
	v21 =	vld [tilespmem:s14+$0xFFFFFFE0]  }
0x560: {  	v57 =	vand.u32 $0x7, v28;
	v19 =	vadd.s32 v19, v33  }
0x561: {  	v19 =	vor.u32 v57, v19  }
0x562: {  	v39 =	vor.u32 s13, v4;
	v58 =	vshrl.u32 v23, $0x8;
	v61 =	vshrl.u32 v28, $0x18  }
0x563: {  	v59 =	vand.u32 $0xF8, v23;
	v60 =	vand.u32 $0x7, v23;
	v36 =	vmul.u32 $0xC0, v61  }
0x564: {  	v28 =	vshrl.u32 v28, $0x10;
	v33 =	vand.u32 $0xFF, v58;
	v62 =	vshrl.u32 v21, $0x8  }
0x565: {  	v63 =	vand.u32 $0xF8, v28;
	v33 =	vmul.u32 $0xC0, v33;
	v37 =	vand.u32 $0xFF, v62  }
0x566: {  	v28 =	vand.u32 $0x7, v28;
	v36 =	vadd.s32 v63, v36;
	v19 =	vld.idx.msk [tilespmem:v19+s25+$0x0], $0xffff;
	v37 =	vmul.u32 $0xC0, v37  }
0x567: {  	v28 =	vor.u32 v28, v36;
	v33 =	vadd.s32 v59, v33;
	v41 =	vand.u32 $0xF8, v21  }
0x568: {  	[tilespmem:v31+s29+$0x0] =	vst.idx.msk $0xffff, v29;
	v29 =	vor.u32 v60, v33;
	v31 =	vand.u32 $0x7, v21;
	v42 =	vadd.s32 v41, v37  }
0x569: {  	v43 =	vld [tilespmem:s11+$0x30];
	[tilespmem:v13+s29+$0x0] =	vst.idx.msk $0xffff, v32;
	v13 =	vor.u32 v31, v42  }
0x56a: {  	v45 =	vor.u32 s13, v5;
	v27 =	vld.idx.msk [tilespmem:v27+s25+$0x0], $0xffff;
	v31 =	vshrl.u32 v23, $0x18  }
0x56b: {  	v23 =	vshrl.u32 v23, $0x10;
	v31 =	vmul.u32 $0xC0, v31;
	[tilespmem:v39+s29+$0x0] =	vst.idx.msk $0xffff, v19;
	v19 =	vshrl.u32 v21, $0x18  }
0x56c: {  	v44 =	vand.u32 $0xF8, v23;
	v21 =	vshrl.u32 v21, $0x10;
	v28 =	vld.idx.msk [tilespmem:v28+s25+$0x0], $0xffff;
	v19 =	vmul.u32 $0xC0, v19  }
0x56d: {  	v29 =	vld.idx.msk [tilespmem:v29+s25+$0x0], $0xffff;
	v23 =	vand.u32 $0x7, v23;
	v31 =	vadd.s32 v44, v31;
	v46 =	vand.u32 $0xF8, v21  }
0x56e: {  	v21 =	vand.u32 $0x7, v21;
	v23 =	vor.u32 v23, v31;
	v19 =	vadd.s32 v46, v19;
	v13 =	vld.idx.msk [tilespmem:v13+s25+$0x0], $0xffff  }
0x56f: {  	[tilespmem:v12+s29+$0x0] =	vst.idx.msk $0xffff, v27;
	v31 =	vshrl.u32 v43, $0x8;
	v12 =	vor.u32 v21, v19  }
0x570: {  	v19 =	vand.u32 $0xFF, v31;
	v21 =	vld [tilespmem:s10+$0xFFFFFFF0]  }
0x571: {  	v19 =	vmul.u32 $0xC0, v19;
	[tilespmem:v45+s29+$0x0] =	vst.idx.msk $0xffff, v28  }
0x572: {  	v27 =	vand.u32 $0xF8, v43;
	[tilespmem:v17+s29+$0x0] =	vst.idx.msk $0xffff, v29;
	v28 =	vld [tilespmem:s14+$0x30]  }
0x573: {  	v17 =	vand.u32 $0x7, v43;
	v19 =	vadd.s32 v27, v19;
	v23 =	vld.idx.msk [tilespmem:v23+s25+$0x0], $0xffff;
	[tilespmem:v24+s29+$0x0] =	vst.idx.msk $0xffff, v13  }
0x574: {  	v13 =	vor.u32 v26, v30;
	v17 =	vor.u32 v17, v19;
	v19 =	vshrl.u32 v43, $0x18;
	v12 =	vld.idx.msk [tilespmem:v12+s25+$0x0], $0xffff  }
0x575: {  	v24 =	vshrl.u32 v43, $0x10;
	v19 =	vmul.u32 $0xC0, v19;
	v26 =	vshrl.u32 v21, $0x8  }
0x576: {  	v29 =	vor.u32 s12, v6;
	v27 =	vand.u32 $0xF8, v24;
	v26 =	vand.u32 $0xFF, v26  }
0x577: {  	v24 =	vand.u32 $0x7, v24;
	v19 =	vadd.s32 v27, v19;
	v26 =	vmul.u32 $0xC0, v26  }
0x578: {  	v27 =	vand.u32 $0x7, v21;
	v19 =	vor.u32 v24, v19;
	v24 =	vand.u32 $0xF8, v21;
	[tilespmem:v16+s29+$0x0] =	vst.idx.msk $0xffff, v23  }
0x579: {  	v16 =	vshrl.u32 v21, $0x18;
	v23 =	vadd.s32 v24, v26;
	v24 =	vshrl.u32 v28, $0x8;
	v26 =	vld [tilespmem:s11+$0xFFFFFFF0];
	[tilespmem:v22+s29+$0x0] =	vst.idx.msk $0xffff, v12  }
0x57a: {  	v16 =	vmul.u32 $0xC0, v16;
	v12 =	vshrl.u32 v21, $0x10;
	v21 =	vand.u32 $0xFF, v24;
	v22 =	vld [tilespmem:s14+$0xFFFFFFF0]  }
0x57b: {  	v23 =	vor.u32 v27, v23;
	v24 =	vand.u32 $0xF8, v12;
	v21 =	vmul.u32 $0xC0, v21  }
0x57c: {  	v12 =	vand.u32 $0x7, v12;
	v16 =	vadd.s32 v24, v16;
	v24 =	vand.u32 $0xF8, v28  }
0x57d: {  	v12 =	vor.u32 v12, v16;
	v16 =	vand.u32 $0x7, v28;
	v21 =	vadd.s32 v24, v21  }
0x57e: {  	v27 =	vshrl.u32 v28, $0x10;
	v16 =	vor.u32 v16, v21;
	v24 =	vshrl.u32 v26, $0x8  }
0x57f: {  	v21 =	vshrl.u32 v28, $0x18;
	v24 =	vand.u32 $0xFF, v24;
	v28 =	vshrl.u32 v22, $0x8  }
0x580: {  	v30 =	vand.u32 $0xF8, v27;
	v24 =	vmul.u32 $0xC0, v24;
	v28 =	vand.u32 $0xFF, v28  }
0x581: {  	v31 =	vand.u32 $0xF8, v26;
	v47 =	vand.u32 $0x7, v26;
	v28 =	vmul.u32 $0xC0, v28  }
0x582: {  	v25 =	vld.idx.msk [tilespmem:v25+s25+$0x0], $0xffff;
	v21 =	vmul.u32 $0xC0, v21;
	v24 =	vadd.s32 v31, v24;
	v31 =	vand.u32 $0xF8, v22  }
0x583: {  	v17 =	vld.idx.msk [tilespmem:v17+s25+$0x0], $0xffff;
	v48 =	vand.u32 $0x7, v22;
	v24 =	vor.u32 v47, v24;
	v28 =	vadd.s32 v31, v28  }
0x584: {  	v27 =	vand.u32 $0x7, v27;
	v21 =	vadd.s32 v30, v21;
	v28 =	vor.u32 v48, v28  }
0x585: {  	v23 =	vld.idx.msk [tilespmem:v23+s25+$0x0], $0xffff;
	v30 =	vor.u32 s13, v6;
	v21 =	vor.u32 v27, v21;
	v27 =	vshrl.u32 v26, $0x18  }
0x586: {  	v26 =	vshrl.u32 v26, $0x10;
	v27 =	vmul.u32 $0xC0, v27;
	v31 =	vshrl.u32 v22, $0x18  }
0x587: {  	[tilespmem:v9+s29+$0x0] =	vst.idx.msk $0xffff, v25;
	v16 =	vld.idx.msk [tilespmem:v16+s25+$0x0], $0xffff;
	v49 =	vand.u32 $0xF8, v26;
	v22 =	vshrl.u32 v22, $0x10;
	v31 =	vmul.u32 $0xC0, v31  }
0x588: {  	[tilespmem:v29+s29+$0x0] =	vst.idx.msk $0xffff, v17;
	v9 =	vand.u32 $0x7, v26;
	v25 =	vadd.s32 v49, v27;
	v26 =	vand.u32 $0xF8, v22;
	v24 =	vld.idx.msk [tilespmem:v24+s25+$0x0], $0xffff  }
0x589: {  	v22 =	vand.u32 $0x7, v22;
	v9 =	vor.u32 v9, v25;
	v25 =	vadd.s32 v26, v31;
	v26 =	vld.idx.msk [tilespmem:v28+s25+$0x0], $0xffff  }
0x58a: {  	v13 =	vld.idx.msk [tilespmem:v13+s25+$0x0], $0xffff;
	[tilespmem:v11+s29+$0x0] =	vst.idx.msk $0xffff, v23;
	v17 =	vor.u32 v22, v25  }
0x58b: {  	v11 =	vld.idx.msk [tilespmem:v12+s25+$0x0], $0xffff  }
0x58c: {  	v19 =	vld.idx.msk [tilespmem:v19+s25+$0x0], $0xffff;
	v22 =	vor.u32 s12, v7;
	[tilespmem:v30+s29+$0x0] =	vst.idx.msk $0xffff, v16  }
0x58d: {  	v16 =	vor.u32 s13, v7;
	v12 =	vld.idx.msk [tilespmem:v21+s25+$0x0], $0xffff;
	[tilespmem:v15+s29+$0x0] =	vst.idx.msk $0xffff, v24  }
0x58e: {  	v9 =	vld.idx.msk [tilespmem:v9+s25+$0x0], $0xffff;
	[tilespmem:v20+s29+$0x0] =	vst.idx.msk $0xffff, v26  }
0x58f: {  	[tilespmem:v8+s29+$0x0] =	vst.idx.msk $0xffff, v13;
	v8 =	vld.idx.msk [tilespmem:v17+s25+$0x0], $0xffff  }
0x590: {  	[tilespmem:v10+s29+$0x0] =	vst.idx.msk $0xffff, v11  }
0x591: {  	[tilespmem:v22+s29+$0x0] =	vst.idx.msk $0xffff, v19  }
0x592: {  	[tilespmem:v16+s29+$0x0] =	vst.idx.msk $0xffff, v12  }
0x593: {  	[tilespmem:v14+s29+$0x0] =	vst.idx.msk $0xffff, v9  }
0x594: {  	[tilespmem:v18+s29+$0x0] =	vst.idx.msk $0xffff, v8  }
0x595: {  	s2 =	rddreg [dreg:$0xe]  }
0x596: {  	[hbm4b:s2+s30] =	stream.strided.scatter [tilespmem:s29], [sflag:$0x3], $0x4000, s31, s30, $0x38;
	[tilespmem:$0x1C000] =	vst v63  }
0x597: {  	_ =	swait.ge [sflag:s1], $0x9000  }
0x598: {  	[sflag:s1] =	ssyncset.done $0x0  }
0x599: {  	[sflag:s1] =	ssyncadd.s32 $0xFFFF7000  }
0x59a: {  	_ =	swait.ge [sflag:s6], $0x4000  }
0x59b: {  	[sflag:s6] =	ssyncset.done $0x0  }
0x59c: {  	s19 =	simm.s32 $0x40;
	[sflag:s6] =	ssyncadd.s32 $0xFFFFC000  }
0x59d: {  	v8 =	vld [tilespmem:s19+$0x0];
	_ =	sdelay $0x4  }
0x59e: {  	v9 =	vshrl.u32 v8, $0x8  }
0x59f: {  	v9 =	vand.u32 $0xFF, v9  }
0x5a0: {  	v9 =	vmul.u32 $0xC0, v9  }
0x5a1: {  	v10 =	vand.u32 $0xF8, v8  }
0x5a2: {  	v11 =	vand.u32 $0x7, v8;
	v9 =	vadd.s32 v10, v9  }
0x5a3: {  	v9 =	vor.u32 v11, v9  }
0x5a4: {  	s15 =	simm.s32 $0x1  }
0x5a5: {  	s5 =	simm.s32 $0x0;
	s2 =	sand.u32 $0x7, s15;
	v10 =	vshrl.u32 v8, $0x18  }
0x5a6: {  	s5 =	sand.u32 $0xFFFFFC00, s5;
	s2 =	sshll.u32 s2, $0x7;
	v8 =	vshrl.u32 v8, $0x10;
	v10 =	vmul.u32 $0xC0, v10  }
0x5a7: {  	s9 =	sor.u32 s5, s2;
	v11 =	vand.u32 $0xF8, v8  }
0x5a8: {  	v12 =	vor.u32 s9, v0;
	v8 =	vand.u32 $0x7, v8;
	v10 =	vadd.s32 v11, v10;
	v9 =	vld.idx.msk [tilespmem:v9+s26+$0x0], $0xffff  }
0x5a9: {  	v8 =	vor.u32 v8, v10;
	_ =	sdelay $0x3  }
0x5aa: {  	[tilespmem:v12+s0+$0x0] =	vst.idx.msk $0xffff, v9  }
0x5ab: {  	v9 =	vor.u32 s9, v1;
	v8 =	vld.idx.msk [tilespmem:v8+s26+$0x0], $0xffff;
	_ =	sdelay $0x4  }
0x5ac: {  	[tilespmem:v9+s0+$0x0] =	vst.idx.msk $0xffff, v8  }
0x5ad: {  	v8 =	vld [tilespmem:s19+$0x10];
	_ =	sdelay $0x4  }
0x5ae: {  	v9 =	vshrl.u32 v8, $0x8  }
0x5af: {  	v9 =	vand.u32 $0xFF, v9  }
0x5b0: {  	v9 =	vmul.u32 $0xC0, v9  }
0x5b1: {  	v10 =	vld [tilespmem:s19+$0xFFFFFFC0];
	v11 =	vand.u32 $0xF8, v8  }
0x5b2: {  	s10 =	simm.s32 $0xC0;
	v12 =	vand.u32 $0x7, v8;
	v9 =	vadd.s32 v11, v9  }
0x5b3: {  	v11 =	vld [tilespmem:s10+$0x0];
	v9 =	vor.u32 v12, v9;
	_ =	sdelay $0x1  }
0x5b4: {  	v15 =	vor.u32 s9, v2;
	v13 =	vshrl.u32 v8, $0x18  }
0x5b5: {  	v8 =	vshrl.u32 v8, $0x10;
	v13 =	vmul.u32 $0xC0, v13;
	v12 =	vshrl.u32 v10, $0x8  }
0x5b6: {  	v14 =	vand.u32 $0xF8, v8;
	v8 =	vand.u32 $0x7, v8;
	v12 =	vand.u32 $0xFF, v12  }
0x5b7: {  	v13 =	vadd.s32 v14, v13;
	v12 =	vmul.u32 $0xC0, v12;
	v14 =	vshrl.u32 v11, $0x8;
	v9 =	vld.idx.msk [tilespmem:v9+s26+$0x0], $0xffff  }
0x5b8: {  	v16 =	vand.u32 $0xF8, v10;
	v8 =	vor.u32 v8, v13;
	v13 =	vand.u32 $0xFF, v14  }
0x5b9: {  	v12 =	vadd.s32 v16, v12;
	v14 =	vand.u32 $0x7, v10;
	v13 =	vmul.u32 $0xC0, v13  }
0x5ba: {  	v12 =	vor.u32 v14, v12;
	v14 =	vand.u32 $0xF8, v11  }
0x5bb: {  	s17 =	simm.s32 $0x0;
	v16 =	vshrl.u32 v10, $0x18;
	v17 =	vand.u32 $0x7, v11;
	v13 =	vadd.s32 v14, v13  }
0x5bc: {  	s2 =	sand.u32 $0x6, s17;
	v14 =	vmul.u32 $0xC0, v16;
	v16 =	vld [tilespmem:s10+$0xFFFFFFC0];
	[tilespmem:v15+s0+$0x0] =	vst.idx.msk $0xffff, v9;
	v9 =	vor.u32 v17, v13  }
0x5bd: {  	s20 =	simm.s32 $0x3;
	s2 =	sshll.u32 s2, $0x7;
	v18 =	vshrl.u32 v11, $0x18;
	v10 =	vshrl.u32 v10, $0x10;
	v15 =	vor.u32 s9, v3;
	v8 =	vld.idx.msk [tilespmem:v8+s26+$0x0], $0xffff  }
0x5be: {  	s21 =	simm.s32 $0x100;
	s2 =	sor.u32 s2, s5;
	s5 =	sand.u32 $0x7, s20;
	v11 =	vshrl.u32 v11, $0x10;
	v17 =	vand.u32 $0x7, v10;
	v10 =	vand.u32 $0xF8, v10  }
0x5bf: {  	s11 =	sand.u32 $0xFFFFFC00, s21;
	s5 =	sshll.u32 s5, $0x7;
	v13 =	vor.u32 s2, v0;
	v10 =	vadd.s32 v10, v14;
	v12 =	vld.idx.msk [tilespmem:v12+s26+$0x0], $0xffff;
	v14 =	vmul.u32 $0xC0, v18  }
0x5c0: {  	s22 =	simm.s32 $0x2;
	s21 =	sor.u32 s11, s5;
	v10 =	vor.u32 v17, v10;
	v17 =	vand.u32 $0xF8, v11  }
0x5c1: {  	s5 =	sand.u32 $0x6, s22;
	v18 =	vor.u32 s21, v0;
	v11 =	vand.u32 $0x7, v11;
	v14 =	vadd.s32 v17, v14;
	v9 =	vld.idx.msk [tilespmem:v9+s26+$0x0], $0xffff  }
0x5c2: {  	s5 =	sshll.u32 s5, $0x7;
	v17 =	vshrl.u32 v16, $0x8;
	[tilespmem:v15+s0+$0x0] =	vst.idx.msk $0xffff, v8;
	v8 =	vor.u32 v11, v14  }
0x5c3: {  	s5 =	sor.u32 s5, s11;
	s11 =	simm.s32 $0x140;
	v11 =	vand.u32 $0xFF, v17;
	v15 =	vld [tilespmem:s19+$0x20]  }
0x5c4: {  	v50 =	vld [tilespmem:s11+$0xFFFFFFC0];
	[tilespmem:v13+s0+$0x0] =	vst.idx.msk $0xffff, v12;
	v11 =	vmul.u32 $0xC0, v11  }
0x5c5: {  	v12 =	vor.u32 s2, v1;
	v13 =	vand.u32 $0xF8, v16;
	v10 =	vld.idx.msk [tilespmem:v10+s26+$0x0], $0xffff  }
0x5c6: {  	v14 =	vand.u32 $0x7, v16;
	v11 =	vadd.s32 v13, v11;
	[tilespmem:v18+s0+$0x0] =	vst.idx.msk $0xffff, v9  }
0x5c7: {  	v9 =	vor.u32 v14, v11;
	v11 =	vor.u32 s21, v1;
	v8 =	vld.idx.msk [tilespmem:v8+s26+$0x0], $0xffff  }
0x5c8: {  	v23 =	vor.u32 s9, v4;
	v13 =	vshrl.u32 v15, $0x8  }
0x5c9: {  	v19 =	vor.u32 s2, v4;
	v27 =	vor.u32 s21, v2;
	v13 =	vand.u32 $0xFF, v13  }
0x5ca: {  	v59 =	vshrl.u32 v50, $0x18;
	v14 =	vshrl.u32 v16, $0x18;
	[tilespmem:v12+s0+$0x0] =	vst.idx.msk $0xffff, v10;
	v12 =	vmul.u32 $0xC0, v13  }
0x5cb: {  	v10 =	vmul.u32 $0xC0, v14;
	v14 =	vshrl.u32 v16, $0x10;
	v16 =	vand.u32 $0xF8, v15;
	v13 =	vld [tilespmem:s19+$0xFFFFFFD0]  }
0x5cc: {  	v18 =	vand.u32 $0xF8, v14;
	v20 =	vld.idx.msk [tilespmem:v9+s26+$0x0], $0xffff;
	v9 =	vand.u32 $0x7, v15;
	v12 =	vadd.s32 v16, v12;
	[tilespmem:v11+s0+$0x0] =	vst.idx.msk $0xffff, v8  }
0x5cd: {  	v17 =	vor.u32 s5, v0;
	v10 =	vadd.s32 v18, v10;
	v11 =	vor.u32 v9, v12;
	v12 =	vld [tilespmem:s10+$0x10]  }
0x5ce: {  	v18 =	vor.u32 s2, v5;
	v8 =	vand.u32 $0x7, v14;
	v16 =	vor.u32 s2, v2  }
0x5cf: {  	v14 =	vor.u32 s2, v3;
	v8 =	vor.u32 v8, v10;
	v10 =	vshrl.u32 v15, $0x18  }
0x5d0: {  	v9 =	vor.u32 s2, v6;
	v15 =	vshrl.u32 v15, $0x10;
	v10 =	vmul.u32 $0xC0, v10  }
0x5d1: {  	v22 =	vand.u32 $0xF8, v15;
	v15 =	vand.u32 $0x7, v15;
	v21 =	vshrl.u32 v13, $0x8  }
0x5d2: {  	v25 =	vand.u32 $0x7, v13;
	[tilespmem:v17+s0+$0x0] =	vst.idx.msk $0xffff, v20;
	v10 =	vadd.s32 v22, v10;
	v11 =	vld.idx.msk [tilespmem:v11+s26+$0x0], $0xffff;
	v17 =	vshrl.u32 v12, $0x8  }
0x5d3: {  	v20 =	vor.u32 s5, v1;
	v10 =	vor.u32 v15, v10;
	v15 =	vand.u32 $0xFF, v17  }
0x5d4: {  	v22 =	vld.idx.msk [tilespmem:v8+s26+$0x0], $0xffff;
	v8 =	vor.u32 s2, v7;
	v17 =	vand.u32 $0xFF, v21;
	v15 =	vmul.u32 $0xC0, v15  }
0x5d5: {  	v24 =	vand.u32 $0xF8, v12;
	v26 =	vand.u32 $0x7, v12;
	v17 =	vmul.u32 $0xC0, v17  }
0x5d6: {  	v21 =	vand.u32 $0xF8, v13;
	v15 =	vadd.s32 v24, v15;
	v24 =	vshrl.u32 v13, $0x18  }
0x5d7: {  	v17 =	vadd.s32 v21, v17;
	v13 =	vshrl.u32 v13, $0x10;
	[tilespmem:v23+s0+$0x0] =	vst.idx.msk $0xffff, v11;
	v11 =	vor.u32 v26, v15  }
0x5d8: {  	v21 =	vshrl.u32 v12, $0x18;
	v15 =	vmul.u32 $0xC0, v24;
	v17 =	vor.u32 v25, v17;
	v25 =	vld [tilespmem:s11+$0x0]  }
0x5d9: {  	v12 =	vshrl.u32 v12, $0x10;
	[tilespmem:v20+s0+$0x0] =	vst.idx.msk $0xffff, v22;
	v20 =	vand.u32 $0xF8, v13;
	v23 =	vor.u32 s9, v5;
	v10 =	vld.idx.msk [tilespmem:v10+s26+$0x0], $0xffff  }
0x5da: {  	v13 =	vand.u32 $0x7, v13;
	v24 =	vmul.u32 $0xC0, v21;
	v22 =	vld [tilespmem:s10+$0xFFFFFFD0];
	v15 =	vadd.s32 v20, v15  }
0x5db: {  	v21 =	vor.u32 s5, v2;
	v20 =	vand.u32 $0xF8, v12;
	v15 =	vor.u32 v13, v15  }
0x5dc: {  	v13 =	vor.u32 s5, v4;
	v26 =	vld.idx.msk [tilespmem:v11+s26+$0x0], $0xffff;
	v11 =	vand.u32 $0x7, v12;
	v12 =	vadd.s32 v20, v24  }
0x5dd: {  	v20 =	vor.u32 s5, v3;
	v31 =	vshrl.u32 v25, $0x8;
	v53 =	vand.u32 $0x7, v25  }
0x5de: {  	s13 =	simm.s32 $0x5;
	v55 =	vshrl.u32 v25, $0x18;
	v24 =	vor.u32 v11, v12;
	v12 =	vor.u32 s5, v5  }
0x5df: {  	s14 =	simm.s32 $0x200;
	s2 =	sand.u32 $0x7, s13;
	v28 =	vshrl.u32 v22, $0x8;
	[tilespmem:v23+s0+$0x0] =	vst.idx.msk $0xffff, v10;
	v11 =	vor.u32 s5, v6;
	v10 =	vor.u32 s5, v7  }
0x5e0: {  	s2 =	sshll.u32 s2, $0x7;
	v30 =	vand.u32 $0x7, v22;
	v51 =	vshrl.u32 v22, $0x10;
	v31 =	vand.u32 $0xFF, v31;
	s5 =	sand.u32 $0xFFFFFC00, s14;
	v29 =	vld [tilespmem:s19+$0x30]  }
0x5e1: {  	s15 =	simm.s32 $0x4;
	v23 =	vand.u32 $0xFF, v28;
	v28 =	vand.u32 $0xF8, v22;
	v22 =	vshrl.u32 v22, $0x18;
	s12 =	sor.u32 s5, s2  }
0x5e2: {  	s2 =	sand.u32 $0x6, s15;
	v42 =	vand.u32 $0x7, v51;
	v23 =	vmul.u32 $0xC0, v23;
	v57 =	vor.u32 s12, v0  }
0x5e3: {  	v17 =	vld.idx.msk [tilespmem:v17+s26+$0x0], $0xffff;
	s2 =	sshll.u32 s2, $0x7;
	v63 =	vor.u32 s12, v1;
	[tilespmem:v27+s0+$0x0] =	vst.idx.msk $0xffff, v26;
	v26 =	vmul.u32 $0xC0, v31;
	v27 =	vor.u32 s21, v3  }
0x5e4: {  	s2 =	sor.u32 s2, s5;
	v23 =	vadd.s32 v28, v23;
	v31 =	vmul.u32 $0xC0, v22;
	v22 =	vand.u32 $0xF8, v25;
	v24 =	vld.idx.msk [tilespmem:v24+s26+$0x0], $0xffff  }
0x5e5: {  	v61 =	vor.u32 s2, v0;
	v28 =	vor.u32 v30, v23;
	v52 =	vshrl.u32 v29, $0x8  }
0x5e6: {  	v22 =	vadd.s32 v22, v26;
	v26 =	vshrl.u32 v50, $0x8;
	v23 =	vand.u32 $0xFF, v52  }
0x5e7: {  	v30 =	vand.u32 $0xF8, v29;
	v22 =	vor.u32 v53, v22;
	v23 =	vmul.u32 $0xC0, v23  }
0x5e8: {  	[tilespmem:v16+s0+$0x0] =	vst.idx.msk $0xffff, v17;
	v54 =	vand.u32 $0x7, v29;
	v60 =	vshrl.u32 v29, $0x18;
	v26 =	vand.u32 $0xFF, v26  }
0x5e9: {  	v15 =	vld.idx.msk [tilespmem:v15+s26+$0x0], $0xffff;
	v16 =	vshrl.u32 v29, $0x10;
	v26 =	vmul.u32 $0xC0, v26;
	[tilespmem:v27+s0+$0x0] =	vst.idx.msk $0xffff, v24;
	v23 =	vadd.s32 v30, v23  }
0x5ea: {  	v24 =	vshrl.u32 v25, $0x10;
	v25 =	vmul.u32 $0xC0, v55;
	v30 =	vand.u32 $0xF8, v50;
	v27 =	vld [tilespmem:s10+$0x20]  }
0x5eb: {  	v56 =	vand.u32 $0xF8, v24;
	v58 =	vand.u32 $0x7, v24;
	v24 =	vor.u32 v54, v23  }
0x5ec: {  	v23 =	vand.u32 $0x7, v50;
	v26 =	vadd.s32 v30, v26;
	v22 =	vld.idx.msk [tilespmem:v22+s26+$0x0], $0xffff;
	v25 =	vadd.s32 v56, v25  }
0x5ed: {  	v17 =	vor.u32 v23, v26;
	v26 =	vmul.u32 $0xC0, v60;
	v25 =	vor.u32 v58, v25  }
0x5ee: {  	v29 =	vand.u32 $0xF8, v16;
	v53 =	vor.u32 s21, v5;
	[tilespmem:v14+s0+$0x0] =	vst.idx.msk $0xffff, v15;
	v14 =	vand.u32 $0x7, v16  }
0x5ef: {  	v15 =	vadd.s32 v29, v26;
	v26 =	vand.u32 $0xF8, v51;
	v23 =	vshrl.u32 v27, $0x8  }
0x5f0: {  	v30 =	vmul.u32 $0xC0, v59;
	v29 =	vld [tilespmem:s19+$0xFFFFFFE0];
	v26 =	vadd.s32 v26, v31;
	v23 =	vand.u32 $0xFF, v23  }
0x5f1: {  	v41 =	vand.u32 $0x7, v27;
	v31 =	vor.u32 v42, v26;
	[tilespmem:v57+s0+$0x0] =	vst.idx.msk $0xffff, v22;
	v22 =	vmul.u32 $0xC0, v23  }
0x5f2: {  	v26 =	vor.u32 s2, v3;
	v23 =	vshrl.u32 v50, $0x10;
	v62 =	vld.idx.msk [tilespmem:v25+s26+$0x0], $0xffff;
	v25 =	vand.u32 $0xF8, v27  }
0x5f3: {  	v42 =	vor.u32 s12, v2;
	v40 =	vand.u32 $0xF8, v23;
	v22 =	vadd.s32 v25, v22  }
0x5f4: {  	v17 =	vld.idx.msk [tilespmem:v17+s26+$0x0], $0xffff;
	v23 =	vand.u32 $0x7, v23;
	v25 =	vadd.s32 v40, v30;
	v30 =	vor.u32 v41, v22  }
0x5f5: {  	s14 =	simm.s32 $0x1C0;
	v28 =	vld.idx.msk [tilespmem:v28+s26+$0x0], $0xffff;
	v45 =	vshrl.u32 v29, $0x8;
	v46 =	vand.u32 $0xF8, v29;
	v47 =	vand.u32 $0x7, v29  }
0x5f6: {  	v54 =	vld [tilespmem:s14+$0x0];
	v16 =	vor.u32 v23, v25;
	v25 =	vor.u32 v14, v15;
	v14 =	vshrl.u32 v27, $0x18  }
0x5f7: {  	v48 =	vshrl.u32 v29, $0x18;
	v23 =	vshrl.u32 v27, $0x10;
	v41 =	vld [tilespmem:s14+$0xFFFFFFC0];
	v14 =	vmul.u32 $0xC0, v14;
	[tilespmem:v63+s0+$0x0] =	vst.idx.msk $0xffff, v62  }
0x5f8: {  	v29 =	vshrl.u32 v29, $0x10;
	v32 =	vand.u32 $0xFF, v45;
	v27 =	vand.u32 $0xF8, v23;
	v43 =	vld [tilespmem:s11+$0x10]  }
0x5f9: {  	[tilespmem:v61+s0+$0x0] =	vst.idx.msk $0xffff, v17;
	v44 =	vand.u32 $0x7, v23;
	v14 =	vadd.s32 v27, v14;
	v17 =	vld.idx.msk [tilespmem:v30+s26+$0x0], $0xffff;
	v30 =	vor.u32 s21, v4  }
0x5fa: {  	v36 =	vmul.u32 $0xC0, v48;
	v22 =	vor.u32 s9, v6;
	v14 =	vor.u32 v44, v14  }
0x5fb: {  	v15 =	vor.u32 s2, v1;
	v32 =	vmul.u32 $0xC0, v32;
	v23 =	vor.u32 s9, v7;
	v16 =	vld.idx.msk [tilespmem:v16+s26+$0x0], $0xffff  }
0x5fc: {  	v61 =	vshrl.u32 v54, $0x8;
	v27 =	vor.u32 s2, v2;
	v44 =	vand.u32 $0xF8, v54  }
0x5fd: {  	[tilespmem:v21+s0+$0x0] =	vst.idx.msk $0xffff, v28;
	v48 =	vshrl.u32 v41, $0x8;
	v21 =	vand.u32 $0x7, v41;
	v49 =	vshrl.u32 v43, $0x8  }
0x5fe: {  	v28 =	vshrl.u32 v41, $0x18;
	v39 =	vand.u32 $0xFF, v48;
	v50 =	vand.u32 $0xFF, v49;
	[tilespmem:v30+s0+$0x0] =	vst.idx.msk $0xffff, v17  }
0x5ff: {  	v39 =	vmul.u32 $0xC0, v39;
	v55 =	vshrl.u32 v43, $0x18;
	v51 =	vld.idx.msk [tilespmem:v14+s26+$0x0], $0xffff;
	v14 =	vmul.u32 $0xC0, v50  }
0x600: {  	v33 =	vshrl.u32 v43, $0x10;
	v30 =	vand.u32 $0xF8, v29;
	[tilespmem:v15+s0+$0x0] =	vst.idx.msk $0xffff, v16;
	v16 =	vand.u32 $0xF8, v43  }
0x601: {  	v15 =	vadd.s32 v30, v36;
	v30 =	vand.u32 $0x7, v43;
	v14 =	vadd.s32 v16, v14  }
0x602: {  	v38 =	vmul.u32 $0xC0, v55;
	v59 =	vand.u32 $0xF8, v33;
	v30 =	vor.u32 v30, v14  }
0x603: {  	v33 =	vand.u32 $0x7, v33;
	v49 =	vor.u32 s12, v3;
	v17 =	vadd.s32 v46, v32;
	v52 =	vld [tilespmem:s11+$0xFFFFFFD0]  }
0x604: {  	v29 =	vand.u32 $0x7, v29;
	v35 =	vor.u32 v47, v17;
	v38 =	vadd.s32 v59, v38  }
0x605: {  	v17 =	vor.u32 s2, v4;
	v33 =	vor.u32 v33, v38;
	v38 =	vand.u32 $0xFF, v61  }
0x606: {  	v31 =	vld.idx.msk [tilespmem:v31+s26+$0x0], $0xffff;
	v36 =	vshrl.u32 v54, $0x10;
	v29 =	vor.u32 v29, v15;
	v62 =	vmul.u32 $0xC0, v38  }
0x607: {  	s17 =	simm.s32 $0x7;
	v15 =	vor.u32 s2, v6;
	v16 =	vor.u32 s2, v5;
	v14 =	vor.u32 s2, v7;
	v30 =	vld.idx.msk [tilespmem:v30+s26+$0x0], $0xffff  }
0x608: {  	s20 =	simm.s32 $0x300;
	s2 =	sand.u32 $0x7, s17;
	v37 =	vadd.s32 v44, v62;
	v56 =	vshrl.u32 v52, $0x8;
	v58 =	vand.u32 $0xF8, v52  }
0x609: {  	s5 =	sand.u32 $0xFFFFFC00, s20;
	v48 =	vld.idx.msk [tilespmem:v24+s26+$0x0], $0xffff;
	s2 =	sshll.u32 s2, $0x7;
	v60 =	vand.u32 $0x7, v52;
	v43 =	vshrl.u32 v52, $0x10;
	v32 =	vshrl.u32 v52, $0x18  }
0x60a: {  	s20 =	simm.s32 $0x6;
	[tilespmem:v53+s0+$0x0] =	vst.idx.msk $0xffff, v51;
	v52 =	vand.u32 $0xF8, v41;
	s13 =	sor.u32 s5, s2;
	v53 =	vshrl.u32 v54, $0x18;
	v35 =	vld.idx.msk [tilespmem:v35+s26+$0x0], $0xffff;
	v57 =	vand.u32 $0xFF, v56  }
0x60b: {  	s22 =	sand.u32 $0x6, s20;
	[tilespmem:v20+s0+$0x0] =	vst.idx.msk $0xffff, v31;
	v40 =	vld [tilespmem:s10+$0x30];
	v32 =	vmul.u32 $0xC0, v32;
	v45 =	vor.u32 s13, v0;
	v44 =	vmul.u32 $0xC0, v53  }
0x60c: {  	s2 =	sshll.u32 s22, $0x7;
	v39 =	vadd.s32 v52, v39;
	v34 =	vmul.u32 $0xC0, v57;
	[tilespmem:v42+s0+$0x0] =	vst.idx.msk $0xffff, v30;
	v30 =	vand.u32 $0x7, v54  }
0x60d: {  	s2 =	sor.u32 s2, s5;
	v20 =	vor.u32 v21, v39;
	v21 =	vmul.u32 $0xC0, v28;
	v33 =	vld.idx.msk [tilespmem:v33+s26+$0x0], $0xffff;
	v30 =	vor.u32 v30, v37  }
0x60e: {  	v59 =	vor.u32 s2, v0;
	v28 =	vshrl.u32 v41, $0x10;
	v34 =	vadd.s32 v58, v34  }
0x60f: {  	[tilespmem:v22+s0+$0x0] =	vst.idx.msk $0xffff, v48;
	v39 =	vor.u32 s2, v1;
	v22 =	vor.u32 s2, v5;
	v34 =	vor.u32 v60, v34  }
0x610: {  	v58 =	vld [tilespmem:s10+$0xFFFFFFE0];
	v60 =	vand.u32 $0x7, v28;
	v28 =	vand.u32 $0xF8, v28;
	[tilespmem:v19+s0+$0x0] =	vst.idx.msk $0xffff, v35;
	v63 =	vshrl.u32 v40, $0x8  }
0x611: {  	v50 =	vand.u32 $0xF8, v40;
	v29 =	vld.idx.msk [tilespmem:v29+s26+$0x0], $0xffff;
	v54 =	vand.u32 $0x7, v36;
	v36 =	vand.u32 $0xF8, v36  }
0x612: {  	v51 =	vand.u32 $0x7, v40;
	v55 =	vshrl.u32 v40, $0x18;
	v36 =	vadd.s32 v36, v44;
	[tilespmem:v49+s0+$0x0] =	vst.idx.msk $0xffff, v33;
	v30 =	vld.idx.msk [tilespmem:v30+s26+$0x0], $0xffff  }
0x613: {  	v40 =	vshrl.u32 v40, $0x10;
	v21 =	vadd.s32 v28, v21;
	v33 =	vor.u32 v54, v36;
	v56 =	vld [tilespmem:s11+$0x20]  }
0x614: {  	v28 =	vand.u32 $0xF8, v43;
	v38 =	vand.u32 $0xFF, v63;
	v57 =	vand.u32 $0xF8, v40  }
0x615: {  	v40 =	vand.u32 $0x7, v40;
	v62 =	vor.u32 v60, v21;
	v21 =	vor.u32 s13, v1  }
0x616: {  	v63 =	vand.u32 $0x7, v43;
	v28 =	vadd.s32 v28, v32;
	v38 =	vmul.u32 $0xC0, v38  }
0x617: {  	v20 =	vld.idx.msk [tilespmem:v20+s26+$0x0], $0xffff;
	v42 =	vor.u32 s21, v6;
	v35 =	vor.u32 v63, v28;
	v37 =	vmul.u32 $0xC0, v55;
	[tilespmem:v45+s0+$0x0] =	vst.idx.msk $0xffff, v30  }
0x618: {  	v47 =	vshrl.u32 v58, $0x8;
	v38 =	vadd.s32 v50, v38;
	[tilespmem:v18+s0+$0x0] =	vst.idx.msk $0xffff, v29;
	v61 =	vshrl.u32 v56, $0x8;
	v19 =	vld.idx.msk [tilespmem:v33+s26+$0x0], $0xffff  }
0x619: {  	v24 =	vand.u32 $0xFF, v47;
	v38 =	vor.u32 v51, v38;
	v52 =	vld [tilespmem:s19+$0xFFFFFFF0];
	v30 =	vand.u32 $0xFF, v61  }
0x61a: {  	v24 =	vmul.u32 $0xC0, v24;
	v18 =	vand.u32 $0x7, v58;
	v30 =	vmul.u32 $0xC0, v30  }
0x61b: {  	v36 =	vadd.s32 v57, v37;
	v49 =	vor.u32 s21, v7;
	v45 =	vand.u32 $0xF8, v56  }
0x61c: {  	v31 =	vor.u32 v40, v36;
	v46 =	vand.u32 $0x7, v56;
	v30 =	vadd.s32 v45, v30  }
0x61d: {  	v50 =	vld.idx.msk [tilespmem:v34+s26+$0x0], $0xffff;
	v36 =	vshrl.u32 v58, $0x10;
	v28 =	vshrl.u32 v56, $0x18;
	v30 =	vor.u32 v46, v30;
	[tilespmem:v21+s0+$0x0] =	vst.idx.msk $0xffff, v19  }
0x61e: {  	[tilespmem:v59+s0+$0x0] =	vst.idx.msk $0xffff, v20;
	v59 =	vand.u32 $0xF8, v52;
	v51 =	vmul.u32 $0xC0, v28;
	v61 =	vand.u32 $0x7, v52;
	v28 =	vld [tilespmem:s14+$0x10]  }
0x61f: {  	v19 =	vand.u32 $0xF8, v58;
	v21 =	vshrl.u32 v56, $0x10;
	v56 =	vand.u32 $0x7, v36  }
0x620: {  	v53 =	vld.idx.msk [tilespmem:v38+s26+$0x0], $0xffff;
	v29 =	vand.u32 $0xF8, v21;
	v19 =	vadd.s32 v19, v24;
	v21 =	vand.u32 $0x7, v21  }
0x621: {  	v55 =	vld.idx.msk [tilespmem:v62+s26+$0x0], $0xffff;
	v24 =	vadd.s32 v29, v51;
	v29 =	vshrl.u32 v58, $0x18;
	v18 =	vor.u32 v18, v19  }
0x622: {  	v19 =	vor.u32 s2, v3;
	v29 =	vmul.u32 $0xC0, v29;
	v20 =	vld.idx.msk [tilespmem:v30+s26+$0x0], $0xffff;
	v30 =	vor.u32 s12, v4  }
0x623: {  	[tilespmem:v27+s0+$0x0] =	vst.idx.msk $0xffff, v50;
	v54 =	vor.u32 v21, v24;
	v24 =	vand.u32 $0xF8, v36;
	v27 =	vshrl.u32 v28, $0x8  }
0x624: {  	v35 =	vld.idx.msk [tilespmem:v35+s26+$0x0], $0xffff;
	v58 =	vshrl.u32 v52, $0x8;
	v29 =	vadd.s32 v24, v29;
	v57 =	vand.u32 $0xFF, v27  }
0x625: {  	v25 =	vld.idx.msk [tilespmem:v25+s26+$0x0], $0xffff;
	[tilespmem:v42+s0+$0x0] =	vst.idx.msk $0xffff, v53;
	v33 =	vand.u32 $0xFF, v58;
	v27 =	vor.u32 v56, v29;
	v29 =	vmul.u32 $0xC0, v57  }
0x626: {  	[tilespmem:v39+s0+$0x0] =	vst.idx.msk $0xffff, v55;
	v60 =	vld.idx.msk [tilespmem:v31+s26+$0x0], $0xffff;
	v21 =	vor.u32 s2, v2;
	v62 =	vmul.u32 $0xC0, v33;
	v31 =	vand.u32 $0xF8, v28  }
0x627: {  	v33 =	vld [tilespmem:s14+$0xFFFFFFD0];
	v24 =	vor.u32 s2, v4;
	[tilespmem:v30+s0+$0x0] =	vst.idx.msk $0xffff, v20;
	v20 =	vadd.s32 v31, v29;
	v30 =	vand.u32 $0x7, v28  }
0x628: {  	v31 =	vor.u32 s12, v5;
	v29 =	vld.idx.msk [tilespmem:v54+s26+$0x0], $0xffff;
	v34 =	vor.u32 v30, v20;
	v20 =	vshrl.u32 v52, $0x18  }
0x629: {  	[tilespmem:v26+s0+$0x0] =	vst.idx.msk $0xffff, v35;
	v26 =	vadd.s32 v59, v62;
	v30 =	vshrl.u32 v52, $0x10;
	v63 =	vmul.u32 $0xC0, v20  }
0x62a: {  	[tilespmem:v23+s0+$0x0] =	vst.idx.msk $0xffff, v25;
	v23 =	vld [tilespmem:s11+$0xFFFFFFE0];
	v25 =	vor.u32 v61, v26;
	v26 =	vand.u32 $0x7, v30;
	v30 =	vand.u32 $0xF8, v30  }
0x62b: {  	s9 =	simm.s32 $0x240;
	[tilespmem:v49+s0+$0x0] =	vst.idx.msk $0xffff, v60;
	v32 =	vld.idx.msk [tilespmem:v18+s26+$0x0], $0xffff;
	v18 =	vor.u32 s2, v7;
	v20 =	vor.u32 s2, v6;
	v30 =	vadd.s32 v30, v63  }
.LBB2_14:
0x62c: {  	v35 =	vld [tilespmem:s9+$0x0];
	v36 =	vshrl.u32 v28, $0x18;
	v26 =	vor.u32 v26, v30  }
0x62d: {  	v28 =	vshrl.u32 v28, $0x10;
	v30 =	vshrl.u32 v33, $0x8;
	v34 =	vld.idx.msk [tilespmem:v34+s26+$0x0], $0xffff;
	v36 =	vmul.u32 $0xC0, v36;
	[tilespmem:v31+s0+$0x0] =	vst.idx.msk $0xffff, v29  }
0x62e: {  	v31 =	vand.u32 $0xF8, v28;
	v29 =	vand.u32 $0xFF, v30;
	v30 =	vand.u32 $0xF8, v33;
	v37 =	vld [tilespmem:s11+$0x30]  }
0x62f: {  	v39 =	vor.u32 s13, v2;
	v28 =	vand.u32 $0x7, v28;
	v38 =	vld [tilespmem:s9+$0xFFFFFFC0];
	v31 =	vadd.s32 v31, v36  }
0x630: {  	v36 =	vand.u32 $0x7, v33;
	v29 =	vmul.u32 $0xC0, v29;
	v28 =	vor.u32 v28, v31;
	[tilespmem:v13+s0+$0x0] =	vst.idx.msk $0xffff, v32;
	v25 =	vld.idx.msk [tilespmem:v25+s26+$0x0], $0xffff  }
0x631: {  	v32 =	vshrl.u32 v33, $0x10;
	v33 =	vshrl.u32 v33, $0x18;
	v13 =	vmovc v17;
	v17 =	vmovc v24;
	v31 =	vshrl.u32 v35, $0x8;
	v27 =	vld.idx.msk [tilespmem:v27+s26+$0x0], $0xffff  }
0x632: {  	v29 =	vadd.s32 v30, v29;
	v30 =	vmul.u32 $0xC0, v33;
	v24 =	vand.u32 $0xFF, v31  }
0x633: {  	v29 =	vor.u32 v36, v29;
	v24 =	vmul.u32 $0xC0, v24;
	v31 =	vshrl.u32 v37, $0x8  }
0x634: {  	v36 =	vand.u32 $0xF8, v35;
	v33 =	vshrl.u32 v38, $0x8;
	[tilespmem:v39+s0+$0x0] =	vst.idx.msk $0xffff, v34;
	v31 =	vand.u32 $0xFF, v31  }
0x635: {  	v34 =	vand.u32 $0x7, v35;
	v24 =	vadd.s32 v36, v24;
	v28 =	vld.idx.msk [tilespmem:v28+s26+$0x0], $0xffff;
	v31 =	vmul.u32 $0xC0, v31  }
0x636: {  	s2 =	sadd.s32 $0x3, s20;
	s20 =	sadd.s32 $0x2, s20;
	v36 =	vand.u32 $0xF8, v37;
	v24 =	vor.u32 v34, v24;
	v34 =	vor.u32 s13, v3;
	[tilespmem:v9+s0+$0x0] =	vst.idx.msk $0xffff, v25;
	v9 =	vmovc v11  }
0x637: {  	s5 =	sand.u32 $0x6, s20;
	s15 =	sshll.u32 s20, $0x7;
	s2 =	sand.u32 $0x7, s2;
	v40 =	vand.u32 $0xFF, v33;
	v25 =	vand.u32 $0x7, v37;
	v31 =	vadd.s32 v36, v31;
	[tilespmem:v12+s0+$0x0] =	vst.idx.msk $0xffff, v27;
	v26 =	vld.idx.msk [tilespmem:v26+s26+$0x0], $0xffff  }
0x638: {  	s15 =	sand.u32 $0xFFFFFC00, s15;
	s5 =	sshll.u32 s5, $0x7;
	s17 =	sshll.u32 s2, $0x7;
	v33 =	vmul.u32 $0xC0, v40;
	v27 =	vand.u32 $0xF8, v38;
	v12 =	vmovc v16;
	v16 =	vmovc v22;
	v29 =	vld.idx.msk [tilespmem:v29+s26+$0x0], $0xffff;
	v31 =	vor.u32 v25, v31  }
0x639: {  	p1 =	slt.u32 s20, $0x7E;
	s2 =	sor.u32 s5, s15;
	s5 =	sor.u32 s15, s17;
	v39 =	vshrl.u32 v35, $0x18;
	v11 =	vmovc v15;
	v15 =	vmovc v20;
	v22 =	vand.u32 $0x7, v38;
	v36 =	vshrl.u32 v38, $0x18;
	v25 =	vld [tilespmem:s10+$0xFFFFFFF0]  }
0x63a: {  	v35 =	vshrl.u32 v35, $0x10;
	v39 =	vmul.u32 $0xC0, v39;
	v20 =	vor.u32 s5, v0;
	s10 =	smov.u32 s11;
	s11 =	smov.u32 s14;
	s14 =	smov.u32 s9  }
0x63b: {  	v40 =	vand.u32 $0x7, v35;
	v35 =	vand.u32 $0xF8, v35;
	v24 =	vld.idx.msk [tilespmem:v24+s26+$0x0], $0xffff;
	[tilespmem:v34+s0+$0x0] =	vst.idx.msk $0xffff, v28;
	v28 =	vshrl.u32 v37, $0x18  }
0x63c: {  	v34 =	vadd.s32 v35, v39;
	v37 =	vshrl.u32 v37, $0x10;
	v35 =	vld [tilespmem:s11+$0x20];
	v28 =	vmul.u32 $0xC0, v28  }
0x63d: {  	v27 =	vadd.s32 v27, v33;
	v33 =	vor.u32 v40, v34;
	v34 =	vand.u32 $0xF8, v37;
	v31 =	vld.idx.msk [tilespmem:v31+s26+$0x0], $0xffff  }
0x63e: {  	[tilespmem:v21+s0+$0x0] =	vst.idx.msk $0xffff, v29;
	v21 =	vor.u32 s12, v6;
	v29 =	vand.u32 $0x7, v37;
	v28 =	vadd.s32 v34, v28  }
0x63f: {  	v22 =	vor.u32 v22, v27;
	v27 =	vmul.u32 $0xC0, v36;
	v28 =	vor.u32 v29, v28;
	[tilespmem:v8+s0+$0x0] =	vst.idx.msk $0xffff, v26  }
0x640: {  	v34 =	vor.u32 s2, v1;
	v26 =	vor.u32 s2, v0;
	v29 =	vshrl.u32 v38, $0x10;
	v8 =	vmovc v10;
	v10 =	vmovc v14  }
0x641: {  	v14 =	vmovc v18;
	v36 =	vand.u32 $0x7, v29;
	v29 =	vand.u32 $0xF8, v29;
	[tilespmem:v20+s0+$0x0] =	vst.idx.msk $0xffff, v24;
	v20 =	vshrl.u32 v35, $0x8  }
0x642: {  	v18 =	vadd.s32 v29, v27;
	v27 =	vand.u32 $0xF8, v32;
	v24 =	vld.idx.msk [tilespmem:v33+s26+$0x0], $0xffff;
	v20 =	vand.u32 $0xFF, v20  }
0x643: {  	v29 =	vor.u32 s5, v1;
	v18 =	vor.u32 v36, v18;
	v20 =	vmul.u32 $0xC0, v20;
	[tilespmem:v21+s0+$0x0] =	vst.idx.msk $0xffff, v31  }
0x644: {  	v27 =	vadd.s32 v27, v30;
	v31 =	vand.u32 $0x7, v32;
	v21 =	vand.u32 $0xF8, v35;
	v30 =	vld.idx.msk [tilespmem:v28+s26+$0x0], $0xffff  }
0x645: {  	v32 =	vor.u32 s12, v7;
	s12 =	smov.u32 s13;
	s13 =	smov.u32 s5;
	v28 =	vand.u32 $0x7, v35;
	v22 =	vld.idx.msk [tilespmem:v22+s26+$0x0], $0xffff;
	v20 =	vadd.s32 v21, v20  }
0x646: {  	v27 =	vor.u32 v31, v27;
	v21 =	vor.u32 s2, v2;
	v20 =	vor.u32 v28, v20  }
0x647: {  	v36 =	vor.u32 s2, v3;
	v31 =	vand.u32 $0xF8, v23;
	v28 =	vshrl.u32 v23, $0x8  }
0x648: {  	v33 =	vshrl.u32 v23, $0x18;
	[tilespmem:v29+s0+$0x0] =	vst.idx.msk $0xffff, v24;
	v24 =	vand.u32 $0xFF, v28;
	v29 =	vand.u32 $0x7, v23  }
0x649: {  	v37 =	vshrl.u32 v35, $0x18;
	v33 =	vmul.u32 $0xC0, v33;
	v28 =	vld [tilespmem:s9+$0x10];
	v24 =	vmul.u32 $0xC0, v24  }
0x64a: {  	v37 =	vmul.u32 $0xC0, v37;
	v35 =	vshrl.u32 v35, $0x10;
	v23 =	vshrl.u32 v23, $0x10;
	[tilespmem:v32+s0+$0x0] =	vst.idx.msk $0xffff, v30  }
0x64b: {  	[tilespmem:v26+s0+$0x0] =	vst.idx.msk $0xffff, v22;
	v20 =	vld.idx.msk [tilespmem:v20+s26+$0x0], $0xffff;
	v22 =	vand.u32 $0xF8, v35;
	v24 =	vadd.s32 v31, v24;
	v26 =	vand.u32 $0xF8, v23  }
0x64c: {  	v30 =	vor.u32 s12, v4;
	v31 =	vand.u32 $0x7, v35;
	v18 =	vld.idx.msk [tilespmem:v18+s26+$0x0], $0xffff;
	v22 =	vadd.s32 v22, v37  }
0x64d: {  	v35 =	vor.u32 v29, v24;
	v26 =	vadd.s32 v26, v33;
	v32 =	vld.idx.msk [tilespmem:v27+s26+$0x0], $0xffff;
	v31 =	vor.u32 v31, v22  }
0x64e: {  	v23 =	vand.u32 $0x7, v23;
	v24 =	vor.u32 s2, v4;
	v27 =	vshrl.u32 v28, $0x8  }
0x64f: {  	v22 =	vor.u32 s2, v5;
	v29 =	vand.u32 $0xFF, v27;
	v27 =	vor.u32 v23, v26  }
0x650: {  	v37 =	vand.u32 $0xF8, v25;
	v26 =	vshrl.u32 v25, $0x8;
	v23 =	vmul.u32 $0xC0, v29  }
0x651: {  	v29 =	vand.u32 $0xF8, v28;
	[tilespmem:v30+s0+$0x0] =	vst.idx.msk $0xffff, v20;
	v20 =	vand.u32 $0xFF, v26;
	v26 =	vand.u32 $0x7, v25  }
.Ltmp6:
0x652: {  	[tilespmem:v34+s0+$0x0] =	vst.idx.msk $0xffff, v18;
	v18 =	vand.u32 $0x7, v28;
	v23 =	vadd.s32 v29, v23;
	v29 =	vld.idx.msk [tilespmem:v31+s26+$0x0], $0xffff;
	v20 =	vmul.u32 $0xC0, v20;
	(pc) =	sbr.rel @p1 .LBB2_14-.Ltmp6, $4  }
0x653: {  	v31 =	vor.u32 s12, v5;
	v33 =	vld [tilespmem:s9+$0xFFFFFFD0];
	v34 =	vor.u32 v18, v23;
	[tilespmem:v19+s0+$0x0] =	vst.idx.msk $0xffff, v32;
	v18 =	vshrl.u32 v25, $0x18;
	v19 =	vmovc v36  }
0x654: {  	v30 =	vshrl.u32 v25, $0x10;
	v23 =	vld [tilespmem:s11+$0xFFFFFFE0];
	v20 =	vadd.s32 v37, v20;
	v36 =	vmul.u32 $0xC0, v18  }
0x655: {  	v32 =	vld.idx.msk [tilespmem:v35+s26+$0x0], $0xffff;
	v25 =	vor.u32 v26, v20;
	v26 =	vand.u32 $0x7, v30;
	v30 =	vand.u32 $0xF8, v30  }
0x656: {  	s9 =	sadd.s32 $0x80, s9;
	v18 =	vor.u32 s2, v7;
	v20 =	vor.u32 s2, v6;
	v30 =	vadd.s32 v30, v36  }
0x657: {  	_ = 	snop  }
0x658: {  	v35 =	vshrl.u32 v28, $0x18;
	v36 =	vshrl.u32 v33, $0x8  }
0x659: {  	v45 =	vshrl.u32 v28, $0x10;
	v35 =	vmul.u32 $0xC0, v35;
	v36 =	vand.u32 $0xFF, v36  }
0x65a: {  	v46 =	vor.u32 s13, v2;
	v37 =	vand.u32 $0xF8, v45;
	v36 =	vmul.u32 $0xC0, v36  }
0x65b: {  	v34 =	vld.idx.msk [tilespmem:v34+s26+$0x0], $0xffff;
	v28 =	vand.u32 $0x7, v45;
	v47 =	vand.u32 $0xF8, v33;
	v35 =	vadd.s32 v37, v35  }
0x65c: {  	v48 =	vand.u32 $0x7, v33;
	v28 =	vor.u32 v28, v35;
	v35 =	vadd.s32 v47, v36  }
0x65d: {  	v35 =	vor.u32 v48, v35;
	_ =	sdelay $0x1  }
0x65e: {  	v49 =	vshrl.u32 v33, $0x18  }
0x65f: {  	v50 =	vshrl.u32 v33, $0x10;
	v51 =	vmul.u32 $0xC0, v49;
	[tilespmem:v46+s0+$0x0] =	vst.idx.msk $0xffff, v34  }
0x660: {  	v52 =	vor.u32 s13, v3;
	v53 =	vand.u32 $0xF8, v50;
	v28 =	vld.idx.msk [tilespmem:v28+s26+$0x0], $0xffff  }
0x661: {  	v33 =	vand.u32 $0x7, v50;
	v34 =	vadd.s32 v53, v51;
	v35 =	vld.idx.msk [tilespmem:v35+s26+$0x0], $0xffff  }
0x662: {  	v33 =	vor.u32 v33, v34;
	_ =	sdelay $0x2  }
0x663: {  	[tilespmem:v52+s0+$0x0] =	vst.idx.msk $0xffff, v28  }
0x664: {  	v28 =	vld [tilespmem:s14+$0x20];
	[tilespmem:v21+s0+$0x0] =	vst.idx.msk $0xffff, v35  }
0x665: {  	v21 =	vld.idx.msk [tilespmem:v33+s26+$0x0], $0xffff;
	_ =	sdelay $0x3  }
0x666: {  	v54 =	vshrl.u32 v28, $0x8  }
0x667: {  	v33 =	vand.u32 $0xFF, v54;
	[tilespmem:v19+s0+$0x0] =	vst.idx.msk $0xffff, v21  }
0x668: {  	v33 =	vmul.u32 $0xC0, v33;
	v21 =	vld [tilespmem:s14+$0xFFFFFFE0]  }
0x669: {  	v55 =	vand.u32 $0xF8, v28  }
0x66a: {  	v56 =	vand.u32 $0x7, v28;
	v19 =	vadd.s32 v55, v33  }
0x66b: {  	v62 =	vor.u32 s13, v4;
	v19 =	vor.u32 v56, v19  }
0x66c: {  	v57 =	vshrl.u32 v23, $0x8;
	v58 =	vand.u32 $0xF8, v23;
	v40 =	vand.u32 $0x7, v23  }
0x66d: {  	v47 =	vshrl.u32 v23, $0x18;
	v33 =	vand.u32 $0xFF, v57;
	v61 =	vshrl.u32 v21, $0x8  }
0x66e: {  	v48 =	vshrl.u32 v23, $0x10;
	v33 =	vmul.u32 $0xC0, v33;
	v37 =	vand.u32 $0xFF, v61  }
0x66f: {  	v59 =	vshrl.u32 v28, $0x18;
	v28 =	vshrl.u32 v28, $0x10;
	v63 =	vmul.u32 $0xC0, v37  }
0x670: {  	v35 =	vmul.u32 $0xC0, v59;
	v33 =	vadd.s32 v58, v33;
	v41 =	vand.u32 $0xF8, v21;
	v19 =	vld.idx.msk [tilespmem:v19+s26+$0x0], $0xffff  }
0x671: {  	[tilespmem:v13+s0+$0x0] =	vst.idx.msk $0xffff, v32;
	v42 =	vor.u32 v40, v33;
	v43 =	vand.u32 $0x7, v21;
	v44 =	vadd.s32 v41, v63  }
0x672: {  	[tilespmem:v31+s0+$0x0] =	vst.idx.msk $0xffff, v29;
	v27 =	vld.idx.msk [tilespmem:v27+s26+$0x0], $0xffff;
	v31 =	vmul.u32 $0xC0, v47;
	v60 =	vand.u32 $0xF8, v28;
	v46 =	vor.u32 v43, v44  }
0x673: {  	v49 =	vand.u32 $0xF8, v48;
	v28 =	vand.u32 $0x7, v28;
	v35 =	vadd.s32 v60, v35  }
0x674: {  	v23 =	vand.u32 $0x7, v48;
	v28 =	vor.u32 v28, v35;
	v50 =	vshrl.u32 v21, $0x18  }
0x675: {  	v45 =	vld [tilespmem:s11+$0x30];
	v31 =	vadd.s32 v49, v31;
	v21 =	vshrl.u32 v21, $0x10;
	[tilespmem:v62+s0+$0x0] =	vst.idx.msk $0xffff, v19;
	v19 =	vmul.u32 $0xC0, v50  }
0x676: {  	v23 =	vor.u32 v23, v31;
	v52 =	vand.u32 $0xF8, v21;
	v29 =	vld.idx.msk [tilespmem:v42+s26+$0x0], $0xffff  }
0x677: {  	[tilespmem:v12+s0+$0x0] =	vst.idx.msk $0xffff, v27;
	v21 =	vand.u32 $0x7, v21;
	v19 =	vadd.s32 v52, v19;
	v13 =	vld.idx.msk [tilespmem:v46+s26+$0x0], $0xffff  }
0x678: {  	v56 =	vld [tilespmem:s10+$0xFFFFFFF0];
	v54 =	vor.u32 v21, v19  }
0x679: {  	v51 =	vor.u32 s13, v5;
	v28 =	vld.idx.msk [tilespmem:v28+s26+$0x0], $0xffff  }
0x67a: {  	v53 =	vshrl.u32 v45, $0x8  }
0x67b: {  	v59 =	vshrl.u32 v45, $0x18;
	v55 =	vand.u32 $0xFF, v53;
	[tilespmem:v17+s0+$0x0] =	vst.idx.msk $0xffff, v29  }
0x67c: {  	v60 =	vshrl.u32 v45, $0x10;
	v57 =	vand.u32 $0xF8, v45;
	v19 =	vmul.u32 $0xC0, v55;
	v23 =	vld.idx.msk [tilespmem:v23+s26+$0x0], $0xffff;
	[tilespmem:v24+s0+$0x0] =	vst.idx.msk $0xffff, v13  }
0x67d: {  	v58 =	vand.u32 $0x7, v45;
	v61 =	vshrl.u32 v56, $0x8;
	v31 =	vand.u32 $0xF8, v56;
	v12 =	vld.idx.msk [tilespmem:v54+s26+$0x0], $0xffff  }
0x67e: {  	v32 =	vand.u32 $0x7, v56;
	v37 =	vshrl.u32 v56, $0x10;
	v19 =	vadd.s32 v57, v19;
	[tilespmem:v51+s0+$0x0] =	vst.idx.msk $0xffff, v28  }
0x67f: {  	v33 =	vshrl.u32 v56, $0x18;
	v39 =	vand.u32 $0xF8, v37;
	v17 =	vor.u32 v58, v19;
	v28 =	vld [tilespmem:s14+$0x30]  }
0x680: {  	v19 =	vmul.u32 $0xC0, v59;
	v13 =	vor.u32 v26, v30;
	v26 =	vand.u32 $0xFF, v61  }
0x681: {  	v63 =	vor.u32 s12, v6;
	v62 =	vand.u32 $0xF8, v60;
	v26 =	vmul.u32 $0xC0, v26;
	[tilespmem:v16+s0+$0x0] =	vst.idx.msk $0xffff, v23  }
0x682: {  	v24 =	vand.u32 $0x7, v60;
	v19 =	vadd.s32 v62, v19;
	v16 =	vmul.u32 $0xC0, v33;
	v36 =	vld [tilespmem:s11+$0xFFFFFFF0];
	[tilespmem:v22+s0+$0x0] =	vst.idx.msk $0xffff, v12  }
0x683: {  	v51 =	vor.u32 s13, v6;
	v19 =	vor.u32 v24, v19;
	v34 =	vadd.s32 v31, v26;
	v22 =	vld [tilespmem:s14+$0xFFFFFFF0]  }
0x684: {  	v16 =	vadd.s32 v39, v16;
	v35 =	vshrl.u32 v28, $0x8;
	v23 =	vor.u32 v32, v34  }
0x685: {  	v40 =	vand.u32 $0xF8, v28;
	v41 =	vand.u32 $0x7, v28;
	v42 =	vshrl.u32 v28, $0x18  }
0x686: {  	v44 =	vshrl.u32 v28, $0x10;
	v38 =	vand.u32 $0xFF, v35;
	v12 =	vand.u32 $0x7, v37  }
0x687: {  	v21 =	vmul.u32 $0xC0, v38;
	v12 =	vor.u32 v12, v16;
	v43 =	vshrl.u32 v36, $0x8  }
0x688: {  	v47 =	vand.u32 $0xF8, v36;
	v24 =	vand.u32 $0xFF, v43;
	v45 =	vshrl.u32 v22, $0x8  }
0x689: {  	v21 =	vadd.s32 v40, v21;
	v24 =	vmul.u32 $0xC0, v24;
	v28 =	vand.u32 $0xFF, v45  }
0x68a: {  	v48 =	vand.u32 $0x7, v36;
	v16 =	vor.u32 v41, v21;
	v28 =	vmul.u32 $0xC0, v28  }
0x68b: {  	v21 =	vmul.u32 $0xC0, v42;
	v24 =	vadd.s32 v47, v24;
	v49 =	vand.u32 $0xF8, v22  }
0x68c: {  	v25 =	vld.idx.msk [tilespmem:v25+s26+$0x0], $0xffff;
	v24 =	vor.u32 v48, v24;
	v50 =	vand.u32 $0x7, v22;
	v28 =	vadd.s32 v49, v28  }
0x68d: {  	v46 =	vand.u32 $0xF8, v44;
	v27 =	vand.u32 $0x7, v44;
	v28 =	vor.u32 v50, v28  }
0x68e: {  	v17 =	vld.idx.msk [tilespmem:v17+s26+$0x0], $0xffff;
	v52 =	vshrl.u32 v36, $0x18;
	v26 =	vshrl.u32 v36, $0x10;
	v21 =	vadd.s32 v46, v21  }
0x68f: {  	v23 =	vld.idx.msk [tilespmem:v23+s26+$0x0], $0xffff;
	v21 =	vor.u32 v27, v21;
	v27 =	vmul.u32 $0xC0, v52;
	v53 =	vshrl.u32 v22, $0x18  }
0x690: {  	v54 =	vand.u32 $0xF8, v26;
	v22 =	vshrl.u32 v22, $0x10;
	v31 =	vmul.u32 $0xC0, v53;
	v16 =	vld.idx.msk [tilespmem:v16+s26+$0x0], $0xffff  }
0x691: {  	[tilespmem:v9+s0+$0x0] =	vst.idx.msk $0xffff, v25;
	v55 =	vand.u32 $0x7, v26;
	v57 =	vand.u32 $0xF8, v22;
	v56 =	vadd.s32 v54, v27;
	v24 =	vld.idx.msk [tilespmem:v24+s26+$0x0], $0xffff  }
0x692: {  	v22 =	vand.u32 $0x7, v22;
	v9 =	vor.u32 v55, v56;
	v58 =	vadd.s32 v57, v31;
	v59 =	vld.idx.msk [tilespmem:v28+s26+$0x0], $0xffff  }
0x693: {  	v13 =	vld.idx.msk [tilespmem:v13+s26+$0x0], $0xffff;
	[tilespmem:v63+s0+$0x0] =	vst.idx.msk $0xffff, v17;
	v60 =	vor.u32 v22, v58  }
0x694: {  	v61 =	vor.u32 s12, v7;
	v19 =	vld.idx.msk [tilespmem:v19+s26+$0x0], $0xffff;
	[tilespmem:v11+s0+$0x0] =	vst.idx.msk $0xffff, v23  }
0x695: {  	v11 =	vld.idx.msk [tilespmem:v12+s26+$0x0], $0xffff;
	[tilespmem:v51+s0+$0x0] =	vst.idx.msk $0xffff, v16  }
0x696: {  	v63 =	vor.u32 s13, v7;
	v62 =	vld.idx.msk [tilespmem:v21+s26+$0x0], $0xffff;
	[tilespmem:v15+s0+$0x0] =	vst.idx.msk $0xffff, v24  }
0x697: {  	v9 =	vld.idx.msk [tilespmem:v9+s26+$0x0], $0xffff;
	[tilespmem:v20+s0+$0x0] =	vst.idx.msk $0xffff, v59  }
0x698: {  	[tilespmem:v8+s0+$0x0] =	vst.idx.msk $0xffff, v13;
	v8 =	vld.idx.msk [tilespmem:v60+s26+$0x0], $0xffff  }
0x699: {  	[tilespmem:v61+s0+$0x0] =	vst.idx.msk $0xffff, v19  }
0x69a: {  	[tilespmem:v10+s0+$0x0] =	vst.idx.msk $0xffff, v11  }
0x69b: {  	[tilespmem:v63+s0+$0x0] =	vst.idx.msk $0xffff, v62  }
0x69c: {  	[tilespmem:v14+s0+$0x0] =	vst.idx.msk $0xffff, v9  }
0x69d: {  	[tilespmem:v18+s0+$0x0] =	vst.idx.msk $0xffff, v8  }
0x69e: {  	s2 =	rddreg [dreg:$0xf]  }
0x69f: {  	[hbm4b:s2+s30] =	stream.strided.scatter [tilespmem:s0], [sflag:$0x4], $0x4000, s31, s30, $0x38;
	[tilespmem:$0x1C000] =	vst v63  }
0x6a0: {  	_ =	swait.ge [sflag:s3], $0x4000  }
0x6a1: {  	[sflag:s3] =	ssyncset.done $0x0  }
0x6a2: {  	[sflag:s3] =	ssyncadd.s32 $0xFFFFC000  }
0x6a3: {  	_ =	swait.ge [sflag:s6], $0x4000  }
0x6a4: {  	s5 =	rddreg [dreg:$0x11]  }
0x6a5: {  	s22 =	rddreg [dreg:$0x10];
	s5 =	sadd.s32 $0x1, s5  }
0x6a6: {  	p1 =	sne.s32 s5, s22  }
.Ltmp7:
0x6a7: {  	_ = 	snop;
	(pc) =	sbr.rel @p1 .LBB2_1-.Ltmp7, $3  }
0x6a8: {  	_ =	sdelay $0x1  }
0x6a9: {  	[sflag:s6] =	ssyncset.done $0x0  }
0x6aa: {  	[sflag:s6] =	ssyncadd.s32 $0xFFFFC000  }
0x6ab: {  	_ =	sfence.sel $0x180000  }
0x6ac: {  	[bflag:$0x0] =	sbarrier.arrive $0xFFFF  }
0x6ad: {  	_ =	strace $0x9000004A  }
0x6ae: {  	s0 =	stileid.u32;
	[bflag:$0x2] =	sbarrier.arrive $0xFFFF  }
0x6af: {  	p0 =	sne.s32 s0, $0x0;
	s0 =	rddreg [dreg:$0x2]  }
0x6b0: {  	s0 =	sadd.s32 @!p0 $0x100000, s0  }
0x6b1: {  	[sflag:s0] =	ssyncadd.tile.s32 @!p0 $0x1;
	_ =	shalt  }
.Lfunc_end2:
_tile_overlayer_lowered:
.L_overlay_start_2:
0x6b2: {  	(tag) =	ssettag $0x2  }
0x6b3: {  	s0 =	rddreg [dreg:$0x0];
	s2 =	stileid.u32  }
0x6b4: {  	s1 =	rddreg [dreg:$0x1];
	p0 =	sne.s32 s2, $0x0  }
0x6b5: {  	s3 =	rddreg [dreg:$0x2];
	[bflag:$0x3] =	sbarrier.arrive $0xFFFF;
	s2 =	simm.s32 @!p0 $0x1C05  }
0x6b6: {  	[timem:s3], [sflag:s2] =	dma.local @!p0 [hbm:s0], s1  }
0x6b7: {  	s0 =	simm.s32 @!p0 $0x5  }
0x6b8: {  	_ =	swait.ge @!p0 [sflag:s0], s1  }
0x6b9: {  	s1 =	ssub.s32 @!p0 $0x0, s1;
	[sflag:s0] =	ssyncset.done @!p0 $0x0  }
0x6ba: {  	[sflag:s0] =	ssyncadd.s32 @!p0 s1  }
0x6bb: {  	[bflag:$0x3] =	sbarrier.arrive $0xFFFF  }
0x6bc: {  	_ =	shalt  }

// kernel: sparse-core-data-format-call.cloned.1.call-start
scs
called_computation_lowered:
.L_overlay_start_0:
0x0: {  	s2 =	sld [smem:$0x3FD9]  }
0x1: {  	s3 =	sld [smem:$0x3FFE];
	_ =	sdelay $0x1  }
0x2: {  	s1 =	srdreg.scid  }
0x3: {  	s0 =	sand.u32 $0x1, s1  }
0x4: {  	s18 =	sshll.u32 s0, $0xA;
	s2 =	sadd.s32 s3, s2  }
0x5: {  	s2 =	sadd.s32 s2, s18  }
0x6: {  	[smem:$0x3FC7] =	sst s2  }
0x7: {  	_ = 	snop  }
0x8: {  	s2 =	sld [smem:$0x3FC9];
	(tm) =	ssettm $0x1  }
0x9: {  	s19 =	sld [smem:$0x3FFB];
	_ =	sdelay $0x3  }
0xa: {  	_ =	strace s19  }
0xb: {  	s3 =	sld [smem:$0x3FFC];
	_ =	sdelay $0x3  }
0xc: {  	_ =	strace s3  }
0xd: {  	s3 =	sld [smem:$0x3FFD];
	_ =	sdelay $0x3  }
0xe: {  	_ =	strace s3  }
0xf: {  	_ =	strace $0x8FFFFFFF  }
0x10: {  	s20 =	sld [smem:$0x3FDB];
	_ =	sdelay $0x1  }
0x11: {  	s4 =	simm.s32 $_scs_section_size  }
0x12: {  	s5 =	simm.s32 $_size__tile_overlayer_lowered;
	s6 =	simm.s32 $_tile_overlayer_lowered  }
0x13: {  	s23 =	simm.s32 $0x1BFF;
	s22 =	sshll.u32 s6, $0x1;
	s3 =	sadd.s32 s4, s20  }
0x14: {  	s7 =	simm.s32 $0x0;
	s21 =	sshll.u32 s5, $0x1;
	s5 =	sadd.s32 s22, s3  }
0x15: {  	[timem:s7], [sflag:s23] =	dma.local [hbm:s5], s21  }
0x16: {  	_ =	swait.ge [sflag:s23], s21  }
0x17: {  	s4 =	ssub.s32 $0x0, s21;
	[sflag:s23] =	ssyncset.done $0x0  }
0x18: {  	[sflag:s23] =	ssyncadd.s32 s4;
	_ =	sdelay $0x1  }
0x19: {  	s24 =	simm.s32 $0x1B8B  }
0x1a: {  	_ =	swait.ge [sflag:s24], $0x1  }
0x1b: {  	[sflag:s24] =	ssyncset.done $0x0  }
0x1c: {  	s26 =	simm.s32 $0x1B8E;
	s25 =	sld [smem:$0x3FFE];
	[sflag:s24] =	ssyncadd.s32 $0xFFFFFFFF  }
0x1d: {  	s27 =	simm.s32 $execute0_lowered;
	[smem:$0x3FD2] =	sst s26  }
0x1e: {  	s5 =	sshll.u32 s27, $0x1;
	_ =	strace $0x80000046;
	[dreg:$0x1] =	wrdreg $0xFFFFFFFF  }
0x1f: {  	s28 =	simm.s32 $_size_execute0_lowered;
	s3 =	sadd.s32 s3, s5;
	[dreg:$0x0] =	wrdreg $0x0  }
0x20: {  	s5 =	sshll.u32 s28, $0x1;
	[dreg:$0x2] =	wrdreg s3  }
0x21: {  	[dreg:$0x3] =	wrdreg s5  }
0x22: {  	[dreg:$0x4] =	wrdreg $0xC0  }
0x23: {  	_ =	task [dreg:s7], $0x5FFFF  }
0x24: {  	[dreg:$0x1] =	wrdreg $0xFFFFFFFF  }
0x25: {  	[dreg:$0x0] =	wrdreg $0x60  }
0x26: {  	[dreg:$0x2] =	wrdreg s2  }
0x27: {  	[dreg:$0x3] =	wrdreg s25  }
0x28: {  	[dreg:$0x4] =	wrdreg $0x9  }
0x29: {  	_ =	task.clear_ibuf [dreg:s7], $0x5FFFF;
	_ =	strace $0x90000046  }
0x2a: {  	s29 =	simm.s32 $0x9;
	_ =	strace $0x80000048  }
0x2b: {  	_ =	swait.ge [sflag:s29], $0x1  }
0x2c: {  	[sflag:s29] =	ssyncadd.s32 $0xFFFFFFFF  }
0x2d: {  	_ =	strace $0x90000048  }
0x2e: {  	_ =	sfence  }
0x2f: {  	s30 =	sld [smem:$0x0];
	_ =	sdelay $0x2  }
0x30: {  	s31 =	sshll.u32 s1, $0xD;
	s1 =	sshrl.u32 s1, $0x2  }
0x31: {  	s3 =	sand.u32 $0x4000, s31;
	s1 =	sadd.s32 s1, s30  }
0x32: {  	s0 =	sor.u32 s3, s0;
	s1 =	sshll.u32 s1, $0x11  }
0x33: {  	s0 =	sor.u32 s1, s0  }
0x34: {  	s0 =	sadd.s32 $0x8F2B, s0  }
0x35: {  	[sflag:s0] =	ssyncadd.remote.s32 $0x1  }
0x36: {  	_ =	sfence.sel $0xFFFF  }
0x37: {  	[dreg:$0x0] =	wrdreg $0xFFFFFFFF;
	(pc) =	sbr.abs _section_cstart, $3  }
0x38: {  	[dreg:$0x1] =	wrdreg $0xFFFFFFFF  }
0x39: {  	_ =	task.clear_ibuf [dreg:s7], $0x2FFFF;
	_ =	strace $0x9FFFFFFF  }
0x3a: {  	(tm) =	ssettm $0x7FFFFFFF  }
0x3b: {  	_ =	shalt  }
tec
execute0_lowered:
.L_overlay_start_1:
0x0: {  	(tag) =	ssettag $0x1  }
0x1: {  	s0 =	srdreg.scid  }
0x2: {  	s1 =	sshll.u32 s0, $0x4  }
0x3: {  	s2 =	rddreg [dreg:$0x0];
	s0 =	stileid.u32;
	s1 =	sand.u32 $0x10, s1  }
0x4: {  	s4 =	rddreg [dreg:$0x1];
	s7 =	simm.s32 $0x1;
	s1 =	sor.u32 s0, s1  }
0x5: {  	s8 =	simm.s32 $0x2;
	s9 =	simm.s32 $0x0;
	s3 =	sshll.u32 s1, $0x2  }
0x6: {  	s12 =	simm.s32 $0x0;
	s11 =	simm.s32 $0x0;
	s6 =	ssub.s32 $0x6000, s3  }
.Ltmp0:
0x7: {  	s4 =	sadd.s32 $0x1400, s4;
	s5 =	sand.u32 $0x7C, s6;
	(pc) =	sbr.rel .LBB1_1-.Ltmp0, $4  }
0x8: {  	s1 =	rddreg [dreg:$0x2];
	_ =	strace $0x80000047;
	p0 =	sne.s32 s5, $0x0  }
0x9: {  	s6 =	sshrl.u32 s6, $0x7;
	s5 =	simm.s32 $0x1;
	s7 =	simm.s32 @!p0 $0x0  }
0xa: {  	s10 =	smov.u32 s3;
	[sflag:s5] =	ssyncpa.u1 $0x0;
	s6 =	sadd.s32 s7, s6  }
0xb: {  	[sflag:s8] =	ssyncpa.u1 $0x0;
	s8 =	simm.s32 $0x0;
	s7 =	sadd.s32 $0x1, s6  }
.LBB1_9:
0xc: {  	s14 =	sadd.s32 $0x80, s10  }
0xd: {  	p1 =	sgt.s32 s14, $0x5FFF  }
0xe: {  	s14 =	smov.u32 @p1 s3;
	p1 =	sne.s32 s11, s7  }
.Ltmp1:
0xf: {  	p0 =	slt.u32 s11, $0x2;
	(pc) =	sbr.rel @!p1 .LBB1_10-.Ltmp1, $4  }
0x10: {  	s13 =	simm.s32 @!p0 $0x2  }
0x11: {  	s15 =	sadd.s32 $0x1, s11;
	_ =	swait.ge @!p0 [sflag:s13], $0x4000  }
0x12: {  	s12 =	smov.u32 s10;
	s9 =	sadd.s32 $0x4000, s9;
	[sflag:s13] =	ssyncset.done @!p0 $0x0  }
0x13: {  	s11 =	smov.u32 s15;
	s10 =	smov.u32 s14;
	[sflag:s13] =	ssyncadd.s32 @!p0 $0xFFFFC000  }
.LBB1_1:
0x14: {  	p0 =	sge.u32 s11, s6  }
0x15: {  	s13 =	sxor.u32 @!p0 $0xFFFFFFFF, s11  }
0x16: {  	s31 =	sadd.s32 $0xFFFFFFFF, s11;
	s14 =	sshll.u32 @!p0 s10, $0x9;
	s13 =	sshll.u32 @!p0 s13, $0xE  }
0x17: {  	s15 =	simm.s32 @!p0 $0x0;
	s14 =	sadd.s32 @!p0 s2, s14;
	s13 =	sand.u32 @!p0 $0x4000, s13  }
0x18: {  	[tilespmem:s13], [sflag:$0x1] =	stream.linear.gather @!p0 [hbm4b:s14+s15], $0x4000, $0x38;
	[tilespmem:$0x10000] =	vst v63  }
0x19: {  	p0 =	sge.u32 s31, s6  }
.Ltmp2:
0x1a: {  	_ = 	snop;
	(pc) =	sbr.rel @p0 .LBB1_9-.Ltmp2, $1  }
0x1b: {  	_ =	sdelay $0x3  }
0x1c: {  	s14 =	sand.u32 $0x4000, s9  }
0x1d: {  	_ =	swait.ge [sflag:s5], $0x4000;
	s15 =	sshll.u32 s11, $0xE;
	s16 =	simm.s32 $0x0  }
0x1e: {  	s13 =	sor.u32 $0x40, s14;
	[sflag:s5] =	ssyncset.done $0x0;
	s15 =	sand.u32 $0x4000, s15  }
0x1f: {  	s14 =	sor.u32 $0x8040, s14;
	[sflag:s5] =	ssyncadd.s32 $0xFFFFC000;
	s15 =	sor.u32 $0x8000, s15  }
.LBB1_3:
0x20: {  	s17 =	smov.u32 s14;
	s18 =	smov.u32 s13;
	s19 =	simm.s32 $0x0  }
.LBB1_4:
0x21: {  	v0 =	vmov s17;
	v2 =	vld [tilespmem:s18+$0x30]  }
0x22: {  	v4 =	vld [tilespmem:s18+$0xFFFFFFD0]  }
0x23: {  	v6 =	vld [tilespmem:s18+$0xFFFFFFE0]  }
0x24: {  	v7 =	vld [tilespmem:s18+$0xFFFFFFF0]  }
0x25: {  	s20 =	simm.s32 $0x0;
	v1 =	vld [tilespmem:s18+$0x0]  }
0x26: {  	v3 =	vld [tilespmem:s18+$0x10];
	[tilespmem:v0+s20+$0x30 ss:$0x1] =	vst.idx.msk $0xffff, v2  }
0x27: {  	v5 =	vld [tilespmem:s18+$0x20];
	[tilespmem:v0+s20+$0xFFFFFFD0 ss:$0x1] =	vst.idx.msk $0xffff, v4  }
0x28: {  	s21 =	sadd.s32 $0x80, s18;
	v2 =	vld [tilespmem:s18+$0xFFFFFFC0];
	[tilespmem:v0+s20+$0xFFFFFFE0 ss:$0x1] =	vst.idx.msk $0xffff, v6  }
0x29: {  	s22 =	simm.s32 $0x800;
	s23 =	simm.s32 $0x1000;
	v4 =	vld [tilespmem:s21+$0x30];
	[tilespmem:v0+s20+$0xFFFFFFF0 ss:$0x1] =	vst.idx.msk $0xffff, v7  }
.LBB1_5:
0x2a: {  	p0 =	sne.s32 s23, $0x3800;
	v6 =	vld [tilespmem:s21+$0xFFFFFFD0];
	[tilespmem:v0+s20+$0x0 ss:$0x1] =	vst.idx.msk $0xffff, v1  }
0x2b: {  	v7 =	vld [tilespmem:s21+$0xFFFFFFE0];
	[tilespmem:v0+s20+$0x10 ss:$0x1] =	vst.idx.msk $0xffff, v3  }
0x2c: {  	v8 =	vld [tilespmem:s21+$0xFFFFFFF0];
	[tilespmem:v0+s20+$0x20 ss:$0x1] =	vst.idx.msk $0xffff, v5  }
.Ltmp3:
0x2d: {  	v1 =	vld [tilespmem:s21+$0x0];
	[tilespmem:v0+s20+$0xFFFFFFC0 ss:$0x1] =	vst.idx.msk $0xffff, v2;
	s20 =	sshra.s32 s22, $0x2;
	s22 =	smov.u32 s23;
	(pc) =	sbr.rel @p0 .LBB1_5-.Ltmp3, $4  }
0x2e: {  	v3 =	vld [tilespmem:s21+$0x10];
	[tilespmem:v0+s20+$0x30 ss:$0x1] =	vst.idx.msk $0xffff, v4  }
0x2f: {  	[tilespmem:v0+s20+$0xFFFFFFD0 ss:$0x1] =	vst.idx.msk $0xffff, v6;
	v5 =	vld [tilespmem:s21+$0x20]  }
0x30: {  	v2 =	vld [tilespmem:s21+$0xFFFFFFC0];
	[tilespmem:v0+s20+$0xFFFFFFE0 ss:$0x1] =	vst.idx.msk $0xffff, v7;
	s21 =	sadd.s32 $0x80, s21  }
0x31: {  	s23 =	sadd.s32 $0x800, s23;
	v4 =	vld [tilespmem:s21+$0x30];
	[tilespmem:v0+s20+$0xFFFFFFF0 ss:$0x1] =	vst.idx.msk $0xffff, v8  }
0x32: {  	_ =	sdelay $0x3  }
0x33: {  	v6 =	vld [tilespmem:s21+$0xFFFFFFD0];
	[tilespmem:v0+s20+$0x0 ss:$0x1] =	vst.idx.msk $0xffff, v1  }
0x34: {  	v58 =	vld [tilespmem:s21+$0xFFFFFFE0];
	[tilespmem:v0+s20+$0x10 ss:$0x1] =	vst.idx.msk $0xffff, v3  }
0x35: {  	v59 =	vld [tilespmem:s21+$0xFFFFFFF0];
	[tilespmem:v0+s20+$0x20 ss:$0x1] =	vst.idx.msk $0xffff, v5  }
0x36: {  	s22 =	sshra.s32 s22, $0x2;
	v60 =	vld [tilespmem:s21+$0x0];
	[tilespmem:v0+s20+$0xFFFFFFC0 ss:$0x1] =	vst.idx.msk $0xffff, v2  }
0x37: {  	v61 =	vld [tilespmem:s21+$0x10];
	[tilespmem:v0+s22+$0x30 ss:$0x1] =	vst.idx.msk $0xffff, v4  }
0x38: {  	v62 =	vld [tilespmem:s21+$0x20];
	s19 =	sadd.s32 $0x1, s19;
	[tilespmem:v0+s22+$0xFFFFFFD0 ss:$0x1] =	vst.idx.msk $0xffff, v6  }
0x39: {  	v63 =	vld [tilespmem:s21+$0xFFFFFFC0];
	p0 =	sne.s32 s19, $0x4;
	[tilespmem:v0+s22+$0xFFFFFFE0 ss:$0x1] =	vst.idx.msk $0xffff, v58  }
.Ltmp4:
0x3a: {  	[tilespmem:v0+s22+$0xFFFFFFF0 ss:$0x1] =	vst.idx.msk $0xffff, v59;
	(pc) =	sbr.rel @p0 .LBB1_4-.Ltmp4, $4  }
0x3b: {  	[tilespmem:v0+s22+$0x0 ss:$0x1] =	vst.idx.msk $0xffff, v60  }
0x3c: {  	[tilespmem:v0+s22+$0x10 ss:$0x1] =	vst.idx.msk $0xffff, v61  }
0x3d: {  	[tilespmem:v0+s22+$0x20 ss:$0x1] =	vst.idx.msk $0xffff, v62  }
0x3e: {  	s18 =	sadd.s32 $0x400, s18;
	s17 =	sadd.s32 $0x80, s17;
	[tilespmem:v0+s22+$0xFFFFFFC0 ss:$0x1] =	vst.idx.msk $0xffff, v63  }
0x3f: {  	s16 =	sadd.s32 $0x1, s16  }
0x40: {  	p0 =	sne.s32 s16, $0x4  }
.Ltmp5:
0x41: {  	_ = 	snop;
	(pc) =	sbr.rel @p0 .LBB1_3-.Ltmp5, $2  }
0x42: {  	_ =	sdelay $0x2  }
0x43: {  	s13 =	sadd.s32 $0x1000, s13;
	s14 =	sadd.s32 $0x1000, s14  }
.Ltmp6:
0x44: {  	(pc) =	sbr.rel .LBB1_9-.Ltmp6, $4  }
0x45: {  	_ = 	snop  }
0x46: {  	s12 =	sshll.u32 s12, $0x9  }
0x47: {  	s12 =	sadd.s32 s4, s12  }
0x48: {  	[hbm4b:s12+s8] =	stream.linear.scatter [tilespmem:s15], [sflag:$0x2], $0x4000, $0x38;
	[tilespmem:$0x10000] =	vst v63  }
.LBB1_10:
0x49: {  	_ =	sfence.sel $0x180000  }
0x4a: {  	s2 =	simm.s32 $0x1;
	[bflag:$0x0] =	sbarrier.arrive $0xFFFF  }
0x4b: {  	s31 =	simm.s32 $0x2;
	[sflag:s2] =	ssyncpa.u1 $0x1  }
0x4c: {  	[sflag:s31] =	ssyncpa.u1 $0x1  }
0x4d: {  	p0 =	sne.s32 s0, $0x0;
	_ =	strace $0x90000047  }
0x4e: {  	s0 =	sadd.s32 @!p0 $0x100000, s1;
	[bflag:$0x2] =	sbarrier.arrive $0xFFFF  }
0x4f: {  	[sflag:s0] =	ssyncadd.tile.s32 @!p0 $0x1;
	_ =	shalt  }
.Lfunc_end1:
_tile_overlayer_lowered:
.L_overlay_start_2:
0x50: {  	(tag) =	ssettag $0x2  }
0x51: {  	s0 =	rddreg [dreg:$0x0];
	s2 =	stileid.u32  }
0x52: {  	s1 =	rddreg [dreg:$0x1];
	p0 =	sne.s32 s2, $0x0  }
0x53: {  	s3 =	rddreg [dreg:$0x2];
	[bflag:$0x3] =	sbarrier.arrive $0xFFFF;
	s2 =	simm.s32 @!p0 $0x1C01  }
0x54: {  	[timem:s3], [sflag:s2] =	dma.local @!p0 [hbm:s0], s1  }
0x55: {  	s0 =	simm.s32 @!p0 $0x1  }
0x56: {  	_ =	swait.ge @!p0 [sflag:s0], s1  }
0x57: {  	s1 =	ssub.s32 @!p0 $0x0, s1;
	[sflag:s0] =	ssyncset.done @!p0 $0x0  }
0x58: {  	[sflag:s0] =	ssyncadd.s32 @!p0 s1  }
0x59: {  	[bflag:$0x3] =	sbarrier.arrive $0xFFFF  }
0x5a: {  	_ =	shalt  }

</sc_bundles>
